<compile_context>
chip_gen: v7x
topology: tpu7x:2x2x1
jax: 0.10.2.dev20260603
libtpu: 0.0.44.dev20260713+nightly
codegen_flags: <defaults>
</compile_context>

<pallas_src>
import functools

import jax
import jax.numpy as jnp
from jax import lax
from jax.experimental import pallas as pl
from jax.experimental.pallas import tpu as pltpu
from jax.experimental.pallas import tpu_sc as plsc

NC = 2
NS = 16
NW = NC * NS
CH = 128
HW = 64


def _fill(ref, val):
    rows, w = ref.shape

    def body(i, c):
        for j in range(w // 16):
            ref[i, pl.ds(j * 16, 16)] = jnp.full((16,), val, jnp.float32)
        return c

    lax.fori_loop(0, rows, body, 0)


def _make_degree(np_rows, cpw):
    mesh = plsc.VectorSubcoreMesh(
        core_axis_name="c", subcore_axis_name="s", num_cores=NC, num_subcores=NS)
    rpt = np_rows // NS
    ndump = rpt // CH

    @functools.partial(
        pl.kernel,
        out_type=jax.ShapeDtypeStruct((NC, np_rows, 16), jnp.float32),
        mesh=mesh,
        scratch_types=[
            pltpu.VMEM((cpw, CH), jnp.int32),
            pltpu.VMEM((CH,), jnp.int32),
            pltpu.VMEM((CH,), jnp.int32),
            pltpu.VMEM((CH, 16), jnp.float32),
            pltpu.VMEM_SHARED((np_rows, 16), jnp.float32),
            pltpu.SemaphoreType.DMA,
            pltpu.SemaphoreType.DMA,
            pltpu.SemaphoreType.DMA,
        ],
        compiler_params=pltpu.CompilerParams(use_tc_tiling_on_sc=False),
    )
    def degree(dst_hbm, out_hbm, dst_all, d0, d1, buf_v, acc_sh,
               s0, s1, isem):
        dbufs = (d0, d1)
        ssems = (s0, s1)
        cid = lax.axis_index("c")
        sid = lax.axis_index("s")
        w = cid * NS + sid
        pltpu.async_copy(dst_hbm.at[pl.ds(w * cpw, cpw)], dst_all, isem)
        _fill(buf_v, 0.0)
        for m in range(ndump):
            pltpu.sync_copy(buf_v, acc_sh.at[pl.ds(sid * rpt + m * CH, CH)])
        plsc.subcore_barrier()
        _fill(buf_v, 1.0)
        pltpu.make_async_copy(
            dst_hbm.at[pl.ds(w * cpw, cpw)], dst_all, isem).wait()

        def scatter(j, b):
            for k in range(CH // 16):
                dbufs[b][pl.ds(k * 16, 16)] = dst_all[j, pl.ds(k * 16, 16)]
            pltpu.async_copy(buf_v, acc_sh.at[dbufs[b]], ssems[b], add=True)

        def scatter_wait(b):
            pltpu.make_async_copy(
                buf_v, acc_sh.at[dbufs[b]], ssems[b]).wait()

        scatter(0, 0)
        scatter(1, 1)

        def body(j, c):
            scatter_wait(0)
            scatter(2 * j, 0)
            scatter_wait(1)
            scatter(2 * j + 1, 1)
            return c

        lax.fori_loop(1, cpw // 2, body, 0)
        scatter_wait(0)
        scatter_wait(1)
        plsc.subcore_barrier()
        for m in range(ndump):
            r0 = sid * rpt + m * CH
            pltpu.sync_copy(acc_sh.at[pl.ds(r0, CH)], buf_v)
            pltpu.sync_copy(buf_v, out_hbm.at[cid, pl.ds(r0, CH)])

    return degree


def _make_agg(np_rows, cpt):
    mesh = plsc.VectorSubcoreMesh(
        core_axis_name="c", subcore_axis_name="s", num_cores=NC, num_subcores=NS)
    rpt = np_rows // NS
    ndump = rpt // CH
    assert cpt % 2 == 0 and cpt >= 6

    @functools.partial(
        pl.kernel,
        out_type=jax.ShapeDtypeStruct((NC, np_rows, HW), jnp.float32),
        mesh=mesh,
        scratch_types=[
            pltpu.VMEM((cpt, CH), jnp.int16),
            pltpu.VMEM((cpt, CH), jnp.int16),
            pltpu.VMEM((CH, HW), jnp.float32),
            pltpu.VMEM((CH, HW), jnp.float32),
            pltpu.VMEM((CH,), jnp.int32),
            pltpu.VMEM((CH,), jnp.int32),
            pltpu.VMEM((CH,), jnp.int32),
            pltpu.VMEM((CH,), jnp.int32),
            pltpu.VMEM_SHARED((np_rows, HW), jnp.float32),
            pltpu.VMEM_SHARED((np_rows, HW), jnp.float32),
            pltpu.SemaphoreType.DMA,
            pltpu.SemaphoreType.DMA,
            pltpu.SemaphoreType.DMA,
            pltpu.SemaphoreType.DMA,
            pltpu.SemaphoreType.DMA,
        ],
        compiler_params=pltpu.CompilerParams(
            use_tc_tiling_on_sc=False, needs_layout_passes=False),
    )
    def agg(src_hbm, dst_hbm, y_hbm, out_hbm, src_v, dst_v,
            b0, b1, a0, a1, d0, d1, z_sh, y_sh,
            g0, g1, s0, s1, isem):
        bufs = (b0, b1)
        abufs = (a0, a1)
        dbufs = (d0, d1)
        gsems = (g0, g1)
        ssems = (s0, s1)
        cid = lax.axis_index("c")
        sid = lax.axis_index("s")
        r0w = sid * cpt
        pltpu.async_copy(src_hbm.at[pl.ds(r0w, cpt)], src_v, isem)
        pltpu.async_copy(dst_hbm.at[pl.ds(r0w, cpt)], dst_v, isem)
        def yrow(m):
            return pl.ds(cid * np_rows + sid * rpt + m * CH, CH)

        pltpu.async_copy(y_hbm.at[yrow(0)], b0, g0)
        pltpu.async_copy(y_hbm.at[yrow(1)], b1, g1)
        for m in range(ndump):
            b = bufs[m % 2]
            pltpu.make_async_copy(y_hbm.at[yrow(m)], b, gsems[m % 2]).wait()
            pltpu.sync_copy(b, y_sh.at[pl.ds(sid * rpt + m * CH, CH)])
            if m + 2 < ndump:
                pltpu.async_copy(y_hbm.at[yrow(m + 2)], b, gsems[m % 2])
        _fill(b0, 0.0)
        for m in range(ndump):
            pltpu.sync_copy(b0, z_sh.at[pl.ds(sid * rpt + m * CH, CH)])
        plsc.subcore_barrier()
        pltpu.make_async_copy(
            src_hbm.at[pl.ds(r0w, cpt)], src_v, isem).wait()
        pltpu.make_async_copy(
            dst_hbm.at[pl.ds(r0w, cpt)], dst_v, isem).wait()

        def unpack_idx(idx16, j, out, off):
            for k in range(CH // 32):
                v = plsc.bitcast(idx16[j, pl.ds(k * 32, 32)], jnp.int32)
                out[pl.ds(k * 32, 16)] = (v & 0xFFFF) + off
                out[pl.ds(k * 32 + 16, 16)] = (v >> 16) + off

        def gather(j, b):
            unpack_idx(src_v, j, abufs[b], 0)
            pltpu.async_copy(y_sh.at[abufs[b]], bufs[b], gsems[b])

        def gather_wait(b):
            pltpu.make_async_copy(
                y_sh.at[abufs[b]], bufs[b], gsems[b]).wait()

        def scatter(j, b):
            unpack_idx(dst_v, j, dbufs[b], 0)
            pltpu.async_copy(bufs[b], z_sh.at[dbufs[b]], ssems[b], add=True)

        def scatter_wait(b):
            pltpu.make_async_copy(
                bufs[b], z_sh.at[dbufs[b]], ssems[b]).wait()

        gather(0, 0)
        gather(1, 1)
        gather_wait(0)
        scatter(0, 0)

        def step(j, c):
            scatter_wait(0)
            gather(2 * j, 0)
            gather_wait(1)
            scatter(2 * j - 1, 1)
            scatter_wait(1)
            gather(2 * j + 1, 1)
            gather_wait(0)
            scatter(2 * j, 0)
            return c

        lax.fori_loop(1, cpt // 2, step, 0)
        gather_wait(1)
        scatter(cpt - 1, 1)
        scatter_wait(0)
        scatter_wait(1)
        plsc.subcore_barrier()
        for m in range(ndump):
            b = bufs[m % 2]
            r0 = sid * rpt + m * CH
            if m >= 2:
                pltpu.make_async_copy(
                    b, out_hbm.at[cid, pl.ds(r0 - 2 * CH, CH)],
                    gsems[m % 2]).wait()
            pltpu.sync_copy(z_sh.at[pl.ds(r0, CH)], b)
            pltpu.async_copy(b, out_hbm.at[cid, pl.ds(r0, CH)], gsems[m % 2])
        for m in (ndump - 2, ndump - 1):
            r0 = sid * rpt + m * CH
            pltpu.make_async_copy(
                bufs[m % 2], out_hbm.at[cid, pl.ds(r0, CH)],
                gsems[m % 2]).wait()

    return agg


def _tc_matmul(x_p, w1, np_rows, blk=1024):

    def body(x_ref, w_ref, o_ref):
        o_ref[...] = jnp.dot(x_ref[...], w_ref[...],
                             preferred_element_type=jnp.float32)

    g = np_rows // blk
    return pl.pallas_call(
        body,
        grid=(g,),
        in_specs=[
            pl.BlockSpec((blk, 128), lambda i: (i, 0)),
            pl.BlockSpec((128, 128), lambda i: (0, 0)),
        ],
        out_specs=pl.BlockSpec((blk, 128), lambda i: (i, 0)),
        out_shape=jax.ShapeDtypeStruct((np_rows, 128), jnp.float32),
    )(x_p, w1)


def _tc_scale(degp, xw, np_rows, blk=1024):

    def body(degp_ref, xw_ref, dinv_ref, y_ref):
        deg = degp_ref[0] + degp_ref[1] + 1.0
        dv = lax.rsqrt(deg)
        dinv_ref[...] = dv
        xw = xw_ref[...] * dv[:, 0:1]
        y_ref[0] = xw[:, :HW]
        y_ref[1] = xw[:, HW:]

    g = np_rows // blk
    return pl.pallas_call(
        body,
        grid=(g,),
        in_specs=[
            pl.BlockSpec((NC, blk, 16), lambda i: (0, i, 0)),
            pl.BlockSpec((blk, 128), lambda i: (i, 0)),
        ],
        out_specs=[
            pl.BlockSpec((blk, 16), lambda i: (i, 0)),
            pl.BlockSpec((NC, blk, HW), lambda i: (0, i, 0)),
        ],
        out_shape=[
            jax.ShapeDtypeStruct((np_rows, 16), jnp.float32),
            jax.ShapeDtypeStruct((NC, np_rows, HW), jnp.float32),
        ],
    )(degp, xw)


def _tc_layer1_finish(z1p, y1sp, dinv, b1, mask_p, w2p, np_rows, blk=1024):

    def body(z_ref, y1_ref, dv_ref, b1_ref, m_ref, w2_ref, y2_ref):
        dvc = dv_ref[...][:, 0:1]
        z = jnp.concatenate([z_ref[0], z_ref[1]], axis=1)
        y1 = jnp.concatenate([y1_ref[0], y1_ref[1]], axis=1)
        o1 = (z + y1) * dvc + b1_ref[...]
        h = jnp.maximum(o1, 0.0) * m_ref[...].astype(jnp.float32) * 2.0
        hw = jnp.dot(h, w2_ref[...], preferred_element_type=jnp.float32)
        hw = hw * dvc
        y2_ref[0] = hw[:, :HW]
        y2_ref[1] = hw[:, HW:]

    g = np_rows // blk
    return pl.pallas_call(
        body,
        grid=(g,),
        in_specs=[
            pl.BlockSpec((NC, blk, HW), lambda i: (0, i, 0)),
            pl.BlockSpec((NC, blk, HW), lambda i: (0, i, 0)),
            pl.BlockSpec((blk, 16), lambda i: (i, 0)),
            pl.BlockSpec((1, 128), lambda i: (0, 0)),
            pl.BlockSpec((blk, 128), lambda i: (i, 0)),
            pl.BlockSpec((128, 128), lambda i: (0, 0)),
        ],
        out_specs=pl.BlockSpec((NC, blk, HW), lambda i: (0, i, 0)),
        out_shape=jax.ShapeDtypeStruct((NC, np_rows, HW), jnp.float32),
    )(z1p, y1sp, dinv, b1, mask_p, w2p)


def _tc_layer2_finish(z2p, y2sp, dinv, b2p, np_rows, blk=1024):

    def body(z_ref, y2_ref, dv_ref, b2_ref, o_ref):
        dvc = dv_ref[...][:, 0:1]
        z = jnp.concatenate([z_ref[0], z_ref[1]], axis=1)
        y2 = jnp.concatenate([y2_ref[0], y2_ref[1]], axis=1)
        o_ref[...] = (z + y2) * dvc + b2_ref[...]

    g = np_rows // blk
    return pl.pallas_call(
        body,
        grid=(g,),
        in_specs=[
            pl.BlockSpec((NC, blk, HW), lambda i: (0, i, 0)),
            pl.BlockSpec((NC, blk, HW), lambda i: (0, i, 0)),
            pl.BlockSpec((blk, 16), lambda i: (i, 0)),
            pl.BlockSpec((1, 128), lambda i: (0, 0)),
        ],
        out_specs=pl.BlockSpec((blk, 128), lambda i: (i, 0)),
        out_shape=jax.ShapeDtypeStruct((np_rows, 128), jnp.float32),
    )(z2p, y2sp, dinv, b2p)


def kernel(inputs, edge_index, dropout_mask, W1, b1, W2, b2):
    xs = inputs[0]
    ei = edge_index[0]
    mask = dropout_mask[0]
    n, in_dim = xs.shape
    e = ei.shape[1]
    ncls = W2.shape[1]

    np_rows = -(-(n + 1) // (NS * CH)) * (NS * CH)
    cpt = -(-e // (NS * CH))
    cpt = -(-cpt // 4) * 4
    e_pad = NS * CH * cpt
    cpw_deg = e_pad // (NW * CH)

    src = jnp.concatenate([ei[0], jnp.zeros((e_pad - e,), jnp.int32)])
    dst = jnp.concatenate([ei[1], jnp.full((e_pad - e,), n, jnp.int32)])
    src16 = src.astype(jnp.int16).reshape(e_pad // CH, CH)
    dst16 = dst.astype(jnp.int16).reshape(e_pad // CH, CH)
    dst = dst.reshape(e_pad // CH, CH)
    x_p = jnp.pad(xs, ((0, np_rows - n), (0, 0)))
    mask_p = jnp.pad(mask, ((0, np_rows - n), (0, 0)))
    w2p = jnp.pad(W2, ((0, 0), (0, 128 - ncls)))
    b1r = b1.reshape(1, -1)
    b2p = jnp.pad(b2, (0, 128 - ncls)).reshape(1, -1)

    agg = _make_agg(np_rows, cpt)
    degp = _make_degree(np_rows, cpw_deg)(dst)
    xw = _tc_matmul(x_p, W1, np_rows)
    dinv, y1sp = _tc_scale(degp, xw, np_rows)
    z1p = agg(src16, dst16, y1sp.reshape(NC * np_rows, HW))
    y2sp = _tc_layer1_finish(z1p, y1sp, dinv, b1r, mask_p, w2p, np_rows)
    z2p = agg(src16, dst16, y2sp.reshape(NC * np_rows, HW))
    out = _tc_layer2_finish(z2p, y2sp, dinv, b2p, np_rows)
    return out[:n, :ncls][None]

# --- scband reference (transcript-rebuilt; emitter-appended) ---
"""Pipeline reference for scband-gcn-62818191671411 (READ-ONLY COPY).

The authoritative reference and input builder live on the scoring server;
editing this copy changes nothing except your own understanding.
"""

import jax, jax.numpy as jnp
import numpy as np

N = 10000
E = 320000
IN_DIM = 128
HID_DIM = 128
NUM_CLASSES = 40


def setup_inputs(seed: int = 0) -> dict:
    key = jax.random.key(seed)
    k1, k2, k3, k4, k5 = jax.random.split(key, 5)
    x = jax.random.normal(k1, (1, N, IN_DIM), dtype=jnp.float32)
    edge_index = jax.random.randint(k2, (1, 2, E), 0, N, dtype=jnp.int32)
    dropout_mask = jax.random.randint(k3, (1, N, HID_DIM), 0, 2, dtype=jnp.int32)
    W1 = jax.random.normal(k4, (IN_DIM, HID_DIM), dtype=jnp.float32) * (1.0 / np.sqrt(IN_DIM))
    b1 = jnp.zeros((HID_DIM,), dtype=jnp.float32)
    W2 = jax.random.normal(k5, (HID_DIM, NUM_CLASSES), dtype=jnp.float32) * (1.0 / np.sqrt(HID_DIM))
    b2 = jnp.zeros((NUM_CLASSES,), dtype=jnp.float32)
    return {"inputs": x, "edge_index": edge_index, "dropout_mask": dropout_mask,
            "W1": W1, "b1": b1, "W2": W2, "b2": b2}


def gcn_conv(x, edge_index, W, b):
    # GCNConv: x' = D^{-1/2} (A + I) D^{-1/2} X W + b
    n = x.shape[0]
    src = edge_index[0]
    dst = edge_index[1]
    loop = jnp.arange(n, dtype=src.dtype)
    src = jnp.concatenate([src, loop])
    dst = jnp.concatenate([dst, loop])
    deg = jnp.zeros((n,), dtype=x.dtype).at[dst].add(1.0)
    dinv = jnp.where(deg > 0, 1.0 / jnp.sqrt(deg), 0.0)
    norm = dinv[src] * dinv[dst]
    xw = x @ W
    msg = xw[src] * norm[:, None]
    out = jnp.zeros((n, W.shape[1]), dtype=x.dtype).at[dst].add(msg)
    return out + b


def reference(inputs, edge_index, dropout_mask, W1, b1, W2, b2):
    xs = inputs[0]            # [N, IN_DIM]
    ei = edge_index[0]        # [2, E]
    mask = dropout_mask[0]    # [N, HID_DIM]
    h = gcn_conv(xs, ei, W1, b1)
    h = jax.nn.relu(h)
    # DeterministicDropout with drop_prob=0.5: x * mask / (1 - p)
    h = h * mask.astype(h.dtype) / 0.5
    out = gcn_conv(h, ei, W2, b2)
    return out[None]          # [1, N, NUM_CLASSES]

if __name__ == "__main__":
    import jax
    _d = setup_inputs()
    print(jax.jit(kernel)(*tuple(_d.values())))

</pallas_src>

<mosaic_0001>
#map = affine_map<(d0, d1) -> (0, 0)>
#map1 = affine_map<(d0, d1) -> (0, 0, 0)>
module attributes {stable_mosaic.version = 14 : i64} {
  func.func @agg(%arg0: i32, %arg1: i32, %arg2: memref<2560x128xi16, #tpu.memory_space<hbm>>, %arg3: memref<2560x128xi16, #tpu.memory_space<hbm>>, %arg4: memref<20480x64xf32, #tpu.memory_space<hbm>>, %arg5: memref<2x10240x64xf32, #tpu.memory_space<hbm>>, %arg6: memref<160x128xi16, #tpu.memory_space<vmem>>, %arg7: memref<160x128xi16, #tpu.memory_space<vmem>>, %arg8: memref<128x64xf32, #tpu.memory_space<vmem>>, %arg9: memref<128x64xf32, #tpu.memory_space<vmem>>, %arg10: memref<128xi32, #tpu.memory_space<vmem>>, %arg11: memref<128xi32, #tpu.memory_space<vmem>>, %arg12: memref<128xi32, #tpu.memory_space<vmem>>, %arg13: memref<128xi32, #tpu.memory_space<vmem>>, %arg14: memref<10240x64xf32, #tpu.memory_space<vmem_shared>>, %arg15: memref<10240x64xf32, #tpu.memory_space<vmem_shared>>, %arg16: memref<!tpu.dma_semaphore, #tpu.memory_space<semaphore_mem>>, %arg17: memref<!tpu.dma_semaphore, #tpu.memory_space<semaphore_mem>>, %arg18: memref<!tpu.dma_semaphore, #tpu.memory_space<semaphore_mem>>, %arg19: memref<!tpu.dma_semaphore, #tpu.memory_space<semaphore_mem>>, %arg20: memref<!tpu.dma_semaphore, #tpu.memory_space<semaphore_mem>>) attributes {dimension_semantics = [#tpu.dimension_semantics<core_parallel>, #tpu.dimension_semantics<subcore_parallel>], iteration_bounds = array<i64: 2, 16>, scalar_prefetch = 0 : i64, scratch_operands = 15 : i64, tpu.core_type = #tpu.core_type<sc_vector_subcore>, window_params = [{transform_indices = #map}, {transform_indices = #map}, {transform_indices = #map}, {transform_indices = #map1}]} {
    %mul3A = arith.constant 160 : i32
    %mul3A_0 = arith.muli %arg1, %mul3A : i32
    %dma_start3A = arith.constant 0 : i32
    %dma_start3A_1 = tpu.memref_slice %arg2[%mul3A_0, %dma_start3A] : memref<2560x128xi16, #tpu.memory_space<hbm>> -> memref<160x128xi16, #tpu.memory_space<hbm>>
    %dma_start3A_2 = arith.constant 0 : i32
    %dma_start3A_3 = tpu.memref_slice %arg2[%mul3A_0, %dma_start3A_2] : memref<2560x128xi16, #tpu.memory_space<hbm>> -> memref<160x128xi16, #tpu.memory_space<hbm>>
    tpu.enqueue_dma source(%dma_start3A_3 : memref<160x128xi16, #tpu.memory_space<hbm>>) target(%arg6 : memref<160x128xi16, #tpu.memory_space<vmem>>) target_semaphore(%arg20 : memref<!tpu.dma_semaphore, #tpu.memory_space<semaphore_mem>>)
    %dma_start3A_4 = arith.constant 0 : i32
    %dma_start3A_5 = tpu.memref_slice %arg3[%mul3A_0, %dma_start3A_4] : memref<2560x128xi16, #tpu.memory_space<hbm>> -> memref<160x128xi16, #tpu.memory_space<hbm>>
    %dma_start3A_6 = arith.constant 0 : i32
    %dma_start3A_7 = tpu.memref_slice %arg3[%mul3A_0, %dma_start3A_6] : memref<2560x128xi16, #tpu.memory_space<hbm>> -> memref<160x128xi16, #tpu.memory_space<hbm>>
    tpu.enqueue_dma source(%dma_start3A_7 : memref<160x128xi16, #tpu.memory_space<hbm>>) target(%arg7 : memref<160x128xi16, #tpu.memory_space<vmem>>) target_semaphore(%arg20 : memref<!tpu.dma_semaphore, #tpu.memory_space<semaphore_mem>>)
    %mul3A_8 = arith.constant 10240 : i32
    %mul3A_9 = arith.muli %arg0, %mul3A_8 : i32
    %mul3A_10 = arith.constant 640 : i32
    %mul3A_11 = arith.muli %arg1, %mul3A_10 : i32
    %add3A = arith.addi %mul3A_9, %mul3A_11 : i32
    %add3A_12 = arith.constant 0 : i32
    %add3A_13 = arith.addi %add3A, %add3A_12 : i32
    %dma_start3A_14 = arith.constant 0 : i32
    %dma_start3A_15 = tpu.memref_slice %arg4[%add3A_13, %dma_start3A_14] : memref<20480x64xf32, #tpu.memory_space<hbm>> -> memref<128x64xf32, #tpu.memory_space<hbm>>
    %dma_start3A_16 = arith.constant 0 : i32
    %dma_start3A_17 = tpu.memref_slice %arg4[%add3A_13, %dma_start3A_16] : memref<20480x64xf32, #tpu.memory_space<hbm>> -> memref<128x64xf32, #tpu.memory_space<hbm>>
    tpu.enqueue_dma source(%dma_start3A_17 : memref<128x64xf32, #tpu.memory_space<hbm>>) target(%arg8 : memref<128x64xf32, #tpu.memory_space<vmem>>) target_semaphore(%arg16 : memref<!tpu.dma_semaphore, #tpu.memory_space<semaphore_mem>>)
    %mul3A_18 = arith.constant 10240 : i32
    %mul3A_19 = arith.muli %arg0, %mul3A_18 : i32
    %mul3A_20 = arith.constant 640 : i32
    %mul3A_21 = arith.muli %arg1, %mul3A_20 : i32
    %add3A_22 = arith.addi %mul3A_19, %mul3A_21 : i32
    %add3A_23 = arith.constant 128 : i32
    %add3A_24 = arith.addi %add3A_22, %add3A_23 : i32
    %dma_start3A_25 = arith.constant 0 : i32
    %dma_start3A_26 = tpu.memref_slice %arg4[%add3A_24, %dma_start3A_25] : memref<20480x64xf32, #tpu.memory_space<hbm>> -> memref<128x64xf32, #tpu.memory_space<hbm>>
    %dma_start3A_27 = arith.constant 0 : i32
    %dma_start3A_28 = tpu.memref_slice %arg4[%add3A_24, %dma_start3A_27] : memref<20480x64xf32, #tpu.memory_space<hbm>> -> memref<128x64xf32, #tpu.memory_space<hbm>>
    tpu.enqueue_dma source(%dma_start3A_28 : memref<128x64xf32, #tpu.memory_space<hbm>>) target(%arg9 : memref<128x64xf32, #tpu.memory_space<vmem>>) target_semaphore(%arg17 : memref<!tpu.dma_semaphore, #tpu.memory_space<semaphore_mem>>)
    %mul3A_29 = arith.constant 10240 : i32
    %mul3A_30 = arith.muli %arg0, %mul3A_29 : i32
    %mul3A_31 = arith.constant 640 : i32
    %mul3A_32 = arith.muli %arg1, %mul3A_31 : i32
    %add3A_33 = arith.addi %mul3A_30, %mul3A_32 : i32
    %add3A_34 = arith.constant 0 : i32
    %add3A_35 = arith.addi %add3A_33, %add3A_34 : i32
    %dma_wait3A = arith.constant 0 : i32
    %dma_wait3A_36 = tpu.memref_slice %arg4[%add3A_35, %dma_wait3A] : memref<20480x64xf32, #tpu.memory_space<hbm>> -> memref<128x64xf32, #tpu.memory_space<hbm>>
    %dma_wait3A_37 = arith.constant 0 : i32
    %dma_wait3A_38 = tpu.memref_slice %arg4[%add3A_35, %dma_wait3A_37] : memref<20480x64xf32, #tpu.memory_space<hbm>> -> memref<128x64xf32, #tpu.memory_space<hbm>>
    tpu.wait_dma2 semaphore(%arg16 : memref<!tpu.dma_semaphore, #tpu.memory_space<semaphore_mem>>) src(%dma_wait3A_38 : memref<128x64xf32, #tpu.memory_space<hbm>>) dst(%arg8 : memref<128x64xf32, #tpu.memory_space<vmem>>)
    %mul3A_39 = arith.constant 640 : i32
    %mul3A_40 = arith.muli %arg1, %mul3A_39 : i32
    %add3A_41 = arith.constant 0 : i32
    %add3A_42 = arith.addi %mul3A_40, %add3A_41 : i32
    "tpu.region"() ({
      %run_scoped3A = tpu.sem_alloc : memref<!tpu.dma_semaphore, #tpu.memory_space<semaphore_mem>>
      %dma_start3A_688 = arith.constant 0 : i32
      %dma_start3A_689 = tpu.memref_slice %arg15[%add3A_42, %dma_start3A_688] : memref<10240x64xf32, #tpu.memory_space<vmem_shared>> -> memref<128x64xf32, #tpu.memory_space<vmem_shared>>
      %dma_start3A_690 = arith.constant 0 : i32
      %dma_start3A_691 = tpu.memref_slice %arg15[%add3A_42, %dma_start3A_690] : memref<10240x64xf32, #tpu.memory_space<vmem_shared>> -> memref<128x64xf32, #tpu.memory_space<vmem_shared>>
      tpu.enqueue_dma source(%arg8 : memref<128x64xf32, #tpu.memory_space<vmem>>) target(%dma_start3A_691 : memref<128x64xf32, #tpu.memory_space<vmem_shared>>) target_semaphore(%run_scoped3A : memref<!tpu.dma_semaphore, #tpu.memory_space<semaphore_mem>>)
      %dma_wait3A_692 = arith.constant 0 : i32
      %dma_wait3A_693 = tpu.memref_slice %arg15[%add3A_42, %dma_wait3A_692] : memref<10240x64xf32, #tpu.memory_space<vmem_shared>> -> memref<128x64xf32, #tpu.memory_space<vmem_shared>>
      %dma_wait3A_694 = arith.constant 0 : i32
      %dma_wait3A_695 = tpu.memref_slice %arg15[%add3A_42, %dma_wait3A_694] : memref<10240x64xf32, #tpu.memory_space<vmem_shared>> -> memref<128x64xf32, #tpu.memory_space<vmem_shared>>
      tpu.wait_dma2 semaphore(%run_scoped3A : memref<!tpu.dma_semaphore, #tpu.memory_space<semaphore_mem>>) src(%arg8 : memref<128x64xf32, #tpu.memory_space<vmem>>) dst(%dma_wait3A_695 : memref<128x64xf32, #tpu.memory_space<vmem_shared>>)
      tpu.yield
    }) : () -> ()
    %mul3A_43 = arith.constant 10240 : i32
    %mul3A_44 = arith.muli %arg0, %mul3A_43 : i32
    %mul3A_45 = arith.constant 640 : i32
    %mul3A_46 = arith.muli %arg1, %mul3A_45 : i32
    %add3A_47 = arith.addi %mul3A_44, %mul3A_46 : i32
    %add3A_48 = arith.constant 256 : i32
    %add3A_49 = arith.addi %add3A_47, %add3A_48 : i32
    %dma_start3A_50 = arith.constant 0 : i32
    %dma_start3A_51 = tpu.memref_slice %arg4[%add3A_49, %dma_start3A_50] : memref<20480x64xf32, #tpu.memory_space<hbm>> -> memref<128x64xf32, #tpu.memory_space<hbm>>
    %dma_start3A_52 = arith.constant 0 : i32
    %dma_start3A_53 = tpu.memref_slice %arg4[%add3A_49, %dma_start3A_52] : memref<20480x64xf32, #tpu.memory_space<hbm>> -> memref<128x64xf32, #tpu.memory_space<hbm>>
    tpu.enqueue_dma source(%dma_start3A_53 : memref<128x64xf32, #tpu.memory_space<hbm>>) target(%arg8 : memref<128x64xf32, #tpu.memory_space<vmem>>) target_semaphore(%arg16 : memref<!tpu.dma_semaphore, #tpu.memory_space<semaphore_mem>>)
    %mul3A_54 = arith.constant 10240 : i32
    %mul3A_55 = arith.muli %arg0, %mul3A_54 : i32
    %mul3A_56 = arith.constant 640 : i32
    %mul3A_57 = arith.muli %arg1, %mul3A_56 : i32
    %add3A_58 = arith.addi %mul3A_55, %mul3A_57 : i32
    %add3A_59 = arith.constant 128 : i32
    %add3A_60 = arith.addi %add3A_58, %add3A_59 : i32
    %dma_wait3A_61 = arith.constant 0 : i32
    %dma_wait3A_62 = tpu.memref_slice %arg4[%add3A_60, %dma_wait3A_61] : memref<20480x64xf32, #tpu.memory_space<hbm>> -> memref<128x64xf32, #tpu.memory_space<hbm>>
    %dma_wait3A_63 = arith.constant 0 : i32
    %dma_wait3A_64 = tpu.memref_slice %arg4[%add3A_60, %dma_wait3A_63] : memref<20480x64xf32, #tpu.memory_space<hbm>> -> memref<128x64xf32, #tpu.memory_space<hbm>>
    tpu.wait_dma2 semaphore(%arg17 : memref<!tpu.dma_semaphore, #tpu.memory_space<semaphore_mem>>) src(%dma_wait3A_64 : memref<128x64xf32, #tpu.memory_space<hbm>>) dst(%arg9 : memref<128x64xf32, #tpu.memory_space<vmem>>)
    %mul3A_65 = arith.constant 640 : i32
    %mul3A_66 = arith.muli %arg1, %mul3A_65 : i32
    %add3A_67 = arith.constant 128 : i32
    %add3A_68 = arith.addi %mul3A_66, %add3A_67 : i32
    "tpu.region"() ({
      %run_scoped3A = tpu.sem_alloc : memref<!tpu.dma_semaphore, #tpu.memory_space<semaphore_mem>>
      %dma_start3A_688 = arith.constant 0 : i32
      %dma_start3A_689 = tpu.memref_slice %arg15[%add3A_68, %dma_start3A_688] : memref<10240x64xf32, #tpu.memory_space<vmem_shared>> -> memref<128x64xf32, #tpu.memory_space<vmem_shared>>
      %dma_start3A_690 = arith.constant 0 : i32
      %dma_start3A_691 = tpu.memref_slice %arg15[%add3A_68, %dma_start3A_690] : memref<10240x64xf32, #tpu.memory_space<vmem_shared>> -> memref<128x64xf32, #tpu.memory_space<vmem_shared>>
      tpu.enqueue_dma source(%arg9 : memref<128x64xf32, #tpu.memory_space<vmem>>) target(%dma_start3A_691 : memref<128x64xf32, #tpu.memory_space<vmem_shared>>) target_semaphore(%run_scoped3A : memref<!tpu.dma_semaphore, #tpu.memory_space<semaphore_mem>>)
      %dma_wait3A_692 = arith.constant 0 : i32
      %dma_wait3A_693 = tpu.memref_slice %arg15[%add3A_68, %dma_wait3A_692] : memref<10240x64xf32, #tpu.memory_space<vmem_shared>> -> memref<128x64xf32, #tpu.memory_space<vmem_shared>>
      %dma_wait3A_694 = arith.constant 0 : i32
      %dma_wait3A_695 = tpu.memref_slice %arg15[%add3A_68, %dma_wait3A_694] : memref<10240x64xf32, #tpu.memory_space<vmem_shared>> -> memref<128x64xf32, #tpu.memory_space<vmem_shared>>
      tpu.wait_dma2 semaphore(%run_scoped3A : memref<!tpu.dma_semaphore, #tpu.memory_space<semaphore_mem>>) src(%arg9 : memref<128x64xf32, #tpu.memory_space<vmem>>) dst(%dma_wait3A_695 : memref<128x64xf32, #tpu.memory_space<vmem_shared>>)
      tpu.yield
    }) : () -> ()
    %mul3A_69 = arith.constant 10240 : i32
    %mul3A_70 = arith.muli %arg0, %mul3A_69 : i32
    %mul3A_71 = arith.constant 640 : i32
    %mul3A_72 = arith.muli %arg1, %mul3A_71 : i32
    %add3A_73 = arith.addi %mul3A_70, %mul3A_72 : i32
    %add3A_74 = arith.constant 384 : i32
    %add3A_75 = arith.addi %add3A_73, %add3A_74 : i32
    %dma_start3A_76 = arith.constant 0 : i32
    %dma_start3A_77 = tpu.memref_slice %arg4[%add3A_75, %dma_start3A_76] : memref<20480x64xf32, #tpu.memory_space<hbm>> -> memref<128x64xf32, #tpu.memory_space<hbm>>
    %dma_start3A_78 = arith.constant 0 : i32
    %dma_start3A_79 = tpu.memref_slice %arg4[%add3A_75, %dma_start3A_78] : memref<20480x64xf32, #tpu.memory_space<hbm>> -> memref<128x64xf32, #tpu.memory_space<hbm>>
    tpu.enqueue_dma source(%dma_start3A_79 : memref<128x64xf32, #tpu.memory_space<hbm>>) target(%arg9 : memref<128x64xf32, #tpu.memory_space<vmem>>) target_semaphore(%arg17 : memref<!tpu.dma_semaphore, #tpu.memory_space<semaphore_mem>>)
    %mul3A_80 = arith.constant 10240 : i32
    %mul3A_81 = arith.muli %arg0, %mul3A_80 : i32
    %mul3A_82 = arith.constant 640 : i32
    %mul3A_83 = arith.muli %arg1, %mul3A_82 : i32
    %add3A_84 = arith.addi %mul3A_81, %mul3A_83 : i32
    %add3A_85 = arith.constant 256 : i32
    %add3A_86 = arith.addi %add3A_84, %add3A_85 : i32
    %dma_wait3A_87 = arith.constant 0 : i32
    %dma_wait3A_88 = tpu.memref_slice %arg4[%add3A_86, %dma_wait3A_87] : memref<20480x64xf32, #tpu.memory_space<hbm>> -> memref<128x64xf32, #tpu.memory_space<hbm>>
    %dma_wait3A_89 = arith.constant 0 : i32
    %dma_wait3A_90 = tpu.memref_slice %arg4[%add3A_86, %dma_wait3A_89] : memref<20480x64xf32, #tpu.memory_space<hbm>> -> memref<128x64xf32, #tpu.memory_space<hbm>>
    tpu.wait_dma2 semaphore(%arg16 : memref<!tpu.dma_semaphore, #tpu.memory_space<semaphore_mem>>) src(%dma_wait3A_90 : memref<128x64xf32, #tpu.memory_space<hbm>>) dst(%arg8 : memref<128x64xf32, #tpu.memory_space<vmem>>)
    %mul3A_91 = arith.constant 640 : i32
    %mul3A_92 = arith.muli %arg1, %mul3A_91 : i32
    %add3A_93 = arith.constant 256 : i32
    %add3A_94 = arith.addi %mul3A_92, %add3A_93 : i32
    "tpu.region"() ({
      %run_scoped3A = tpu.sem_alloc : memref<!tpu.dma_semaphore, #tpu.memory_space<semaphore_mem>>
      %dma_start3A_688 = arith.constant 0 : i32
      %dma_start3A_689 = tpu.memref_slice %arg15[%add3A_94, %dma_start3A_688] : memref<10240x64xf32, #tpu.memory_space<vmem_shared>> -> memref<128x64xf32, #tpu.memory_space<vmem_shared>>
      %dma_start3A_690 = arith.constant 0 : i32
      %dma_start3A_691 = tpu.memref_slice %arg15[%add3A_94, %dma_start3A_690] : memref<10240x64xf32, #tpu.memory_space<vmem_shared>> -> memref<128x64xf32, #tpu.memory_space<vmem_shared>>
      tpu.enqueue_dma source(%arg8 : memref<128x64xf32, #tpu.memory_space<vmem>>) target(%dma_start3A_691 : memref<128x64xf32, #tpu.memory_space<vmem_shared>>) target_semaphore(%run_scoped3A : memref<!tpu.dma_semaphore, #tpu.memory_space<semaphore_mem>>)
      %dma_wait3A_692 = arith.constant 0 : i32
      %dma_wait3A_693 = tpu.memref_slice %arg15[%add3A_94, %dma_wait3A_692] : memref<10240x64xf32, #tpu.memory_space<vmem_shared>> -> memref<128x64xf32, #tpu.memory_space<vmem_shared>>
      %dma_wait3A_694 = arith.constant 0 : i32
      %dma_wait3A_695 = tpu.memref_slice %arg15[%add3A_94, %dma_wait3A_694] : memref<10240x64xf32, #tpu.memory_space<vmem_shared>> -> memref<128x64xf32, #tpu.memory_space<vmem_shared>>
      tpu.wait_dma2 semaphore(%run_scoped3A : memref<!tpu.dma_semaphore, #tpu.memory_space<semaphore_mem>>) src(%arg8 : memref<128x64xf32, #tpu.memory_space<vmem>>) dst(%dma_wait3A_695 : memref<128x64xf32, #tpu.memory_space<vmem_shared>>)
      tpu.yield
    }) : () -> ()
    %mul3A_95 = arith.constant 10240 : i32
    %mul3A_96 = arith.muli %arg0, %mul3A_95 : i32
    %mul3A_97 = arith.constant 640 : i32
    %mul3A_98 = arith.muli %arg1, %mul3A_97 : i32
    %add3A_99 = arith.addi %mul3A_96, %mul3A_98 : i32
    %add3A_100 = arith.constant 512 : i32
    %add3A_101 = arith.addi %add3A_99, %add3A_100 : i32
    %dma_start3A_102 = arith.constant 0 : i32
    %dma_start3A_103 = tpu.memref_slice %arg4[%add3A_101, %dma_start3A_102] : memref<20480x64xf32, #tpu.memory_space<hbm>> -> memref<128x64xf32, #tpu.memory_space<hbm>>
    %dma_start3A_104 = arith.constant 0 : i32
    %dma_start3A_105 = tpu.memref_slice %arg4[%add3A_101, %dma_start3A_104] : memref<20480x64xf32, #tpu.memory_space<hbm>> -> memref<128x64xf32, #tpu.memory_space<hbm>>
    tpu.enqueue_dma source(%dma_start3A_105 : memref<128x64xf32, #tpu.memory_space<hbm>>) target(%arg8 : memref<128x64xf32, #tpu.memory_space<vmem>>) target_semaphore(%arg16 : memref<!tpu.dma_semaphore, #tpu.memory_space<semaphore_mem>>)
    %mul3A_106 = arith.constant 10240 : i32
    %mul3A_107 = arith.muli %arg0, %mul3A_106 : i32
    %mul3A_108 = arith.constant 640 : i32
    %mul3A_109 = arith.muli %arg1, %mul3A_108 : i32
    %add3A_110 = arith.addi %mul3A_107, %mul3A_109 : i32
    %add3A_111 = arith.constant 384 : i32
    %add3A_112 = arith.addi %add3A_110, %add3A_111 : i32
    %dma_wait3A_113 = arith.constant 0 : i32
    %dma_wait3A_114 = tpu.memref_slice %arg4[%add3A_112, %dma_wait3A_113] : memref<20480x64xf32, #tpu.memory_space<hbm>> -> memref<128x64xf32, #tpu.memory_space<hbm>>
    %dma_wait3A_115 = arith.constant 0 : i32
    %dma_wait3A_116 = tpu.memref_slice %arg4[%add3A_112, %dma_wait3A_115] : memref<20480x64xf32, #tpu.memory_space<hbm>> -> memref<128x64xf32, #tpu.memory_space<hbm>>
    tpu.wait_dma2 semaphore(%arg17 : memref<!tpu.dma_semaphore, #tpu.memory_space<semaphore_mem>>) src(%dma_wait3A_116 : memref<128x64xf32, #tpu.memory_space<hbm>>) dst(%arg9 : memref<128x64xf32, #tpu.memory_space<vmem>>)
    %mul3A_117 = arith.constant 640 : i32
    %mul3A_118 = arith.muli %arg1, %mul3A_117 : i32
    %add3A_119 = arith.constant 384 : i32
    %add3A_120 = arith.addi %mul3A_118, %add3A_119 : i32
    "tpu.region"() ({
      %run_scoped3A = tpu.sem_alloc : memref<!tpu.dma_semaphore, #tpu.memory_space<semaphore_mem>>
      %dma_start3A_688 = arith.constant 0 : i32
      %dma_start3A_689 = tpu.memref_slice %arg15[%add3A_120, %dma_start3A_688] : memref<10240x64xf32, #tpu.memory_space<vmem_shared>> -> memref<128x64xf32, #tpu.memory_space<vmem_shared>>
      %dma_start3A_690 = arith.constant 0 : i32
      %dma_start3A_691 = tpu.memref_slice %arg15[%add3A_120, %dma_start3A_690] : memref<10240x64xf32, #tpu.memory_space<vmem_shared>> -> memref<128x64xf32, #tpu.memory_space<vmem_shared>>
      tpu.enqueue_dma source(%arg9 : memref<128x64xf32, #tpu.memory_space<vmem>>) target(%dma_start3A_691 : memref<128x64xf32, #tpu.memory_space<vmem_shared>>) target_semaphore(%run_scoped3A : memref<!tpu.dma_semaphore, #tpu.memory_space<semaphore_mem>>)
      %dma_wait3A_692 = arith.constant 0 : i32
      %dma_wait3A_693 = tpu.memref_slice %arg15[%add3A_120, %dma_wait3A_692] : memref<10240x64xf32, #tpu.memory_space<vmem_shared>> -> memref<128x64xf32, #tpu.memory_space<vmem_shared>>
      %dma_wait3A_694 = arith.constant 0 : i32
      %dma_wait3A_695 = tpu.memref_slice %arg15[%add3A_120, %dma_wait3A_694] : memref<10240x64xf32, #tpu.memory_space<vmem_shared>> -> memref<128x64xf32, #tpu.memory_space<vmem_shared>>
      tpu.wait_dma2 semaphore(%run_scoped3A : memref<!tpu.dma_semaphore, #tpu.memory_space<semaphore_mem>>) src(%arg9 : memref<128x64xf32, #tpu.memory_space<vmem>>) dst(%dma_wait3A_695 : memref<128x64xf32, #tpu.memory_space<vmem_shared>>)
      tpu.yield
    }) : () -> ()
    %mul3A_121 = arith.constant 10240 : i32
    %mul3A_122 = arith.muli %arg0, %mul3A_121 : i32
    %mul3A_123 = arith.constant 640 : i32
    %mul3A_124 = arith.muli %arg1, %mul3A_123 : i32
    %add3A_125 = arith.addi %mul3A_122, %mul3A_124 : i32
    %add3A_126 = arith.constant 512 : i32
    %add3A_127 = arith.addi %add3A_125, %add3A_126 : i32
    %dma_wait3A_128 = arith.constant 0 : i32
    %dma_wait3A_129 = tpu.memref_slice %arg4[%add3A_127, %dma_wait3A_128] : memref<20480x64xf32, #tpu.memory_space<hbm>> -> memref<128x64xf32, #tpu.memory_space<hbm>>
    %dma_wait3A_130 = arith.constant 0 : i32
    %dma_wait3A_131 = tpu.memref_slice %arg4[%add3A_127, %dma_wait3A_130] : memref<20480x64xf32, #tpu.memory_space<hbm>> -> memref<128x64xf32, #tpu.memory_space<hbm>>
    tpu.wait_dma2 semaphore(%arg16 : memref<!tpu.dma_semaphore, #tpu.memory_space<semaphore_mem>>) src(%dma_wait3A_131 : memref<128x64xf32, #tpu.memory_space<hbm>>) dst(%arg8 : memref<128x64xf32, #tpu.memory_space<vmem>>)
    %mul3A_132 = arith.constant 640 : i32
    %mul3A_133 = arith.muli %arg1, %mul3A_132 : i32
    %add3A_134 = arith.constant 512 : i32
    %add3A_135 = arith.addi %mul3A_133, %add3A_134 : i32
    "tpu.region"() ({
      %run_scoped3A = tpu.sem_alloc : memref<!tpu.dma_semaphore, #tpu.memory_space<semaphore_mem>>
      %dma_start3A_688 = arith.constant 0 : i32
      %dma_start3A_689 = tpu.memref_slice %arg15[%add3A_135, %dma_start3A_688] : memref<10240x64xf32, #tpu.memory_space<vmem_shared>> -> memref<128x64xf32, #tpu.memory_space<vmem_shared>>
      %dma_start3A_690 = arith.constant 0 : i32
      %dma_start3A_691 = tpu.memref_slice %arg15[%add3A_135, %dma_start3A_690] : memref<10240x64xf32, #tpu.memory_space<vmem_shared>> -> memref<128x64xf32, #tpu.memory_space<vmem_shared>>
      tpu.enqueue_dma source(%arg8 : memref<128x64xf32, #tpu.memory_space<vmem>>) target(%dma_start3A_691 : memref<128x64xf32, #tpu.memory_space<vmem_shared>>) target_semaphore(%run_scoped3A : memref<!tpu.dma_semaphore, #tpu.memory_space<semaphore_mem>>)
      %dma_wait3A_692 = arith.constant 0 : i32
      %dma_wait3A_693 = tpu.memref_slice %arg15[%add3A_135, %dma_wait3A_692] : memref<10240x64xf32, #tpu.memory_space<vmem_shared>> -> memref<128x64xf32, #tpu.memory_space<vmem_shared>>
      %dma_wait3A_694 = arith.constant 0 : i32
      %dma_wait3A_695 = tpu.memref_slice %arg15[%add3A_135, %dma_wait3A_694] : memref<10240x64xf32, #tpu.memory_space<vmem_shared>> -> memref<128x64xf32, #tpu.memory_space<vmem_shared>>
      tpu.wait_dma2 semaphore(%run_scoped3A : memref<!tpu.dma_semaphore, #tpu.memory_space<semaphore_mem>>) src(%arg8 : memref<128x64xf32, #tpu.memory_space<vmem>>) dst(%dma_wait3A_695 : memref<128x64xf32, #tpu.memory_space<vmem_shared>>)
      tpu.yield
    }) : () -> ()
    %scan3A = arith.constant 0 : i32
    %scan3A_136 = arith.constant 0 : i32
    %scan3A_137 = arith.constant 128 : i32
    %scan3A_138 = arith.addi %scan3A_136, %scan3A_137 : i32
    %scan3A_139 = arith.constant 1 : i32
    scf.for %scan3A_688 = %scan3A_136 to %scan3A_138 step %scan3A_139  : i32 {
      %broadcast_in_dim3A = arith.constant 0.000000e+00 : f32
      %broadcast_in_dim3A_689 = vector.broadcast %broadcast_in_dim3A : f32 to vector<16xf32>
      %swap3A_690 = arith.index_cast %scan3A_688 : i32 to index
      %swap3A_691 = arith.constant 0 : index
      %swap3A_692 = tpu.vector_load %arg8[%swap3A_690, %swap3A_691] {strides = array<i32>} : memref<128x64xf32, #tpu.memory_space<vmem>>, vector<16xf32>,
      tpu.vector_store %arg8[%swap3A_690, %swap3A_691], %broadcast_in_dim3A_689 {strides = array<i32>} : memref<128x64xf32, #tpu.memory_space<vmem>>, vector<16xf32>,
      %broadcast_in_dim3A_693 = arith.constant 0.000000e+00 : f32
      %broadcast_in_dim3A_694 = vector.broadcast %broadcast_in_dim3A_693 : f32 to vector<16xf32>
      %swap3A_695 = arith.index_cast %scan3A_688 : i32 to index
      %swap3A_696 = arith.constant 16 : index
      %swap3A_697 = tpu.vector_load %arg8[%swap3A_695, %swap3A_696] {strides = array<i32>} : memref<128x64xf32, #tpu.memory_space<vmem>>, vector<16xf32>,
      tpu.vector_store %arg8[%swap3A_695, %swap3A_696], %broadcast_in_dim3A_694 {strides = array<i32>} : memref<128x64xf32, #tpu.memory_space<vmem>>, vector<16xf32>,
      %broadcast_in_dim3A_698 = arith.constant 0.000000e+00 : f32
      %broadcast_in_dim3A_699 = vector.broadcast %broadcast_in_dim3A_698 : f32 to vector<16xf32>
      %swap3A_700 = arith.index_cast %scan3A_688 : i32 to index
      %swap3A_701 = arith.constant 32 : index
      %swap3A_702 = tpu.vector_load %arg8[%swap3A_700, %swap3A_701] {strides = array<i32>} : memref<128x64xf32, #tpu.memory_space<vmem>>, vector<16xf32>,
      tpu.vector_store %arg8[%swap3A_700, %swap3A_701], %broadcast_in_dim3A_699 {strides = array<i32>} : memref<128x64xf32, #tpu.memory_space<vmem>>, vector<16xf32>,
      %broadcast_in_dim3A_703 = arith.constant 0.000000e+00 : f32
      %broadcast_in_dim3A_704 = vector.broadcast %broadcast_in_dim3A_703 : f32 to vector<16xf32>
      %swap3A_705 = arith.index_cast %scan3A_688 : i32 to index
      %swap3A_706 = arith.constant 48 : index
      %swap3A_707 = tpu.vector_load %arg8[%swap3A_705, %swap3A_706] {strides = array<i32>} : memref<128x64xf32, #tpu.memory_space<vmem>>, vector<16xf32>,
      tpu.vector_store %arg8[%swap3A_705, %swap3A_706], %broadcast_in_dim3A_704 {strides = array<i32>} : memref<128x64xf32, #tpu.memory_space<vmem>>, vector<16xf32>,
    }
    %scan3A_140 = arith.constant 128 : i32
    %mul3A_141 = arith.constant 640 : i32
    %mul3A_142 = arith.muli %arg1, %mul3A_141 : i32
    %add3A_143 = arith.constant 0 : i32
    %add3A_144 = arith.addi %mul3A_142, %add3A_143 : i32
    "tpu.region"() ({
      %run_scoped3A = tpu.sem_alloc : memref<!tpu.dma_semaphore, #tpu.memory_space<semaphore_mem>>
      %dma_start3A_688 = arith.constant 0 : i32
      %dma_start3A_689 = tpu.memref_slice %arg14[%add3A_144, %dma_start3A_688] : memref<10240x64xf32, #tpu.memory_space<vmem_shared>> -> memref<128x64xf32, #tpu.memory_space<vmem_shared>>
      %dma_start3A_690 = arith.constant 0 : i32
      %dma_start3A_691 = tpu.memref_slice %arg14[%add3A_144, %dma_start3A_690] : memref<10240x64xf32, #tpu.memory_space<vmem_shared>> -> memref<128x64xf32, #tpu.memory_space<vmem_shared>>
      tpu.enqueue_dma source(%arg8 : memref<128x64xf32, #tpu.memory_space<vmem>>) target(%dma_start3A_691 : memref<128x64xf32, #tpu.memory_space<vmem_shared>>) target_semaphore(%run_scoped3A : memref<!tpu.dma_semaphore, #tpu.memory_space<semaphore_mem>>)
      %dma_wait3A_692 = arith.constant 0 : i32
      %dma_wait3A_693 = tpu.memref_slice %arg14[%add3A_144, %dma_wait3A_692] : memref<10240x64xf32, #tpu.memory_space<vmem_shared>> -> memref<128x64xf32, #tpu.memory_space<vmem_shared>>
      %dma_wait3A_694 = arith.constant 0 : i32
      %dma_wait3A_695 = tpu.memref_slice %arg14[%add3A_144, %dma_wait3A_694] : memref<10240x64xf32, #tpu.memory_space<vmem_shared>> -> memref<128x64xf32, #tpu.memory_space<vmem_shared>>
      tpu.wait_dma2 semaphore(%run_scoped3A : memref<!tpu.dma_semaphore, #tpu.memory_space<semaphore_mem>>) src(%arg8 : memref<128x64xf32, #tpu.memory_space<vmem>>) dst(%dma_wait3A_695 : memref<128x64xf32, #tpu.memory_space<vmem_shared>>)
      tpu.yield
    }) : () -> ()
    %mul3A_145 = arith.constant 640 : i32
    %mul3A_146 = arith.muli %arg1, %mul3A_145 : i32
    %add3A_147 = arith.constant 128 : i32
    %add3A_148 = arith.addi %mul3A_146, %add3A_147 : i32
    "tpu.region"() ({
      %run_scoped3A = tpu.sem_alloc : memref<!tpu.dma_semaphore, #tpu.memory_space<semaphore_mem>>
      %dma_start3A_688 = arith.constant 0 : i32
      %dma_start3A_689 = tpu.memref_slice %arg14[%add3A_148, %dma_start3A_688] : memref<10240x64xf32, #tpu.memory_space<vmem_shared>> -> memref<128x64xf32, #tpu.memory_space<vmem_shared>>
      %dma_start3A_690 = arith.constant 0 : i32
      %dma_start3A_691 = tpu.memref_slice %arg14[%add3A_148, %dma_start3A_690] : memref<10240x64xf32, #tpu.memory_space<vmem_shared>> -> memref<128x64xf32, #tpu.memory_space<vmem_shared>>
      tpu.enqueue_dma source(%arg8 : memref<128x64xf32, #tpu.memory_space<vmem>>) target(%dma_start3A_691 : memref<128x64xf32, #tpu.memory_space<vmem_shared>>) target_semaphore(%run_scoped3A : memref<!tpu.dma_semaphore, #tpu.memory_space<semaphore_mem>>)
      %dma_wait3A_692 = arith.constant 0 : i32
      %dma_wait3A_693 = tpu.memref_slice %arg14[%add3A_148, %dma_wait3A_692] : memref<10240x64xf32, #tpu.memory_space<vmem_shared>> -> memref<128x64xf32, #tpu.memory_space<vmem_shared>>
      %dma_wait3A_694 = arith.constant 0 : i32
      %dma_wait3A_695 = tpu.memref_slice %arg14[%add3A_148, %dma_wait3A_694] : memref<10240x64xf32, #tpu.memory_space<vmem_shared>> -> memref<128x64xf32, #tpu.memory_space<vmem_shared>>
      tpu.wait_dma2 semaphore(%run_scoped3A : memref<!tpu.dma_semaphore, #tpu.memory_space<semaphore_mem>>) src(%arg8 : memref<128x64xf32, #tpu.memory_space<vmem>>) dst(%dma_wait3A_695 : memref<128x64xf32, #tpu.memory_space<vmem_shared>>)
      tpu.yield
    }) : () -> ()
    %mul3A_149 = arith.constant 640 : i32
    %mul3A_150 = arith.muli %arg1, %mul3A_149 : i32
    %add3A_151 = arith.constant 256 : i32
    %add3A_152 = arith.addi %mul3A_150, %add3A_151 : i32
    "tpu.region"() ({
      %run_scoped3A = tpu.sem_alloc : memref<!tpu.dma_semaphore, #tpu.memory_space<semaphore_mem>>
      %dma_start3A_688 = arith.constant 0 : i32
      %dma_start3A_689 = tpu.memref_slice %arg14[%add3A_152, %dma_start3A_688] : memref<10240x64xf32, #tpu.memory_space<vmem_shared>> -> memref<128x64xf32, #tpu.memory_space<vmem_shared>>
      %dma_start3A_690 = arith.constant 0 : i32
      %dma_start3A_691 = tpu.memref_slice %arg14[%add3A_152, %dma_start3A_690] : memref<10240x64xf32, #tpu.memory_space<vmem_shared>> -> memref<128x64xf32, #tpu.memory_space<vmem_shared>>
      tpu.enqueue_dma source(%arg8 : memref<128x64xf32, #tpu.memory_space<vmem>>) target(%dma_start3A_691 : memref<128x64xf32, #tpu.memory_space<vmem_shared>>) target_semaphore(%run_scoped3A : memref<!tpu.dma_semaphore, #tpu.memory_space<semaphore_mem>>)
      %dma_wait3A_692 = arith.constant 0 : i32
      %dma_wait3A_693 = tpu.memref_slice %arg14[%add3A_152, %dma_wait3A_692] : memref<10240x64xf32, #tpu.memory_space<vmem_shared>> -> memref<128x64xf32, #tpu.memory_space<vmem_shared>>
      %dma_wait3A_694 = arith.constant 0 : i32
      %dma_wait3A_695 = tpu.memref_slice %arg14[%add3A_152, %dma_wait3A_694] : memref<10240x64xf32, #tpu.memory_space<vmem_shared>> -> memref<128x64xf32, #tpu.memory_space<vmem_shared>>
      tpu.wait_dma2 semaphore(%run_scoped3A : memref<!tpu.dma_semaphore, #tpu.memory_space<semaphore_mem>>) src(%arg8 : memref<128x64xf32, #tpu.memory_space<vmem>>) dst(%dma_wait3A_695 : memref<128x64xf32, #tpu.memory_space<vmem_shared>>)
      tpu.yield
    }) : () -> ()
    %mul3A_153 = arith.constant 640 : i32
    %mul3A_154 = arith.muli %arg1, %mul3A_153 : i32
    %add3A_155 = arith.constant 384 : i32
    %add3A_156 = arith.addi %mul3A_154, %add3A_155 : i32
    "tpu.region"() ({
      %run_scoped3A = tpu.sem_alloc : memref<!tpu.dma_semaphore, #tpu.memory_space<semaphore_mem>>
      %dma_start3A_688 = arith.constant 0 : i32
      %dma_start3A_689 = tpu.memref_slice %arg14[%add3A_156, %dma_start3A_688] : memref<10240x64xf32, #tpu.memory_space<vmem_shared>> -> memref<128x64xf32, #tpu.memory_space<vmem_shared>>
      %dma_start3A_690 = arith.constant 0 : i32
      %dma_start3A_691 = tpu.memref_slice %arg14[%add3A_156, %dma_start3A_690] : memref<10240x64xf32, #tpu.memory_space<vmem_shared>> -> memref<128x64xf32, #tpu.memory_space<vmem_shared>>
      tpu.enqueue_dma source(%arg8 : memref<128x64xf32, #tpu.memory_space<vmem>>) target(%dma_start3A_691 : memref<128x64xf32, #tpu.memory_space<vmem_shared>>) target_semaphore(%run_scoped3A : memref<!tpu.dma_semaphore, #tpu.memory_space<semaphore_mem>>)
      %dma_wait3A_692 = arith.constant 0 : i32
      %dma_wait3A_693 = tpu.memref_slice %arg14[%add3A_156, %dma_wait3A_692] : memref<10240x64xf32, #tpu.memory_space<vmem_shared>> -> memref<128x64xf32, #tpu.memory_space<vmem_shared>>
      %dma_wait3A_694 = arith.constant 0 : i32
      %dma_wait3A_695 = tpu.memref_slice %arg14[%add3A_156, %dma_wait3A_694] : memref<10240x64xf32, #tpu.memory_space<vmem_shared>> -> memref<128x64xf32, #tpu.memory_space<vmem_shared>>
      tpu.wait_dma2 semaphore(%run_scoped3A : memref<!tpu.dma_semaphore, #tpu.memory_space<semaphore_mem>>) src(%arg8 : memref<128x64xf32, #tpu.memory_space<vmem>>) dst(%dma_wait3A_695 : memref<128x64xf32, #tpu.memory_space<vmem_shared>>)
      tpu.yield
    }) : () -> ()
    %mul3A_157 = arith.constant 640 : i32
    %mul3A_158 = arith.muli %arg1, %mul3A_157 : i32
    %add3A_159 = arith.constant 512 : i32
    %add3A_160 = arith.addi %mul3A_158, %add3A_159 : i32
    "tpu.region"() ({
      %run_scoped3A = tpu.sem_alloc : memref<!tpu.dma_semaphore, #tpu.memory_space<semaphore_mem>>
      %dma_start3A_688 = arith.constant 0 : i32
      %dma_start3A_689 = tpu.memref_slice %arg14[%add3A_160, %dma_start3A_688] : memref<10240x64xf32, #tpu.memory_space<vmem_shared>> -> memref<128x64xf32, #tpu.memory_space<vmem_shared>>
      %dma_start3A_690 = arith.constant 0 : i32
      %dma_start3A_691 = tpu.memref_slice %arg14[%add3A_160, %dma_start3A_690] : memref<10240x64xf32, #tpu.memory_space<vmem_shared>> -> memref<128x64xf32, #tpu.memory_space<vmem_shared>>
      tpu.enqueue_dma source(%arg8 : memref<128x64xf32, #tpu.memory_space<vmem>>) target(%dma_start3A_691 : memref<128x64xf32, #tpu.memory_space<vmem_shared>>) target_semaphore(%run_scoped3A : memref<!tpu.dma_semaphore, #tpu.memory_space<semaphore_mem>>)
      %dma_wait3A_692 = arith.constant 0 : i32
      %dma_wait3A_693 = tpu.memref_slice %arg14[%add3A_160, %dma_wait3A_692] : memref<10240x64xf32, #tpu.memory_space<vmem_shared>> -> memref<128x64xf32, #tpu.memory_space<vmem_shared>>
      %dma_wait3A_694 = arith.constant 0 : i32
      %dma_wait3A_695 = tpu.memref_slice %arg14[%add3A_160, %dma_wait3A_694] : memref<10240x64xf32, #tpu.memory_space<vmem_shared>> -> memref<128x64xf32, #tpu.memory_space<vmem_shared>>
      tpu.wait_dma2 semaphore(%run_scoped3A : memref<!tpu.dma_semaphore, #tpu.memory_space<semaphore_mem>>) src(%arg8 : memref<128x64xf32, #tpu.memory_space<vmem>>) dst(%dma_wait3A_695 : memref<128x64xf32, #tpu.memory_space<vmem_shared>>)
      tpu.yield
    }) : () -> ()
    %barrier3A = arith.constant 0 : index
    tpu.barrier barrier_id(%barrier3A)
    %dma_wait3A_161 = arith.constant 0 : i32
    %dma_wait3A_162 = tpu.memref_slice %arg2[%mul3A_0, %dma_wait3A_161] : memref<2560x128xi16, #tpu.memory_space<hbm>> -> memref<160x128xi16, #tpu.memory_space<hbm>>
    %dma_wait3A_163 = arith.constant 0 : i32
    %dma_wait3A_164 = tpu.memref_slice %arg2[%mul3A_0, %dma_wait3A_163] : memref<2560x128xi16, #tpu.memory_space<hbm>> -> memref<160x128xi16, #tpu.memory_space<hbm>>
    tpu.wait_dma2 semaphore(%arg20 : memref<!tpu.dma_semaphore, #tpu.memory_space<semaphore_mem>>) src(%dma_wait3A_164 : memref<160x128xi16, #tpu.memory_space<hbm>>) dst(%arg6 : memref<160x128xi16, #tpu.memory_space<vmem>>)
    %dma_wait3A_165 = arith.constant 0 : i32
    %dma_wait3A_166 = tpu.memref_slice %arg3[%mul3A_0, %dma_wait3A_165] : memref<2560x128xi16, #tpu.memory_space<hbm>> -> memref<160x128xi16, #tpu.memory_space<hbm>>
    %dma_wait3A_167 = arith.constant 0 : i32
    %dma_wait3A_168 = tpu.memref_slice %arg3[%mul3A_0, %dma_wait3A_167] : memref<2560x128xi16, #tpu.memory_space<hbm>> -> memref<160x128xi16, #tpu.memory_space<hbm>>
    tpu.wait_dma2 semaphore(%arg20 : memref<!tpu.dma_semaphore, #tpu.memory_space<semaphore_mem>>) src(%dma_wait3A_168 : memref<160x128xi16, #tpu.memory_space<hbm>>) dst(%arg7 : memref<160x128xi16, #tpu.memory_space<vmem>>)
    %get3A = arith.constant 0 : i32
    %get3A_169 = arith.index_cast %get3A : i32 to index
    %get3A_170 = arith.constant 0 : index
    %get3A_171 = tpu.vector_load %arg6[%get3A_169, %get3A_170] {strides = array<i32>} : memref<160x128xi16, #tpu.memory_space<vmem>>, vector<32xi16>,
    %bitcast3A = vector.bitcast %get3A_171 : vector<32xi16> to vector<16xi32>
    %and3A = arith.constant 65535 : i32
    %and3A_172 = vector.broadcast %and3A : i32 to vector<16xi32>
    %and3A_173 = arith.andi %bitcast3A, %and3A_172 : vector<16xi32>
    %add3A_174 = arith.constant 0 : i32
    %add3A_175 = vector.broadcast %add3A_174 : i32 to vector<16xi32>
    %add3A_176 = arith.addi %and3A_173, %add3A_175 : vector<16xi32>
    %swap3A = arith.constant 0 : index
    %swap3A_177 = tpu.vector_load %arg10[%swap3A] {strides = array<i32>} : memref<128xi32, #tpu.memory_space<vmem>>, vector<16xi32>,
    %swap3A_178 = vector.shape_cast %swap3A_177 : vector<16xi32> to vector<16xi32>
    %swap3A_179 = vector.shape_cast %add3A_176 : vector<16xi32> to vector<16xi32>
    tpu.vector_store %arg10[%swap3A], %swap3A_179 {strides = array<i32>} : memref<128xi32, #tpu.memory_space<vmem>>, vector<16xi32>,
    %shift_right_arithmetic3A = arith.constant 16 : i32
    %shift_right_arithmetic3A_180 = vector.broadcast %shift_right_arithmetic3A : i32 to vector<16xi32>
    %shift_right_arithmetic3A_181 = arith.shrsi %bitcast3A, %shift_right_arithmetic3A_180 : vector<16xi32>
    %add3A_182 = arith.constant 0 : i32
    %add3A_183 = vector.broadcast %add3A_182 : i32 to vector<16xi32>
    %add3A_184 = arith.addi %shift_right_arithmetic3A_181, %add3A_183 : vector<16xi32>
    %swap3A_185 = arith.constant 16 : index
    %swap3A_186 = tpu.vector_load %arg10[%swap3A_185] {strides = array<i32>} : memref<128xi32, #tpu.memory_space<vmem>>, vector<16xi32>,
    %swap3A_187 = vector.shape_cast %swap3A_186 : vector<16xi32> to vector<16xi32>
    %swap3A_188 = vector.shape_cast %add3A_184 : vector<16xi32> to vector<16xi32>
    tpu.vector_store %arg10[%swap3A_185], %swap3A_188 {strides = array<i32>} : memref<128xi32, #tpu.memory_space<vmem>>, vector<16xi32>,
    %get3A_189 = arith.constant 0 : i32
    %get3A_190 = arith.index_cast %get3A_189 : i32 to index
    %get3A_191 = arith.constant 32 : index
    %get3A_192 = tpu.vector_load %arg6[%get3A_190, %get3A_191] {strides = array<i32>} : memref<160x128xi16, #tpu.memory_space<vmem>>, vector<32xi16>,
    %bitcast3A_193 = vector.bitcast %get3A_192 : vector<32xi16> to vector<16xi32>
    %and3A_194 = arith.constant 65535 : i32
    %and3A_195 = vector.broadcast %and3A_194 : i32 to vector<16xi32>
    %and3A_196 = arith.andi %bitcast3A_193, %and3A_195 : vector<16xi32>
    %add3A_197 = arith.constant 0 : i32
    %add3A_198 = vector.broadcast %add3A_197 : i32 to vector<16xi32>
    %add3A_199 = arith.addi %and3A_196, %add3A_198 : vector<16xi32>
    %swap3A_200 = arith.constant 32 : index
    %swap3A_201 = tpu.vector_load %arg10[%swap3A_200] {strides = array<i32>} : memref<128xi32, #tpu.memory_space<vmem>>, vector<16xi32>,
    %swap3A_202 = vector.shape_cast %swap3A_201 : vector<16xi32> to vector<16xi32>
    %swap3A_203 = vector.shape_cast %add3A_199 : vector<16xi32> to vector<16xi32>
    tpu.vector_store %arg10[%swap3A_200], %swap3A_203 {strides = array<i32>} : memref<128xi32, #tpu.memory_space<vmem>>, vector<16xi32>,
    %shift_right_arithmetic3A_204 = arith.constant 16 : i32
    %shift_right_arithmetic3A_205 = vector.broadcast %shift_right_arithmetic3A_204 : i32 to vector<16xi32>
    %shift_right_arithmetic3A_206 = arith.shrsi %bitcast3A_193, %shift_right_arithmetic3A_205 : vector<16xi32>
    %add3A_207 = arith.constant 0 : i32
    %add3A_208 = vector.broadcast %add3A_207 : i32 to vector<16xi32>
    %add3A_209 = arith.addi %shift_right_arithmetic3A_206, %add3A_208 : vector<16xi32>
    %swap3A_210 = arith.constant 48 : index
    %swap3A_211 = tpu.vector_load %arg10[%swap3A_210] {strides = array<i32>} : memref<128xi32, #tpu.memory_space<vmem>>, vector<16xi32>,
    %swap3A_212 = vector.shape_cast %swap3A_211 : vector<16xi32> to vector<16xi32>
    %swap3A_213 = vector.shape_cast %add3A_209 : vector<16xi32> to vector<16xi32>
    tpu.vector_store %arg10[%swap3A_210], %swap3A_213 {strides = array<i32>} : memref<128xi32, #tpu.memory_space<vmem>>, vector<16xi32>,
    %get3A_214 = arith.constant 0 : i32
    %get3A_215 = arith.index_cast %get3A_214 : i32 to index
    %get3A_216 = arith.constant 64 : index
    %get3A_217 = tpu.vector_load %arg6[%get3A_215, %get3A_216] {strides = array<i32>} : memref<160x128xi16, #tpu.memory_space<vmem>>, vector<32xi16>,
    %bitcast3A_218 = vector.bitcast %get3A_217 : vector<32xi16> to vector<16xi32>
    %and3A_219 = arith.constant 65535 : i32
    %and3A_220 = vector.broadcast %and3A_219 : i32 to vector<16xi32>
    %and3A_221 = arith.andi %bitcast3A_218, %and3A_220 : vector<16xi32>
    %add3A_222 = arith.constant 0 : i32
    %add3A_223 = vector.broadcast %add3A_222 : i32 to vector<16xi32>
    %add3A_224 = arith.addi %and3A_221, %add3A_223 : vector<16xi32>
    %swap3A_225 = arith.constant 64 : index
    %swap3A_226 = tpu.vector_load %arg10[%swap3A_225] {strides = array<i32>} : memref<128xi32, #tpu.memory_space<vmem>>, vector<16xi32>,
    %swap3A_227 = vector.shape_cast %swap3A_226 : vector<16xi32> to vector<16xi32>
    %swap3A_228 = vector.shape_cast %add3A_224 : vector<16xi32> to vector<16xi32>
    tpu.vector_store %arg10[%swap3A_225], %swap3A_228 {strides = array<i32>} : memref<128xi32, #tpu.memory_space<vmem>>, vector<16xi32>,
    %shift_right_arithmetic3A_229 = arith.constant 16 : i32
    %shift_right_arithmetic3A_230 = vector.broadcast %shift_right_arithmetic3A_229 : i32 to vector<16xi32>
    %shift_right_arithmetic3A_231 = arith.shrsi %bitcast3A_218, %shift_right_arithmetic3A_230 : vector<16xi32>
    %add3A_232 = arith.constant 0 : i32
    %add3A_233 = vector.broadcast %add3A_232 : i32 to vector<16xi32>
    %add3A_234 = arith.addi %shift_right_arithmetic3A_231, %add3A_233 : vector<16xi32>
    %swap3A_235 = arith.constant 80 : index
    %swap3A_236 = tpu.vector_load %arg10[%swap3A_235] {strides = array<i32>} : memref<128xi32, #tpu.memory_space<vmem>>, vector<16xi32>,
    %swap3A_237 = vector.shape_cast %swap3A_236 : vector<16xi32> to vector<16xi32>
    %swap3A_238 = vector.shape_cast %add3A_234 : vector<16xi32> to vector<16xi32>
    tpu.vector_store %arg10[%swap3A_235], %swap3A_238 {strides = array<i32>} : memref<128xi32, #tpu.memory_space<vmem>>, vector<16xi32>,
    %get3A_239 = arith.constant 0 : i32
    %get3A_240 = arith.index_cast %get3A_239 : i32 to index
    %get3A_241 = arith.constant 96 : index
    %get3A_242 = tpu.vector_load %arg6[%get3A_240, %get3A_241] {strides = array<i32>} : memref<160x128xi16, #tpu.memory_space<vmem>>, vector<32xi16>,
    %bitcast3A_243 = vector.bitcast %get3A_242 : vector<32xi16> to vector<16xi32>
    %and3A_244 = arith.constant 65535 : i32
    %and3A_245 = vector.broadcast %and3A_244 : i32 to vector<16xi32>
    %and3A_246 = arith.andi %bitcast3A_243, %and3A_245 : vector<16xi32>
    %add3A_247 = arith.constant 0 : i32
    %add3A_248 = vector.broadcast %add3A_247 : i32 to vector<16xi32>
    %add3A_249 = arith.addi %and3A_246, %add3A_248 : vector<16xi32>
    %swap3A_250 = arith.constant 96 : index
    %swap3A_251 = tpu.vector_load %arg10[%swap3A_250] {strides = array<i32>} : memref<128xi32, #tpu.memory_space<vmem>>, vector<16xi32>,
    %swap3A_252 = vector.shape_cast %swap3A_251 : vector<16xi32> to vector<16xi32>
    %swap3A_253 = vector.shape_cast %add3A_249 : vector<16xi32> to vector<16xi32>
    tpu.vector_store %arg10[%swap3A_250], %swap3A_253 {strides = array<i32>} : memref<128xi32, #tpu.memory_space<vmem>>, vector<16xi32>,
    %shift_right_arithmetic3A_254 = arith.constant 16 : i32
    %shift_right_arithmetic3A_255 = vector.broadcast %shift_right_arithmetic3A_254 : i32 to vector<16xi32>
    %shift_right_arithmetic3A_256 = arith.shrsi %bitcast3A_243, %shift_right_arithmetic3A_255 : vector<16xi32>
    %add3A_257 = arith.constant 0 : i32
    %add3A_258 = vector.broadcast %add3A_257 : i32 to vector<16xi32>
    %add3A_259 = arith.addi %shift_right_arithmetic3A_256, %add3A_258 : vector<16xi32>
    %swap3A_260 = arith.constant 112 : index
    %swap3A_261 = tpu.vector_load %arg10[%swap3A_260] {strides = array<i32>} : memref<128xi32, #tpu.memory_space<vmem>>, vector<16xi32>,
    %swap3A_262 = vector.shape_cast %swap3A_261 : vector<16xi32> to vector<16xi32>
    %swap3A_263 = vector.shape_cast %add3A_259 : vector<16xi32> to vector<16xi32>
    tpu.vector_store %arg10[%swap3A_260], %swap3A_263 {strides = array<i32>} : memref<128xi32, #tpu.memory_space<vmem>>, vector<16xi32>,
    %dma_start3A_264 = arith.constant 0 : i32
    %dma_start3A_265 = arith.constant 0 : i32
    %dma_start3A_266 = tpu.memref_slice %arg15[%dma_start3A_264, %dma_start3A_265] : memref<10240x64xf32, #tpu.memory_space<vmem_shared>> -> memref<10240x64xf32, #tpu.memory_space<vmem_shared>>
    tpu.enqueue_indirect_dma source(%dma_start3A_266 : memref<10240x64xf32, #tpu.memory_space<vmem_shared>>) target(%arg8 : memref<128x64xf32, #tpu.memory_space<vmem>>) offsets(%arg10 : memref<128xi32, #tpu.memory_space<vmem>>) semaphore(%arg16 : memref<!tpu.dma_semaphore, #tpu.memory_space<semaphore_mem>>)
    %get3A_267 = arith.constant 1 : i32
    %get3A_268 = arith.index_cast %get3A_267 : i32 to index
    %get3A_269 = arith.constant 0 : index
    %get3A_270 = tpu.vector_load %arg6[%get3A_268, %get3A_269] {strides = array<i32>} : memref<160x128xi16, #tpu.memory_space<vmem>>, vector<32xi16>,
    %bitcast3A_271 = vector.bitcast %get3A_270 : vector<32xi16> to vector<16xi32>
    %and3A_272 = arith.constant 65535 : i32
    %and3A_273 = vector.broadcast %and3A_272 : i32 to vector<16xi32>
    %and3A_274 = arith.andi %bitcast3A_271, %and3A_273 : vector<16xi32>
    %add3A_275 = arith.constant 0 : i32
    %add3A_276 = vector.broadcast %add3A_275 : i32 to vector<16xi32>
    %add3A_277 = arith.addi %and3A_274, %add3A_276 : vector<16xi32>
    %swap3A_278 = arith.constant 0 : index
    %swap3A_279 = tpu.vector_load %arg11[%swap3A_278] {strides = array<i32>} : memref<128xi32, #tpu.memory_space<vmem>>, vector<16xi32>,
    %swap3A_280 = vector.shape_cast %swap3A_279 : vector<16xi32> to vector<16xi32>
    %swap3A_281 = vector.shape_cast %add3A_277 : vector<16xi32> to vector<16xi32>
    tpu.vector_store %arg11[%swap3A_278], %swap3A_281 {strides = array<i32>} : memref<128xi32, #tpu.memory_space<vmem>>, vector<16xi32>,
    %shift_right_arithmetic3A_282 = arith.constant 16 : i32
    %shift_right_arithmetic3A_283 = vector.broadcast %shift_right_arithmetic3A_282 : i32 to vector<16xi32>
    %shift_right_arithmetic3A_284 = arith.shrsi %bitcast3A_271, %shift_right_arithmetic3A_283 : vector<16xi32>
    %add3A_285 = arith.constant 0 : i32
    %add3A_286 = vector.broadcast %add3A_285 : i32 to vector<16xi32>
    %add3A_287 = arith.addi %shift_right_arithmetic3A_284, %add3A_286 : vector<16xi32>
    %swap3A_288 = arith.constant 16 : index
    %swap3A_289 = tpu.vector_load %arg11[%swap3A_288] {strides = array<i32>} : memref<128xi32, #tpu.memory_space<vmem>>, vector<16xi32>,
    %swap3A_290 = vector.shape_cast %swap3A_289 : vector<16xi32> to vector<16xi32>
    %swap3A_291 = vector.shape_cast %add3A_287 : vector<16xi32> to vector<16xi32>
    tpu.vector_store %arg11[%swap3A_288], %swap3A_291 {strides = array<i32>} : memref<128xi32, #tpu.memory_space<vmem>>, vector<16xi32>,
    %get3A_292 = arith.constant 1 : i32
    %get3A_293 = arith.index_cast %get3A_292 : i32 to index
    %get3A_294 = arith.constant 32 : index
    %get3A_295 = tpu.vector_load %arg6[%get3A_293, %get3A_294] {strides = array<i32>} : memref<160x128xi16, #tpu.memory_space<vmem>>, vector<32xi16>,
    %bitcast3A_296 = vector.bitcast %get3A_295 : vector<32xi16> to vector<16xi32>
    %and3A_297 = arith.constant 65535 : i32
    %and3A_298 = vector.broadcast %and3A_297 : i32 to vector<16xi32>
    %and3A_299 = arith.andi %bitcast3A_296, %and3A_298 : vector<16xi32>
    %add3A_300 = arith.constant 0 : i32
    %add3A_301 = vector.broadcast %add3A_300 : i32 to vector<16xi32>
    %add3A_302 = arith.addi %and3A_299, %add3A_301 : vector<16xi32>
    %swap3A_303 = arith.constant 32 : index
    %swap3A_304 = tpu.vector_load %arg11[%swap3A_303] {strides = array<i32>} : memref<128xi32, #tpu.memory_space<vmem>>, vector<16xi32>,
    %swap3A_305 = vector.shape_cast %swap3A_304 : vector<16xi32> to vector<16xi32>
    %swap3A_306 = vector.shape_cast %add3A_302 : vector<16xi32> to vector<16xi32>
    tpu.vector_store %arg11[%swap3A_303], %swap3A_306 {strides = array<i32>} : memref<128xi32, #tpu.memory_space<vmem>>, vector<16xi32>,
    %shift_right_arithmetic3A_307 = arith.constant 16 : i32
    %shift_right_arithmetic3A_308 = vector.broadcast %shift_right_arithmetic3A_307 : i32 to vector<16xi32>
    %shift_right_arithmetic3A_309 = arith.shrsi %bitcast3A_296, %shift_right_arithmetic3A_308 : vector<16xi32>
    %add3A_310 = arith.constant 0 : i32
    %add3A_311 = vector.broadcast %add3A_310 : i32 to vector<16xi32>
    %add3A_312 = arith.addi %shift_right_arithmetic3A_309, %add3A_311 : vector<16xi32>
    %swap3A_313 = arith.constant 48 : index
    %swap3A_314 = tpu.vector_load %arg11[%swap3A_313] {strides = array<i32>} : memref<128xi32, #tpu.memory_space<vmem>>, vector<16xi32>,
    %swap3A_315 = vector.shape_cast %swap3A_314 : vector<16xi32> to vector<16xi32>
    %swap3A_316 = vector.shape_cast %add3A_312 : vector<16xi32> to vector<16xi32>
    tpu.vector_store %arg11[%swap3A_313], %swap3A_316 {strides = array<i32>} : memref<128xi32, #tpu.memory_space<vmem>>, vector<16xi32>,
    %get3A_317 = arith.constant 1 : i32
    %get3A_318 = arith.index_cast %get3A_317 : i32 to index
    %get3A_319 = arith.constant 64 : index
    %get3A_320 = tpu.vector_load %arg6[%get3A_318, %get3A_319] {strides = array<i32>} : memref<160x128xi16, #tpu.memory_space<vmem>>, vector<32xi16>,
    %bitcast3A_321 = vector.bitcast %get3A_320 : vector<32xi16> to vector<16xi32>
    %and3A_322 = arith.constant 65535 : i32
    %and3A_323 = vector.broadcast %and3A_322 : i32 to vector<16xi32>
    %and3A_324 = arith.andi %bitcast3A_321, %and3A_323 : vector<16xi32>
    %add3A_325 = arith.constant 0 : i32
    %add3A_326 = vector.broadcast %add3A_325 : i32 to vector<16xi32>
    %add3A_327 = arith.addi %and3A_324, %add3A_326 : vector<16xi32>
    %swap3A_328 = arith.constant 64 : index
    %swap3A_329 = tpu.vector_load %arg11[%swap3A_328] {strides = array<i32>} : memref<128xi32, #tpu.memory_space<vmem>>, vector<16xi32>,
    %swap3A_330 = vector.shape_cast %swap3A_329 : vector<16xi32> to vector<16xi32>
    %swap3A_331 = vector.shape_cast %add3A_327 : vector<16xi32> to vector<16xi32>
    tpu.vector_store %arg11[%swap3A_328], %swap3A_331 {strides = array<i32>} : memref<128xi32, #tpu.memory_space<vmem>>, vector<16xi32>,
    %shift_right_arithmetic3A_332 = arith.constant 16 : i32
    %shift_right_arithmetic3A_333 = vector.broadcast %shift_right_arithmetic3A_332 : i32 to vector<16xi32>
    %shift_right_arithmetic3A_334 = arith.shrsi %bitcast3A_321, %shift_right_arithmetic3A_333 : vector<16xi32>
    %add3A_335 = arith.constant 0 : i32
    %add3A_336 = vector.broadcast %add3A_335 : i32 to vector<16xi32>
    %add3A_337 = arith.addi %shift_right_arithmetic3A_334, %add3A_336 : vector<16xi32>
    %swap3A_338 = arith.constant 80 : index
    %swap3A_339 = tpu.vector_load %arg11[%swap3A_338] {strides = array<i32>} : memref<128xi32, #tpu.memory_space<vmem>>, vector<16xi32>,
    %swap3A_340 = vector.shape_cast %swap3A_339 : vector<16xi32> to vector<16xi32>
    %swap3A_341 = vector.shape_cast %add3A_337 : vector<16xi32> to vector<16xi32>
    tpu.vector_store %arg11[%swap3A_338], %swap3A_341 {strides = array<i32>} : memref<128xi32, #tpu.memory_space<vmem>>, vector<16xi32>,
    %get3A_342 = arith.constant 1 : i32
    %get3A_343 = arith.index_cast %get3A_342 : i32 to index
    %get3A_344 = arith.constant 96 : index
    %get3A_345 = tpu.vector_load %arg6[%get3A_343, %get3A_344] {strides = array<i32>} : memref<160x128xi16, #tpu.memory_space<vmem>>, vector<32xi16>,
    %bitcast3A_346 = vector.bitcast %get3A_345 : vector<32xi16> to vector<16xi32>
    %and3A_347 = arith.constant 65535 : i32
    %and3A_348 = vector.broadcast %and3A_347 : i32 to vector<16xi32>
    %and3A_349 = arith.andi %bitcast3A_346, %and3A_348 : vector<16xi32>
    %add3A_350 = arith.constant 0 : i32
    %add3A_351 = vector.broadcast %add3A_350 : i32 to vector<16xi32>
    %add3A_352 = arith.addi %and3A_349, %add3A_351 : vector<16xi32>
    %swap3A_353 = arith.constant 96 : index
    %swap3A_354 = tpu.vector_load %arg11[%swap3A_353] {strides = array<i32>} : memref<128xi32, #tpu.memory_space<vmem>>, vector<16xi32>,
    %swap3A_355 = vector.shape_cast %swap3A_354 : vector<16xi32> to vector<16xi32>
    %swap3A_356 = vector.shape_cast %add3A_352 : vector<16xi32> to vector<16xi32>
    tpu.vector_store %arg11[%swap3A_353], %swap3A_356 {strides = array<i32>} : memref<128xi32, #tpu.memory_space<vmem>>, vector<16xi32>,
    %shift_right_arithmetic3A_357 = arith.constant 16 : i32
    %shift_right_arithmetic3A_358 = vector.broadcast %shift_right_arithmetic3A_357 : i32 to vector<16xi32>
    %shift_right_arithmetic3A_359 = arith.shrsi %bitcast3A_346, %shift_right_arithmetic3A_358 : vector<16xi32>
    %add3A_360 = arith.constant 0 : i32
    %add3A_361 = vector.broadcast %add3A_360 : i32 to vector<16xi32>
    %add3A_362 = arith.addi %shift_right_arithmetic3A_359, %add3A_361 : vector<16xi32>
    %swap3A_363 = arith.constant 112 : index
    %swap3A_364 = tpu.vector_load %arg11[%swap3A_363] {strides = array<i32>} : memref<128xi32, #tpu.memory_space<vmem>>, vector<16xi32>,
    %swap3A_365 = vector.shape_cast %swap3A_364 : vector<16xi32> to vector<16xi32>
    %swap3A_366 = vector.shape_cast %add3A_362 : vector<16xi32> to vector<16xi32>
    tpu.vector_store %arg11[%swap3A_363], %swap3A_366 {strides = array<i32>} : memref<128xi32, #tpu.memory_space<vmem>>, vector<16xi32>,
    %dma_start3A_367 = arith.constant 0 : i32
    %dma_start3A_368 = arith.constant 0 : i32
    %dma_start3A_369 = tpu.memref_slice %arg15[%dma_start3A_367, %dma_start3A_368] : memref<10240x64xf32, #tpu.memory_space<vmem_shared>> -> memref<10240x64xf32, #tpu.memory_space<vmem_shared>>
    tpu.enqueue_indirect_dma source(%dma_start3A_369 : memref<10240x64xf32, #tpu.memory_space<vmem_shared>>) target(%arg9 : memref<128x64xf32, #tpu.memory_space<vmem>>) offsets(%arg11 : memref<128xi32, #tpu.memory_space<vmem>>) semaphore(%arg17 : memref<!tpu.dma_semaphore, #tpu.memory_space<semaphore_mem>>)
    %dma_wait3A_370 = arith.constant 0 : i32
    %dma_wait3A_371 = arith.constant 0 : i32
    %dma_wait3A_372 = tpu.memref_slice %arg15[%dma_wait3A_370, %dma_wait3A_371] : memref<10240x64xf32, #tpu.memory_space<vmem_shared>> -> memref<10240x64xf32, #tpu.memory_space<vmem_shared>>
    tpu.wait_indirect_dma semaphore(%arg16 : memref<!tpu.dma_semaphore, #tpu.memory_space<semaphore_mem>>) src(%dma_wait3A_372 : memref<10240x64xf32, #tpu.memory_space<vmem_shared>>) dst(%arg8 : memref<128x64xf32, #tpu.memory_space<vmem>>)
    %get3A_373 = arith.constant 0 : i32
    %get3A_374 = arith.index_cast %get3A_373 : i32 to index
    %get3A_375 = arith.constant 0 : index
    %get3A_376 = tpu.vector_load %arg7[%get3A_374, %get3A_375] {strides = array<i32>} : memref<160x128xi16, #tpu.memory_space<vmem>>, vector<32xi16>,
    %bitcast3A_377 = vector.bitcast %get3A_376 : vector<32xi16> to vector<16xi32>
    %and3A_378 = arith.constant 65535 : i32
    %and3A_379 = vector.broadcast %and3A_378 : i32 to vector<16xi32>
    %and3A_380 = arith.andi %bitcast3A_377, %and3A_379 : vector<16xi32>
    %add3A_381 = arith.constant 0 : i32
    %add3A_382 = vector.broadcast %add3A_381 : i32 to vector<16xi32>
    %add3A_383 = arith.addi %and3A_380, %add3A_382 : vector<16xi32>
    %swap3A_384 = arith.constant 0 : index
    %swap3A_385 = tpu.vector_load %arg12[%swap3A_384] {strides = array<i32>} : memref<128xi32, #tpu.memory_space<vmem>>, vector<16xi32>,
    %swap3A_386 = vector.shape_cast %swap3A_385 : vector<16xi32> to vector<16xi32>
    %swap3A_387 = vector.shape_cast %add3A_383 : vector<16xi32> to vector<16xi32>
    tpu.vector_store %arg12[%swap3A_384], %swap3A_387 {strides = array<i32>} : memref<128xi32, #tpu.memory_space<vmem>>, vector<16xi32>,
    %shift_right_arithmetic3A_388 = arith.constant 16 : i32
    %shift_right_arithmetic3A_389 = vector.broadcast %shift_right_arithmetic3A_388 : i32 to vector<16xi32>
    %shift_right_arithmetic3A_390 = arith.shrsi %bitcast3A_377, %shift_right_arithmetic3A_389 : vector<16xi32>
    %add3A_391 = arith.constant 0 : i32
    %add3A_392 = vector.broadcast %add3A_391 : i32 to vector<16xi32>
    %add3A_393 = arith.addi %shift_right_arithmetic3A_390, %add3A_392 : vector<16xi32>
    %swap3A_394 = arith.constant 16 : index
    %swap3A_395 = tpu.vector_load %arg12[%swap3A_394] {strides = array<i32>} : memref<128xi32, #tpu.memory_space<vmem>>, vector<16xi32>,
    %swap3A_396 = vector.shape_cast %swap3A_395 : vector<16xi32> to vector<16xi32>
    %swap3A_397 = vector.shape_cast %add3A_393 : vector<16xi32> to vector<16xi32>
    tpu.vector_store %arg12[%swap3A_394], %swap3A_397 {strides = array<i32>} : memref<128xi32, #tpu.memory_space<vmem>>, vector<16xi32>,
    %get3A_398 = arith.constant 0 : i32
    %get3A_399 = arith.index_cast %get3A_398 : i32 to index
    %get3A_400 = arith.constant 32 : index
    %get3A_401 = tpu.vector_load %arg7[%get3A_399, %get3A_400] {strides = array<i32>} : memref<160x128xi16, #tpu.memory_space<vmem>>, vector<32xi16>,
    %bitcast3A_402 = vector.bitcast %get3A_401 : vector<32xi16> to vector<16xi32>
    %and3A_403 = arith.constant 65535 : i32
    %and3A_404 = vector.broadcast %and3A_403 : i32 to vector<16xi32>
    %and3A_405 = arith.andi %bitcast3A_402, %and3A_404 : vector<16xi32>
    %add3A_406 = arith.constant 0 : i32
    %add3A_407 = vector.broadcast %add3A_406 : i32 to vector<16xi32>
    %add3A_408 = arith.addi %and3A_405, %add3A_407 : vector<16xi32>
    %swap3A_409 = arith.constant 32 : index
    %swap3A_410 = tpu.vector_load %arg12[%swap3A_409] {strides = array<i32>} : memref<128xi32, #tpu.memory_space<vmem>>, vector<16xi32>,
    %swap3A_411 = vector.shape_cast %swap3A_410 : vector<16xi32> to vector<16xi32>
    %swap3A_412 = vector.shape_cast %add3A_408 : vector<16xi32> to vector<16xi32>
    tpu.vector_store %arg12[%swap3A_409], %swap3A_412 {strides = array<i32>} : memref<128xi32, #tpu.memory_space<vmem>>, vector<16xi32>,
    %shift_right_arithmetic3A_413 = arith.constant 16 : i32
    %shift_right_arithmetic3A_414 = vector.broadcast %shift_right_arithmetic3A_413 : i32 to vector<16xi32>
    %shift_right_arithmetic3A_415 = arith.shrsi %bitcast3A_402, %shift_right_arithmetic3A_414 : vector<16xi32>
    %add3A_416 = arith.constant 0 : i32
    %add3A_417 = vector.broadcast %add3A_416 : i32 to vector<16xi32>
    %add3A_418 = arith.addi %shift_right_arithmetic3A_415, %add3A_417 : vector<16xi32>
    %swap3A_419 = arith.constant 48 : index
    %swap3A_420 = tpu.vector_load %arg12[%swap3A_419] {strides = array<i32>} : memref<128xi32, #tpu.memory_space<vmem>>, vector<16xi32>,
    %swap3A_421 = vector.shape_cast %swap3A_420 : vector<16xi32> to vector<16xi32>
    %swap3A_422 = vector.shape_cast %add3A_418 : vector<16xi32> to vector<16xi32>
    tpu.vector_store %arg12[%swap3A_419], %swap3A_422 {strides = array<i32>} : memref<128xi32, #tpu.memory_space<vmem>>, vector<16xi32>,
    %get3A_423 = arith.constant 0 : i32
    %get3A_424 = arith.index_cast %get3A_423 : i32 to index
    %get3A_425 = arith.constant 64 : index
    %get3A_426 = tpu.vector_load %arg7[%get3A_424, %get3A_425] {strides = array<i32>} : memref<160x128xi16, #tpu.memory_space<vmem>>, vector<32xi16>,
    %bitcast3A_427 = vector.bitcast %get3A_426 : vector<32xi16> to vector<16xi32>
    %and3A_428 = arith.constant 65535 : i32
    %and3A_429 = vector.broadcast %and3A_428 : i32 to vector<16xi32>
    %and3A_430 = arith.andi %bitcast3A_427, %and3A_429 : vector<16xi32>
    %add3A_431 = arith.constant 0 : i32
    %add3A_432 = vector.broadcast %add3A_431 : i32 to vector<16xi32>
    %add3A_433 = arith.addi %and3A_430, %add3A_432 : vector<16xi32>
    %swap3A_434 = arith.constant 64 : index
    %swap3A_435 = tpu.vector_load %arg12[%swap3A_434] {strides = array<i32>} : memref<128xi32, #tpu.memory_space<vmem>>, vector<16xi32>,
    %swap3A_436 = vector.shape_cast %swap3A_435 : vector<16xi32> to vector<16xi32>
    %swap3A_437 = vector.shape_cast %add3A_433 : vector<16xi32> to vector<16xi32>
    tpu.vector_store %arg12[%swap3A_434], %swap3A_437 {strides = array<i32>} : memref<128xi32, #tpu.memory_space<vmem>>, vector<16xi32>,
    %shift_right_arithmetic3A_438 = arith.constant 16 : i32
    %shift_right_arithmetic3A_439 = vector.broadcast %shift_right_arithmetic3A_438 : i32 to vector<16xi32>
    %shift_right_arithmetic3A_440 = arith.shrsi %bitcast3A_427, %shift_right_arithmetic3A_439 : vector<16xi32>
    %add3A_441 = arith.constant 0 : i32
    %add3A_442 = vector.broadcast %add3A_441 : i32 to vector<16xi32>
    %add3A_443 = arith.addi %shift_right_arithmetic3A_440, %add3A_442 : vector<16xi32>
    %swap3A_444 = arith.constant 80 : index
    %swap3A_445 = tpu.vector_load %arg12[%swap3A_444] {strides = array<i32>} : memref<128xi32, #tpu.memory_space<vmem>>, vector<16xi32>,
    %swap3A_446 = vector.shape_cast %swap3A_445 : vector<16xi32> to vector<16xi32>
    %swap3A_447 = vector.shape_cast %add3A_443 : vector<16xi32> to vector<16xi32>
    tpu.vector_store %arg12[%swap3A_444], %swap3A_447 {strides = array<i32>} : memref<128xi32, #tpu.memory_space<vmem>>, vector<16xi32>,
    %get3A_448 = arith.constant 0 : i32
    %get3A_449 = arith.index_cast %get3A_448 : i32 to index
    %get3A_450 = arith.constant 96 : index
    %get3A_451 = tpu.vector_load %arg7[%get3A_449, %get3A_450] {strides = array<i32>} : memref<160x128xi16, #tpu.memory_space<vmem>>, vector<32xi16>,
    %bitcast3A_452 = vector.bitcast %get3A_451 : vector<32xi16> to vector<16xi32>
    %and3A_453 = arith.constant 65535 : i32
    %and3A_454 = vector.broadcast %and3A_453 : i32 to vector<16xi32>
    %and3A_455 = arith.andi %bitcast3A_452, %and3A_454 : vector<16xi32>
    %add3A_456 = arith.constant 0 : i32
    %add3A_457 = vector.broadcast %add3A_456 : i32 to vector<16xi32>
    %add3A_458 = arith.addi %and3A_455, %add3A_457 : vector<16xi32>
    %swap3A_459 = arith.constant 96 : index
    %swap3A_460 = tpu.vector_load %arg12[%swap3A_459] {strides = array<i32>} : memref<128xi32, #tpu.memory_space<vmem>>, vector<16xi32>,
    %swap3A_461 = vector.shape_cast %swap3A_460 : vector<16xi32> to vector<16xi32>
    %swap3A_462 = vector.shape_cast %add3A_458 : vector<16xi32> to vector<16xi32>
    tpu.vector_store %arg12[%swap3A_459], %swap3A_462 {strides = array<i32>} : memref<128xi32, #tpu.memory_space<vmem>>, vector<16xi32>,
    %shift_right_arithmetic3A_463 = arith.constant 16 : i32
    %shift_right_arithmetic3A_464 = vector.broadcast %shift_right_arithmetic3A_463 : i32 to vector<16xi32>
    %shift_right_arithmetic3A_465 = arith.shrsi %bitcast3A_452, %shift_right_arithmetic3A_464 : vector<16xi32>
    %add3A_466 = arith.constant 0 : i32
    %add3A_467 = vector.broadcast %add3A_466 : i32 to vector<16xi32>
    %add3A_468 = arith.addi %shift_right_arithmetic3A_465, %add3A_467 : vector<16xi32>
    %swap3A_469 = arith.constant 112 : index
    %swap3A_470 = tpu.vector_load %arg12[%swap3A_469] {strides = array<i32>} : memref<128xi32, #tpu.memory_space<vmem>>, vector<16xi32>,
    %swap3A_471 = vector.shape_cast %swap3A_470 : vector<16xi32> to vector<16xi32>
    %swap3A_472 = vector.shape_cast %add3A_468 : vector<16xi32> to vector<16xi32>
    tpu.vector_store %arg12[%swap3A_469], %swap3A_472 {strides = array<i32>} : memref<128xi32, #tpu.memory_space<vmem>>, vector<16xi32>,
    %dma_start3A_473 = arith.constant 0 : i32
    %dma_start3A_474 = arith.constant 0 : i32
    %dma_start3A_475 = tpu.memref_slice %arg14[%dma_start3A_473, %dma_start3A_474] : memref<10240x64xf32, #tpu.memory_space<vmem_shared>> -> memref<10240x64xf32, #tpu.memory_space<vmem_shared>>
    tpu.enqueue_indirect_dma source(%arg8 : memref<128x64xf32, #tpu.memory_space<vmem>>) target(%dma_start3A_475 : memref<10240x64xf32, #tpu.memory_space<vmem_shared>>) offsets(%arg12 : memref<128xi32, #tpu.memory_space<vmem>>) semaphore(%arg18 : memref<!tpu.dma_semaphore, #tpu.memory_space<semaphore_mem>>) {add = true}
    %scan3A_476 = arith.constant 0 : i32
    %scan3A_477 = arith.constant 1 : i32
    %scan3A_478 = arith.constant 79 : i32
    %scan3A_479 = arith.addi %scan3A_477, %scan3A_478 : i32
    %scan3A_480 = arith.constant 1 : i32
    scf.for %scan3A_688 = %scan3A_477 to %scan3A_479 step %scan3A_480  : i32 {
      %dma_wait3A_689 = arith.constant 0 : i32
      %dma_wait3A_690 = arith.constant 0 : i32
      %dma_wait3A_691 = tpu.memref_slice %arg14[%dma_wait3A_689, %dma_wait3A_690] : memref<10240x64xf32, #tpu.memory_space<vmem_shared>> -> memref<10240x64xf32, #tpu.memory_space<vmem_shared>>
      tpu.wait_indirect_dma semaphore(%arg18 : memref<!tpu.dma_semaphore, #tpu.memory_space<semaphore_mem>>) src(%arg8 : memref<128x64xf32, #tpu.memory_space<vmem>>) dst(%dma_wait3A_691 : memref<10240x64xf32, #tpu.memory_space<vmem_shared>>)
      %mul3A_692 = arith.constant 2 : i32
      %mul3A_693 = arith.muli %mul3A_692, %scan3A_688 : i32
      %get3A_694 = arith.index_cast %mul3A_693 : i32 to index
      %get3A_695 = arith.constant 0 : index
      %get3A_696 = tpu.vector_load %arg6[%get3A_694, %get3A_695] {strides = array<i32>} : memref<160x128xi16, #tpu.memory_space<vmem>>, vector<32xi16>,
      %bitcast3A_697 = vector.bitcast %get3A_696 : vector<32xi16> to vector<16xi32>
      %and3A_698 = arith.constant 65535 : i32
      %and3A_699 = vector.broadcast %and3A_698 : i32 to vector<16xi32>
      %and3A_700 = arith.andi %bitcast3A_697, %and3A_699 : vector<16xi32>
      %add3A_701 = arith.constant 0 : i32
      %add3A_702 = vector.broadcast %add3A_701 : i32 to vector<16xi32>
      %add3A_703 = arith.addi %and3A_700, %add3A_702 : vector<16xi32>
      %swap3A_704 = arith.constant 0 : index
      %swap3A_705 = tpu.vector_load %arg10[%swap3A_704] {strides = array<i32>} : memref<128xi32, #tpu.memory_space<vmem>>, vector<16xi32>,
      %swap3A_706 = vector.shape_cast %swap3A_705 : vector<16xi32> to vector<16xi32>
      %swap3A_707 = vector.shape_cast %add3A_703 : vector<16xi32> to vector<16xi32>
      tpu.vector_store %arg10[%swap3A_704], %swap3A_707 {strides = array<i32>} : memref<128xi32, #tpu.memory_space<vmem>>, vector<16xi32>,
      %shift_right_arithmetic3A_708 = arith.constant 16 : i32
      %shift_right_arithmetic3A_709 = vector.broadcast %shift_right_arithmetic3A_708 : i32 to vector<16xi32>
      %shift_right_arithmetic3A_710 = arith.shrsi %bitcast3A_697, %shift_right_arithmetic3A_709 : vector<16xi32>
      %add3A_711 = arith.constant 0 : i32
      %add3A_712 = vector.broadcast %add3A_711 : i32 to vector<16xi32>
      %add3A_713 = arith.addi %shift_right_arithmetic3A_710, %add3A_712 : vector<16xi32>
      %swap3A_714 = arith.constant 16 : index
      %swap3A_715 = tpu.vector_load %arg10[%swap3A_714] {strides = array<i32>} : memref<128xi32, #tpu.memory_space<vmem>>, vector<16xi32>,
      %swap3A_716 = vector.shape_cast %swap3A_715 : vector<16xi32> to vector<16xi32>
      %swap3A_717 = vector.shape_cast %add3A_713 : vector<16xi32> to vector<16xi32>
      tpu.vector_store %arg10[%swap3A_714], %swap3A_717 {strides = array<i32>} : memref<128xi32, #tpu.memory_space<vmem>>, vector<16xi32>,
      %get3A_718 = arith.index_cast %mul3A_693 : i32 to index
      %get3A_719 = arith.constant 32 : index
      %get3A_720 = tpu.vector_load %arg6[%get3A_718, %get3A_719] {strides = array<i32>} : memref<160x128xi16, #tpu.memory_space<vmem>>, vector<32xi16>,
      %bitcast3A_721 = vector.bitcast %get3A_720 : vector<32xi16> to vector<16xi32>
      %and3A_722 = arith.constant 65535 : i32
      %and3A_723 = vector.broadcast %and3A_722 : i32 to vector<16xi32>
      %and3A_724 = arith.andi %bitcast3A_721, %and3A_723 : vector<16xi32>
      %add3A_725 = arith.constant 0 : i32
      %add3A_726 = vector.broadcast %add3A_725 : i32 to vector<16xi32>
      %add3A_727 = arith.addi %and3A_724, %add3A_726 : vector<16xi32>
      %swap3A_728 = arith.constant 32 : index
      %swap3A_729 = tpu.vector_load %arg10[%swap3A_728] {strides = array<i32>} : memref<128xi32, #tpu.memory_space<vmem>>, vector<16xi32>,
      %swap3A_730 = vector.shape_cast %swap3A_729 : vector<16xi32> to vector<16xi32>
      %swap3A_731 = vector.shape_cast %add3A_727 : vector<16xi32> to vector<16xi32>
      tpu.vector_store %arg10[%swap3A_728], %swap3A_731 {strides = array<i32>} : memref<128xi32, #tpu.memory_space<vmem>>, vector<16xi32>,
      %shift_right_arithmetic3A_732 = arith.constant 16 : i32
      %shift_right_arithmetic3A_733 = vector.broadcast %shift_right_arithmetic3A_732 : i32 to vector<16xi32>
      %shift_right_arithmetic3A_734 = arith.shrsi %bitcast3A_721, %shift_right_arithmetic3A_733 : vector<16xi32>
      %add3A_735 = arith.constant 0 : i32
      %add3A_736 = vector.broadcast %add3A_735 : i32 to vector<16xi32>
      %add3A_737 = arith.addi %shift_right_arithmetic3A_734, %add3A_736 : vector<16xi32>
      %swap3A_738 = arith.constant 48 : index
      %swap3A_739 = tpu.vector_load %arg10[%swap3A_738] {strides = array<i32>} : memref<128xi32, #tpu.memory_space<vmem>>, vector<16xi32>,
      %swap3A_740 = vector.shape_cast %swap3A_739 : vector<16xi32> to vector<16xi32>
      %swap3A_741 = vector.shape_cast %add3A_737 : vector<16xi32> to vector<16xi32>
      tpu.vector_store %arg10[%swap3A_738], %swap3A_741 {strides = array<i32>} : memref<128xi32, #tpu.memory_space<vmem>>, vector<16xi32>,
      %get3A_742 = arith.index_cast %mul3A_693 : i32 to index
      %get3A_743 = arith.constant 64 : index
      %get3A_744 = tpu.vector_load %arg6[%get3A_742, %get3A_743] {strides = array<i32>} : memref<160x128xi16, #tpu.memory_space<vmem>>, vector<32xi16>,
      %bitcast3A_745 = vector.bitcast %get3A_744 : vector<32xi16> to vector<16xi32>
      %and3A_746 = arith.constant 65535 : i32
      %and3A_747 = vector.broadcast %and3A_746 : i32 to vector<16xi32>
      %and3A_748 = arith.andi %bitcast3A_745, %and3A_747 : vector<16xi32>
      %add3A_749 = arith.constant 0 : i32
      %add3A_750 = vector.broadcast %add3A_749 : i32 to vector<16xi32>
      %add3A_751 = arith.addi %and3A_748, %add3A_750 : vector<16xi32>
      %swap3A_752 = arith.constant 64 : index
      %swap3A_753 = tpu.vector_load %arg10[%swap3A_752] {strides = array<i32>} : memref<128xi32, #tpu.memory_space<vmem>>, vector<16xi32>,
      %swap3A_754 = vector.shape_cast %swap3A_753 : vector<16xi32> to vector<16xi32>
      %swap3A_755 = vector.shape_cast %add3A_751 : vector<16xi32> to vector<16xi32>
      tpu.vector_store %arg10[%swap3A_752], %swap3A_755 {strides = array<i32>} : memref<128xi32, #tpu.memory_space<vmem>>, vector<16xi32>,
      %shift_right_arithmetic3A_756 = arith.constant 16 : i32
      %shift_right_arithmetic3A_757 = vector.broadcast %shift_right_arithmetic3A_756 : i32 to vector<16xi32>
      %shift_right_arithmetic3A_758 = arith.shrsi %bitcast3A_745, %shift_right_arithmetic3A_757 : vector<16xi32>
      %add3A_759 = arith.constant 0 : i32
      %add3A_760 = vector.broadcast %add3A_759 : i32 to vector<16xi32>
      %add3A_761 = arith.addi %shift_right_arithmetic3A_758, %add3A_760 : vector<16xi32>
      %swap3A_762 = arith.constant 80 : index
      %swap3A_763 = tpu.vector_load %arg10[%swap3A_762] {strides = array<i32>} : memref<128xi32, #tpu.memory_space<vmem>>, vector<16xi32>,
      %swap3A_764 = vector.shape_cast %swap3A_763 : vector<16xi32> to vector<16xi32>
      %swap3A_765 = vector.shape_cast %add3A_761 : vector<16xi32> to vector<16xi32>
      tpu.vector_store %arg10[%swap3A_762], %swap3A_765 {strides = array<i32>} : memref<128xi32, #tpu.memory_space<vmem>>, vector<16xi32>,
      %get3A_766 = arith.index_cast %mul3A_693 : i32 to index
      %get3A_767 = arith.constant 96 : index
      %get3A_768 = tpu.vector_load %arg6[%get3A_766, %get3A_767] {strides = array<i32>} : memref<160x128xi16, #tpu.memory_space<vmem>>, vector<32xi16>,
      %bitcast3A_769 = vector.bitcast %get3A_768 : vector<32xi16> to vector<16xi32>
      %and3A_770 = arith.constant 65535 : i32
      %and3A_771 = vector.broadcast %and3A_770 : i32 to vector<16xi32>
      %and3A_772 = arith.andi %bitcast3A_769, %and3A_771 : vector<16xi32>
      %add3A_773 = arith.constant 0 : i32
      %add3A_774 = vector.broadcast %add3A_773 : i32 to vector<16xi32>
      %add3A_775 = arith.addi %and3A_772, %add3A_774 : vector<16xi32>
      %swap3A_776 = arith.constant 96 : index
      %swap3A_777 = tpu.vector_load %arg10[%swap3A_776] {strides = array<i32>} : memref<128xi32, #tpu.memory_space<vmem>>, vector<16xi32>,
      %swap3A_778 = vector.shape_cast %swap3A_777 : vector<16xi32> to vector<16xi32>
      %swap3A_779 = vector.shape_cast %add3A_775 : vector<16xi32> to vector<16xi32>
      tpu.vector_store %arg10[%swap3A_776], %swap3A_779 {strides = array<i32>} : memref<128xi32, #tpu.memory_space<vmem>>, vector<16xi32>,
      %shift_right_arithmetic3A_780 = arith.constant 16 : i32
      %shift_right_arithmetic3A_781 = vector.broadcast %shift_right_arithmetic3A_780 : i32 to vector<16xi32>
      %shift_right_arithmetic3A_782 = arith.shrsi %bitcast3A_769, %shift_right_arithmetic3A_781 : vector<16xi32>
      %add3A_783 = arith.constant 0 : i32
      %add3A_784 = vector.broadcast %add3A_783 : i32 to vector<16xi32>
      %add3A_785 = arith.addi %shift_right_arithmetic3A_782, %add3A_784 : vector<16xi32>
      %swap3A_786 = arith.constant 112 : index
      %swap3A_787 = tpu.vector_load %arg10[%swap3A_786] {strides = array<i32>} : memref<128xi32, #tpu.memory_space<vmem>>, vector<16xi32>,
      %swap3A_788 = vector.shape_cast %swap3A_787 : vector<16xi32> to vector<16xi32>
      %swap3A_789 = vector.shape_cast %add3A_785 : vector<16xi32> to vector<16xi32>
      tpu.vector_store %arg10[%swap3A_786], %swap3A_789 {strides = array<i32>} : memref<128xi32, #tpu.memory_space<vmem>>, vector<16xi32>,
      %dma_start3A_790 = arith.constant 0 : i32
      %dma_start3A_791 = arith.constant 0 : i32
      %dma_start3A_792 = tpu.memref_slice %arg15[%dma_start3A_790, %dma_start3A_791] : memref<10240x64xf32, #tpu.memory_space<vmem_shared>> -> memref<10240x64xf32, #tpu.memory_space<vmem_shared>>
      tpu.enqueue_indirect_dma source(%dma_start3A_792 : memref<10240x64xf32, #tpu.memory_space<vmem_shared>>) target(%arg8 : memref<128x64xf32, #tpu.memory_space<vmem>>) offsets(%arg10 : memref<128xi32, #tpu.memory_space<vmem>>) semaphore(%arg16 : memref<!tpu.dma_semaphore, #tpu.memory_space<semaphore_mem>>)
      %dma_wait3A_793 = arith.constant 0 : i32
      %dma_wait3A_794 = arith.constant 0 : i32
      %dma_wait3A_795 = tpu.memref_slice %arg15[%dma_wait3A_793, %dma_wait3A_794] : memref<10240x64xf32, #tpu.memory_space<vmem_shared>> -> memref<10240x64xf32, #tpu.memory_space<vmem_shared>>
      tpu.wait_indirect_dma semaphore(%arg17 : memref<!tpu.dma_semaphore, #tpu.memory_space<semaphore_mem>>) src(%dma_wait3A_795 : memref<10240x64xf32, #tpu.memory_space<vmem_shared>>) dst(%arg9 : memref<128x64xf32, #tpu.memory_space<vmem>>)
      %mul3A_796 = arith.constant 2 : i32
      %mul3A_797 = arith.muli %mul3A_796, %scan3A_688 : i32
      %sub3A_798 = arith.constant 1 : i32
      %sub3A_799 = arith.subi %mul3A_797, %sub3A_798 : i32
      %get3A_800 = arith.index_cast %sub3A_799 : i32 to index
      %get3A_801 = arith.constant 0 : index
      %get3A_802 = tpu.vector_load %arg7[%get3A_800, %get3A_801] {strides = array<i32>} : memref<160x128xi16, #tpu.memory_space<vmem>>, vector<32xi16>,
      %bitcast3A_803 = vector.bitcast %get3A_802 : vector<32xi16> to vector<16xi32>
      %and3A_804 = arith.constant 65535 : i32
      %and3A_805 = vector.broadcast %and3A_804 : i32 to vector<16xi32>
      %and3A_806 = arith.andi %bitcast3A_803, %and3A_805 : vector<16xi32>
      %add3A_807 = arith.constant 0 : i32
      %add3A_808 = vector.broadcast %add3A_807 : i32 to vector<16xi32>
      %add3A_809 = arith.addi %and3A_806, %add3A_808 : vector<16xi32>
      %swap3A_810 = arith.constant 0 : index
      %swap3A_811 = tpu.vector_load %arg13[%swap3A_810] {strides = array<i32>} : memref<128xi32, #tpu.memory_space<vmem>>, vector<16xi32>,
      %swap3A_812 = vector.shape_cast %swap3A_811 : vector<16xi32> to vector<16xi32>
      %swap3A_813 = vector.shape_cast %add3A_809 : vector<16xi32> to vector<16xi32>
      tpu.vector_store %arg13[%swap3A_810], %swap3A_813 {strides = array<i32>} : memref<128xi32, #tpu.memory_space<vmem>>, vector<16xi32>,
      %shift_right_arithmetic3A_814 = arith.constant 16 : i32
      %shift_right_arithmetic3A_815 = vector.broadcast %shift_right_arithmetic3A_814 : i32 to vector<16xi32>
      %shift_right_arithmetic3A_816 = arith.shrsi %bitcast3A_803, %shift_right_arithmetic3A_815 : vector<16xi32>
      %add3A_817 = arith.constant 0 : i32
      %add3A_818 = vector.broadcast %add3A_817 : i32 to vector<16xi32>
      %add3A_819 = arith.addi %shift_right_arithmetic3A_816, %add3A_818 : vector<16xi32>
      %swap3A_820 = arith.constant 16 : index
      %swap3A_821 = tpu.vector_load %arg13[%swap3A_820] {strides = array<i32>} : memref<128xi32, #tpu.memory_space<vmem>>, vector<16xi32>,
      %swap3A_822 = vector.shape_cast %swap3A_821 : vector<16xi32> to vector<16xi32>
      %swap3A_823 = vector.shape_cast %add3A_819 : vector<16xi32> to vector<16xi32>
      tpu.vector_store %arg13[%swap3A_820], %swap3A_823 {strides = array<i32>} : memref<128xi32, #tpu.memory_space<vmem>>, vector<16xi32>,
      %get3A_824 = arith.index_cast %sub3A_799 : i32 to index
      %get3A_825 = arith.constant 32 : index
      %get3A_826 = tpu.vector_load %arg7[%get3A_824, %get3A_825] {strides = array<i32>} : memref<160x128xi16, #tpu.memory_space<vmem>>, vector<32xi16>,
      %bitcast3A_827 = vector.bitcast %get3A_826 : vector<32xi16> to vector<16xi32>
      %and3A_828 = arith.constant 65535 : i32
      %and3A_829 = vector.broadcast %and3A_828 : i32 to vector<16xi32>
      %and3A_830 = arith.andi %bitcast3A_827, %and3A_829 : vector<16xi32>
      %add3A_831 = arith.constant 0 : i32
      %add3A_832 = vector.broadcast %add3A_831 : i32 to vector<16xi32>
      %add3A_833 = arith.addi %and3A_830, %add3A_832 : vector<16xi32>
      %swap3A_834 = arith.constant 32 : index
      %swap3A_835 = tpu.vector_load %arg13[%swap3A_834] {strides = array<i32>} : memref<128xi32, #tpu.memory_space<vmem>>, vector<16xi32>,
      %swap3A_836 = vector.shape_cast %swap3A_835 : vector<16xi32> to vector<16xi32>
      %swap3A_837 = vector.shape_cast %add3A_833 : vector<16xi32> to vector<16xi32>
      tpu.vector_store %arg13[%swap3A_834], %swap3A_837 {strides = array<i32>} : memref<128xi32, #tpu.memory_space<vmem>>, vector<16xi32>,
      %shift_right_arithmetic3A_838 = arith.constant 16 : i32
      %shift_right_arithmetic3A_839 = vector.broadcast %shift_right_arithmetic3A_838 : i32 to vector<16xi32>
      %shift_right_arithmetic3A_840 = arith.shrsi %bitcast3A_827, %shift_right_arithmetic3A_839 : vector<16xi32>
      %add3A_841 = arith.constant 0 : i32
      %add3A_842 = vector.broadcast %add3A_841 : i32 to vector<16xi32>
      %add3A_843 = arith.addi %shift_right_arithmetic3A_840, %add3A_842 : vector<16xi32>
      %swap3A_844 = arith.constant 48 : index
      %swap3A_845 = tpu.vector_load %arg13[%swap3A_844] {strides = array<i32>} : memref<128xi32, #tpu.memory_space<vmem>>, vector<16xi32>,
      %swap3A_846 = vector.shape_cast %swap3A_845 : vector<16xi32> to vector<16xi32>
      %swap3A_847 = vector.shape_cast %add3A_843 : vector<16xi32> to vector<16xi32>
      tpu.vector_store %arg13[%swap3A_844], %swap3A_847 {strides = array<i32>} : memref<128xi32, #tpu.memory_space<vmem>>, vector<16xi32>,
      %get3A_848 = arith.index_cast %sub3A_799 : i32 to index
      %get3A_849 = arith.constant 64 : index
      %get3A_850 = tpu.vector_load %arg7[%get3A_848, %get3A_849] {strides = array<i32>} : memref<160x128xi16, #tpu.memory_space<vmem>>, vector<32xi16>,
      %bitcast3A_851 = vector.bitcast %get3A_850 : vector<32xi16> to vector<16xi32>
      %and3A_852 = arith.constant 65535 : i32
      %and3A_853 = vector.broadcast %and3A_852 : i32 to vector<16xi32>
      %and3A_854 = arith.andi %bitcast3A_851, %and3A_853 : vector<16xi32>
      %add3A_855 = arith.constant 0 : i32
      %add3A_856 = vector.broadcast %add3A_855 : i32 to vector<16xi32>
      %add3A_857 = arith.addi %and3A_854, %add3A_856 : vector<16xi32>
      %swap3A_858 = arith.constant 64 : index
      %swap3A_859 = tpu.vector_load %arg13[%swap3A_858] {strides = array<i32>} : memref<128xi32, #tpu.memory_space<vmem>>, vector<16xi32>,
      %swap3A_860 = vector.shape_cast %swap3A_859 : vector<16xi32> to vector<16xi32>
      %swap3A_861 = vector.shape_cast %add3A_857 : vector<16xi32> to vector<16xi32>
      tpu.vector_store %arg13[%swap3A_858], %swap3A_861 {strides = array<i32>} : memref<128xi32, #tpu.memory_space<vmem>>, vector<16xi32>,
      %shift_right_arithmetic3A_862 = arith.constant 16 : i32
      %shift_right_arithmetic3A_863 = vector.broadcast %shift_right_arithmetic3A_862 : i32 to vector<16xi32>
      %shift_right_arithmetic3A_864 = arith.shrsi %bitcast3A_851, %shift_right_arithmetic3A_863 : vector<16xi32>
      %add3A_865 = arith.constant 0 : i32
      %add3A_866 = vector.broadcast %add3A_865 : i32 to vector<16xi32>
      %add3A_867 = arith.addi %shift_right_arithmetic3A_864, %add3A_866 : vector<16xi32>
      %swap3A_868 = arith.constant 80 : index
      %swap3A_869 = tpu.vector_load %arg13[%swap3A_868] {strides = array<i32>} : memref<128xi32, #tpu.memory_space<vmem>>, vector<16xi32>,
      %swap3A_870 = vector.shape_cast %swap3A_869 : vector<16xi32> to vector<16xi32>
      %swap3A_871 = vector.shape_cast %add3A_867 : vector<16xi32> to vector<16xi32>
      tpu.vector_store %arg13[%swap3A_868], %swap3A_871 {strides = array<i32>} : memref<128xi32, #tpu.memory_space<vmem>>, vector<16xi32>,
      %get3A_872 = arith.index_cast %sub3A_799 : i32 to index
      %get3A_873 = arith.constant 96 : index
      %get3A_874 = tpu.vector_load %arg7[%get3A_872, %get3A_873] {strides = array<i32>} : memref<160x128xi16, #tpu.memory_space<vmem>>, vector<32xi16>,
      %bitcast3A_875 = vector.bitcast %get3A_874 : vector<32xi16> to vector<16xi32>
      %and3A_876 = arith.constant 65535 : i32
      %and3A_877 = vector.broadcast %and3A_876 : i32 to vector<16xi32>
      %and3A_878 = arith.andi %bitcast3A_875, %and3A_877 : vector<16xi32>
      %add3A_879 = arith.constant 0 : i32
      %add3A_880 = vector.broadcast %add3A_879 : i32 to vector<16xi32>
      %add3A_881 = arith.addi %and3A_878, %add3A_880 : vector<16xi32>
      %swap3A_882 = arith.constant 96 : index
      %swap3A_883 = tpu.vector_load %arg13[%swap3A_882] {strides = array<i32>} : memref<128xi32, #tpu.memory_space<vmem>>, vector<16xi32>,
      %swap3A_884 = vector.shape_cast %swap3A_883 : vector<16xi32> to vector<16xi32>
      %swap3A_885 = vector.shape_cast %add3A_881 : vector<16xi32> to vector<16xi32>
      tpu.vector_store %arg13[%swap3A_882], %swap3A_885 {strides = array<i32>} : memref<128xi32, #tpu.memory_space<vmem>>, vector<16xi32>,
      %shift_right_arithmetic3A_886 = arith.constant 16 : i32
      %shift_right_arithmetic3A_887 = vector.broadcast %shift_right_arithmetic3A_886 : i32 to vector<16xi32>
      %shift_right_arithmetic3A_888 = arith.shrsi %bitcast3A_875, %shift_right_arithmetic3A_887 : vector<16xi32>
      %add3A_889 = arith.constant 0 : i32
      %add3A_890 = vector.broadcast %add3A_889 : i32 to vector<16xi32>
      %add3A_891 = arith.addi %shift_right_arithmetic3A_888, %add3A_890 : vector<16xi32>
      %swap3A_892 = arith.constant 112 : index
      %swap3A_893 = tpu.vector_load %arg13[%swap3A_892] {strides = array<i32>} : memref<128xi32, #tpu.memory_space<vmem>>, vector<16xi32>,
      %swap3A_894 = vector.shape_cast %swap3A_893 : vector<16xi32> to vector<16xi32>
      %swap3A_895 = vector.shape_cast %add3A_891 : vector<16xi32> to vector<16xi32>
      tpu.vector_store %arg13[%swap3A_892], %swap3A_895 {strides = array<i32>} : memref<128xi32, #tpu.memory_space<vmem>>, vector<16xi32>,
      %dma_start3A_896 = arith.constant 0 : i32
      %dma_start3A_897 = arith.constant 0 : i32
      %dma_start3A_898 = tpu.memref_slice %arg14[%dma_start3A_896, %dma_start3A_897] : memref<10240x64xf32, #tpu.memory_space<vmem_shared>> -> memref<10240x64xf32, #tpu.memory_space<vmem_shared>>
      tpu.enqueue_indirect_dma source(%arg9 : memref<128x64xf32, #tpu.memory_space<vmem>>) target(%dma_start3A_898 : memref<10240x64xf32, #tpu.memory_space<vmem_shared>>) offsets(%arg13 : memref<128xi32, #tpu.memory_space<vmem>>) semaphore(%arg19 : memref<!tpu.dma_semaphore, #tpu.memory_space<semaphore_mem>>) {add = true}
      %dma_wait3A_899 = arith.constant 0 : i32
      %dma_wait3A_900 = arith.constant 0 : i32
      %dma_wait3A_901 = tpu.memref_slice %arg14[%dma_wait3A_899, %dma_wait3A_900] : memref<10240x64xf32, #tpu.memory_space<vmem_shared>> -> memref<10240x64xf32, #tpu.memory_space<vmem_shared>>
      tpu.wait_indirect_dma semaphore(%arg19 : memref<!tpu.dma_semaphore, #tpu.memory_space<semaphore_mem>>) src(%arg9 : memref<128x64xf32, #tpu.memory_space<vmem>>) dst(%dma_wait3A_901 : memref<10240x64xf32, #tpu.memory_space<vmem_shared>>)
      %mul3A_902 = arith.constant 2 : i32
      %mul3A_903 = arith.muli %mul3A_902, %scan3A_688 : i32
      %add3A_904 = arith.constant 1 : i32
      %add3A_905 = arith.addi %mul3A_903, %add3A_904 : i32
      %get3A_906 = arith.index_cast %add3A_905 : i32 to index
      %get3A_907 = arith.constant 0 : index
      %get3A_908 = tpu.vector_load %arg6[%get3A_906, %get3A_907] {strides = array<i32>} : memref<160x128xi16, #tpu.memory_space<vmem>>, vector<32xi16>,
      %bitcast3A_909 = vector.bitcast %get3A_908 : vector<32xi16> to vector<16xi32>
      %and3A_910 = arith.constant 65535 : i32
      %and3A_911 = vector.broadcast %and3A_910 : i32 to vector<16xi32>
      %and3A_912 = arith.andi %bitcast3A_909, %and3A_911 : vector<16xi32>
      %add3A_913 = arith.constant 0 : i32
      %add3A_914 = vector.broadcast %add3A_913 : i32 to vector<16xi32>
      %add3A_915 = arith.addi %and3A_912, %add3A_914 : vector<16xi32>
      %swap3A_916 = arith.constant 0 : index
      %swap3A_917 = tpu.vector_load %arg11[%swap3A_916] {strides = array<i32>} : memref<128xi32, #tpu.memory_space<vmem>>, vector<16xi32>,
      %swap3A_918 = vector.shape_cast %swap3A_917 : vector<16xi32> to vector<16xi32>
      %swap3A_919 = vector.shape_cast %add3A_915 : vector<16xi32> to vector<16xi32>
      tpu.vector_store %arg11[%swap3A_916], %swap3A_919 {strides = array<i32>} : memref<128xi32, #tpu.memory_space<vmem>>, vector<16xi32>,
      %shift_right_arithmetic3A_920 = arith.constant 16 : i32
      %shift_right_arithmetic3A_921 = vector.broadcast %shift_right_arithmetic3A_920 : i32 to vector<16xi32>
      %shift_right_arithmetic3A_922 = arith.shrsi %bitcast3A_909, %shift_right_arithmetic3A_921 : vector<16xi32>
      %add3A_923 = arith.constant 0 : i32
      %add3A_924 = vector.broadcast %add3A_923 : i32 to vector<16xi32>
      %add3A_925 = arith.addi %shift_right_arithmetic3A_922, %add3A_924 : vector<16xi32>
      %swap3A_926 = arith.constant 16 : index
      %swap3A_927 = tpu.vector_load %arg11[%swap3A_926] {strides = array<i32>} : memref<128xi32, #tpu.memory_space<vmem>>, vector<16xi32>,
      %swap3A_928 = vector.shape_cast %swap3A_927 : vector<16xi32> to vector<16xi32>
      %swap3A_929 = vector.shape_cast %add3A_925 : vector<16xi32> to vector<16xi32>
      tpu.vector_store %arg11[%swap3A_926], %swap3A_929 {strides = array<i32>} : memref<128xi32, #tpu.memory_space<vmem>>, vector<16xi32>,
      %get3A_930 = arith.index_cast %add3A_905 : i32 to index
      %get3A_931 = arith.constant 32 : index
      %get3A_932 = tpu.vector_load %arg6[%get3A_930, %get3A_931] {strides = array<i32>} : memref<160x128xi16, #tpu.memory_space<vmem>>, vector<32xi16>,
      %bitcast3A_933 = vector.bitcast %get3A_932 : vector<32xi16> to vector<16xi32>
      %and3A_934 = arith.constant 65535 : i32
      %and3A_935 = vector.broadcast %and3A_934 : i32 to vector<16xi32>
      %and3A_936 = arith.andi %bitcast3A_933, %and3A_935 : vector<16xi32>
      %add3A_937 = arith.constant 0 : i32
      %add3A_938 = vector.broadcast %add3A_937 : i32 to vector<16xi32>
      %add3A_939 = arith.addi %and3A_936, %add3A_938 : vector<16xi32>
      %swap3A_940 = arith.constant 32 : index
      %swap3A_941 = tpu.vector_load %arg11[%swap3A_940] {strides = array<i32>} : memref<128xi32, #tpu.memory_space<vmem>>, vector<16xi32>,
      %swap3A_942 = vector.shape_cast %swap3A_941 : vector<16xi32> to vector<16xi32>
      %swap3A_943 = vector.shape_cast %add3A_939 : vector<16xi32> to vector<16xi32>
      tpu.vector_store %arg11[%swap3A_940], %swap3A_943 {strides = array<i32>} : memref<128xi32, #tpu.memory_space<vmem>>, vector<16xi32>,
      %shift_right_arithmetic3A_944 = arith.constant 16 : i32
      %shift_right_arithmetic3A_945 = vector.broadcast %shift_right_arithmetic3A_944 : i32 to vector<16xi32>
      %shift_right_arithmetic3A_946 = arith.shrsi %bitcast3A_933, %shift_right_arithmetic3A_945 : vector<16xi32>
      %add3A_947 = arith.constant 0 : i32
      %add3A_948 = vector.broadcast %add3A_947 : i32 to vector<16xi32>
      %add3A_949 = arith.addi %shift_right_arithmetic3A_946, %add3A_948 : vector<16xi32>
      %swap3A_950 = arith.constant 48 : index
      %swap3A_951 = tpu.vector_load %arg11[%swap3A_950] {strides = array<i32>} : memref<128xi32, #tpu.memory_space<vmem>>, vector<16xi32>,
      %swap3A_952 = vector.shape_cast %swap3A_951 : vector<16xi32> to vector<16xi32>
      %swap3A_953 = vector.shape_cast %add3A_949 : vector<16xi32> to vector<16xi32>
      tpu.vector_store %arg11[%swap3A_950], %swap3A_953 {strides = array<i32>} : memref<128xi32, #tpu.memory_space<vmem>>, vector<16xi32>,
      %get3A_954 = arith.index_cast %add3A_905 : i32 to index
      %get3A_955 = arith.constant 64 : index
      %get3A_956 = tpu.vector_load %arg6[%get3A_954, %get3A_955] {strides = array<i32>} : memref<160x128xi16, #tpu.memory_space<vmem>>, vector<32xi16>,
      %bitcast3A_957 = vector.bitcast %get3A_956 : vector<32xi16> to vector<16xi32>
      %and3A_958 = arith.constant 65535 : i32
      %and3A_959 = vector.broadcast %and3A_958 : i32 to vector<16xi32>
      %and3A_960 = arith.andi %bitcast3A_957, %and3A_959 : vector<16xi32>
      %add3A_961 = arith.constant 0 : i32
      %add3A_962 = vector.broadcast %add3A_961 : i32 to vector<16xi32>
      %add3A_963 = arith.addi %and3A_960, %add3A_962 : vector<16xi32>
      %swap3A_964 = arith.constant 64 : index
      %swap3A_965 = tpu.vector_load %arg11[%swap3A_964] {strides = array<i32>} : memref<128xi32, #tpu.memory_space<vmem>>, vector<16xi32>,
      %swap3A_966 = vector.shape_cast %swap3A_965 : vector<16xi32> to vector<16xi32>
      %swap3A_967 = vector.shape_cast %add3A_963 : vector<16xi32> to vector<16xi32>
      tpu.vector_store %arg11[%swap3A_964], %swap3A_967 {strides = array<i32>} : memref<128xi32, #tpu.memory_space<vmem>>, vector<16xi32>,
      %shift_right_arithmetic3A_968 = arith.constant 16 : i32
      %shift_right_arithmetic3A_969 = vector.broadcast %shift_right_arithmetic3A_968 : i32 to vector<16xi32>
      %shift_right_arithmetic3A_970 = arith.shrsi %bitcast3A_957, %shift_right_arithmetic3A_969 : vector<16xi32>
      %add3A_971 = arith.constant 0 : i32
      %add3A_972 = vector.broadcast %add3A_971 : i32 to vector<16xi32>
      %add3A_973 = arith.addi %shift_right_arithmetic3A_970, %add3A_972 : vector<16xi32>
      %swap3A_974 = arith.constant 80 : index
      %swap3A_975 = tpu.vector_load %arg11[%swap3A_974] {strides = array<i32>} : memref<128xi32, #tpu.memory_space<vmem>>, vector<16xi32>,
      %swap3A_976 = vector.shape_cast %swap3A_975 : vector<16xi32> to vector<16xi32>
      %swap3A_977 = vector.shape_cast %add3A_973 : vector<16xi32> to vector<16xi32>
      tpu.vector_store %arg11[%swap3A_974], %swap3A_977 {strides = array<i32>} : memref<128xi32, #tpu.memory_space<vmem>>, vector<16xi32>,
      %get3A_978 = arith.index_cast %add3A_905 : i32 to index
      %get3A_979 = arith.constant 96 : index
      %get3A_980 = tpu.vector_load %arg6[%get3A_978, %get3A_979] {strides = array<i32>} : memref<160x128xi16, #tpu.memory_space<vmem>>, vector<32xi16>,
      %bitcast3A_981 = vector.bitcast %get3A_980 : vector<32xi16> to vector<16xi32>
      %and3A_982 = arith.constant 65535 : i32
      %and3A_983 = vector.broadcast %and3A_982 : i32 to vector<16xi32>
      %and3A_984 = arith.andi %bitcast3A_981, %and3A_983 : vector<16xi32>
      %add3A_985 = arith.constant 0 : i32
      %add3A_986 = vector.broadcast %add3A_985 : i32 to vector<16xi32>
      %add3A_987 = arith.addi %and3A_984, %add3A_986 : vector<16xi32>
      %swap3A_988 = arith.constant 96 : index
      %swap3A_989 = tpu.vector_load %arg11[%swap3A_988] {strides = array<i32>} : memref<128xi32, #tpu.memory_space<vmem>>, vector<16xi32>,
      %swap3A_990 = vector.shape_cast %swap3A_989 : vector<16xi32> to vector<16xi32>
      %swap3A_991 = vector.shape_cast %add3A_987 : vector<16xi32> to vector<16xi32>
      tpu.vector_store %arg11[%swap3A_988], %swap3A_991 {strides = array<i32>} : memref<128xi32, #tpu.memory_space<vmem>>, vector<16xi32>,
      %shift_right_arithmetic3A_992 = arith.constant 16 : i32
      %shift_right_arithmetic3A_993 = vector.broadcast %shift_right_arithmetic3A_992 : i32 to vector<16xi32>
      %shift_right_arithmetic3A_994 = arith.shrsi %bitcast3A_981, %shift_right_arithmetic3A_993 : vector<16xi32>
      %add3A_995 = arith.constant 0 : i32
      %add3A_996 = vector.broadcast %add3A_995 : i32 to vector<16xi32>
      %add3A_997 = arith.addi %shift_right_arithmetic3A_994, %add3A_996 : vector<16xi32>
      %swap3A_998 = arith.constant 112 : index
      %swap3A_999 = tpu.vector_load %arg11[%swap3A_998] {strides = array<i32>} : memref<128xi32, #tpu.memory_space<vmem>>, vector<16xi32>,
      %swap3A_1000 = vector.shape_cast %swap3A_999 : vector<16xi32> to vector<16xi32>
      %swap3A_1001 = vector.shape_cast %add3A_997 : vector<16xi32> to vector<16xi32>
      tpu.vector_store %arg11[%swap3A_998], %swap3A_1001 {strides = array<i32>} : memref<128xi32, #tpu.memory_space<vmem>>, vector<16xi32>,
      %dma_start3A_1002 = arith.constant 0 : i32
      %dma_start3A_1003 = arith.constant 0 : i32
      %dma_start3A_1004 = tpu.memref_slice %arg15[%dma_start3A_1002, %dma_start3A_1003] : memref<10240x64xf32, #tpu.memory_space<vmem_shared>> -> memref<10240x64xf32, #tpu.memory_space<vmem_shared>>
      tpu.enqueue_indirect_dma source(%dma_start3A_1004 : memref<10240x64xf32, #tpu.memory_space<vmem_shared>>) target(%arg9 : memref<128x64xf32, #tpu.memory_space<vmem>>) offsets(%arg11 : memref<128xi32, #tpu.memory_space<vmem>>) semaphore(%arg17 : memref<!tpu.dma_semaphore, #tpu.memory_space<semaphore_mem>>)
      %dma_wait3A_1005 = arith.constant 0 : i32
      %dma_wait3A_1006 = arith.constant 0 : i32
      %dma_wait3A_1007 = tpu.memref_slice %arg15[%dma_wait3A_1005, %dma_wait3A_1006] : memref<10240x64xf32, #tpu.memory_space<vmem_shared>> -> memref<10240x64xf32, #tpu.memory_space<vmem_shared>>
      tpu.wait_indirect_dma semaphore(%arg16 : memref<!tpu.dma_semaphore, #tpu.memory_space<semaphore_mem>>) src(%dma_wait3A_1007 : memref<10240x64xf32, #tpu.memory_space<vmem_shared>>) dst(%arg8 : memref<128x64xf32, #tpu.memory_space<vmem>>)
      %mul3A_1008 = arith.constant 2 : i32
      %mul3A_1009 = arith.muli %mul3A_1008, %scan3A_688 : i32
      %get3A_1010 = arith.index_cast %mul3A_1009 : i32 to index
      %get3A_1011 = arith.constant 0 : index
      %get3A_1012 = tpu.vector_load %arg7[%get3A_1010, %get3A_1011] {strides = array<i32>} : memref<160x128xi16, #tpu.memory_space<vmem>>, vector<32xi16>,
      %bitcast3A_1013 = vector.bitcast %get3A_1012 : vector<32xi16> to vector<16xi32>
      %and3A_1014 = arith.constant 65535 : i32
      %and3A_1015 = vector.broadcast %and3A_1014 : i32 to vector<16xi32>
      %and3A_1016 = arith.andi %bitcast3A_1013, %and3A_1015 : vector<16xi32>
      %add3A_1017 = arith.constant 0 : i32
      %add3A_1018 = vector.broadcast %add3A_1017 : i32 to vector<16xi32>
      %add3A_1019 = arith.addi %and3A_1016, %add3A_1018 : vector<16xi32>
      %swap3A_1020 = arith.constant 0 : index
      %swap3A_1021 = tpu.vector_load %arg12[%swap3A_1020] {strides = array<i32>} : memref<128xi32, #tpu.memory_space<vmem>>, vector<16xi32>,
      %swap3A_1022 = vector.shape_cast %swap3A_1021 : vector<16xi32> to vector<16xi32>
      %swap3A_1023 = vector.shape_cast %add3A_1019 : vector<16xi32> to vector<16xi32>
      tpu.vector_store %arg12[%swap3A_1020], %swap3A_1023 {strides = array<i32>} : memref<128xi32, #tpu.memory_space<vmem>>, vector<16xi32>,
      %shift_right_arithmetic3A_1024 = arith.constant 16 : i32
      %shift_right_arithmetic3A_1025 = vector.broadcast %shift_right_arithmetic3A_1024 : i32 to vector<16xi32>
      %shift_right_arithmetic3A_1026 = arith.shrsi %bitcast3A_1013, %shift_right_arithmetic3A_1025 : vector<16xi32>
      %add3A_1027 = arith.constant 0 : i32
      %add3A_1028 = vector.broadcast %add3A_1027 : i32 to vector<16xi32>
      %add3A_1029 = arith.addi %shift_right_arithmetic3A_1026, %add3A_1028 : vector<16xi32>
      %swap3A_1030 = arith.constant 16 : index
      %swap3A_1031 = tpu.vector_load %arg12[%swap3A_1030] {strides = array<i32>} : memref<128xi32, #tpu.memory_space<vmem>>, vector<16xi32>,
      %swap3A_1032 = vector.shape_cast %swap3A_1031 : vector<16xi32> to vector<16xi32>
      %swap3A_1033 = vector.shape_cast %add3A_1029 : vector<16xi32> to vector<16xi32>
      tpu.vector_store %arg12[%swap3A_1030], %swap3A_1033 {strides = array<i32>} : memref<128xi32, #tpu.memory_space<vmem>>, vector<16xi32>,
      %get3A_1034 = arith.index_cast %mul3A_1009 : i32 to index
      %get3A_1035 = arith.constant 32 : index
      %get3A_1036 = tpu.vector_load %arg7[%get3A_1034, %get3A_1035] {strides = array<i32>} : memref<160x128xi16, #tpu.memory_space<vmem>>, vector<32xi16>,
      %bitcast3A_1037 = vector.bitcast %get3A_1036 : vector<32xi16> to vector<16xi32>
      %and3A_1038 = arith.constant 65535 : i32
      %and3A_1039 = vector.broadcast %and3A_1038 : i32 to vector<16xi32>
      %and3A_1040 = arith.andi %bitcast3A_1037, %and3A_1039 : vector<16xi32>
      %add3A_1041 = arith.constant 0 : i32
      %add3A_1042 = vector.broadcast %add3A_1041 : i32 to vector<16xi32>
      %add3A_1043 = arith.addi %and3A_1040, %add3A_1042 : vector<16xi32>
      %swap3A_1044 = arith.constant 32 : index
      %swap3A_1045 = tpu.vector_load %arg12[%swap3A_1044] {strides = array<i32>} : memref<128xi32, #tpu.memory_space<vmem>>, vector<16xi32>,
      %swap3A_1046 = vector.shape_cast %swap3A_1045 : vector<16xi32> to vector<16xi32>
      %swap3A_1047 = vector.shape_cast %add3A_1043 : vector<16xi32> to vector<16xi32>
      tpu.vector_store %arg12[%swap3A_1044], %swap3A_1047 {strides = array<i32>} : memref<128xi32, #tpu.memory_space<vmem>>, vector<16xi32>,
      %shift_right_arithmetic3A_1048 = arith.constant 16 : i32
      %shift_right_arithmetic3A_1049 = vector.broadcast %shift_right_arithmetic3A_1048 : i32 to vector<16xi32>
      %shift_right_arithmetic3A_1050 = arith.shrsi %bitcast3A_1037, %shift_right_arithmetic3A_1049 : vector<16xi32>
      %add3A_1051 = arith.constant 0 : i32
      %add3A_1052 = vector.broadcast %add3A_1051 : i32 to vector<16xi32>
      %add3A_1053 = arith.addi %shift_right_arithmetic3A_1050, %add3A_1052 : vector<16xi32>
      %swap3A_1054 = arith.constant 48 : index
      %swap3A_1055 = tpu.vector_load %arg12[%swap3A_1054] {strides = array<i32>} : memref<128xi32, #tpu.memory_space<vmem>>, vector<16xi32>,
      %swap3A_1056 = vector.shape_cast %swap3A_1055 : vector<16xi32> to vector<16xi32>
      %swap3A_1057 = vector.shape_cast %add3A_1053 : vector<16xi32> to vector<16xi32>
      tpu.vector_store %arg12[%swap3A_1054], %swap3A_1057 {strides = array<i32>} : memref<128xi32, #tpu.memory_space<vmem>>, vector<16xi32>,
      %get3A_1058 = arith.index_cast %mul3A_1009 : i32 to index
      %get3A_1059 = arith.constant 64 : index
      %get3A_1060 = tpu.vector_load %arg7[%get3A_1058, %get3A_1059] {strides = array<i32>} : memref<160x128xi16, #tpu.memory_space<vmem>>, vector<32xi16>,
      %bitcast3A_1061 = vector.bitcast %get3A_1060 : vector<32xi16> to vector<16xi32>
      %and3A_1062 = arith.constant 65535 : i32
      %and3A_1063 = vector.broadcast %and3A_1062 : i32 to vector<16xi32>
      %and3A_1064 = arith.andi %bitcast3A_1061, %and3A_1063 : vector<16xi32>
      %add3A_1065 = arith.constant 0 : i32
      %add3A_1066 = vector.broadcast %add3A_1065 : i32 to vector<16xi32>
      %add3A_1067 = arith.addi %and3A_1064, %add3A_1066 : vector<16xi32>
      %swap3A_1068 = arith.constant 64 : index
      %swap3A_1069 = tpu.vector_load %arg12[%swap3A_1068] {strides = array<i32>} : memref<128xi32, #tpu.memory_space<vmem>>, vector<16xi32>,
      %swap3A_1070 = vector.shape_cast %swap3A_1069 : vector<16xi32> to vector<16xi32>
      %swap3A_1071 = vector.shape_cast %add3A_1067 : vector<16xi32> to vector<16xi32>
      tpu.vector_store %arg12[%swap3A_1068], %swap3A_1071 {strides = array<i32>} : memref<128xi32, #tpu.memory_space<vmem>>, vector<16xi32>,
      %shift_right_arithmetic3A_1072 = arith.constant 16 : i32
      %shift_right_arithmetic3A_1073 = vector.broadcast %shift_right_arithmetic3A_1072 : i32 to vector<16xi32>
      %shift_right_arithmetic3A_1074 = arith.shrsi %bitcast3A_1061, %shift_right_arithmetic3A_1073 : vector<16xi32>
      %add3A_1075 = arith.constant 0 : i32
      %add3A_1076 = vector.broadcast %add3A_1075 : i32 to vector<16xi32>
      %add3A_1077 = arith.addi %shift_right_arithmetic3A_1074, %add3A_1076 : vector<16xi32>
      %swap3A_1078 = arith.constant 80 : index
      %swap3A_1079 = tpu.vector_load %arg12[%swap3A_1078] {strides = array<i32>} : memref<128xi32, #tpu.memory_space<vmem>>, vector<16xi32>,
      %swap3A_1080 = vector.shape_cast %swap3A_1079 : vector<16xi32> to vector<16xi32>
      %swap3A_1081 = vector.shape_cast %add3A_1077 : vector<16xi32> to vector<16xi32>
      tpu.vector_store %arg12[%swap3A_1078], %swap3A_1081 {strides = array<i32>} : memref<128xi32, #tpu.memory_space<vmem>>, vector<16xi32>,
      %get3A_1082 = arith.index_cast %mul3A_1009 : i32 to index
      %get3A_1083 = arith.constant 96 : index
      %get3A_1084 = tpu.vector_load %arg7[%get3A_1082, %get3A_1083] {strides = array<i32>} : memref<160x128xi16, #tpu.memory_space<vmem>>, vector<32xi16>,
      %bitcast3A_1085 = vector.bitcast %get3A_1084 : vector<32xi16> to vector<16xi32>
      %and3A_1086 = arith.constant 65535 : i32
      %and3A_1087 = vector.broadcast %and3A_1086 : i32 to vector<16xi32>
      %and3A_1088 = arith.andi %bitcast3A_1085, %and3A_1087 : vector<16xi32>
      %add3A_1089 = arith.constant 0 : i32
      %add3A_1090 = vector.broadcast %add3A_1089 : i32 to vector<16xi32>
      %add3A_1091 = arith.addi %and3A_1088, %add3A_1090 : vector<16xi32>
      %swap3A_1092 = arith.constant 96 : index
      %swap3A_1093 = tpu.vector_load %arg12[%swap3A_1092] {strides = array<i32>} : memref<128xi32, #tpu.memory_space<vmem>>, vector<16xi32>,
      %swap3A_1094 = vector.shape_cast %swap3A_1093 : vector<16xi32> to vector<16xi32>
      %swap3A_1095 = vector.shape_cast %add3A_1091 : vector<16xi32> to vector<16xi32>
      tpu.vector_store %arg12[%swap3A_1092], %swap3A_1095 {strides = array<i32>} : memref<128xi32, #tpu.memory_space<vmem>>, vector<16xi32>,
      %shift_right_arithmetic3A_1096 = arith.constant 16 : i32
      %shift_right_arithmetic3A_1097 = vector.broadcast %shift_right_arithmetic3A_1096 : i32 to vector<16xi32>
      %shift_right_arithmetic3A_1098 = arith.shrsi %bitcast3A_1085, %shift_right_arithmetic3A_1097 : vector<16xi32>
      %add3A_1099 = arith.constant 0 : i32
      %add3A_1100 = vector.broadcast %add3A_1099 : i32 to vector<16xi32>
      %add3A_1101 = arith.addi %shift_right_arithmetic3A_1098, %add3A_1100 : vector<16xi32>
      %swap3A_1102 = arith.constant 112 : index
      %swap3A_1103 = tpu.vector_load %arg12[%swap3A_1102] {strides = array<i32>} : memref<128xi32, #tpu.memory_space<vmem>>, vector<16xi32>,
      %swap3A_1104 = vector.shape_cast %swap3A_1103 : vector<16xi32> to vector<16xi32>
      %swap3A_1105 = vector.shape_cast %add3A_1101 : vector<16xi32> to vector<16xi32>
      tpu.vector_store %arg12[%swap3A_1102], %swap3A_1105 {strides = array<i32>} : memref<128xi32, #tpu.memory_space<vmem>>, vector<16xi32>,
      %dma_start3A_1106 = arith.constant 0 : i32
      %dma_start3A_1107 = arith.constant 0 : i32
      %dma_start3A_1108 = tpu.memref_slice %arg14[%dma_start3A_1106, %dma_start3A_1107] : memref<10240x64xf32, #tpu.memory_space<vmem_shared>> -> memref<10240x64xf32, #tpu.memory_space<vmem_shared>>
      tpu.enqueue_indirect_dma source(%arg8 : memref<128x64xf32, #tpu.memory_space<vmem>>) target(%dma_start3A_1108 : memref<10240x64xf32, #tpu.memory_space<vmem_shared>>) offsets(%arg12 : memref<128xi32, #tpu.memory_space<vmem>>) semaphore(%arg18 : memref<!tpu.dma_semaphore, #tpu.memory_space<semaphore_mem>>) {add = true}
    }
    %scan3A_481 = arith.constant 79 : i32
    %dma_wait3A_482 = arith.constant 0 : i32
    %dma_wait3A_483 = arith.constant 0 : i32
    %dma_wait3A_484 = tpu.memref_slice %arg15[%dma_wait3A_482, %dma_wait3A_483] : memref<10240x64xf32, #tpu.memory_space<vmem_shared>> -> memref<10240x64xf32, #tpu.memory_space<vmem_shared>>
    tpu.wait_indirect_dma semaphore(%arg17 : memref<!tpu.dma_semaphore, #tpu.memory_space<semaphore_mem>>) src(%dma_wait3A_484 : memref<10240x64xf32, #tpu.memory_space<vmem_shared>>) dst(%arg9 : memref<128x64xf32, #tpu.memory_space<vmem>>)
    %get3A_485 = arith.constant 159 : i32
    %get3A_486 = arith.index_cast %get3A_485 : i32 to index
    %get3A_487 = arith.constant 0 : index
    %get3A_488 = tpu.vector_load %arg7[%get3A_486, %get3A_487] {strides = array<i32>} : memref<160x128xi16, #tpu.memory_space<vmem>>, vector<32xi16>,
    %bitcast3A_489 = vector.bitcast %get3A_488 : vector<32xi16> to vector<16xi32>
    %and3A_490 = arith.constant 65535 : i32
    %and3A_491 = vector.broadcast %and3A_490 : i32 to vector<16xi32>
    %and3A_492 = arith.andi %bitcast3A_489, %and3A_491 : vector<16xi32>
    %add3A_493 = arith.constant 0 : i32
    %add3A_494 = vector.broadcast %add3A_493 : i32 to vector<16xi32>
    %add3A_495 = arith.addi %and3A_492, %add3A_494 : vector<16xi32>
    %swap3A_496 = arith.constant 0 : index
    %swap3A_497 = tpu.vector_load %arg13[%swap3A_496] {strides = array<i32>} : memref<128xi32, #tpu.memory_space<vmem>>, vector<16xi32>,
    %swap3A_498 = vector.shape_cast %swap3A_497 : vector<16xi32> to vector<16xi32>
    %swap3A_499 = vector.shape_cast %add3A_495 : vector<16xi32> to vector<16xi32>
    tpu.vector_store %arg13[%swap3A_496], %swap3A_499 {strides = array<i32>} : memref<128xi32, #tpu.memory_space<vmem>>, vector<16xi32>,
    %shift_right_arithmetic3A_500 = arith.constant 16 : i32
    %shift_right_arithmetic3A_501 = vector.broadcast %shift_right_arithmetic3A_500 : i32 to vector<16xi32>
    %shift_right_arithmetic3A_502 = arith.shrsi %bitcast3A_489, %shift_right_arithmetic3A_501 : vector<16xi32>
    %add3A_503 = arith.constant 0 : i32
    %add3A_504 = vector.broadcast %add3A_503 : i32 to vector<16xi32>
    %add3A_505 = arith.addi %shift_right_arithmetic3A_502, %add3A_504 : vector<16xi32>
    %swap3A_506 = arith.constant 16 : index
    %swap3A_507 = tpu.vector_load %arg13[%swap3A_506] {strides = array<i32>} : memref<128xi32, #tpu.memory_space<vmem>>, vector<16xi32>,
    %swap3A_508 = vector.shape_cast %swap3A_507 : vector<16xi32> to vector<16xi32>
    %swap3A_509 = vector.shape_cast %add3A_505 : vector<16xi32> to vector<16xi32>
    tpu.vector_store %arg13[%swap3A_506], %swap3A_509 {strides = array<i32>} : memref<128xi32, #tpu.memory_space<vmem>>, vector<16xi32>,
    %get3A_510 = arith.constant 159 : i32
    %get3A_511 = arith.index_cast %get3A_510 : i32 to index
    %get3A_512 = arith.constant 32 : index
    %get3A_513 = tpu.vector_load %arg7[%get3A_511, %get3A_512] {strides = array<i32>} : memref<160x128xi16, #tpu.memory_space<vmem>>, vector<32xi16>,
    %bitcast3A_514 = vector.bitcast %get3A_513 : vector<32xi16> to vector<16xi32>
    %and3A_515 = arith.constant 65535 : i32
    %and3A_516 = vector.broadcast %and3A_515 : i32 to vector<16xi32>
    %and3A_517 = arith.andi %bitcast3A_514, %and3A_516 : vector<16xi32>
    %add3A_518 = arith.constant 0 : i32
    %add3A_519 = vector.broadcast %add3A_518 : i32 to vector<16xi32>
    %add3A_520 = arith.addi %and3A_517, %add3A_519 : vector<16xi32>
    %swap3A_521 = arith.constant 32 : index
    %swap3A_522 = tpu.vector_load %arg13[%swap3A_521] {strides = array<i32>} : memref<128xi32, #tpu.memory_space<vmem>>, vector<16xi32>,
    %swap3A_523 = vector.shape_cast %swap3A_522 : vector<16xi32> to vector<16xi32>
    %swap3A_524 = vector.shape_cast %add3A_520 : vector<16xi32> to vector<16xi32>
    tpu.vector_store %arg13[%swap3A_521], %swap3A_524 {strides = array<i32>} : memref<128xi32, #tpu.memory_space<vmem>>, vector<16xi32>,
    %shift_right_arithmetic3A_525 = arith.constant 16 : i32
    %shift_right_arithmetic3A_526 = vector.broadcast %shift_right_arithmetic3A_525 : i32 to vector<16xi32>
    %shift_right_arithmetic3A_527 = arith.shrsi %bitcast3A_514, %shift_right_arithmetic3A_526 : vector<16xi32>
    %add3A_528 = arith.constant 0 : i32
    %add3A_529 = vector.broadcast %add3A_528 : i32 to vector<16xi32>
    %add3A_530 = arith.addi %shift_right_arithmetic3A_527, %add3A_529 : vector<16xi32>
    %swap3A_531 = arith.constant 48 : index
    %swap3A_532 = tpu.vector_load %arg13[%swap3A_531] {strides = array<i32>} : memref<128xi32, #tpu.memory_space<vmem>>, vector<16xi32>,
    %swap3A_533 = vector.shape_cast %swap3A_532 : vector<16xi32> to vector<16xi32>
    %swap3A_534 = vector.shape_cast %add3A_530 : vector<16xi32> to vector<16xi32>
    tpu.vector_store %arg13[%swap3A_531], %swap3A_534 {strides = array<i32>} : memref<128xi32, #tpu.memory_space<vmem>>, vector<16xi32>,
    %get3A_535 = arith.constant 159 : i32
    %get3A_536 = arith.index_cast %get3A_535 : i32 to index
    %get3A_537 = arith.constant 64 : index
    %get3A_538 = tpu.vector_load %arg7[%get3A_536, %get3A_537] {strides = array<i32>} : memref<160x128xi16, #tpu.memory_space<vmem>>, vector<32xi16>,
    %bitcast3A_539 = vector.bitcast %get3A_538 : vector<32xi16> to vector<16xi32>
    %and3A_540 = arith.constant 65535 : i32
    %and3A_541 = vector.broadcast %and3A_540 : i32 to vector<16xi32>
    %and3A_542 = arith.andi %bitcast3A_539, %and3A_541 : vector<16xi32>
    %add3A_543 = arith.constant 0 : i32
    %add3A_544 = vector.broadcast %add3A_543 : i32 to vector<16xi32>
    %add3A_545 = arith.addi %and3A_542, %add3A_544 : vector<16xi32>
    %swap3A_546 = arith.constant 64 : index
    %swap3A_547 = tpu.vector_load %arg13[%swap3A_546] {strides = array<i32>} : memref<128xi32, #tpu.memory_space<vmem>>, vector<16xi32>,
    %swap3A_548 = vector.shape_cast %swap3A_547 : vector<16xi32> to vector<16xi32>
    %swap3A_549 = vector.shape_cast %add3A_545 : vector<16xi32> to vector<16xi32>
    tpu.vector_store %arg13[%swap3A_546], %swap3A_549 {strides = array<i32>} : memref<128xi32, #tpu.memory_space<vmem>>, vector<16xi32>,
    %shift_right_arithmetic3A_550 = arith.constant 16 : i32
    %shift_right_arithmetic3A_551 = vector.broadcast %shift_right_arithmetic3A_550 : i32 to vector<16xi32>
    %shift_right_arithmetic3A_552 = arith.shrsi %bitcast3A_539, %shift_right_arithmetic3A_551 : vector<16xi32>
    %add3A_553 = arith.constant 0 : i32
    %add3A_554 = vector.broadcast %add3A_553 : i32 to vector<16xi32>
    %add3A_555 = arith.addi %shift_right_arithmetic3A_552, %add3A_554 : vector<16xi32>
    %swap3A_556 = arith.constant 80 : index
    %swap3A_557 = tpu.vector_load %arg13[%swap3A_556] {strides = array<i32>} : memref<128xi32, #tpu.memory_space<vmem>>, vector<16xi32>,
    %swap3A_558 = vector.shape_cast %swap3A_557 : vector<16xi32> to vector<16xi32>
    %swap3A_559 = vector.shape_cast %add3A_555 : vector<16xi32> to vector<16xi32>
    tpu.vector_store %arg13[%swap3A_556], %swap3A_559 {strides = array<i32>} : memref<128xi32, #tpu.memory_space<vmem>>, vector<16xi32>,
    %get3A_560 = arith.constant 159 : i32
    %get3A_561 = arith.index_cast %get3A_560 : i32 to index
    %get3A_562 = arith.constant 96 : index
    %get3A_563 = tpu.vector_load %arg7[%get3A_561, %get3A_562] {strides = array<i32>} : memref<160x128xi16, #tpu.memory_space<vmem>>, vector<32xi16>,
    %bitcast3A_564 = vector.bitcast %get3A_563 : vector<32xi16> to vector<16xi32>
    %and3A_565 = arith.constant 65535 : i32
    %and3A_566 = vector.broadcast %and3A_565 : i32 to vector<16xi32>
    %and3A_567 = arith.andi %bitcast3A_564, %and3A_566 : vector<16xi32>
    %add3A_568 = arith.constant 0 : i32
    %add3A_569 = vector.broadcast %add3A_568 : i32 to vector<16xi32>
    %add3A_570 = arith.addi %and3A_567, %add3A_569 : vector<16xi32>
    %swap3A_571 = arith.constant 96 : index
    %swap3A_572 = tpu.vector_load %arg13[%swap3A_571] {strides = array<i32>} : memref<128xi32, #tpu.memory_space<vmem>>, vector<16xi32>,
    %swap3A_573 = vector.shape_cast %swap3A_572 : vector<16xi32> to vector<16xi32>
    %swap3A_574 = vector.shape_cast %add3A_570 : vector<16xi32> to vector<16xi32>
    tpu.vector_store %arg13[%swap3A_571], %swap3A_574 {strides = array<i32>} : memref<128xi32, #tpu.memory_space<vmem>>, vector<16xi32>,
    %shift_right_arithmetic3A_575 = arith.constant 16 : i32
    %shift_right_arithmetic3A_576 = vector.broadcast %shift_right_arithmetic3A_575 : i32 to vector<16xi32>
    %shift_right_arithmetic3A_577 = arith.shrsi %bitcast3A_564, %shift_right_arithmetic3A_576 : vector<16xi32>
    %add3A_578 = arith.constant 0 : i32
    %add3A_579 = vector.broadcast %add3A_578 : i32 to vector<16xi32>
    %add3A_580 = arith.addi %shift_right_arithmetic3A_577, %add3A_579 : vector<16xi32>
    %swap3A_581 = arith.constant 112 : index
    %swap3A_582 = tpu.vector_load %arg13[%swap3A_581] {strides = array<i32>} : memref<128xi32, #tpu.memory_space<vmem>>, vector<16xi32>,
    %swap3A_583 = vector.shape_cast %swap3A_582 : vector<16xi32> to vector<16xi32>
    %swap3A_584 = vector.shape_cast %add3A_580 : vector<16xi32> to vector<16xi32>
    tpu.vector_store %arg13[%swap3A_581], %swap3A_584 {strides = array<i32>} : memref<128xi32, #tpu.memory_space<vmem>>, vector<16xi32>,
    %dma_start3A_585 = arith.constant 0 : i32
    %dma_start3A_586 = arith.constant 0 : i32
    %dma_start3A_587 = tpu.memref_slice %arg14[%dma_start3A_585, %dma_start3A_586] : memref<10240x64xf32, #tpu.memory_space<vmem_shared>> -> memref<10240x64xf32, #tpu.memory_space<vmem_shared>>
    tpu.enqueue_indirect_dma source(%arg9 : memref<128x64xf32, #tpu.memory_space<vmem>>) target(%dma_start3A_587 : memref<10240x64xf32, #tpu.memory_space<vmem_shared>>) offsets(%arg13 : memref<128xi32, #tpu.memory_space<vmem>>) semaphore(%arg19 : memref<!tpu.dma_semaphore, #tpu.memory_space<semaphore_mem>>) {add = true}
    %dma_wait3A_588 = arith.constant 0 : i32
    %dma_wait3A_589 = arith.constant 0 : i32
    %dma_wait3A_590 = tpu.memref_slice %arg14[%dma_wait3A_588, %dma_wait3A_589] : memref<10240x64xf32, #tpu.memory_space<vmem_shared>> -> memref<10240x64xf32, #tpu.memory_space<vmem_shared>>
    tpu.wait_indirect_dma semaphore(%arg18 : memref<!tpu.dma_semaphore, #tpu.memory_space<semaphore_mem>>) src(%arg8 : memref<128x64xf32, #tpu.memory_space<vmem>>) dst(%dma_wait3A_590 : memref<10240x64xf32, #tpu.memory_space<vmem_shared>>)
    %dma_wait3A_591 = arith.constant 0 : i32
    %dma_wait3A_592 = arith.constant 0 : i32
    %dma_wait3A_593 = tpu.memref_slice %arg14[%dma_wait3A_591, %dma_wait3A_592] : memref<10240x64xf32, #tpu.memory_space<vmem_shared>> -> memref<10240x64xf32, #tpu.memory_space<vmem_shared>>
    tpu.wait_indirect_dma semaphore(%arg19 : memref<!tpu.dma_semaphore, #tpu.memory_space<semaphore_mem>>) src(%arg9 : memref<128x64xf32, #tpu.memory_space<vmem>>) dst(%dma_wait3A_593 : memref<10240x64xf32, #tpu.memory_space<vmem_shared>>)
    %barrier3A_594 = arith.constant 0 : index
    tpu.barrier barrier_id(%barrier3A_594)
    %mul3A_595 = arith.constant 640 : i32
    %mul3A_596 = arith.muli %arg1, %mul3A_595 : i32
    %add3A_597 = arith.constant 0 : i32
    %add3A_598 = arith.addi %mul3A_596, %add3A_597 : i32
    "tpu.region"() ({
      %run_scoped3A = tpu.sem_alloc : memref<!tpu.dma_semaphore, #tpu.memory_space<semaphore_mem>>
      %dma_start3A_688 = arith.constant 0 : i32
      %dma_start3A_689 = tpu.memref_slice %arg14[%add3A_598, %dma_start3A_688] : memref<10240x64xf32, #tpu.memory_space<vmem_shared>> -> memref<128x64xf32, #tpu.memory_space<vmem_shared>>
      %dma_start3A_690 = arith.constant 0 : i32
      %dma_start3A_691 = tpu.memref_slice %arg14[%add3A_598, %dma_start3A_690] : memref<10240x64xf32, #tpu.memory_space<vmem_shared>> -> memref<128x64xf32, #tpu.memory_space<vmem_shared>>
      tpu.enqueue_dma source(%dma_start3A_691 : memref<128x64xf32, #tpu.memory_space<vmem_shared>>) target(%arg8 : memref<128x64xf32, #tpu.memory_space<vmem>>) target_semaphore(%run_scoped3A : memref<!tpu.dma_semaphore, #tpu.memory_space<semaphore_mem>>)
      %dma_wait3A_692 = arith.constant 0 : i32
      %dma_wait3A_693 = tpu.memref_slice %arg14[%add3A_598, %dma_wait3A_692] : memref<10240x64xf32, #tpu.memory_space<vmem_shared>> -> memref<128x64xf32, #tpu.memory_space<vmem_shared>>
      %dma_wait3A_694 = arith.constant 0 : i32
      %dma_wait3A_695 = tpu.memref_slice %arg14[%add3A_598, %dma_wait3A_694] : memref<10240x64xf32, #tpu.memory_space<vmem_shared>> -> memref<128x64xf32, #tpu.memory_space<vmem_shared>>
      tpu.wait_dma2 semaphore(%run_scoped3A : memref<!tpu.dma_semaphore, #tpu.memory_space<semaphore_mem>>) src(%dma_wait3A_695 : memref<128x64xf32, #tpu.memory_space<vmem_shared>>) dst(%arg8 : memref<128x64xf32, #tpu.memory_space<vmem>>)
      tpu.yield
    }) : () -> ()
    %dma_start3A_599 = arith.constant 0 : i32
    %dma_start3A_600 = tpu.memref_slice %arg5[%arg0, %add3A_598, %dma_start3A_599] : memref<2x10240x64xf32, #tpu.memory_space<hbm>> -> memref<1x128x64xf32, #tpu.memory_space<hbm>>
    %dma_start3A_601 = tpu.memref_squeeze %dma_start3A_600 : memref<1x128x64xf32, #tpu.memory_space<hbm>> -> memref<128x64xf32, #tpu.memory_space<hbm>>
    %dma_start3A_602 = arith.constant 0 : i32
    %dma_start3A_603 = tpu.memref_slice %arg5[%arg0, %add3A_598, %dma_start3A_602] : memref<2x10240x64xf32, #tpu.memory_space<hbm>> -> memref<1x128x64xf32, #tpu.memory_space<hbm>>
    %dma_start3A_604 = tpu.memref_squeeze %dma_start3A_603 : memref<1x128x64xf32, #tpu.memory_space<hbm>> -> memref<128x64xf32, #tpu.memory_space<hbm>>
    tpu.enqueue_dma source(%arg8 : memref<128x64xf32, #tpu.memory_space<vmem>>) target(%dma_start3A_604 : memref<128x64xf32, #tpu.memory_space<hbm>>) target_semaphore(%arg16 : memref<!tpu.dma_semaphore, #tpu.memory_space<semaphore_mem>>)
    %mul3A_605 = arith.constant 640 : i32
    %mul3A_606 = arith.muli %arg1, %mul3A_605 : i32
    %add3A_607 = arith.constant 128 : i32
    %add3A_608 = arith.addi %mul3A_606, %add3A_607 : i32
    "tpu.region"() ({
      %run_scoped3A = tpu.sem_alloc : memref<!tpu.dma_semaphore, #tpu.memory_space<semaphore_mem>>
      %dma_start3A_688 = arith.constant 0 : i32
      %dma_start3A_689 = tpu.memref_slice %arg14[%add3A_608, %dma_start3A_688] : memref<10240x64xf32, #tpu.memory_space<vmem_shared>> -> memref<128x64xf32, #tpu.memory_space<vmem_shared>>
      %dma_start3A_690 = arith.constant 0 : i32
      %dma_start3A_691 = tpu.memref_slice %arg14[%add3A_608, %dma_start3A_690] : memref<10240x64xf32, #tpu.memory_space<vmem_shared>> -> memref<128x64xf32, #tpu.memory_space<vmem_shared>>
      tpu.enqueue_dma source(%dma_start3A_691 : memref<128x64xf32, #tpu.memory_space<vmem_shared>>) target(%arg9 : memref<128x64xf32, #tpu.memory_space<vmem>>) target_semaphore(%run_scoped3A : memref<!tpu.dma_semaphore, #tpu.memory_space<semaphore_mem>>)
      %dma_wait3A_692 = arith.constant 0 : i32
      %dma_wait3A_693 = tpu.memref_slice %arg14[%add3A_608, %dma_wait3A_692] : memref<10240x64xf32, #tpu.memory_space<vmem_shared>> -> memref<128x64xf32, #tpu.memory_space<vmem_shared>>
      %dma_wait3A_694 = arith.constant 0 : i32
      %dma_wait3A_695 = tpu.memref_slice %arg14[%add3A_608, %dma_wait3A_694] : memref<10240x64xf32, #tpu.memory_space<vmem_shared>> -> memref<128x64xf32, #tpu.memory_space<vmem_shared>>
      tpu.wait_dma2 semaphore(%run_scoped3A : memref<!tpu.dma_semaphore, #tpu.memory_space<semaphore_mem>>) src(%dma_wait3A_695 : memref<128x64xf32, #tpu.memory_space<vmem_shared>>) dst(%arg9 : memref<128x64xf32, #tpu.memory_space<vmem>>)
      tpu.yield
    }) : () -> ()
    %dma_start3A_609 = arith.constant 0 : i32
    %dma_start3A_610 = tpu.memref_slice %arg5[%arg0, %add3A_608, %dma_start3A_609] : memref<2x10240x64xf32, #tpu.memory_space<hbm>> -> memref<1x128x64xf32, #tpu.memory_space<hbm>>
    %dma_start3A_611 = tpu.memref_squeeze %dma_start3A_610 : memref<1x128x64xf32, #tpu.memory_space<hbm>> -> memref<128x64xf32, #tpu.memory_space<hbm>>
    %dma_start3A_612 = arith.constant 0 : i32
    %dma_start3A_613 = tpu.memref_slice %arg5[%arg0, %add3A_608, %dma_start3A_612] : memref<2x10240x64xf32, #tpu.memory_space<hbm>> -> memref<1x128x64xf32, #tpu.memory_space<hbm>>
    %dma_start3A_614 = tpu.memref_squeeze %dma_start3A_613 : memref<1x128x64xf32, #tpu.memory_space<hbm>> -> memref<128x64xf32, #tpu.memory_space<hbm>>
    tpu.enqueue_dma source(%arg9 : memref<128x64xf32, #tpu.memory_space<vmem>>) target(%dma_start3A_614 : memref<128x64xf32, #tpu.memory_space<hbm>>) target_semaphore(%arg17 : memref<!tpu.dma_semaphore, #tpu.memory_space<semaphore_mem>>)
    %mul3A_615 = arith.constant 640 : i32
    %mul3A_616 = arith.muli %arg1, %mul3A_615 : i32
    %add3A_617 = arith.constant 256 : i32
    %add3A_618 = arith.addi %mul3A_616, %add3A_617 : i32
    %sub3A = arith.constant 256 : i32
    %sub3A_619 = arith.subi %add3A_618, %sub3A : i32
    %dma_wait3A_620 = arith.constant 0 : i32
    %dma_wait3A_621 = tpu.memref_slice %arg5[%arg0, %sub3A_619, %dma_wait3A_620] : memref<2x10240x64xf32, #tpu.memory_space<hbm>> -> memref<1x128x64xf32, #tpu.memory_space<hbm>>
    %dma_wait3A_622 = tpu.memref_squeeze %dma_wait3A_621 : memref<1x128x64xf32, #tpu.memory_space<hbm>> -> memref<128x64xf32, #tpu.memory_space<hbm>>
    %dma_wait3A_623 = arith.constant 0 : i32
    %dma_wait3A_624 = tpu.memref_slice %arg5[%arg0, %sub3A_619, %dma_wait3A_623] : memref<2x10240x64xf32, #tpu.memory_space<hbm>> -> memref<1x128x64xf32, #tpu.memory_space<hbm>>
    %dma_wait3A_625 = tpu.memref_squeeze %dma_wait3A_624 : memref<1x128x64xf32, #tpu.memory_space<hbm>> -> memref<128x64xf32, #tpu.memory_space<hbm>>
    tpu.wait_dma2 semaphore(%arg16 : memref<!tpu.dma_semaphore, #tpu.memory_space<semaphore_mem>>) src(%arg8 : memref<128x64xf32, #tpu.memory_space<vmem>>) dst(%dma_wait3A_625 : memref<128x64xf32, #tpu.memory_space<hbm>>)
    "tpu.region"() ({
      %run_scoped3A = tpu.sem_alloc : memref<!tpu.dma_semaphore, #tpu.memory_space<semaphore_mem>>
      %dma_start3A_688 = arith.constant 0 : i32
      %dma_start3A_689 = tpu.memref_slice %arg14[%add3A_618, %dma_start3A_688] : memref<10240x64xf32, #tpu.memory_space<vmem_shared>> -> memref<128x64xf32, #tpu.memory_space<vmem_shared>>
      %dma_start3A_690 = arith.constant 0 : i32
      %dma_start3A_691 = tpu.memref_slice %arg14[%add3A_618, %dma_start3A_690] : memref<10240x64xf32, #tpu.memory_space<vmem_shared>> -> memref<128x64xf32, #tpu.memory_space<vmem_shared>>
      tpu.enqueue_dma source(%dma_start3A_691 : memref<128x64xf32, #tpu.memory_space<vmem_shared>>) target(%arg8 : memref<128x64xf32, #tpu.memory_space<vmem>>) target_semaphore(%run_scoped3A : memref<!tpu.dma_semaphore, #tpu.memory_space<semaphore_mem>>)
      %dma_wait3A_692 = arith.constant 0 : i32
      %dma_wait3A_693 = tpu.memref_slice %arg14[%add3A_618, %dma_wait3A_692] : memref<10240x64xf32, #tpu.memory_space<vmem_shared>> -> memref<128x64xf32, #tpu.memory_space<vmem_shared>>
      %dma_wait3A_694 = arith.constant 0 : i32
      %dma_wait3A_695 = tpu.memref_slice %arg14[%add3A_618, %dma_wait3A_694] : memref<10240x64xf32, #tpu.memory_space<vmem_shared>> -> memref<128x64xf32, #tpu.memory_space<vmem_shared>>
      tpu.wait_dma2 semaphore(%run_scoped3A : memref<!tpu.dma_semaphore, #tpu.memory_space<semaphore_mem>>) src(%dma_wait3A_695 : memref<128x64xf32, #tpu.memory_space<vmem_shared>>) dst(%arg8 : memref<128x64xf32, #tpu.memory_space<vmem>>)
      tpu.yield
    }) : () -> ()
    %dma_start3A_626 = arith.constant 0 : i32
    %dma_start3A_627 = tpu.memref_slice %arg5[%arg0, %add3A_618, %dma_start3A_626] : memref<2x10240x64xf32, #tpu.memory_space<hbm>> -> memref<1x128x64xf32, #tpu.memory_space<hbm>>
    %dma_start3A_628 = tpu.memref_squeeze %dma_start3A_627 : memref<1x128x64xf32, #tpu.memory_space<hbm>> -> memref<128x64xf32, #tpu.memory_space<hbm>>
    %dma_start3A_629 = arith.constant 0 : i32
    %dma_start3A_630 = tpu.memref_slice %arg5[%arg0, %add3A_618, %dma_start3A_629] : memref<2x10240x64xf32, #tpu.memory_space<hbm>> -> memref<1x128x64xf32, #tpu.memory_space<hbm>>
    %dma_start3A_631 = tpu.memref_squeeze %dma_start3A_630 : memref<1x128x64xf32, #tpu.memory_space<hbm>> -> memref<128x64xf32, #tpu.memory_space<hbm>>
    tpu.enqueue_dma source(%arg8 : memref<128x64xf32, #tpu.memory_space<vmem>>) target(%dma_start3A_631 : memref<128x64xf32, #tpu.memory_space<hbm>>) target_semaphore(%arg16 : memref<!tpu.dma_semaphore, #tpu.memory_space<semaphore_mem>>)
    %mul3A_632 = arith.constant 640 : i32
    %mul3A_633 = arith.muli %arg1, %mul3A_632 : i32
    %add3A_634 = arith.constant 384 : i32
    %add3A_635 = arith.addi %mul3A_633, %add3A_634 : i32
    %sub3A_636 = arith.constant 256 : i32
    %sub3A_637 = arith.subi %add3A_635, %sub3A_636 : i32
    %dma_wait3A_638 = arith.constant 0 : i32
    %dma_wait3A_639 = tpu.memref_slice %arg5[%arg0, %sub3A_637, %dma_wait3A_638] : memref<2x10240x64xf32, #tpu.memory_space<hbm>> -> memref<1x128x64xf32, #tpu.memory_space<hbm>>
    %dma_wait3A_640 = tpu.memref_squeeze %dma_wait3A_639 : memref<1x128x64xf32, #tpu.memory_space<hbm>> -> memref<128x64xf32, #tpu.memory_space<hbm>>
    %dma_wait3A_641 = arith.constant 0 : i32
    %dma_wait3A_642 = tpu.memref_slice %arg5[%arg0, %sub3A_637, %dma_wait3A_641] : memref<2x10240x64xf32, #tpu.memory_space<hbm>> -> memref<1x128x64xf32, #tpu.memory_space<hbm>>
    %dma_wait3A_643 = tpu.memref_squeeze %dma_wait3A_642 : memref<1x128x64xf32, #tpu.memory_space<hbm>> -> memref<128x64xf32, #tpu.memory_space<hbm>>
    tpu.wait_dma2 semaphore(%arg17 : memref<!tpu.dma_semaphore, #tpu.memory_space<semaphore_mem>>) src(%arg9 : memref<128x64xf32, #tpu.memory_space<vmem>>) dst(%dma_wait3A_643 : memref<128x64xf32, #tpu.memory_space<hbm>>)
    "tpu.region"() ({
      %run_scoped3A = tpu.sem_alloc : memref<!tpu.dma_semaphore, #tpu.memory_space<semaphore_mem>>
      %dma_start3A_688 = arith.constant 0 : i32
      %dma_start3A_689 = tpu.memref_slice %arg14[%add3A_635, %dma_start3A_688] : memref<10240x64xf32, #tpu.memory_space<vmem_shared>> -> memref<128x64xf32, #tpu.memory_space<vmem_shared>>
      %dma_start3A_690 = arith.constant 0 : i32
      %dma_start3A_691 = tpu.memref_slice %arg14[%add3A_635, %dma_start3A_690] : memref<10240x64xf32, #tpu.memory_space<vmem_shared>> -> memref<128x64xf32, #tpu.memory_space<vmem_shared>>
      tpu.enqueue_dma source(%dma_start3A_691 : memref<128x64xf32, #tpu.memory_space<vmem_shared>>) target(%arg9 : memref<128x64xf32, #tpu.memory_space<vmem>>) target_semaphore(%run_scoped3A : memref<!tpu.dma_semaphore, #tpu.memory_space<semaphore_mem>>)
      %dma_wait3A_692 = arith.constant 0 : i32
      %dma_wait3A_693 = tpu.memref_slice %arg14[%add3A_635, %dma_wait3A_692] : memref<10240x64xf32, #tpu.memory_space<vmem_shared>> -> memref<128x64xf32, #tpu.memory_space<vmem_shared>>
      %dma_wait3A_694 = arith.constant 0 : i32
      %dma_wait3A_695 = tpu.memref_slice %arg14[%add3A_635, %dma_wait3A_694] : memref<10240x64xf32, #tpu.memory_space<vmem_shared>> -> memref<128x64xf32, #tpu.memory_space<vmem_shared>>
      tpu.wait_dma2 semaphore(%run_scoped3A : memref<!tpu.dma_semaphore, #tpu.memory_space<semaphore_mem>>) src(%dma_wait3A_695 : memref<128x64xf32, #tpu.memory_space<vmem_shared>>) dst(%arg9 : memref<128x64xf32, #tpu.memory_space<vmem>>)
      tpu.yield
    }) : () -> ()
    %dma_start3A_644 = arith.constant 0 : i32
    %dma_start3A_645 = tpu.memref_slice %arg5[%arg0, %add3A_635, %dma_start3A_644] : memref<2x10240x64xf32, #tpu.memory_space<hbm>> -> memref<1x128x64xf32, #tpu.memory_space<hbm>>
    %dma_start3A_646 = tpu.memref_squeeze %dma_start3A_645 : memref<1x128x64xf32, #tpu.memory_space<hbm>> -> memref<128x64xf32, #tpu.memory_space<hbm>>
    %dma_start3A_647 = arith.constant 0 : i32
    %dma_start3A_648 = tpu.memref_slice %arg5[%arg0, %add3A_635, %dma_start3A_647] : memref<2x10240x64xf32, #tpu.memory_space<hbm>> -> memref<1x128x64xf32, #tpu.memory_space<hbm>>
    %dma_start3A_649 = tpu.memref_squeeze %dma_start3A_648 : memref<1x128x64xf32, #tpu.memory_space<hbm>> -> memref<128x64xf32, #tpu.memory_space<hbm>>
    tpu.enqueue_dma source(%arg9 : memref<128x64xf32, #tpu.memory_space<vmem>>) target(%dma_start3A_649 : memref<128x64xf32, #tpu.memory_space<hbm>>) target_semaphore(%arg17 : memref<!tpu.dma_semaphore, #tpu.memory_space<semaphore_mem>>)
    %mul3A_650 = arith.constant 640 : i32
    %mul3A_651 = arith.muli %arg1, %mul3A_650 : i32
    %add3A_652 = arith.constant 512 : i32
    %add3A_653 = arith.addi %mul3A_651, %add3A_652 : i32
    %sub3A_654 = arith.constant 256 : i32
    %sub3A_655 = arith.subi %add3A_653, %sub3A_654 : i32
    %dma_wait3A_656 = arith.constant 0 : i32
    %dma_wait3A_657 = tpu.memref_slice %arg5[%arg0, %sub3A_655, %dma_wait3A_656] : memref<2x10240x64xf32, #tpu.memory_space<hbm>> -> memref<1x128x64xf32, #tpu.memory_space<hbm>>
    %dma_wait3A_658 = tpu.memref_squeeze %dma_wait3A_657 : memref<1x128x64xf32, #tpu.memory_space<hbm>> -> memref<128x64xf32, #tpu.memory_space<hbm>>
    %dma_wait3A_659 = arith.constant 0 : i32
    %dma_wait3A_660 = tpu.memref_slice %arg5[%arg0, %sub3A_655, %dma_wait3A_659] : memref<2x10240x64xf32, #tpu.memory_space<hbm>> -> memref<1x128x64xf32, #tpu.memory_space<hbm>>
    %dma_wait3A_661 = tpu.memref_squeeze %dma_wait3A_660 : memref<1x128x64xf32, #tpu.memory_space<hbm>> -> memref<128x64xf32, #tpu.memory_space<hbm>>
    tpu.wait_dma2 semaphore(%arg16 : memref<!tpu.dma_semaphore, #tpu.memory_space<semaphore_mem>>) src(%arg8 : memref<128x64xf32, #tpu.memory_space<vmem>>) dst(%dma_wait3A_661 : memref<128x64xf32, #tpu.memory_space<hbm>>)
    "tpu.region"() ({
      %run_scoped3A = tpu.sem_alloc : memref<!tpu.dma_semaphore, #tpu.memory_space<semaphore_mem>>
      %dma_start3A_688 = arith.constant 0 : i32
      %dma_start3A_689 = tpu.memref_slice %arg14[%add3A_653, %dma_start3A_688] : memref<10240x64xf32, #tpu.memory_space<vmem_shared>> -> memref<128x64xf32, #tpu.memory_space<vmem_shared>>
      %dma_start3A_690 = arith.constant 0 : i32
      %dma_start3A_691 = tpu.memref_slice %arg14[%add3A_653, %dma_start3A_690] : memref<10240x64xf32, #tpu.memory_space<vmem_shared>> -> memref<128x64xf32, #tpu.memory_space<vmem_shared>>
      tpu.enqueue_dma source(%dma_start3A_691 : memref<128x64xf32, #tpu.memory_space<vmem_shared>>) target(%arg8 : memref<128x64xf32, #tpu.memory_space<vmem>>) target_semaphore(%run_scoped3A : memref<!tpu.dma_semaphore, #tpu.memory_space<semaphore_mem>>)
      %dma_wait3A_692 = arith.constant 0 : i32
      %dma_wait3A_693 = tpu.memref_slice %arg14[%add3A_653, %dma_wait3A_692] : memref<10240x64xf32, #tpu.memory_space<vmem_shared>> -> memref<128x64xf32, #tpu.memory_space<vmem_shared>>
      %dma_wait3A_694 = arith.constant 0 : i32
      %dma_wait3A_695 = tpu.memref_slice %arg14[%add3A_653, %dma_wait3A_694] : memref<10240x64xf32, #tpu.memory_space<vmem_shared>> -> memref<128x64xf32, #tpu.memory_space<vmem_shared>>
      tpu.wait_dma2 semaphore(%run_scoped3A : memref<!tpu.dma_semaphore, #tpu.memory_space<semaphore_mem>>) src(%dma_wait3A_695 : memref<128x64xf32, #tpu.memory_space<vmem_shared>>) dst(%arg8 : memref<128x64xf32, #tpu.memory_space<vmem>>)
      tpu.yield
    }) : () -> ()
    %dma_start3A_662 = arith.constant 0 : i32
    %dma_start3A_663 = tpu.memref_slice %arg5[%arg0, %add3A_653, %dma_start3A_662] : memref<2x10240x64xf32, #tpu.memory_space<hbm>> -> memref<1x128x64xf32, #tpu.memory_space<hbm>>
    %dma_start3A_664 = tpu.memref_squeeze %dma_start3A_663 : memref<1x128x64xf32, #tpu.memory_space<hbm>> -> memref<128x64xf32, #tpu.memory_space<hbm>>
    %dma_start3A_665 = arith.constant 0 : i32
    %dma_start3A_666 = tpu.memref_slice %arg5[%arg0, %add3A_653, %dma_start3A_665] : memref<2x10240x64xf32, #tpu.memory_space<hbm>> -> memref<1x128x64xf32, #tpu.memory_space<hbm>>
    %dma_start3A_667 = tpu.memref_squeeze %dma_start3A_666 : memref<1x128x64xf32, #tpu.memory_space<hbm>> -> memref<128x64xf32, #tpu.memory_space<hbm>>
    tpu.enqueue_dma source(%arg8 : memref<128x64xf32, #tpu.memory_space<vmem>>) target(%dma_start3A_667 : memref<128x64xf32, #tpu.memory_space<hbm>>) target_semaphore(%arg16 : memref<!tpu.dma_semaphore, #tpu.memory_space<semaphore_mem>>)
    %mul3A_668 = arith.constant 640 : i32
    %mul3A_669 = arith.muli %arg1, %mul3A_668 : i32
    %add3A_670 = arith.constant 384 : i32
    %add3A_671 = arith.addi %mul3A_669, %add3A_670 : i32
    %dma_wait3A_672 = arith.constant 0 : i32
    %dma_wait3A_673 = tpu.memref_slice %arg5[%arg0, %add3A_671, %dma_wait3A_672] : memref<2x10240x64xf32, #tpu.memory_space<hbm>> -> memref<1x128x64xf32, #tpu.memory_space<hbm>>
    %dma_wait3A_674 = tpu.memref_squeeze %dma_wait3A_673 : memref<1x128x64xf32, #tpu.memory_space<hbm>> -> memref<128x64xf32, #tpu.memory_space<hbm>>
    %dma_wait3A_675 = arith.constant 0 : i32
    %dma_wait3A_676 = tpu.memref_slice %arg5[%arg0, %add3A_671, %dma_wait3A_675] : memref<2x10240x64xf32, #tpu.memory_space<hbm>> -> memref<1x128x64xf32, #tpu.memory_space<hbm>>
    %dma_wait3A_677 = tpu.memref_squeeze %dma_wait3A_676 : memref<1x128x64xf32, #tpu.memory_space<hbm>> -> memref<128x64xf32, #tpu.memory_space<hbm>>
    tpu.wait_dma2 semaphore(%arg17 : memref<!tpu.dma_semaphore, #tpu.memory_space<semaphore_mem>>) src(%arg9 : memref<128x64xf32, #tpu.memory_space<vmem>>) dst(%dma_wait3A_677 : memref<128x64xf32, #tpu.memory_space<hbm>>)
    %mul3A_678 = arith.constant 640 : i32
    %mul3A_679 = arith.muli %arg1, %mul3A_678 : i32
    %add3A_680 = arith.constant 512 : i32
    %add3A_681 = arith.addi %mul3A_679, %add3A_680 : i32
    %dma_wait3A_682 = arith.constant 0 : i32
    %dma_wait3A_683 = tpu.memref_slice %arg5[%arg0, %add3A_681, %dma_wait3A_682] : memref<2x10240x64xf32, #tpu.memory_space<hbm>> -> memref<1x128x64xf32, #tpu.memory_space<hbm>>
    %dma_wait3A_684 = tpu.memref_squeeze %dma_wait3A_683 : memref<1x128x64xf32, #tpu.memory_space<hbm>> -> memref<128x64xf32, #tpu.memory_space<hbm>>
    %dma_wait3A_685 = arith.constant 0 : i32
    %dma_wait3A_686 = tpu.memref_slice %arg5[%arg0, %add3A_681, %dma_wait3A_685] : memref<2x10240x64xf32, #tpu.memory_space<hbm>> -> memref<1x128x64xf32, #tpu.memory_space<hbm>>
    %dma_wait3A_687 = tpu.memref_squeeze %dma_wait3A_686 : memref<1x128x64xf32, #tpu.memory_space<hbm>> -> memref<128x64xf32, #tpu.memory_space<hbm>>
    tpu.wait_dma2 semaphore(%arg16 : memref<!tpu.dma_semaphore, #tpu.memory_space<semaphore_mem>>) src(%arg8 : memref<128x64xf32, #tpu.memory_space<vmem>>) dst(%dma_wait3A_687 : memref<128x64xf32, #tpu.memory_space<hbm>>)
    return
  }
}

#map = affine_map<(d0, d1) -> (0, 0)>
#map1 = affine_map<(d0, d1) -> (0, 0, 0)>
module attributes {stable_mosaic.version = 14 : i64} {
  func.func @agg(%arg0: i32, %arg1: i32, %arg2: memref<2560x128xi16, #tpu.memory_space<hbm>>, %arg3: memref<2560x128xi16, #tpu.memory_space<hbm>>, %arg4: memref<20480x64xf32, #tpu.memory_space<hbm>>, %arg5: memref<2x10240x64xf32, #tpu.memory_space<hbm>>, %arg6: memref<160x128xi16, #tpu.memory_space<vmem>>, %arg7: memref<160x128xi16, #tpu.memory_space<vmem>>, %arg8: memref<128x64xf32, #tpu.memory_space<vmem>>, %arg9: memref<128x64xf32, #tpu.memory_space<vmem>>, %arg10: memref<128xi32, #tpu.memory_space<vmem>>, %arg11: memref<128xi32, #tpu.memory_space<vmem>>, %arg12: memref<128xi32, #tpu.memory_space<vmem>>, %arg13: memref<128xi32, #tpu.memory_space<vmem>>, %arg14: memref<10240x64xf32, #tpu.memory_space<vmem_shared>>, %arg15: memref<10240x64xf32, #tpu.memory_space<vmem_shared>>, %arg16: memref<!tpu.dma_semaphore, #tpu.memory_space<semaphore_mem>>, %arg17: memref<!tpu.dma_semaphore, #tpu.memory_space<semaphore_mem>>, %arg18: memref<!tpu.dma_semaphore, #tpu.memory_space<semaphore_mem>>, %arg19: memref<!tpu.dma_semaphore, #tpu.memory_space<semaphore_mem>>, %arg20: memref<!tpu.dma_semaphore, #tpu.memory_space<semaphore_mem>>) attributes {dimension_semantics = [#tpu.dimension_semantics<core_parallel>, #tpu.dimension_semantics<subcore_parallel>], iteration_bounds = array<i64: 2, 16>, scalar_prefetch = 0 : i64, scratch_operands = 15 : i64, tpu.core_type = #tpu.core_type<sc_vector_subcore>, window_params = [{transform_indices = #map}, {transform_indices = #map}, {transform_indices = #map}, {transform_indices = #map1}]} {
    %mul3A = arith.constant 160 : i32
    %mul3A_0 = arith.muli %arg1, %mul3A : i32
    %dma_start3A = arith.constant 0 : i32
    %dma_start3A_1 = tpu.memref_slice %arg2[%mul3A_0, %dma_start3A] : memref<2560x128xi16, #tpu.memory_space<hbm>> -> memref<160x128xi16, #tpu.memory_space<hbm>>
    %dma_start3A_2 = arith.constant 0 : i32
    %dma_start3A_3 = tpu.memref_slice %arg2[%mul3A_0, %dma_start3A_2] : memref<2560x128xi16, #tpu.memory_space<hbm>> -> memref<160x128xi16, #tpu.memory_space<hbm>>
    tpu.enqueue_dma source(%dma_start3A_3 : memref<160x128xi16, #tpu.memory_space<hbm>>) target(%arg6 : memref<160x128xi16, #tpu.memory_space<vmem>>) target_semaphore(%arg20 : memref<!tpu.dma_semaphore, #tpu.memory_space<semaphore_mem>>)
    %dma_start3A_4 = arith.constant 0 : i32
    %dma_start3A_5 = tpu.memref_slice %arg3[%mul3A_0, %dma_start3A_4] : memref<2560x128xi16, #tpu.memory_space<hbm>> -> memref<160x128xi16, #tpu.memory_space<hbm>>
    %dma_start3A_6 = arith.constant 0 : i32
    %dma_start3A_7 = tpu.memref_slice %arg3[%mul3A_0, %dma_start3A_6] : memref<2560x128xi16, #tpu.memory_space<hbm>> -> memref<160x128xi16, #tpu.memory_space<hbm>>
    tpu.enqueue_dma source(%dma_start3A_7 : memref<160x128xi16, #tpu.memory_space<hbm>>) target(%arg7 : memref<160x128xi16, #tpu.memory_space<vmem>>) target_semaphore(%arg20 : memref<!tpu.dma_semaphore, #tpu.memory_space<semaphore_mem>>)
    %mul3A_8 = arith.constant 10240 : i32
    %mul3A_9 = arith.muli %arg0, %mul3A_8 : i32
    %mul3A_10 = arith.constant 640 : i32
    %mul3A_11 = arith.muli %arg1, %mul3A_10 : i32
    %add3A = arith.addi %mul3A_9, %mul3A_11 : i32
    %add3A_12 = arith.constant 0 : i32
    %add3A_13 = arith.addi %add3A, %add3A_12 : i32
    %dma_start3A_14 = arith.constant 0 : i32
    %dma_start3A_15 = tpu.memref_slice %arg4[%add3A_13, %dma_start3A_14] : memref<20480x64xf32, #tpu.memory_space<hbm>> -> memref<128x64xf32, #tpu.memory_space<hbm>>
    %dma_start3A_16 = arith.constant 0 : i32
    %dma_start3A_17 = tpu.memref_slice %arg4[%add3A_13, %dma_start3A_16] : memref<20480x64xf32, #tpu.memory_space<hbm>> -> memref<128x64xf32, #tpu.memory_space<hbm>>
    tpu.enqueue_dma source(%dma_start3A_17 : memref<128x64xf32, #tpu.memory_space<hbm>>) target(%arg8 : memref<128x64xf32, #tpu.memory_space<vmem>>) target_semaphore(%arg16 : memref<!tpu.dma_semaphore, #tpu.memory_space<semaphore_mem>>)
    %mul3A_18 = arith.constant 10240 : i32
    %mul3A_19 = arith.muli %arg0, %mul3A_18 : i32
    %mul3A_20 = arith.constant 640 : i32
    %mul3A_21 = arith.muli %arg1, %mul3A_20 : i32
    %add3A_22 = arith.addi %mul3A_19, %mul3A_21 : i32
    %add3A_23 = arith.constant 128 : i32
    %add3A_24 = arith.addi %add3A_22, %add3A_23 : i32
    %dma_start3A_25 = arith.constant 0 : i32
    %dma_start3A_26 = tpu.memref_slice %arg4[%add3A_24, %dma_start3A_25] : memref<20480x64xf32, #tpu.memory_space<hbm>> -> memref<128x64xf32, #tpu.memory_space<hbm>>
    %dma_start3A_27 = arith.constant 0 : i32
    %dma_start3A_28 = tpu.memref_slice %arg4[%add3A_24, %dma_start3A_27] : memref<20480x64xf32, #tpu.memory_space<hbm>> -> memref<128x64xf32, #tpu.memory_space<hbm>>
    tpu.enqueue_dma source(%dma_start3A_28 : memref<128x64xf32, #tpu.memory_space<hbm>>) target(%arg9 : memref<128x64xf32, #tpu.memory_space<vmem>>) target_semaphore(%arg17 : memref<!tpu.dma_semaphore, #tpu.memory_space<semaphore_mem>>)
    %mul3A_29 = arith.constant 10240 : i32
    %mul3A_30 = arith.muli %arg0, %mul3A_29 : i32
    %mul3A_31 = arith.constant 640 : i32
    %mul3A_32 = arith.muli %arg1, %mul3A_31 : i32
    %add3A_33 = arith.addi %mul3A_30, %mul3A_32 : i32
    %add3A_34 = arith.constant 0 : i32
    %add3A_35 = arith.addi %add3A_33, %add3A_34 : i32
    %dma_wait3A = arith.constant 0 : i32
    %dma_wait3A_36 = tpu.memref_slice %arg4[%add3A_35, %dma_wait3A] : memref<20480x64xf32, #tpu.memory_space<hbm>> -> memref<128x64xf32, #tpu.memory_space<hbm>>
    %dma_wait3A_37 = arith.constant 0 : i32
    %dma_wait3A_38 = tpu.memref_slice %arg4[%add3A_35, %dma_wait3A_37] : memref<20480x64xf32, #tpu.memory_space<hbm>> -> memref<128x64xf32, #tpu.memory_space<hbm>>
    tpu.wait_dma2 semaphore(%arg16 : memref<!tpu.dma_semaphore, #tpu.memory_space<semaphore_mem>>) src(%dma_wait3A_38 : memref<128x64xf32, #tpu.memory_space<hbm>>) dst(%arg8 : memref<128x64xf32, #tpu.memory_space<vmem>>)
    %mul3A_39 = arith.constant 640 : i32
    %mul3A_40 = arith.muli %arg1, %mul3A_39 : i32
    %add3A_41 = arith.constant 0 : i32
    %add3A_42 = arith.addi %mul3A_40, %add3A_41 : i32
    "tpu.region"() ({
      %run_scoped3A = tpu.sem_alloc : memref<!tpu.dma_semaphore, #tpu.memory_space<semaphore_mem>>
      %dma_start3A_688 = arith.constant 0 : i32
      %dma_start3A_689 = tpu.memref_slice %arg15[%add3A_42, %dma_start3A_688] : memref<10240x64xf32, #tpu.memory_space<vmem_shared>> -> memref<128x64xf32, #tpu.memory_space<vmem_shared>>
      %dma_start3A_690 = arith.constant 0 : i32
      %dma_start3A_691 = tpu.memref_slice %arg15[%add3A_42, %dma_start3A_690] : memref<10240x64xf32, #tpu.memory_space<vmem_shared>> -> memref<128x64xf32, #tpu.memory_space<vmem_shared>>
      tpu.enqueue_dma source(%arg8 : memref<128x64xf32, #tpu.memory_space<vmem>>) target(%dma_start3A_691 : memref<128x64xf32, #tpu.memory_space<vmem_shared>>) target_semaphore(%run_scoped3A : memref<!tpu.dma_semaphore, #tpu.memory_space<semaphore_mem>>)
      %dma_wait3A_692 = arith.constant 0 : i32
      %dma_wait3A_693 = tpu.memref_slice %arg15[%add3A_42, %dma_wait3A_692] : memref<10240x64xf32, #tpu.memory_space<vmem_shared>> -> memref<128x64xf32, #tpu.memory_space<vmem_shared>>
      %dma_wait3A_694 = arith.constant 0 : i32
      %dma_wait3A_695 = tpu.memref_slice %arg15[%add3A_42, %dma_wait3A_694] : memref<10240x64xf32, #tpu.memory_space<vmem_shared>> -> memref<128x64xf32, #tpu.memory_space<vmem_shared>>
      tpu.wait_dma2 semaphore(%run_scoped3A : memref<!tpu.dma_semaphore, #tpu.memory_space<semaphore_mem>>) src(%arg8 : memref<128x64xf32, #tpu.memory_space<vmem>>) dst(%dma_wait3A_695 : memref<128x64xf32, #tpu.memory_space<vmem_shared>>)
      tpu.yield
    }) : () -> ()
    %mul3A_43 = arith.constant 10240 : i32
    %mul3A_44 = arith.muli %arg0, %mul3A_43 : i32
    %mul3A_45 = arith.constant 640 : i32
    %mul3A_46 = arith.muli %arg1, %mul3A_45 : i32
    %add3A_47 = arith.addi %mul3A_44, %mul3A_46 : i32
    %add3A_48 = arith.constant 256 : i32
    %add3A_49 = arith.addi %add3A_47, %add3A_48 : i32
    %dma_start3A_50 = arith.constant 0 : i32
    %dma_start3A_51 = tpu.memref_slice %arg4[%add3A_49, %dma_start3A_50] : memref<20480x64xf32, #tpu.memory_space<hbm>> -> memref<128x64xf32, #tpu.memory_space<hbm>>
    %dma_start3A_52 = arith.constant 0 : i32
    %dma_start3A_53 = tpu.memref_slice %arg4[%add3A_49, %dma_start3A_52] : memref<20480x64xf32, #tpu.memory_space<hbm>> -> memref<128x64xf32, #tpu.memory_space<hbm>>
    tpu.enqueue_dma source(%dma_start3A_53 : memref<128x64xf32, #tpu.memory_space<hbm>>) target(%arg8 : memref<128x64xf32, #tpu.memory_space<vmem>>) target_semaphore(%arg16 : memref<!tpu.dma_semaphore, #tpu.memory_space<semaphore_mem>>)
    %mul3A_54 = arith.constant 10240 : i32
    %mul3A_55 = arith.muli %arg0, %mul3A_54 : i32
    %mul3A_56 = arith.constant 640 : i32
    %mul3A_57 = arith.muli %arg1, %mul3A_56 : i32
    %add3A_58 = arith.addi %mul3A_55, %mul3A_57 : i32
    %add3A_59 = arith.constant 128 : i32
    %add3A_60 = arith.addi %add3A_58, %add3A_59 : i32
    %dma_wait3A_61 = arith.constant 0 : i32
    %dma_wait3A_62 = tpu.memref_slice %arg4[%add3A_60, %dma_wait3A_61] : memref<20480x64xf32, #tpu.memory_space<hbm>> -> memref<128x64xf32, #tpu.memory_space<hbm>>
    %dma_wait3A_63 = arith.constant 0 : i32
    %dma_wait3A_64 = tpu.memref_slice %arg4[%add3A_60, %dma_wait3A_63] : memref<20480x64xf32, #tpu.memory_space<hbm>> -> memref<128x64xf32, #tpu.memory_space<hbm>>
    tpu.wait_dma2 semaphore(%arg17 : memref<!tpu.dma_semaphore, #tpu.memory_space<semaphore_mem>>) src(%dma_wait3A_64 : memref<128x64xf32, #tpu.memory_space<hbm>>) dst(%arg9 : memref<128x64xf32, #tpu.memory_space<vmem>>)
    %mul3A_65 = arith.constant 640 : i32
    %mul3A_66 = arith.muli %arg1, %mul3A_65 : i32
    %add3A_67 = arith.constant 128 : i32
    %add3A_68 = arith.addi %mul3A_66, %add3A_67 : i32
    "tpu.region"() ({
      %run_scoped3A = tpu.sem_alloc : memref<!tpu.dma_semaphore, #tpu.memory_space<semaphore_mem>>
      %dma_start3A_688 = arith.constant 0 : i32
      %dma_start3A_689 = tpu.memref_slice %arg15[%add3A_68, %dma_start3A_688] : memref<10240x64xf32, #tpu.memory_space<vmem_shared>> -> memref<128x64xf32, #tpu.memory_space<vmem_shared>>
      %dma_start3A_690 = arith.constant 0 : i32
      %dma_start3A_691 = tpu.memref_slice %arg15[%add3A_68, %dma_start3A_690] : memref<10240x64xf32, #tpu.memory_space<vmem_shared>> -> memref<128x64xf32, #tpu.memory_space<vmem_shared>>
      tpu.enqueue_dma source(%arg9 : memref<128x64xf32, #tpu.memory_space<vmem>>) target(%dma_start3A_691 : memref<128x64xf32, #tpu.memory_space<vmem_shared>>) target_semaphore(%run_scoped3A : memref<!tpu.dma_semaphore, #tpu.memory_space<semaphore_mem>>)
      %dma_wait3A_692 = arith.constant 0 : i32
      %dma_wait3A_693 = tpu.memref_slice %arg15[%add3A_68, %dma_wait3A_692] : memref<10240x64xf32, #tpu.memory_space<vmem_shared>> -> memref<128x64xf32, #tpu.memory_space<vmem_shared>>
      %dma_wait3A_694 = arith.constant 0 : i32
      %dma_wait3A_695 = tpu.memref_slice %arg15[%add3A_68, %dma_wait3A_694] : memref<10240x64xf32, #tpu.memory_space<vmem_shared>> -> memref<128x64xf32, #tpu.memory_space<vmem_shared>>
      tpu.wait_dma2 semaphore(%run_scoped3A : memref<!tpu.dma_semaphore, #tpu.memory_space<semaphore_mem>>) src(%arg9 : memref<128x64xf32, #tpu.memory_space<vmem>>) dst(%dma_wait3A_695 : memref<128x64xf32, #tpu.memory_space<vmem_shared>>)
      tpu.yield
    }) : () -> ()
    %mul3A_69 = arith.constant 10240 : i32
    %mul3A_70 = arith.muli %arg0, %mul3A_69 : i32
    %mul3A_71 = arith.constant 640 : i32
    %mul3A_72 = arith.muli %arg1, %mul3A_71 : i32
    %add3A_73 = arith.addi %mul3A_70, %mul3A_72 : i32
    %add3A_74 = arith.constant 384 : i32
    %add3A_75 = arith.addi %add3A_73, %add3A_74 : i32
    %dma_start3A_76 = arith.constant 0 : i32
    %dma_start3A_77 = tpu.memref_slice %arg4[%add3A_75, %dma_start3A_76] : memref<20480x64xf32, #tpu.memory_space<hbm>> -> memref<128x64xf32, #tpu.memory_space<hbm>>
    %dma_start3A_78 = arith.constant 0 : i32
    %dma_start3A_79 = tpu.memref_slice %arg4[%add3A_75, %dma_start3A_78] : memref<20480x64xf32, #tpu.memory_space<hbm>> -> memref<128x64xf32, #tpu.memory_space<hbm>>
    tpu.enqueue_dma source(%dma_start3A_79 : memref<128x64xf32, #tpu.memory_space<hbm>>) target(%arg9 : memref<128x64xf32, #tpu.memory_space<vmem>>) target_semaphore(%arg17 : memref<!tpu.dma_semaphore, #tpu.memory_space<semaphore_mem>>)
    %mul3A_80 = arith.constant 10240 : i32
    %mul3A_81 = arith.muli %arg0, %mul3A_80 : i32
    %mul3A_82 = arith.constant 640 : i32
    %mul3A_83 = arith.muli %arg1, %mul3A_82 : i32
    %add3A_84 = arith.addi %mul3A_81, %mul3A_83 : i32
    %add3A_85 = arith.constant 256 : i32
    %add3A_86 = arith.addi %add3A_84, %add3A_85 : i32
    %dma_wait3A_87 = arith.constant 0 : i32
    %dma_wait3A_88 = tpu.memref_slice %arg4[%add3A_86, %dma_wait3A_87] : memref<20480x64xf32, #tpu.memory_space<hbm>> -> memref<128x64xf32, #tpu.memory_space<hbm>>
    %dma_wait3A_89 = arith.constant 0 : i32
    %dma_wait3A_90 = tpu.memref_slice %arg4[%add3A_86, %dma_wait3A_89] : memref<20480x64xf32, #tpu.memory_space<hbm>> -> memref<128x64xf32, #tpu.memory_space<hbm>>
    tpu.wait_dma2 semaphore(%arg16 : memref<!tpu.dma_semaphore, #tpu.memory_space<semaphore_mem>>) src(%dma_wait3A_90 : memref<128x64xf32, #tpu.memory_space<hbm>>) dst(%arg8 : memref<128x64xf32, #tpu.memory_space<vmem>>)
    %mul3A_91 = arith.constant 640 : i32
    %mul3A_92 = arith.muli %arg1, %mul3A_91 : i32
    %add3A_93 = arith.constant 256 : i32
    %add3A_94 = arith.addi %mul3A_92, %add3A_93 : i32
    "tpu.region"() ({
      %run_scoped3A = tpu.sem_alloc : memref<!tpu.dma_semaphore, #tpu.memory_space<semaphore_mem>>
      %dma_start3A_688 = arith.constant 0 : i32
      %dma_start3A_689 = tpu.memref_slice %arg15[%add3A_94, %dma_start3A_688] : memref<10240x64xf32, #tpu.memory_space<vmem_shared>> -> memref<128x64xf32, #tpu.memory_space<vmem_shared>>
      %dma_start3A_690 = arith.constant 0 : i32
      %dma_start3A_691 = tpu.memref_slice %arg15[%add3A_94, %dma_start3A_690] : memref<10240x64xf32, #tpu.memory_space<vmem_shared>> -> memref<128x64xf32, #tpu.memory_space<vmem_shared>>
      tpu.enqueue_dma source(%arg8 : memref<128x64xf32, #tpu.memory_space<vmem>>) target(%dma_start3A_691 : memref<128x64xf32, #tpu.memory_space<vmem_shared>>) target_semaphore(%run_scoped3A : memref<!tpu.dma_semaphore, #tpu.memory_space<semaphore_mem>>)
      %dma_wait3A_692 = arith.constant 0 : i32
      %dma_wait3A_693 = tpu.memref_slice %arg15[%add3A_94, %dma_wait3A_692] : memref<10240x64xf32, #tpu.memory_space<vmem_shared>> -> memref<128x64xf32, #tpu.memory_space<vmem_shared>>
      %dma_wait3A_694 = arith.constant 0 : i32
      %dma_wait3A_695 = tpu.memref_slice %arg15[%add3A_94, %dma_wait3A_694] : memref<10240x64xf32, #tpu.memory_space<vmem_shared>> -> memref<128x64xf32, #tpu.memory_space<vmem_shared>>
      tpu.wait_dma2 semaphore(%run_scoped3A : memref<!tpu.dma_semaphore, #tpu.memory_space<semaphore_mem>>) src(%arg8 : memref<128x64xf32, #tpu.memory_space<vmem>>) dst(%dma_wait3A_695 : memref<128x64xf32, #tpu.memory_space<vmem_shared>>)
      tpu.yield
    }) : () -> ()
    %mul3A_95 = arith.constant 10240 : i32
    %mul3A_96 = arith.muli %arg0, %mul3A_95 : i32
    %mul3A_97 = arith.constant 640 : i32
    %mul3A_98 = arith.muli %arg1, %mul3A_97 : i32
    %add3A_99 = arith.addi %mul3A_96, %mul3A_98 : i32
    %add3A_100 = arith.constant 512 : i32
    %add3A_101 = arith.addi %add3A_99, %add3A_100 : i32
    %dma_start3A_102 = arith.constant 0 : i32
    %dma_start3A_103 = tpu.memref_slice %arg4[%add3A_101, %dma_start3A_102] : memref<20480x64xf32, #tpu.memory_space<hbm>> -> memref<128x64xf32, #tpu.memory_space<hbm>>
    %dma_start3A_104 = arith.constant 0 : i32
    %dma_start3A_105 = tpu.memref_slice %arg4[%add3A_101, %dma_start3A_104] : memref<20480x64xf32, #tpu.memory_space<hbm>> -> memref<128x64xf32, #tpu.memory_space<hbm>>
    tpu.enqueue_dma source(%dma_start3A_105 : memref<128x64xf32, #tpu.memory_space<hbm>>) target(%arg8 : memref<128x64xf32, #tpu.memory_space<vmem>>) target_semaphore(%arg16 : memref<!tpu.dma_semaphore, #tpu.memory_space<semaphore_mem>>)
    %mul3A_106 = arith.constant 10240 : i32
    %mul3A_107 = arith.muli %arg0, %mul3A_106 : i32
    %mul3A_108 = arith.constant 640 : i32
    %mul3A_109 = arith.muli %arg1, %mul3A_108 : i32
    %add3A_110 = arith.addi %mul3A_107, %mul3A_109 : i32
    %add3A_111 = arith.constant 384 : i32
    %add3A_112 = arith.addi %add3A_110, %add3A_111 : i32
    %dma_wait3A_113 = arith.constant 0 : i32
    %dma_wait3A_114 = tpu.memref_slice %arg4[%add3A_112, %dma_wait3A_113] : memref<20480x64xf32, #tpu.memory_space<hbm>> -> memref<128x64xf32, #tpu.memory_space<hbm>>
    %dma_wait3A_115 = arith.constant 0 : i32
    %dma_wait3A_116 = tpu.memref_slice %arg4[%add3A_112, %dma_wait3A_115] : memref<20480x64xf32, #tpu.memory_space<hbm>> -> memref<128x64xf32, #tpu.memory_space<hbm>>
    tpu.wait_dma2 semaphore(%arg17 : memref<!tpu.dma_semaphore, #tpu.memory_space<semaphore_mem>>) src(%dma_wait3A_116 : memref<128x64xf32, #tpu.memory_space<hbm>>) dst(%arg9 : memref<128x64xf32, #tpu.memory_space<vmem>>)
    %mul3A_117 = arith.constant 640 : i32
    %mul3A_118 = arith.muli %arg1, %mul3A_117 : i32
    %add3A_119 = arith.constant 384 : i32
    %add3A_120 = arith.addi %mul3A_118, %add3A_119 : i32
    "tpu.region"() ({
      %run_scoped3A = tpu.sem_alloc : memref<!tpu.dma_semaphore, #tpu.memory_space<semaphore_mem>>
      %dma_start3A_688 = arith.constant 0 : i32
      %dma_start3A_689 = tpu.memref_slice %arg15[%add3A_120, %dma_start3A_688] : memref<10240x64xf32, #tpu.memory_space<vmem_shared>> -> memref<128x64xf32, #tpu.memory_space<vmem_shared>>
      %dma_start3A_690 = arith.constant 0 : i32
      %dma_start3A_691 = tpu.memref_slice %arg15[%add3A_120, %dma_start3A_690] : memref<10240x64xf32, #tpu.memory_space<vmem_shared>> -> memref<128x64xf32, #tpu.memory_space<vmem_shared>>
      tpu.enqueue_dma source(%arg9 : memref<128x64xf32, #tpu.memory_space<vmem>>) target(%dma_start3A_691 : memref<128x64xf32, #tpu.memory_space<vmem_shared>>) target_semaphore(%run_scoped3A : memref<!tpu.dma_semaphore, #tpu.memory_space<semaphore_mem>>)
      %dma_wait3A_692 = arith.constant 0 : i32
      %dma_wait3A_693 = tpu.memref_slice %arg15[%add3A_120, %dma_wait3A_692] : memref<10240x64xf32, #tpu.memory_space<vmem_shared>> -> memref<128x64xf32, #tpu.memory_space<vmem_shared>>
      %dma_wait3A_694 = arith.constant 0 : i32
      %dma_wait3A_695 = tpu.memref_slice %arg15[%add3A_120, %dma_wait3A_694] : memref<10240x64xf32, #tpu.memory_space<vmem_shared>> -> memref<128x64xf32, #tpu.memory_space<vmem_shared>>
      tpu.wait_dma2 semaphore(%run_scoped3A : memref<!tpu.dma_semaphore, #tpu.memory_space<semaphore_mem>>) src(%arg9 : memref<128x64xf32, #tpu.memory_space<vmem>>) dst(%dma_wait3A_695 : memref<128x64xf32, #tpu.memory_space<vmem_shared>>)
      tpu.yield
    }) : () -> ()
    %mul3A_121 = arith.constant 10240 : i32
    %mul3A_122 = arith.muli %arg0, %mul3A_121 : i32
    %mul3A_123 = arith.constant 640 : i32
    %mul3A_124 = arith.muli %arg1, %mul3A_123 : i32
    %add3A_125 = arith.addi %mul3A_122, %mul3A_124 : i32
    %add3A_126 = arith.constant 512 : i32
    %add3A_127 = arith.addi %add3A_125, %add3A_126 : i32
    %dma_wait3A_128 = arith.constant 0 : i32
    %dma_wait3A_129 = tpu.memref_slice %arg4[%add3A_127, %dma_wait3A_128] : memref<20480x64xf32, #tpu.memory_space<hbm>> -> memref<128x64xf32, #tpu.memory_space<hbm>>
    %dma_wait3A_130 = arith.constant 0 : i32
    %dma_wait3A_131 = tpu.memref_slice %arg4[%add3A_127, %dma_wait3A_130] : memref<20480x64xf32, #tpu.memory_space<hbm>> -> memref<128x64xf32, #tpu.memory_space<hbm>>
    tpu.wait_dma2 semaphore(%arg16 : memref<!tpu.dma_semaphore, #tpu.memory_space<semaphore_mem>>) src(%dma_wait3A_131 : memref<128x64xf32, #tpu.memory_space<hbm>>) dst(%arg8 : memref<128x64xf32, #tpu.memory_space<vmem>>)
    %mul3A_132 = arith.constant 640 : i32
    %mul3A_133 = arith.muli %arg1, %mul3A_132 : i32
    %add3A_134 = arith.constant 512 : i32
    %add3A_135 = arith.addi %mul3A_133, %add3A_134 : i32
    "tpu.region"() ({
      %run_scoped3A = tpu.sem_alloc : memref<!tpu.dma_semaphore, #tpu.memory_space<semaphore_mem>>
      %dma_start3A_688 = arith.constant 0 : i32
      %dma_start3A_689 = tpu.memref_slice %arg15[%add3A_135, %dma_start3A_688] : memref<10240x64xf32, #tpu.memory_space<vmem_shared>> -> memref<128x64xf32, #tpu.memory_space<vmem_shared>>
      %dma_start3A_690 = arith.constant 0 : i32
      %dma_start3A_691 = tpu.memref_slice %arg15[%add3A_135, %dma_start3A_690] : memref<10240x64xf32, #tpu.memory_space<vmem_shared>> -> memref<128x64xf32, #tpu.memory_space<vmem_shared>>
      tpu.enqueue_dma source(%arg8 : memref<128x64xf32, #tpu.memory_space<vmem>>) target(%dma_start3A_691 : memref<128x64xf32, #tpu.memory_space<vmem_shared>>) target_semaphore(%run_scoped3A : memref<!tpu.dma_semaphore, #tpu.memory_space<semaphore_mem>>)
      %dma_wait3A_692 = arith.constant 0 : i32
      %dma_wait3A_693 = tpu.memref_slice %arg15[%add3A_135, %dma_wait3A_692] : memref<10240x64xf32, #tpu.memory_space<vmem_shared>> -> memref<128x64xf32, #tpu.memory_space<vmem_shared>>
      %dma_wait3A_694 = arith.constant 0 : i32
      %dma_wait3A_695 = tpu.memref_slice %arg15[%add3A_135, %dma_wait3A_694] : memref<10240x64xf32, #tpu.memory_space<vmem_shared>> -> memref<128x64xf32, #tpu.memory_space<vmem_shared>>
      tpu.wait_dma2 semaphore(%run_scoped3A : memref<!tpu.dma_semaphore, #tpu.memory_space<semaphore_mem>>) src(%arg8 : memref<128x64xf32, #tpu.memory_space<vmem>>) dst(%dma_wait3A_695 : memref<128x64xf32, #tpu.memory_space<vmem_shared>>)
      tpu.yield
    }) : () -> ()
    %scan3A = arith.constant 0 : i32
    %scan3A_136 = arith.constant 0 : i32
    %scan3A_137 = arith.constant 128 : i32
    %scan3A_138 = arith.addi %scan3A_136, %scan3A_137 : i32
    %scan3A_139 = arith.constant 1 : i32
    scf.for %scan3A_688 = %scan3A_136 to %scan3A_138 step %scan3A_139  : i32 {
      %broadcast_in_dim3A = arith.constant 0.000000e+00 : f32
      %broadcast_in_dim3A_689 = vector.broadcast %broadcast_in_dim3A : f32 to vector<16xf32>
      %swap3A_690 = arith.index_cast %scan3A_688 : i32 to index
      %swap3A_691 = arith.constant 0 : index
      %swap3A_692 = tpu.vector_load %arg8[%swap3A_690, %swap3A_691] {strides = array<i32>} : memref<128x64xf32, #tpu.memory_space<vmem>>, vector<16xf32>,
      tpu.vector_store %arg8[%swap3A_690, %swap3A_691], %broadcast_in_dim3A_689 {strides = array<i32>} : memref<128x64xf32, #tpu.memory_space<vmem>>, vector<16xf32>,
      %broadcast_in_dim3A_693 = arith.constant 0.000000e+00 : f32
      %broadcast_in_dim3A_694 = vector.broadcast %broadcast_in_dim3A_693 : f32 to vector<16xf32>
      %swap3A_695 = arith.index_cast %scan3A_688 : i32 to index
      %swap3A_696 = arith.constant 16 : index
      %swap3A_697 = tpu.vector_load %arg8[%swap3A_695, %swap3A_696] {strides = array<i32>} : memref<128x64xf32, #tpu.memory_space<vmem>>, vector<16xf32>,
      tpu.vector_store %arg8[%swap3A_695, %swap3A_696], %broadcast_in_dim3A_694 {strides = array<i32>} : memref<128x64xf32, #tpu.memory_space<vmem>>, vector<16xf32>,
      %broadcast_in_dim3A_698 = arith.constant 0.000000e+00 : f32
      %broadcast_in_dim3A_699 = vector.broadcast %broadcast_in_dim3A_698 : f32 to vector<16xf32>
      %swap3A_700 = arith.index_cast %scan3A_688 : i32 to index
      %swap3A_701 = arith.constant 32 : index
      %swap3A_702 = tpu.vector_load %arg8[%swap3A_700, %swap3A_701] {strides = array<i32>} : memref<128x64xf32, #tpu.memory_space<vmem>>, vector<16xf32>,
      tpu.vector_store %arg8[%swap3A_700, %swap3A_701], %broadcast_in_dim3A_699 {strides = array<i32>} : memref<128x64xf32, #tpu.memory_space<vmem>>, vector<16xf32>,
      %broadcast_in_dim3A_703 = arith.constant 0.000000e+00 : f32
      %broadcast_in_dim3A_704 = vector.broadcast %broadcast_in_dim3A_703 : f32 to vector<16xf32>
      %swap3A_705 = arith.index_cast %scan3A_688 : i32 to index
      %swap3A_706 = arith.constant 48 : index
      %swap3A_707 = tpu.vector_load %arg8[%swap3A_705, %swap3A_706] {strides = array<i32>} : memref<128x64xf32, #tpu.memory_space<vmem>>, vector<16xf32>,
      tpu.vector_store %arg8[%swap3A_705, %swap3A_706], %broadcast_in_dim3A_704 {strides = array<i32>} : memref<128x64xf32, #tpu.memory_space<vmem>>, vector<16xf32>,
    }
    %scan3A_140 = arith.constant 128 : i32
    %mul3A_141 = arith.constant 640 : i32
    %mul3A_142 = arith.muli %arg1, %mul3A_141 : i32
    %add3A_143 = arith.constant 0 : i32
    %add3A_144 = arith.addi %mul3A_142, %add3A_143 : i32
    "tpu.region"() ({
      %run_scoped3A = tpu.sem_alloc : memref<!tpu.dma_semaphore, #tpu.memory_space<semaphore_mem>>
      %dma_start3A_688 = arith.constant 0 : i32
      %dma_start3A_689 = tpu.memref_slice %arg14[%add3A_144, %dma_start3A_688] : memref<10240x64xf32, #tpu.memory_space<vmem_shared>> -> memref<128x64xf32, #tpu.memory_space<vmem_shared>>
      %dma_start3A_690 = arith.constant 0 : i32
      %dma_start3A_691 = tpu.memref_slice %arg14[%add3A_144, %dma_start3A_690] : memref<10240x64xf32, #tpu.memory_space<vmem_shared>> -> memref<128x64xf32, #tpu.memory_space<vmem_shared>>
      tpu.enqueue_dma source(%arg8 : memref<128x64xf32, #tpu.memory_space<vmem>>) target(%dma_start3A_691 : memref<128x64xf32, #tpu.memory_space<vmem_shared>>) target_semaphore(%run_scoped3A : memref<!tpu.dma_semaphore, #tpu.memory_space<semaphore_mem>>)
      %dma_wait3A_692 = arith.constant 0 : i32
      %dma_wait3A_693 = tpu.memref_slice %arg14[%add3A_144, %dma_wait3A_692] : memref<10240x64xf32, #tpu.memory_space<vmem_shared>> -> memref<128x64xf32, #tpu.memory_space<vmem_shared>>
      %dma_wait3A_694 = arith.constant 0 : i32
      %dma_wait3A_695 = tpu.memref_slice %arg14[%add3A_144, %dma_wait3A_694] : memref<10240x64xf32, #tpu.memory_space<vmem_shared>> -> memref<128x64xf32, #tpu.memory_space<vmem_shared>>
      tpu.wait_dma2 semaphore(%run_scoped3A : memref<!tpu.dma_semaphore, #tpu.memory_space<semaphore_mem>>) src(%arg8 : memref<128x64xf32, #tpu.memory_space<vmem>>) dst(%dma_wait3A_695 : memref<128x64xf32, #tpu.memory_space<vmem_shared>>)
      tpu.yield
    }) : () -> ()
    %mul3A_145 = arith.constant 640 : i32
    %mul3A_146 = arith.muli %arg1, %mul3A_145 : i32
    %add3A_147 = arith.constant 128 : i32
    %add3A_148 = arith.addi %mul3A_146, %add3A_147 : i32
    "tpu.region"() ({
      %run_scoped3A = tpu.sem_alloc : memref<!tpu.dma_semaphore, #tpu.memory_space<semaphore_mem>>
      %dma_start3A_688 = arith.constant 0 : i32
      %dma_start3A_689 = tpu.memref_slice %arg14[%add3A_148, %dma_start3A_688] : memref<10240x64xf32, #tpu.memory_space<vmem_shared>> -> memref<128x64xf32, #tpu.memory_space<vmem_shared>>
      %dma_start3A_690 = arith.constant 0 : i32
      %dma_start3A_691 = tpu.memref_slice %arg14[%add3A_148, %dma_start3A_690] : memref<10240x64xf32, #tpu.memory_space<vmem_shared>> -> memref<128x64xf32, #tpu.memory_space<vmem_shared>>
      tpu.enqueue_dma source(%arg8 : memref<128x64xf32, #tpu.memory_space<vmem>>) target(%dma_start3A_691 : memref<128x64xf32, #tpu.memory_space<vmem_shared>>) target_semaphore(%run_scoped3A : memref<!tpu.dma_semaphore, #tpu.memory_space<semaphore_mem>>)
      %dma_wait3A_692 = arith.constant 0 : i32
      %dma_wait3A_693 = tpu.memref_slice %arg14[%add3A_148, %dma_wait3A_692] : memref<10240x64xf32, #tpu.memory_space<vmem_shared>> -> memref<128x64xf32, #tpu.memory_space<vmem_shared>>
      %dma_wait3A_694 = arith.constant 0 : i32
      %dma_wait3A_695 = tpu.memref_slice %arg14[%add3A_148, %dma_wait3A_694] : memref<10240x64xf32, #tpu.memory_space<vmem_shared>> -> memref<128x64xf32, #tpu.memory_space<vmem_shared>>
      tpu.wait_dma2 semaphore(%run_scoped3A : memref<!tpu.dma_semaphore, #tpu.memory_space<semaphore_mem>>) src(%arg8 : memref<128x64xf32, #tpu.memory_space<vmem>>) dst(%dma_wait3A_695 : memref<128x64xf32, #tpu.memory_space<vmem_shared>>)
      tpu.yield
    }) : () -> ()
    %mul3A_149 = arith.constant 640 : i32
    %mul3A_150 = arith.muli %arg1, %mul3A_149 : i32
    %add3A_151 = arith.constant 256 : i32
    %add3A_152 = arith.addi %mul3A_150, %add3A_151 : i32
    "tpu.region"() ({
      %run_scoped3A = tpu.sem_alloc : memref<!tpu.dma_semaphore, #tpu.memory_space<semaphore_mem>>
      %dma_start3A_688 = arith.constant 0 : i32
      %dma_start3A_689 = tpu.memref_slice %arg14[%add3A_152, %dma_start3A_688] : memref<10240x64xf32, #tpu.memory_space<vmem_shared>> -> memref<128x64xf32, #tpu.memory_space<vmem_shared>>
      %dma_start3A_690 = arith.constant 0 : i32
      %dma_start3A_691 = tpu.memref_slice %arg14[%add3A_152, %dma_start3A_690] : memref<10240x64xf32, #tpu.memory_space<vmem_shared>> -> memref<128x64xf32, #tpu.memory_space<vmem_shared>>
      tpu.enqueue_dma source(%arg8 : memref<128x64xf32, #tpu.memory_space<vmem>>) target(%dma_start3A_691 : memref<128x64xf32, #tpu.memory_space<vmem_shared>>) target_semaphore(%run_scoped3A : memref<!tpu.dma_semaphore, #tpu.memory_space<semaphore_mem>>)
      %dma_wait3A_692 = arith.constant 0 : i32
      %dma_wait3A_693 = tpu.memref_slice %arg14[%add3A_152, %dma_wait3A_692] : memref<10240x64xf32, #tpu.memory_space<vmem_shared>> -> memref<128x64xf32, #tpu.memory_space<vmem_shared>>
      %dma_wait3A_694 = arith.constant 0 : i32
      %dma_wait3A_695 = tpu.memref_slice %arg14[%add3A_152, %dma_wait3A_694] : memref<10240x64xf32, #tpu.memory_space<vmem_shared>> -> memref<128x64xf32, #tpu.memory_space<vmem_shared>>
      tpu.wait_dma2 semaphore(%run_scoped3A : memref<!tpu.dma_semaphore, #tpu.memory_space<semaphore_mem>>) src(%arg8 : memref<128x64xf32, #tpu.memory_space<vmem>>) dst(%dma_wait3A_695 : memref<128x64xf32, #tpu.memory_space<vmem_shared>>)
      tpu.yield
    }) : () -> ()
    %mul3A_153 = arith.constant 640 : i32
    %mul3A_154 = arith.muli %arg1, %mul3A_153 : i32
    %add3A_155 = arith.constant 384 : i32
    %add3A_156 = arith.addi %mul3A_154, %add3A_155 : i32
    "tpu.region"() ({
      %run_scoped3A = tpu.sem_alloc : memref<!tpu.dma_semaphore, #tpu.memory_space<semaphore_mem>>
      %dma_start3A_688 = arith.constant 0 : i32
      %dma_start3A_689 = tpu.memref_slice %arg14[%add3A_156, %dma_start3A_688] : memref<10240x64xf32, #tpu.memory_space<vmem_shared>> -> memref<128x64xf32, #tpu.memory_space<vmem_shared>>
      %dma_start3A_690 = arith.constant 0 : i32
      %dma_start3A_691 = tpu.memref_slice %arg14[%add3A_156, %dma_start3A_690] : memref<10240x64xf32, #tpu.memory_space<vmem_shared>> -> memref<128x64xf32, #tpu.memory_space<vmem_shared>>
      tpu.enqueue_dma source(%arg8 : memref<128x64xf32, #tpu.memory_space<vmem>>) target(%dma_start3A_691 : memref<128x64xf32, #tpu.memory_space<vmem_shared>>) target_semaphore(%run_scoped3A : memref<!tpu.dma_semaphore, #tpu.memory_space<semaphore_mem>>)
      %dma_wait3A_692 = arith.constant 0 : i32
      %dma_wait3A_693 = tpu.memref_slice %arg14[%add3A_156, %dma_wait3A_692] : memref<10240x64xf32, #tpu.memory_space<vmem_shared>> -> memref<128x64xf32, #tpu.memory_space<vmem_shared>>
      %dma_wait3A_694 = arith.constant 0 : i32
      %dma_wait3A_695 = tpu.memref_slice %arg14[%add3A_156, %dma_wait3A_694] : memref<10240x64xf32, #tpu.memory_space<vmem_shared>> -> memref<128x64xf32, #tpu.memory_space<vmem_shared>>
      tpu.wait_dma2 semaphore(%run_scoped3A : memref<!tpu.dma_semaphore, #tpu.memory_space<semaphore_mem>>) src(%arg8 : memref<128x64xf32, #tpu.memory_space<vmem>>) dst(%dma_wait3A_695 : memref<128x64xf32, #tpu.memory_space<vmem_shared>>)
      tpu.yield
    }) : () -> ()
    %mul3A_157 = arith.constant 640 : i32
    %mul3A_158 = arith.muli %arg1, %mul3A_157 : i32
    %add3A_159 = arith.constant 512 : i32
    %add3A_160 = arith.addi %mul3A_158, %add3A_159 : i32
    "tpu.region"() ({
      %run_scoped3A = tpu.sem_alloc : memref<!tpu.dma_semaphore, #tpu.memory_space<semaphore_mem>>
      %dma_start3A_688 = arith.constant 0 : i32
      %dma_start3A_689 = tpu.memref_slice %arg14[%add3A_160, %dma_start3A_688] : memref<10240x64xf32, #tpu.memory_space<vmem_shared>> -> memref<128x64xf32, #tpu.memory_space<vmem_shared>>
      %dma_start3A_690 = arith.constant 0 : i32
      %dma_start3A_691 = tpu.memref_slice %arg14[%add3A_160, %dma_start3A_690] : memref<10240x64xf32, #tpu.memory_space<vmem_shared>> -> memref<128x64xf32, #tpu.memory_space<vmem_shared>>
      tpu.enqueue_dma source(%arg8 : memref<128x64xf32, #tpu.memory_space<vmem>>) target(%dma_start3A_691 : memref<128x64xf32, #tpu.memory_space<vmem_shared>>) target_semaphore(%run_scoped3A : memref<!tpu.dma_semaphore, #tpu.memory_space<semaphore_mem>>)
      %dma_wait3A_692 = arith.constant 0 : i32
      %dma_wait3A_693 = tpu.memref_slice %arg14[%add3A_160, %dma_wait3A_692] : memref<10240x64xf32, #tpu.memory_space<vmem_shared>> -> memref<128x64xf32, #tpu.memory_space<vmem_shared>>
      %dma_wait3A_694 = arith.constant 0 : i32
      %dma_wait3A_695 = tpu.memref_slice %arg14[%add3A_160, %dma_wait3A_694] : memref<10240x64xf32, #tpu.memory_space<vmem_shared>> -> memref<128x64xf32, #tpu.memory_space<vmem_shared>>
      tpu.wait_dma2 semaphore(%run_scoped3A : memref<!tpu.dma_semaphore, #tpu.memory_space<semaphore_mem>>) src(%arg8 : memref<128x64xf32, #tpu.memory_space<vmem>>) dst(%dma_wait3A_695 : memref<128x64xf32, #tpu.memory_space<vmem_shared>>)
      tpu.yield
    }) : () -> ()
    %barrier3A = arith.constant 0 : index
    tpu.barrier barrier_id(%barrier3A)
    %dma_wait3A_161 = arith.constant 0 : i32
    %dma_wait3A_162 = tpu.memref_slice %arg2[%mul3A_0, %dma_wait3A_161] : memref<2560x128xi16, #tpu.memory_space<hbm>> -> memref<160x128xi16, #tpu.memory_space<hbm>>
    %dma_wait3A_163 = arith.constant 0 : i32
    %dma_wait3A_164 = tpu.memref_slice %arg2[%mul3A_0, %dma_wait3A_163] : memref<2560x128xi16, #tpu.memory_space<hbm>> -> memref<160x128xi16, #tpu.memory_space<hbm>>
    tpu.wait_dma2 semaphore(%arg20 : memref<!tpu.dma_semaphore, #tpu.memory_space<semaphore_mem>>) src(%dma_wait3A_164 : memref<160x128xi16, #tpu.memory_space<hbm>>) dst(%arg6 : memref<160x128xi16, #tpu.memory_space<vmem>>)
    %dma_wait3A_165 = arith.constant 0 : i32
    %dma_wait3A_166 = tpu.memref_slice %arg3[%mul3A_0, %dma_wait3A_165] : memref<2560x128xi16, #tpu.memory_space<hbm>> -> memref<160x128xi16, #tpu.memory_space<hbm>>
    %dma_wait3A_167 = arith.constant 0 : i32
    %dma_wait3A_168 = tpu.memref_slice %arg3[%mul3A_0, %dma_wait3A_167] : memref<2560x128xi16, #tpu.memory_space<hbm>> -> memref<160x128xi16, #tpu.memory_space<hbm>>
    tpu.wait_dma2 semaphore(%arg20 : memref<!tpu.dma_semaphore, #tpu.memory_space<semaphore_mem>>) src(%dma_wait3A_168 : memref<160x128xi16, #tpu.memory_space<hbm>>) dst(%arg7 : memref<160x128xi16, #tpu.memory_space<vmem>>)
    %get3A = arith.constant 0 : i32
    %get3A_169 = arith.index_cast %get3A : i32 to index
    %get3A_170 = arith.constant 0 : index
    %get3A_171 = tpu.vector_load %arg6[%get3A_169, %get3A_170] {strides = array<i32>} : memref<160x128xi16, #tpu.memory_space<vmem>>, vector<32xi16>,
    %bitcast3A = vector.bitcast %get3A_171 : vector<32xi16> to vector<16xi32>
    %and3A = arith.constant 65535 : i32
    %and3A_172 = vector.broadcast %and3A : i32 to vector<16xi32>
    %and3A_173 = arith.andi %bitcast3A, %and3A_172 : vector<16xi32>
    %add3A_174 = arith.constant 0 : i32
    %add3A_175 = vector.broadcast %add3A_174 : i32 to vector<16xi32>
    %add3A_176 = arith.addi %and3A_173, %add3A_175 : vector<16xi32>
    %swap3A = arith.constant 0 : index
    %swap3A_177 = tpu.vector_load %arg10[%swap3A] {strides = array<i32>} : memref<128xi32, #tpu.memory_space<vmem>>, vector<16xi32>,
    %swap3A_178 = vector.shape_cast %swap3A_177 : vector<16xi32> to vector<16xi32>
    %swap3A_179 = vector.shape_cast %add3A_176 : vector<16xi32> to vector<16xi32>
    tpu.vector_store %arg10[%swap3A], %swap3A_179 {strides = array<i32>} : memref<128xi32, #tpu.memory_space<vmem>>, vector<16xi32>,
    %shift_right_arithmetic3A = arith.constant 16 : i32
    %shift_right_arithmetic3A_180 = vector.broadcast %shift_right_arithmetic3A : i32 to vector<16xi32>
    %shift_right_arithmetic3A_181 = arith.shrsi %bitcast3A, %shift_right_arithmetic3A_180 : vector<16xi32>
    %add3A_182 = arith.constant 0 : i32
    %add3A_183 = vector.broadcast %add3A_182 : i32 to vector<16xi32>
    %add3A_184 = arith.addi %shift_right_arithmetic3A_181, %add3A_183 : vector<16xi32>
    %swap3A_185 = arith.constant 16 : index
    %swap3A_186 = tpu.vector_load %arg10[%swap3A_185] {strides = array<i32>} : memref<128xi32, #tpu.memory_space<vmem>>, vector<16xi32>,
    %swap3A_187 = vector.shape_cast %swap3A_186 : vector<16xi32> to vector<16xi32>
    %swap3A_188 = vector.shape_cast %add3A_184 : vector<16xi32> to vector<16xi32>
    tpu.vector_store %arg10[%swap3A_185], %swap3A_188 {strides = array<i32>} : memref<128xi32, #tpu.memory_space<vmem>>, vector<16xi32>,
    %get3A_189 = arith.constant 0 : i32
    %get3A_190 = arith.index_cast %get3A_189 : i32 to index
    %get3A_191 = arith.constant 32 : index
    %get3A_192 = tpu.vector_load %arg6[%get3A_190, %get3A_191] {strides = array<i32>} : memref<160x128xi16, #tpu.memory_space<vmem>>, vector<32xi16>,
    %bitcast3A_193 = vector.bitcast %get3A_192 : vector<32xi16> to vector<16xi32>
    %and3A_194 = arith.constant 65535 : i32
    %and3A_195 = vector.broadcast %and3A_194 : i32 to vector<16xi32>
    %and3A_196 = arith.andi %bitcast3A_193, %and3A_195 : vector<16xi32>
    %add3A_197 = arith.constant 0 : i32
    %add3A_198 = vector.broadcast %add3A_197 : i32 to vector<16xi32>
    %add3A_199 = arith.addi %and3A_196, %add3A_198 : vector<16xi32>
    %swap3A_200 = arith.constant 32 : index
    %swap3A_201 = tpu.vector_load %arg10[%swap3A_200] {strides = array<i32>} : memref<128xi32, #tpu.memory_space<vmem>>, vector<16xi32>,
    %swap3A_202 = vector.shape_cast %swap3A_201 : vector<16xi32> to vector<16xi32>
    %swap3A_203 = vector.shape_cast %add3A_199 : vector<16xi32> to vector<16xi32>
    tpu.vector_store %arg10[%swap3A_200], %swap3A_203 {strides = array<i32>} : memref<128xi32, #tpu.memory_space<vmem>>, vector<16xi32>,
    %shift_right_arithmetic3A_204 = arith.constant 16 : i32
    %shift_right_arithmetic3A_205 = vector.broadcast %shift_right_arithmetic3A_204 : i32 to vector<16xi32>
    %shift_right_arithmetic3A_206 = arith.shrsi %bitcast3A_193, %shift_right_arithmetic3A_205 : vector<16xi32>
    %add3A_207 = arith.constant 0 : i32
    %add3A_208 = vector.broadcast %add3A_207 : i32 to vector<16xi32>
    %add3A_209 = arith.addi %shift_right_arithmetic3A_206, %add3A_208 : vector<16xi32>
    %swap3A_210 = arith.constant 48 : index
    %swap3A_211 = tpu.vector_load %arg10[%swap3A_210] {strides = array<i32>} : memref<128xi32, #tpu.memory_space<vmem>>, vector<16xi32>,
    %swap3A_212 = vector.shape_cast %swap3A_211 : vector<16xi32> to vector<16xi32>
    %swap3A_213 = vector.shape_cast %add3A_209 : vector<16xi32> to vector<16xi32>
    tpu.vector_store %arg10[%swap3A_210], %swap3A_213 {strides = array<i32>} : memref<128xi32, #tpu.memory_space<vmem>>, vector<16xi32>,
    %get3A_214 = arith.constant 0 : i32
    %get3A_215 = arith.index_cast %get3A_214 : i32 to index
    %get3A_216 = arith.constant 64 : index
    %get3A_217 = tpu.vector_load %arg6[%get3A_215, %get3A_216] {strides = array<i32>} : memref<160x128xi16, #tpu.memory_space<vmem>>, vector<32xi16>,
    %bitcast3A_218 = vector.bitcast %get3A_217 : vector<32xi16> to vector<16xi32>
    %and3A_219 = arith.constant 65535 : i32
    %and3A_220 = vector.broadcast %and3A_219 : i32 to vector<16xi32>
    %and3A_221 = arith.andi %bitcast3A_218, %and3A_220 : vector<16xi32>
    %add3A_222 = arith.constant 0 : i32
    %add3A_223 = vector.broadcast %add3A_222 : i32 to vector<16xi32>
    %add3A_224 = arith.addi %and3A_221, %add3A_223 : vector<16xi32>
    %swap3A_225 = arith.constant 64 : index
    %swap3A_226 = tpu.vector_load %arg10[%swap3A_225] {strides = array<i32>} : memref<128xi32, #tpu.memory_space<vmem>>, vector<16xi32>,
    %swap3A_227 = vector.shape_cast %swap3A_226 : vector<16xi32> to vector<16xi32>
    %swap3A_228 = vector.shape_cast %add3A_224 : vector<16xi32> to vector<16xi32>
    tpu.vector_store %arg10[%swap3A_225], %swap3A_228 {strides = array<i32>} : memref<128xi32, #tpu.memory_space<vmem>>, vector<16xi32>,
    %shift_right_arithmetic3A_229 = arith.constant 16 : i32
    %shift_right_arithmetic3A_230 = vector.broadcast %shift_right_arithmetic3A_229 : i32 to vector<16xi32>
    %shift_right_arithmetic3A_231 = arith.shrsi %bitcast3A_218, %shift_right_arithmetic3A_230 : vector<16xi32>
    %add3A_232 = arith.constant 0 : i32
    %add3A_233 = vector.broadcast %add3A_232 : i32 to vector<16xi32>
    %add3A_234 = arith.addi %shift_right_arithmetic3A_231, %add3A_233 : vector<16xi32>
    %swap3A_235 = arith.constant 80 : index
    %swap3A_236 = tpu.vector_load %arg10[%swap3A_235] {strides = array<i32>} : memref<128xi32, #tpu.memory_space<vmem>>, vector<16xi32>,
    %swap3A_237 = vector.shape_cast %swap3A_236 : vector<16xi32> to vector<16xi32>
    %swap3A_238 = vector.shape_cast %add3A_234 : vector<16xi32> to vector<16xi32>
    tpu.vector_store %arg10[%swap3A_235], %swap3A_238 {strides = array<i32>} : memref<128xi32, #tpu.memory_space<vmem>>, vector<16xi32>,
    %get3A_239 = arith.constant 0 : i32
    %get3A_240 = arith.index_cast %get3A_239 : i32 to index
    %get3A_241 = arith.constant 96 : index
    %get3A_242 = tpu.vector_load %arg6[%get3A_240, %get3A_241] {strides = array<i32>} : memref<160x128xi16, #tpu.memory_space<vmem>>, vector<32xi16>,
    %bitcast3A_243 = vector.bitcast %get3A_242 : vector<32xi16> to vector<16xi32>
    %and3A_244 = arith.constant 65535 : i32
    %and3A_245 = vector.broadcast %and3A_244 : i32 to vector<16xi32>
    %and3A_246 = arith.andi %bitcast3A_243, %and3A_245 : vector<16xi32>
    %add3A_247 = arith.constant 0 : i32
    %add3A_248 = vector.broadcast %add3A_247 : i32 to vector<16xi32>
    %add3A_249 = arith.addi %and3A_246, %add3A_248 : vector<16xi32>
    %swap3A_250 = arith.constant 96 : index
    %swap3A_251 = tpu.vector_load %arg10[%swap3A_250] {strides = array<i32>} : memref<128xi32, #tpu.memory_space<vmem>>, vector<16xi32>,
    %swap3A_252 = vector.shape_cast %swap3A_251 : vector<16xi32> to vector<16xi32>
    %swap3A_253 = vector.shape_cast %add3A_249 : vector<16xi32> to vector<16xi32>
    tpu.vector_store %arg10[%swap3A_250], %swap3A_253 {strides = array<i32>} : memref<128xi32, #tpu.memory_space<vmem>>, vector<16xi32>,
    %shift_right_arithmetic3A_254 = arith.constant 16 : i32
    %shift_right_arithmetic3A_255 = vector.broadcast %shift_right_arithmetic3A_254 : i32 to vector<16xi32>
    %shift_right_arithmetic3A_256 = arith.shrsi %bitcast3A_243, %shift_right_arithmetic3A_255 : vector<16xi32>
    %add3A_257 = arith.constant 0 : i32
    %add3A_258 = vector.broadcast %add3A_257 : i32 to vector<16xi32>
    %add3A_259 = arith.addi %shift_right_arithmetic3A_256, %add3A_258 : vector<16xi32>
    %swap3A_260 = arith.constant 112 : index
    %swap3A_261 = tpu.vector_load %arg10[%swap3A_260] {strides = array<i32>} : memref<128xi32, #tpu.memory_space<vmem>>, vector<16xi32>,
    %swap3A_262 = vector.shape_cast %swap3A_261 : vector<16xi32> to vector<16xi32>
    %swap3A_263 = vector.shape_cast %add3A_259 : vector<16xi32> to vector<16xi32>
    tpu.vector_store %arg10[%swap3A_260], %swap3A_263 {strides = array<i32>} : memref<128xi32, #tpu.memory_space<vmem>>, vector<16xi32>,
    %dma_start3A_264 = arith.constant 0 : i32
    %dma_start3A_265 = arith.constant 0 : i32
    %dma_start3A_266 = tpu.memref_slice %arg15[%dma_start3A_264, %dma_start3A_265] : memref<10240x64xf32, #tpu.memory_space<vmem_shared>> -> memref<10240x64xf32, #tpu.memory_space<vmem_shared>>
    tpu.enqueue_indirect_dma source(%dma_start3A_266 : memref<10240x64xf32, #tpu.memory_space<vmem_shared>>) target(%arg8 : memref<128x64xf32, #tpu.memory_space<vmem>>) offsets(%arg10 : memref<128xi32, #tpu.memory_space<vmem>>) semaphore(%arg16 : memref<!tpu.dma_semaphore, #tpu.memory_space<semaphore_mem>>)
    %get3A_267 = arith.constant 1 : i32
    %get3A_268 = arith.index_cast %get3A_267 : i32 to index
    %get3A_269 = arith.constant 0 : index
    %get3A_270 = tpu.vector_load %arg6[%get3A_268, %get3A_269] {strides = array<i32>} : memref<160x128xi16, #tpu.memory_space<vmem>>, vector<32xi16>,
    %bitcast3A_271 = vector.bitcast %get3A_270 : vector<32xi16> to vector<16xi32>
    %and3A_272 = arith.constant 65535 : i32
    %and3A_273 = vector.broadcast %and3A_272 : i32 to vector<16xi32>
    %and3A_274 = arith.andi %bitcast3A_271, %and3A_273 : vector<16xi32>
    %add3A_275 = arith.constant 0 : i32
    %add3A_276 = vector.broadcast %add3A_275 : i32 to vector<16xi32>
    %add3A_277 = arith.addi %and3A_274, %add3A_276 : vector<16xi32>
    %swap3A_278 = arith.constant 0 : index
    %swap3A_279 = tpu.vector_load %arg11[%swap3A_278] {strides = array<i32>} : memref<128xi32, #tpu.memory_space<vmem>>, vector<16xi32>,
    %swap3A_280 = vector.shape_cast %swap3A_279 : vector<16xi32> to vector<16xi32>
    %swap3A_281 = vector.shape_cast %add3A_277 : vector<16xi32> to vector<16xi32>
    tpu.vector_store %arg11[%swap3A_278], %swap3A_281 {strides = array<i32>} : memref<128xi32, #tpu.memory_space<vmem>>, vector<16xi32>,
    %shift_right_arithmetic3A_282 = arith.constant 16 : i32
    %shift_right_arithmetic3A_283 = vector.broadcast %shift_right_arithmetic3A_282 : i32 to vector<16xi32>
    %shift_right_arithmetic3A_284 = arith.shrsi %bitcast3A_271, %shift_right_arithmetic3A_283 : vector<16xi32>
    %add3A_285 = arith.constant 0 : i32
    %add3A_286 = vector.broadcast %add3A_285 : i32 to vector<16xi32>
    %add3A_287 = arith.addi %shift_right_arithmetic3A_284, %add3A_286 : vector<16xi32>
    %swap3A_288 = arith.constant 16 : index
    %swap3A_289 = tpu.vector_load %arg11[%swap3A_288] {strides = array<i32>} : memref<128xi32, #tpu.memory_space<vmem>>, vector<16xi32>,
    %swap3A_290 = vector.shape_cast %swap3A_289 : vector<16xi32> to vector<16xi32>
    %swap3A_291 = vector.shape_cast %add3A_287 : vector<16xi32> to vector<16xi32>
    tpu.vector_store %arg11[%swap3A_288], %swap3A_291 {strides = array<i32>} : memref<128xi32, #tpu.memory_space<vmem>>, vector<16xi32>,
    %get3A_292 = arith.constant 1 : i32
    %get3A_293 = arith.index_cast %get3A_292 : i32 to index
    %get3A_294 = arith.constant 32 : index
    %get3A_295 = tpu.vector_load %arg6[%get3A_293, %get3A_294] {strides = array<i32>} : memref<160x128xi16, #tpu.memory_space<vmem>>, vector<32xi16>,
    %bitcast3A_296 = vector.bitcast %get3A_295 : vector<32xi16> to vector<16xi32>
    %and3A_297 = arith.constant 65535 : i32
    %and3A_298 = vector.broadcast %and3A_297 : i32 to vector<16xi32>
    %and3A_299 = arith.andi %bitcast3A_296, %and3A_298 : vector<16xi32>
    %add3A_300 = arith.constant 0 : i32
    %add3A_301 = vector.broadcast %add3A_300 : i32 to vector<16xi32>
    %add3A_302 = arith.addi %and3A_299, %add3A_301 : vector<16xi32>
    %swap3A_303 = arith.constant 32 : index
    %swap3A_304 = tpu.vector_load %arg11[%swap3A_303] {strides = array<i32>} : memref<128xi32, #tpu.memory_space<vmem>>, vector<16xi32>,
    %swap3A_305 = vector.shape_cast %swap3A_304 : vector<16xi32> to vector<16xi32>
    %swap3A_306 = vector.shape_cast %add3A_302 : vector<16xi32> to vector<16xi32>
    tpu.vector_store %arg11[%swap3A_303], %swap3A_306 {strides = array<i32>} : memref<128xi32, #tpu.memory_space<vmem>>, vector<16xi32>,
    %shift_right_arithmetic3A_307 = arith.constant 16 : i32
    %shift_right_arithmetic3A_308 = vector.broadcast %shift_right_arithmetic3A_307 : i32 to vector<16xi32>
    %shift_right_arithmetic3A_309 = arith.shrsi %bitcast3A_296, %shift_right_arithmetic3A_308 : vector<16xi32>
    %add3A_310 = arith.constant 0 : i32
    %add3A_311 = vector.broadcast %add3A_310 : i32 to vector<16xi32>
    %add3A_312 = arith.addi %shift_right_arithmetic3A_309, %add3A_311 : vector<16xi32>
    %swap3A_313 = arith.constant 48 : index
    %swap3A_314 = tpu.vector_load %arg11[%swap3A_313] {strides = array<i32>} : memref<128xi32, #tpu.memory_space<vmem>>, vector<16xi32>,
    %swap3A_315 = vector.shape_cast %swap3A_314 : vector<16xi32> to vector<16xi32>
    %swap3A_316 = vector.shape_cast %add3A_312 : vector<16xi32> to vector<16xi32>
    tpu.vector_store %arg11[%swap3A_313], %swap3A_316 {strides = array<i32>} : memref<128xi32, #tpu.memory_space<vmem>>, vector<16xi32>,
    %get3A_317 = arith.constant 1 : i32
    %get3A_318 = arith.index_cast %get3A_317 : i32 to index
    %get3A_319 = arith.constant 64 : index
    %get3A_320 = tpu.vector_load %arg6[%get3A_318, %get3A_319] {strides = array<i32>} : memref<160x128xi16, #tpu.memory_space<vmem>>, vector<32xi16>,
    %bitcast3A_321 = vector.bitcast %get3A_320 : vector<32xi16> to vector<16xi32>
    %and3A_322 = arith.constant 65535 : i32
    %and3A_323 = vector.broadcast %and3A_322 : i32 to vector<16xi32>
    %and3A_324 = arith.andi %bitcast3A_321, %and3A_323 : vector<16xi32>
    %add3A_325 = arith.constant 0 : i32
    %add3A_326 = vector.broadcast %add3A_325 : i32 to vector<16xi32>
    %add3A_327 = arith.addi %and3A_324, %add3A_326 : vector<16xi32>
    %swap3A_328 = arith.constant 64 : index
    %swap3A_329 = tpu.vector_load %arg11[%swap3A_328] {strides = array<i32>} : memref<128xi32, #tpu.memory_space<vmem>>, vector<16xi32>,
    %swap3A_330 = vector.shape_cast %swap3A_329 : vector<16xi32> to vector<16xi32>
    %swap3A_331 = vector.shape_cast %add3A_327 : vector<16xi32> to vector<16xi32>
    tpu.vector_store %arg11[%swap3A_328], %swap3A_331 {strides = array<i32>} : memref<128xi32, #tpu.memory_space<vmem>>, vector<16xi32>,
    %shift_right_arithmetic3A_332 = arith.constant 16 : i32
    %shift_right_arithmetic3A_333 = vector.broadcast %shift_right_arithmetic3A_332 : i32 to vector<16xi32>
    %shift_right_arithmetic3A_334 = arith.shrsi %bitcast3A_321, %shift_right_arithmetic3A_333 : vector<16xi32>
    %add3A_335 = arith.constant 0 : i32
    %add3A_336 = vector.broadcast %add3A_335 : i32 to vector<16xi32>
    %add3A_337 = arith.addi %shift_right_arithmetic3A_334, %add3A_336 : vector<16xi32>
    %swap3A_338 = arith.constant 80 : index
    %swap3A_339 = tpu.vector_load %arg11[%swap3A_338] {strides = array<i32>} : memref<128xi32, #tpu.memory_space<vmem>>, vector<16xi32>,
    %swap3A_340 = vector.shape_cast %swap3A_339 : vector<16xi32> to vector<16xi32>
    %swap3A_341 = vector.shape_cast %add3A_337 : vector<16xi32> to vector<16xi32>
    tpu.vector_store %arg11[%swap3A_338], %swap3A_341 {strides = array<i32>} : memref<128xi32, #tpu.memory_space<vmem>>, vector<16xi32>,
    %get3A_342 = arith.constant 1 : i32
    %get3A_343 = arith.index_cast %get3A_342 : i32 to index
    %get3A_344 = arith.constant 96 : index
    %get3A_345 = tpu.vector_load %arg6[%get3A_343, %get3A_344] {strides = array<i32>} : memref<160x128xi16, #tpu.memory_space<vmem>>, vector<32xi16>,
    %bitcast3A_346 = vector.bitcast %get3A_345 : vector<32xi16> to vector<16xi32>
    %and3A_347 = arith.constant 65535 : i32
    %and3A_348 = vector.broadcast %and3A_347 : i32 to vector<16xi32>
    %and3A_349 = arith.andi %bitcast3A_346, %and3A_348 : vector<16xi32>
    %add3A_350 = arith.constant 0 : i32
    %add3A_351 = vector.broadcast %add3A_350 : i32 to vector<16xi32>
    %add3A_352 = arith.addi %and3A_349, %add3A_351 : vector<16xi32>
    %swap3A_353 = arith.constant 96 : index
    %swap3A_354 = tpu.vector_load %arg11[%swap3A_353] {strides = array<i32>} : memref<128xi32, #tpu.memory_space<vmem>>, vector<16xi32>,
    %swap3A_355 = vector.shape_cast %swap3A_354 : vector<16xi32> to vector<16xi32>
    %swap3A_356 = vector.shape_cast %add3A_352 : vector<16xi32> to vector<16xi32>
    tpu.vector_store %arg11[%swap3A_353], %swap3A_356 {strides = array<i32>} : memref<128xi32, #tpu.memory_space<vmem>>, vector<16xi32>,
    %shift_right_arithmetic3A_357 = arith.constant 16 : i32
    %shift_right_arithmetic3A_358 = vector.broadcast %shift_right_arithmetic3A_357 : i32 to vector<16xi32>
    %shift_right_arithmetic3A_359 = arith.shrsi %bitcast3A_346, %shift_right_arithmetic3A_358 : vector<16xi32>
    %add3A_360 = arith.constant 0 : i32
    %add3A_361 = vector.broadcast %add3A_360 : i32 to vector<16xi32>
    %add3A_362 = arith.addi %shift_right_arithmetic3A_359, %add3A_361 : vector<16xi32>
    %swap3A_363 = arith.constant 112 : index
    %swap3A_364 = tpu.vector_load %arg11[%swap3A_363] {strides = array<i32>} : memref<128xi32, #tpu.memory_space<vmem>>, vector<16xi32>,
    %swap3A_365 = vector.shape_cast %swap3A_364 : vector<16xi32> to vector<16xi32>
    %swap3A_366 = vector.shape_cast %add3A_362 : vector<16xi32> to vector<16xi32>
    tpu.vector_store %arg11[%swap3A_363], %swap3A_366 {strides = array<i32>} : memref<128xi32, #tpu.memory_space<vmem>>, vector<16xi32>,
    %dma_start3A_367 = arith.constant 0 : i32
    %dma_start3A_368 = arith.constant 0 : i32
    %dma_start3A_369 = tpu.memref_slice %arg15[%dma_start3A_367, %dma_start3A_368] : memref<10240x64xf32, #tpu.memory_space<vmem_shared>> -> memref<10240x64xf32, #tpu.memory_space<vmem_shared>>
    tpu.enqueue_indirect_dma source(%dma_start3A_369 : memref<10240x64xf32, #tpu.memory_space<vmem_shared>>) target(%arg9 : memref<128x64xf32, #tpu.memory_space<vmem>>) offsets(%arg11 : memref<128xi32, #tpu.memory_space<vmem>>) semaphore(%arg17 : memref<!tpu.dma_semaphore, #tpu.memory_space<semaphore_mem>>)
    %dma_wait3A_370 = arith.constant 0 : i32
    %dma_wait3A_371 = arith.constant 0 : i32
    %dma_wait3A_372 = tpu.memref_slice %arg15[%dma_wait3A_370, %dma_wait3A_371] : memref<10240x64xf32, #tpu.memory_space<vmem_shared>> -> memref<10240x64xf32, #tpu.memory_space<vmem_shared>>
    tpu.wait_indirect_dma semaphore(%arg16 : memref<!tpu.dma_semaphore, #tpu.memory_space<semaphore_mem>>) src(%dma_wait3A_372 : memref<10240x64xf32, #tpu.memory_space<vmem_shared>>) dst(%arg8 : memref<128x64xf32, #tpu.memory_space<vmem>>)
    %get3A_373 = arith.constant 0 : i32
    %get3A_374 = arith.index_cast %get3A_373 : i32 to index
    %get3A_375 = arith.constant 0 : index
    %get3A_376 = tpu.vector_load %arg7[%get3A_374, %get3A_375] {strides = array<i32>} : memref<160x128xi16, #tpu.memory_space<vmem>>, vector<32xi16>,
    %bitcast3A_377 = vector.bitcast %get3A_376 : vector<32xi16> to vector<16xi32>
    %and3A_378 = arith.constant 65535 : i32
    %and3A_379 = vector.broadcast %and3A_378 : i32 to vector<16xi32>
    %and3A_380 = arith.andi %bitcast3A_377, %and3A_379 : vector<16xi32>
    %add3A_381 = arith.constant 0 : i32
    %add3A_382 = vector.broadcast %add3A_381 : i32 to vector<16xi32>
    %add3A_383 = arith.addi %and3A_380, %add3A_382 : vector<16xi32>
    %swap3A_384 = arith.constant 0 : index
    %swap3A_385 = tpu.vector_load %arg12[%swap3A_384] {strides = array<i32>} : memref<128xi32, #tpu.memory_space<vmem>>, vector<16xi32>,
    %swap3A_386 = vector.shape_cast %swap3A_385 : vector<16xi32> to vector<16xi32>
    %swap3A_387 = vector.shape_cast %add3A_383 : vector<16xi32> to vector<16xi32>
    tpu.vector_store %arg12[%swap3A_384], %swap3A_387 {strides = array<i32>} : memref<128xi32, #tpu.memory_space<vmem>>, vector<16xi32>,
    %shift_right_arithmetic3A_388 = arith.constant 16 : i32
    %shift_right_arithmetic3A_389 = vector.broadcast %shift_right_arithmetic3A_388 : i32 to vector<16xi32>
    %shift_right_arithmetic3A_390 = arith.shrsi %bitcast3A_377, %shift_right_arithmetic3A_389 : vector<16xi32>
    %add3A_391 = arith.constant 0 : i32
    %add3A_392 = vector.broadcast %add3A_391 : i32 to vector<16xi32>
    %add3A_393 = arith.addi %shift_right_arithmetic3A_390, %add3A_392 : vector<16xi32>
    %swap3A_394 = arith.constant 16 : index
    %swap3A_395 = tpu.vector_load %arg12[%swap3A_394] {strides = array<i32>} : memref<128xi32, #tpu.memory_space<vmem>>, vector<16xi32>,
    %swap3A_396 = vector.shape_cast %swap3A_395 : vector<16xi32> to vector<16xi32>
    %swap3A_397 = vector.shape_cast %add3A_393 : vector<16xi32> to vector<16xi32>
    tpu.vector_store %arg12[%swap3A_394], %swap3A_397 {strides = array<i32>} : memref<128xi32, #tpu.memory_space<vmem>>, vector<16xi32>,
    %get3A_398 = arith.constant 0 : i32
    %get3A_399 = arith.index_cast %get3A_398 : i32 to index
    %get3A_400 = arith.constant 32 : index
    %get3A_401 = tpu.vector_load %arg7[%get3A_399, %get3A_400] {strides = array<i32>} : memref<160x128xi16, #tpu.memory_space<vmem>>, vector<32xi16>,
    %bitcast3A_402 = vector.bitcast %get3A_401 : vector<32xi16> to vector<16xi32>
    %and3A_403 = arith.constant 65535 : i32
    %and3A_404 = vector.broadcast %and3A_403 : i32 to vector<16xi32>
    %and3A_405 = arith.andi %bitcast3A_402, %and3A_404 : vector<16xi32>
    %add3A_406 = arith.constant 0 : i32
    %add3A_407 = vector.broadcast %add3A_406 : i32 to vector<16xi32>
    %add3A_408 = arith.addi %and3A_405, %add3A_407 : vector<16xi32>
    %swap3A_409 = arith.constant 32 : index
    %swap3A_410 = tpu.vector_load %arg12[%swap3A_409] {strides = array<i32>} : memref<128xi32, #tpu.memory_space<vmem>>, vector<16xi32>,
    %swap3A_411 = vector.shape_cast %swap3A_410 : vector<16xi32> to vector<16xi32>
    %swap3A_412 = vector.shape_cast %add3A_408 : vector<16xi32> to vector<16xi32>
    tpu.vector_store %arg12[%swap3A_409], %swap3A_412 {strides = array<i32>} : memref<128xi32, #tpu.memory_space<vmem>>, vector<16xi32>,
    %shift_right_arithmetic3A_413 = arith.constant 16 : i32
    %shift_right_arithmetic3A_414 = vector.broadcast %shift_right_arithmetic3A_413 : i32 to vector<16xi32>
    %shift_right_arithmetic3A_415 = arith.shrsi %bitcast3A_402, %shift_right_arithmetic3A_414 : vector<16xi32>
    %add3A_416 = arith.constant 0 : i32
    %add3A_417 = vector.broadcast %add3A_416 : i32 to vector<16xi32>
    %add3A_418 = arith.addi %shift_right_arithmetic3A_415, %add3A_417 : vector<16xi32>
    %swap3A_419 = arith.constant 48 : index
    %swap3A_420 = tpu.vector_load %arg12[%swap3A_419] {strides = array<i32>} : memref<128xi32, #tpu.memory_space<vmem>>, vector<16xi32>,
    %swap3A_421 = vector.shape_cast %swap3A_420 : vector<16xi32> to vector<16xi32>
    %swap3A_422 = vector.shape_cast %add3A_418 : vector<16xi32> to vector<16xi32>
    tpu.vector_store %arg12[%swap3A_419], %swap3A_422 {strides = array<i32>} : memref<128xi32, #tpu.memory_space<vmem>>, vector<16xi32>,
    %get3A_423 = arith.constant 0 : i32
    %get3A_424 = arith.index_cast %get3A_423 : i32 to index
    %get3A_425 = arith.constant 64 : index
    %get3A_426 = tpu.vector_load %arg7[%get3A_424, %get3A_425] {strides = array<i32>} : memref<160x128xi16, #tpu.memory_space<vmem>>, vector<32xi16>,
    %bitcast3A_427 = vector.bitcast %get3A_426 : vector<32xi16> to vector<16xi32>
    %and3A_428 = arith.constant 65535 : i32
    %and3A_429 = vector.broadcast %and3A_428 : i32 to vector<16xi32>
    %and3A_430 = arith.andi %bitcast3A_427, %and3A_429 : vector<16xi32>
    %add3A_431 = arith.constant 0 : i32
    %add3A_432 = vector.broadcast %add3A_431 : i32 to vector<16xi32>
    %add3A_433 = arith.addi %and3A_430, %add3A_432 : vector<16xi32>
    %swap3A_434 = arith.constant 64 : index
    %swap3A_435 = tpu.vector_load %arg12[%swap3A_434] {strides = array<i32>} : memref<128xi32, #tpu.memory_space<vmem>>, vector<16xi32>,
    %swap3A_436 = vector.shape_cast %swap3A_435 : vector<16xi32> to vector<16xi32>
    %swap3A_437 = vector.shape_cast %add3A_433 : vector<16xi32> to vector<16xi32>
    tpu.vector_store %arg12[%swap3A_434], %swap3A_437 {strides = array<i32>} : memref<128xi32, #tpu.memory_space<vmem>>, vector<16xi32>,
    %shift_right_arithmetic3A_438 = arith.constant 16 : i32
    %shift_right_arithmetic3A_439 = vector.broadcast %shift_right_arithmetic3A_438 : i32 to vector<16xi32>
    %shift_right_arithmetic3A_440 = arith.shrsi %bitcast3A_427, %shift_right_arithmetic3A_439 : vector<16xi32>
    %add3A_441 = arith.constant 0 : i32
    %add3A_442 = vector.broadcast %add3A_441 : i32 to vector<16xi32>
    %add3A_443 = arith.addi %shift_right_arithmetic3A_440, %add3A_442 : vector<16xi32>
    %swap3A_444 = arith.constant 80 : index
    %swap3A_445 = tpu.vector_load %arg12[%swap3A_444] {strides = array<i32>} : memref<128xi32, #tpu.memory_space<vmem>>, vector<16xi32>,
    %swap3A_446 = vector.shape_cast %swap3A_445 : vector<16xi32> to vector<16xi32>
    %swap3A_447 = vector.shape_cast %add3A_443 : vector<16xi32> to vector<16xi32>
    tpu.vector_store %arg12[%swap3A_444], %swap3A_447 {strides = array<i32>} : memref<128xi32, #tpu.memory_space<vmem>>, vector<16xi32>,
    %get3A_448 = arith.constant 0 : i32
    %get3A_449 = arith.index_cast %get3A_448 : i32 to index
    %get3A_450 = arith.constant 96 : index
    %get3A_451 = tpu.vector_load %arg7[%get3A_449, %get3A_450] {strides = array<i32>} : memref<160x128xi16, #tpu.memory_space<vmem>>, vector<32xi16>,
    %bitcast3A_452 = vector.bitcast %get3A_451 : vector<32xi16> to vector<16xi32>
    %and3A_453 = arith.constant 65535 : i32
    %and3A_454 = vector.broadcast %and3A_453 : i32 to vector<16xi32>
    %and3A_455 = arith.andi %bitcast3A_452, %and3A_454 : vector<16xi32>
    %add3A_456 = arith.constant 0 : i32
    %add3A_457 = vector.broadcast %add3A_456 : i32 to vector<16xi32>
    %add3A_458 = arith.addi %and3A_455, %add3A_457 : vector<16xi32>
    %swap3A_459 = arith.constant 96 : index
    %swap3A_460 = tpu.vector_load %arg12[%swap3A_459] {strides = array<i32>} : memref<128xi32, #tpu.memory_space<vmem>>, vector<16xi32>,
    %swap3A_461 = vector.shape_cast %swap3A_460 : vector<16xi32> to vector<16xi32>
    %swap3A_462 = vector.shape_cast %add3A_458 : vector<16xi32> to vector<16xi32>
    tpu.vector_store %arg12[%swap3A_459], %swap3A_462 {strides = array<i32>} : memref<128xi32, #tpu.memory_space<vmem>>, vector<16xi32>,
    %shift_right_arithmetic3A_463 = arith.constant 16 : i32
    %shift_right_arithmetic3A_464 = vector.broadcast %shift_right_arithmetic3A_463 : i32 to vector<16xi32>
    %shift_right_arithmetic3A_465 = arith.shrsi %bitcast3A_452, %shift_right_arithmetic3A_464 : vector<16xi32>
    %add3A_466 = arith.constant 0 : i32
    %add3A_467 = vector.broadcast %add3A_466 : i32 to vector<16xi32>
    %add3A_468 = arith.addi %shift_right_arithmetic3A_465, %add3A_467 : vector<16xi32>
    %swap3A_469 = arith.constant 112 : index
    %swap3A_470 = tpu.vector_load %arg12[%swap3A_469] {strides = array<i32>} : memref<128xi32, #tpu.memory_space<vmem>>, vector<16xi32>,
    %swap3A_471 = vector.shape_cast %swap3A_470 : vector<16xi32> to vector<16xi32>
    %swap3A_472 = vector.shape_cast %add3A_468 : vector<16xi32> to vector<16xi32>
    tpu.vector_store %arg12[%swap3A_469], %swap3A_472 {strides = array<i32>} : memref<128xi32, #tpu.memory_space<vmem>>, vector<16xi32>,
    %dma_start3A_473 = arith.constant 0 : i32
    %dma_start3A_474 = arith.constant 0 : i32
    %dma_start3A_475 = tpu.memref_slice %arg14[%dma_start3A_473, %dma_start3A_474] : memref<10240x64xf32, #tpu.memory_space<vmem_shared>> -> memref<10240x64xf32, #tpu.memory_space<vmem_shared>>
    tpu.enqueue_indirect_dma source(%arg8 : memref<128x64xf32, #tpu.memory_space<vmem>>) target(%dma_start3A_475 : memref<10240x64xf32, #tpu.memory_space<vmem_shared>>) offsets(%arg12 : memref<128xi32, #tpu.memory_space<vmem>>) semaphore(%arg18 : memref<!tpu.dma_semaphore, #tpu.memory_space<semaphore_mem>>) {add = true}
    %scan3A_476 = arith.constant 0 : i32
    %scan3A_477 = arith.constant 1 : i32
    %scan3A_478 = arith.constant 79 : i32
    %scan3A_479 = arith.addi %scan3A_477, %scan3A_478 : i32
    %scan3A_480 = arith.constant 1 : i32
    scf.for %scan3A_688 = %scan3A_477 to %scan3A_479 step %scan3A_480  : i32 {
      %dma_wait3A_689 = arith.constant 0 : i32
      %dma_wait3A_690 = arith.constant 0 : i32
      %dma_wait3A_691 = tpu.memref_slice %arg14[%dma_wait3A_689, %dma_wait3A_690] : memref<10240x64xf32, #tpu.memory_space<vmem_shared>> -> memref<10240x64xf32, #tpu.memory_space<vmem_shared>>
      tpu.wait_indirect_dma semaphore(%arg18 : memref<!tpu.dma_semaphore, #tpu.memory_space<semaphore_mem>>) src(%arg8 : memref<128x64xf32, #tpu.memory_space<vmem>>) dst(%dma_wait3A_691 : memref<10240x64xf32, #tpu.memory_space<vmem_shared>>)
      %mul3A_692 = arith.constant 2 : i32
      %mul3A_693 = arith.muli %mul3A_692, %scan3A_688 : i32
      %get3A_694 = arith.index_cast %mul3A_693 : i32 to index
      %get3A_695 = arith.constant 0 : index
      %get3A_696 = tpu.vector_load %arg6[%get3A_694, %get3A_695] {strides = array<i32>} : memref<160x128xi16, #tpu.memory_space<vmem>>, vector<32xi16>,
      %bitcast3A_697 = vector.bitcast %get3A_696 : vector<32xi16> to vector<16xi32>
      %and3A_698 = arith.constant 65535 : i32
      %and3A_699 = vector.broadcast %and3A_698 : i32 to vector<16xi32>
      %and3A_700 = arith.andi %bitcast3A_697, %and3A_699 : vector<16xi32>
      %add3A_701 = arith.constant 0 : i32
      %add3A_702 = vector.broadcast %add3A_701 : i32 to vector<16xi32>
      %add3A_703 = arith.addi %and3A_700, %add3A_702 : vector<16xi32>
      %swap3A_704 = arith.constant 0 : index
      %swap3A_705 = tpu.vector_load %arg10[%swap3A_704] {strides = array<i32>} : memref<128xi32, #tpu.memory_space<vmem>>, vector<16xi32>,
      %swap3A_706 = vector.shape_cast %swap3A_705 : vector<16xi32> to vector<16xi32>
      %swap3A_707 = vector.shape_cast %add3A_703 : vector<16xi32> to vector<16xi32>
      tpu.vector_store %arg10[%swap3A_704], %swap3A_707 {strides = array<i32>} : memref<128xi32, #tpu.memory_space<vmem>>, vector<16xi32>,
      %shift_right_arithmetic3A_708 = arith.constant 16 : i32
      %shift_right_arithmetic3A_709 = vector.broadcast %shift_right_arithmetic3A_708 : i32 to vector<16xi32>
      %shift_right_arithmetic3A_710 = arith.shrsi %bitcast3A_697, %shift_right_arithmetic3A_709 : vector<16xi32>
      %add3A_711 = arith.constant 0 : i32
      %add3A_712 = vector.broadcast %add3A_711 : i32 to vector<16xi32>
      %add3A_713 = arith.addi %shift_right_arithmetic3A_710, %add3A_712 : vector<16xi32>
      %swap3A_714 = arith.constant 16 : index
      %swap3A_715 = tpu.vector_load %arg10[%swap3A_714] {strides = array<i32>} : memref<128xi32, #tpu.memory_space<vmem>>, vector<16xi32>,
      %swap3A_716 = vector.shape_cast %swap3A_715 : vector<16xi32> to vector<16xi32>
      %swap3A_717 = vector.shape_cast %add3A_713 : vector<16xi32> to vector<16xi32>
      tpu.vector_store %arg10[%swap3A_714], %swap3A_717 {strides = array<i32>} : memref<128xi32, #tpu.memory_space<vmem>>, vector<16xi32>,
      %get3A_718 = arith.index_cast %mul3A_693 : i32 to index
      %get3A_719 = arith.constant 32 : index
      %get3A_720 = tpu.vector_load %arg6[%get3A_718, %get3A_719] {strides = array<i32>} : memref<160x128xi16, #tpu.memory_space<vmem>>, vector<32xi16>,
      %bitcast3A_721 = vector.bitcast %get3A_720 : vector<32xi16> to vector<16xi32>
      %and3A_722 = arith.constant 65535 : i32
      %and3A_723 = vector.broadcast %and3A_722 : i32 to vector<16xi32>
      %and3A_724 = arith.andi %bitcast3A_721, %and3A_723 : vector<16xi32>
      %add3A_725 = arith.constant 0 : i32
      %add3A_726 = vector.broadcast %add3A_725 : i32 to vector<16xi32>
      %add3A_727 = arith.addi %and3A_724, %add3A_726 : vector<16xi32>
      %swap3A_728 = arith.constant 32 : index
      %swap3A_729 = tpu.vector_load %arg10[%swap3A_728] {strides = array<i32>} : memref<128xi32, #tpu.memory_space<vmem>>, vector<16xi32>,
      %swap3A_730 = vector.shape_cast %swap3A_729 : vector<16xi32> to vector<16xi32>
      %swap3A_731 = vector.shape_cast %add3A_727 : vector<16xi32> to vector<16xi32>
      tpu.vector_store %arg10[%swap3A_728], %swap3A_731 {strides = array<i32>} : memref<128xi32, #tpu.memory_space<vmem>>, vector<16xi32>,
      %shift_right_arithmetic3A_732 = arith.constant 16 : i32
      %shift_right_arithmetic3A_733 = vector.broadcast %shift_right_arithmetic3A_732 : i32 to vector<16xi32>
      %shift_right_arithmetic3A_734 = arith.shrsi %bitcast3A_721, %shift_right_arithmetic3A_733 : vector<16xi32>
      %add3A_735 = arith.constant 0 : i32
      %add3A_736 = vector.broadcast %add3A_735 : i32 to vector<16xi32>
      %add3A_737 = arith.addi %shift_right_arithmetic3A_734, %add3A_736 : vector<16xi32>
      %swap3A_738 = arith.constant 48 : index
      %swap3A_739 = tpu.vector_load %arg10[%swap3A_738] {strides = array<i32>} : memref<128xi32, #tpu.memory_space<vmem>>, vector<16xi32>,
      %swap3A_740 = vector.shape_cast %swap3A_739 : vector<16xi32> to vector<16xi32>
      %swap3A_741 = vector.shape_cast %add3A_737 : vector<16xi32> to vector<16xi32>
      tpu.vector_store %arg10[%swap3A_738], %swap3A_741 {strides = array<i32>} : memref<128xi32, #tpu.memory_space<vmem>>, vector<16xi32>,
      %get3A_742 = arith.index_cast %mul3A_693 : i32 to index
      %get3A_743 = arith.constant 64 : index
      %get3A_744 = tpu.vector_load %arg6[%get3A_742, %get3A_743] {strides = array<i32>} : memref<160x128xi16, #tpu.memory_space<vmem>>, vector<32xi16>,
      %bitcast3A_745 = vector.bitcast %get3A_744 : vector<32xi16> to vector<16xi32>
      %and3A_746 = arith.constant 65535 : i32
      %and3A_747 = vector.broadcast %and3A_746 : i32 to vector<16xi32>
      %and3A_748 = arith.andi %bitcast3A_745, %and3A_747 : vector<16xi32>
      %add3A_749 = arith.constant 0 : i32
      %add3A_750 = vector.broadcast %add3A_749 : i32 to vector<16xi32>
      %add3A_751 = arith.addi %and3A_748, %add3A_750 : vector<16xi32>
      %swap3A_752 = arith.constant 64 : index
      %swap3A_753 = tpu.vector_load %arg10[%swap3A_752] {strides = array<i32>} : memref<128xi32, #tpu.memory_space<vmem>>, vector<16xi32>,
      %swap3A_754 = vector.shape_cast %swap3A_753 : vector<16xi32> to vector<16xi32>
      %swap3A_755 = vector.shape_cast %add3A_751 : vector<16xi32> to vector<16xi32>
      tpu.vector_store %arg10[%swap3A_752], %swap3A_755 {strides = array<i32>} : memref<128xi32, #tpu.memory_space<vmem>>, vector<16xi32>,
      %shift_right_arithmetic3A_756 = arith.constant 16 : i32
      %shift_right_arithmetic3A_757 = vector.broadcast %shift_right_arithmetic3A_756 : i32 to vector<16xi32>
      %shift_right_arithmetic3A_758 = arith.shrsi %bitcast3A_745, %shift_right_arithmetic3A_757 : vector<16xi32>
      %add3A_759 = arith.constant 0 : i32
      %add3A_760 = vector.broadcast %add3A_759 : i32 to vector<16xi32>
      %add3A_761 = arith.addi %shift_right_arithmetic3A_758, %add3A_760 : vector<16xi32>
      %swap3A_762 = arith.constant 80 : index
      %swap3A_763 = tpu.vector_load %arg10[%swap3A_762] {strides = array<i32>} : memref<128xi32, #tpu.memory_space<vmem>>, vector<16xi32>,
      %swap3A_764 = vector.shape_cast %swap3A_763 : vector<16xi32> to vector<16xi32>
      %swap3A_765 = vector.shape_cast %add3A_761 : vector<16xi32> to vector<16xi32>
      tpu.vector_store %arg10[%swap3A_762], %swap3A_765 {strides = array<i32>} : memref<128xi32, #tpu.memory_space<vmem>>, vector<16xi32>,
      %get3A_766 = arith.index_cast %mul3A_693 : i32 to index
      %get3A_767 = arith.constant 96 : index
      %get3A_768 = tpu.vector_load %arg6[%get3A_766, %get3A_767] {strides = array<i32>} : memref<160x128xi16, #tpu.memory_space<vmem>>, vector<32xi16>,
      %bitcast3A_769 = vector.bitcast %get3A_768 : vector<32xi16> to vector<16xi32>
      %and3A_770 = arith.constant 65535 : i32
      %and3A_771 = vector.broadcast %and3A_770 : i32 to vector<16xi32>
      %and3A_772 = arith.andi %bitcast3A_769, %and3A_771 : vector<16xi32>
      %add3A_773 = arith.constant 0 : i32
      %add3A_774 = vector.broadcast %add3A_773 : i32 to vector<16xi32>
      %add3A_775 = arith.addi %and3A_772, %add3A_774 : vector<16xi32>
      %swap3A_776 = arith.constant 96 : index
      %swap3A_777 = tpu.vector_load %arg10[%swap3A_776] {strides = array<i32>} : memref<128xi32, #tpu.memory_space<vmem>>, vector<16xi32>,
      %swap3A_778 = vector.shape_cast %swap3A_777 : vector<16xi32> to vector<16xi32>
      %swap3A_779 = vector.shape_cast %add3A_775 : vector<16xi32> to vector<16xi32>
      tpu.vector_store %arg10[%swap3A_776], %swap3A_779 {strides = array<i32>} : memref<128xi32, #tpu.memory_space<vmem>>, vector<16xi32>,
      %shift_right_arithmetic3A_780 = arith.constant 16 : i32
      %shift_right_arithmetic3A_781 = vector.broadcast %shift_right_arithmetic3A_780 : i32 to vector<16xi32>
      %shift_right_arithmetic3A_782 = arith.shrsi %bitcast3A_769, %shift_right_arithmetic3A_781 : vector<16xi32>
      %add3A_783 = arith.constant 0 : i32
      %add3A_784 = vector.broadcast %add3A_783 : i32 to vector<16xi32>
      %add3A_785 = arith.addi %shift_right_arithmetic3A_782, %add3A_784 : vector<16xi32>
      %swap3A_786 = arith.constant 112 : index
      %swap3A_787 = tpu.vector_load %arg10[%swap3A_786] {strides = array<i32>} : memref<128xi32, #tpu.memory_space<vmem>>, vector<16xi32>,
      %swap3A_788 = vector.shape_cast %swap3A_787 : vector<16xi32> to vector<16xi32>
      %swap3A_789 = vector.shape_cast %add3A_785 : vector<16xi32> to vector<16xi32>
      tpu.vector_store %arg10[%swap3A_786], %swap3A_789 {strides = array<i32>} : memref<128xi32, #tpu.memory_space<vmem>>, vector<16xi32>,
      %dma_start3A_790 = arith.constant 0 : i32
      %dma_start3A_791 = arith.constant 0 : i32
      %dma_start3A_792 = tpu.memref_slice %arg15[%dma_start3A_790, %dma_start3A_791] : memref<10240x64xf32, #tpu.memory_space<vmem_shared>> -> memref<10240x64xf32, #tpu.memory_space<vmem_shared>>
      tpu.enqueue_indirect_dma source(%dma_start3A_792 : memref<10240x64xf32, #tpu.memory_space<vmem_shared>>) target(%arg8 : memref<128x64xf32, #tpu.memory_space<vmem>>) offsets(%arg10 : memref<128xi32, #tpu.memory_space<vmem>>) semaphore(%arg16 : memref<!tpu.dma_semaphore, #tpu.memory_space<semaphore_mem>>)
      %dma_wait3A_793 = arith.constant 0 : i32
      %dma_wait3A_794 = arith.constant 0 : i32
      %dma_wait3A_795 = tpu.memref_slice %arg15[%dma_wait3A_793, %dma_wait3A_794] : memref<10240x64xf32, #tpu.memory_space<vmem_shared>> -> memref<10240x64xf32, #tpu.memory_space<vmem_shared>>
      tpu.wait_indirect_dma semaphore(%arg17 : memref<!tpu.dma_semaphore, #tpu.memory_space<semaphore_mem>>) src(%dma_wait3A_795 : memref<10240x64xf32, #tpu.memory_space<vmem_shared>>) dst(%arg9 : memref<128x64xf32, #tpu.memory_space<vmem>>)
      %mul3A_796 = arith.constant 2 : i32
      %mul3A_797 = arith.muli %mul3A_796, %scan3A_688 : i32
      %sub3A_798 = arith.constant 1 : i32
      %sub3A_799 = arith.subi %mul3A_797, %sub3A_798 : i32
      %get3A_800 = arith.index_cast %sub3A_799 : i32 to index
      %get3A_801 = arith.constant 0 : index
      %get3A_802 = tpu.vector_load %arg7[%get3A_800, %get3A_801] {strides = array<i32>} : memref<160x128xi16, #tpu.memory_space<vmem>>, vector<32xi16>,
      %bitcast3A_803 = vector.bitcast %get3A_802 : vector<32xi16> to vector<16xi32>
      %and3A_804 = arith.constant 65535 : i32
      %and3A_805 = vector.broadcast %and3A_804 : i32 to vector<16xi32>
      %and3A_806 = arith.andi %bitcast3A_803, %and3A_805 : vector<16xi32>
      %add3A_807 = arith.constant 0 : i32
      %add3A_808 = vector.broadcast %add3A_807 : i32 to vector<16xi32>
      %add3A_809 = arith.addi %and3A_806, %add3A_808 : vector<16xi32>
      %swap3A_810 = arith.constant 0 : index
      %swap3A_811 = tpu.vector_load %arg13[%swap3A_810] {strides = array<i32>} : memref<128xi32, #tpu.memory_space<vmem>>, vector<16xi32>,
      %swap3A_812 = vector.shape_cast %swap3A_811 : vector<16xi32> to vector<16xi32>
      %swap3A_813 = vector.shape_cast %add3A_809 : vector<16xi32> to vector<16xi32>
      tpu.vector_store %arg13[%swap3A_810], %swap3A_813 {strides = array<i32>} : memref<128xi32, #tpu.memory_space<vmem>>, vector<16xi32>,
      %shift_right_arithmetic3A_814 = arith.constant 16 : i32
      %shift_right_arithmetic3A_815 = vector.broadcast %shift_right_arithmetic3A_814 : i32 to vector<16xi32>
      %shift_right_arithmetic3A_816 = arith.shrsi %bitcast3A_803, %shift_right_arithmetic3A_815 : vector<16xi32>
      %add3A_817 = arith.constant 0 : i32
      %add3A_818 = vector.broadcast %add3A_817 : i32 to vector<16xi32>
      %add3A_819 = arith.addi %shift_right_arithmetic3A_816, %add3A_818 : vector<16xi32>
      %swap3A_820 = arith.constant 16 : index
      %swap3A_821 = tpu.vector_load %arg13[%swap3A_820] {strides = array<i32>} : memref<128xi32, #tpu.memory_space<vmem>>, vector<16xi32>,
      %swap3A_822 = vector.shape_cast %swap3A_821 : vector<16xi32> to vector<16xi32>
      %swap3A_823 = vector.shape_cast %add3A_819 : vector<16xi32> to vector<16xi32>
      tpu.vector_store %arg13[%swap3A_820], %swap3A_823 {strides = array<i32>} : memref<128xi32, #tpu.memory_space<vmem>>, vector<16xi32>,
      %get3A_824 = arith.index_cast %sub3A_799 : i32 to index
      %get3A_825 = arith.constant 32 : index
      %get3A_826 = tpu.vector_load %arg7[%get3A_824, %get3A_825] {strides = array<i32>} : memref<160x128xi16, #tpu.memory_space<vmem>>, vector<32xi16>,
      %bitcast3A_827 = vector.bitcast %get3A_826 : vector<32xi16> to vector<16xi32>
      %and3A_828 = arith.constant 65535 : i32
      %and3A_829 = vector.broadcast %and3A_828 : i32 to vector<16xi32>
      %and3A_830 = arith.andi %bitcast3A_827, %and3A_829 : vector<16xi32>
      %add3A_831 = arith.constant 0 : i32
      %add3A_832 = vector.broadcast %add3A_831 : i32 to vector<16xi32>
      %add3A_833 = arith.addi %and3A_830, %add3A_832 : vector<16xi32>
      %swap3A_834 = arith.constant 32 : index
      %swap3A_835 = tpu.vector_load %arg13[%swap3A_834] {strides = array<i32>} : memref<128xi32, #tpu.memory_space<vmem>>, vector<16xi32>,
      %swap3A_836 = vector.shape_cast %swap3A_835 : vector<16xi32> to vector<16xi32>
      %swap3A_837 = vector.shape_cast %add3A_833 : vector<16xi32> to vector<16xi32>
      tpu.vector_store %arg13[%swap3A_834], %swap3A_837 {strides = array<i32>} : memref<128xi32, #tpu.memory_space<vmem>>, vector<16xi32>,
      %shift_right_arithmetic3A_838 = arith.constant 16 : i32
      %shift_right_arithmetic3A_839 = vector.broadcast %shift_right_arithmetic3A_838 : i32 to vector<16xi32>
      %shift_right_arithmetic3A_840 = arith.shrsi %bitcast3A_827, %shift_right_arithmetic3A_839 : vector<16xi32>
      %add3A_841 = arith.constant 0 : i32
      %add3A_842 = vector.broadcast %add3A_841 : i32 to vector<16xi32>
      %add3A_843 = arith.addi %shift_right_arithmetic3A_840, %add3A_842 : vector<16xi32>
      %swap3A_844 = arith.constant 48 : index
      %swap3A_845 = tpu.vector_load %arg13[%swap3A_844] {strides = array<i32>} : memref<128xi32, #tpu.memory_space<vmem>>, vector<16xi32>,
      %swap3A_846 = vector.shape_cast %swap3A_845 : vector<16xi32> to vector<16xi32>
      %swap3A_847 = vector.shape_cast %add3A_843 : vector<16xi32> to vector<16xi32>
      tpu.vector_store %arg13[%swap3A_844], %swap3A_847 {strides = array<i32>} : memref<128xi32, #tpu.memory_space<vmem>>, vector<16xi32>,
      %get3A_848 = arith.index_cast %sub3A_799 : i32 to index
      %get3A_849 = arith.constant 64 : index
      %get3A_850 = tpu.vector_load %arg7[%get3A_848, %get3A_849] {strides = array<i32>} : memref<160x128xi16, #tpu.memory_space<vmem>>, vector<32xi16>,
      %bitcast3A_851 = vector.bitcast %get3A_850 : vector<32xi16> to vector<16xi32>
      %and3A_852 = arith.constant 65535 : i32
      %and3A_853 = vector.broadcast %and3A_852 : i32 to vector<16xi32>
      %and3A_854 = arith.andi %bitcast3A_851, %and3A_853 : vector<16xi32>
      %add3A_855 = arith.constant 0 : i32
      %add3A_856 = vector.broadcast %add3A_855 : i32 to vector<16xi32>
      %add3A_857 = arith.addi %and3A_854, %add3A_856 : vector<16xi32>
      %swap3A_858 = arith.constant 64 : index
      %swap3A_859 = tpu.vector_load %arg13[%swap3A_858] {strides = array<i32>} : memref<128xi32, #tpu.memory_space<vmem>>, vector<16xi32>,
      %swap3A_860 = vector.shape_cast %swap3A_859 : vector<16xi32> to vector<16xi32>
      %swap3A_861 = vector.shape_cast %add3A_857 : vector<16xi32> to vector<16xi32>
      tpu.vector_store %arg13[%swap3A_858], %swap3A_861 {strides = array<i32>} : memref<128xi32, #tpu.memory_space<vmem>>, vector<16xi32>,
      %shift_right_arithmetic3A_862 = arith.constant 16 : i32
      %shift_right_arithmetic3A_863 = vector.broadcast %shift_right_arithmetic3A_862 : i32 to vector<16xi32>
      %shift_right_arithmetic3A_864 = arith.shrsi %bitcast3A_851, %shift_right_arithmetic3A_863 : vector<16xi32>
      %add3A_865 = arith.constant 0 : i32
      %add3A_866 = vector.broadcast %add3A_865 : i32 to vector<16xi32>
      %add3A_867 = arith.addi %shift_right_arithmetic3A_864, %add3A_866 : vector<16xi32>
      %swap3A_868 = arith.constant 80 : index
      %swap3A_869 = tpu.vector_load %arg13[%swap3A_868] {strides = array<i32>} : memref<128xi32, #tpu.memory_space<vmem>>, vector<16xi32>,
      %swap3A_870 = vector.shape_cast %swap3A_869 : vector<16xi32> to vector<16xi32>
      %swap3A_871 = vector.shape_cast %add3A_867 : vector<16xi32> to vector<16xi32>
      tpu.vector_store %arg13[%swap3A_868], %swap3A_871 {strides = array<i32>} : memref<128xi32, #tpu.memory_space<vmem>>, vector<16xi32>,
      %get3A_872 = arith.index_cast %sub3A_799 : i32 to index
      %get3A_873 = arith.constant 96 : index
      %get3A_874 = tpu.vector_load %arg7[%get3A_872, %get3A_873] {strides = array<i32>} : memref<160x128xi16, #tpu.memory_space<vmem>>, vector<32xi16>,
      %bitcast3A_875 = vector.bitcast %get3A_874 : vector<32xi16> to vector<16xi32>
      %and3A_876 = arith.constant 65535 : i32
      %and3A_877 = vector.broadcast %and3A_876 : i32 to vector<16xi32>
      %and3A_878 = arith.andi %bitcast3A_875, %and3A_877 : vector<16xi32>
      %add3A_879 = arith.constant 0 : i32
      %add3A_880 = vector.broadcast %add3A_879 : i32 to vector<16xi32>
      %add3A_881 = arith.addi %and3A_878, %add3A_880 : vector<16xi32>
      %swap3A_882 = arith.constant 96 : index
      %swap3A_883 = tpu.vector_load %arg13[%swap3A_882] {strides = array<i32>} : memref<128xi32, #tpu.memory_space<vmem>>, vector<16xi32>,
      %swap3A_884 = vector.shape_cast %swap3A_883 : vector<16xi32> to vector<16xi32>
      %swap3A_885 = vector.shape_cast %add3A_881 : vector<16xi32> to vector<16xi32>
      tpu.vector_store %arg13[%swap3A_882], %swap3A_885 {strides = array<i32>} : memref<128xi32, #tpu.memory_space<vmem>>, vector<16xi32>,
      %shift_right_arithmetic3A_886 = arith.constant 16 : i32
      %shift_right_arithmetic3A_887 = vector.broadcast %shift_right_arithmetic3A_886 : i32 to vector<16xi32>
      %shift_right_arithmetic3A_888 = arith.shrsi %bitcast3A_875, %shift_right_arithmetic3A_887 : vector<16xi32>
      %add3A_889 = arith.constant 0 : i32
      %add3A_890 = vector.broadcast %add3A_889 : i32 to vector<16xi32>
      %add3A_891 = arith.addi %shift_right_arithmetic3A_888, %add3A_890 : vector<16xi32>
      %swap3A_892 = arith.constant 112 : index
      %swap3A_893 = tpu.vector_load %arg13[%swap3A_892] {strides = array<i32>} : memref<128xi32, #tpu.memory_space<vmem>>, vector<16xi32>,
      %swap3A_894 = vector.shape_cast %swap3A_893 : vector<16xi32> to vector<16xi32>
      %swap3A_895 = vector.shape_cast %add3A_891 : vector<16xi32> to vector<16xi32>
      tpu.vector_store %arg13[%swap3A_892], %swap3A_895 {strides = array<i32>} : memref<128xi32, #tpu.memory_space<vmem>>, vector<16xi32>,
      %dma_start3A_896 = arith.constant 0 : i32
      %dma_start3A_897 = arith.constant 0 : i32
      %dma_start3A_898 = tpu.memref_slice %arg14[%dma_start3A_896, %dma_start3A_897] : memref<10240x64xf32, #tpu.memory_space<vmem_shared>> -> memref<10240x64xf32, #tpu.memory_space<vmem_shared>>
      tpu.enqueue_indirect_dma source(%arg9 : memref<128x64xf32, #tpu.memory_space<vmem>>) target(%dma_start3A_898 : memref<10240x64xf32, #tpu.memory_space<vmem_shared>>) offsets(%arg13 : memref<128xi32, #tpu.memory_space<vmem>>) semaphore(%arg19 : memref<!tpu.dma_semaphore, #tpu.memory_space<semaphore_mem>>) {add = true}
      %dma_wait3A_899 = arith.constant 0 : i32
      %dma_wait3A_900 = arith.constant 0 : i32
      %dma_wait3A_901 = tpu.memref_slice %arg14[%dma_wait3A_899, %dma_wait3A_900] : memref<10240x64xf32, #tpu.memory_space<vmem_shared>> -> memref<10240x64xf32, #tpu.memory_space<vmem_shared>>
      tpu.wait_indirect_dma semaphore(%arg19 : memref<!tpu.dma_semaphore, #tpu.memory_space<semaphore_mem>>) src(%arg9 : memref<128x64xf32, #tpu.memory_space<vmem>>) dst(%dma_wait3A_901 : memref<10240x64xf32, #tpu.memory_space<vmem_shared>>)
      %mul3A_902 = arith.constant 2 : i32
      %mul3A_903 = arith.muli %mul3A_902, %scan3A_688 : i32
      %add3A_904 = arith.constant 1 : i32
      %add3A_905 = arith.addi %mul3A_903, %add3A_904 : i32
      %get3A_906 = arith.index_cast %add3A_905 : i32 to index
      %get3A_907 = arith.constant 0 : index
      %get3A_908 = tpu.vector_load %arg6[%get3A_906, %get3A_907] {strides = array<i32>} : memref<160x128xi16, #tpu.memory_space<vmem>>, vector<32xi16>,
      %bitcast3A_909 = vector.bitcast %get3A_908 : vector<32xi16> to vector<16xi32>
      %and3A_910 = arith.constant 65535 : i32
      %and3A_911 = vector.broadcast %and3A_910 : i32 to vector<16xi32>
      %and3A_912 = arith.andi %bitcast3A_909, %and3A_911 : vector<16xi32>
      %add3A_913 = arith.constant 0 : i32
      %add3A_914 = vector.broadcast %add3A_913 : i32 to vector<16xi32>
      %add3A_915 = arith.addi %and3A_912, %add3A_914 : vector<16xi32>
      %swap3A_916 = arith.constant 0 : index
      %swap3A_917 = tpu.vector_load %arg11[%swap3A_916] {strides = array<i32>} : memref<128xi32, #tpu.memory_space<vmem>>, vector<16xi32>,
      %swap3A_918 = vector.shape_cast %swap3A_917 : vector<16xi32> to vector<16xi32>
      %swap3A_919 = vector.shape_cast %add3A_915 : vector<16xi32> to vector<16xi32>
      tpu.vector_store %arg11[%swap3A_916], %swap3A_919 {strides = array<i32>} : memref<128xi32, #tpu.memory_space<vmem>>, vector<16xi32>,
      %shift_right_arithmetic3A_920 = arith.constant 16 : i32
      %shift_right_arithmetic3A_921 = vector.broadcast %shift_right_arithmetic3A_920 : i32 to vector<16xi32>
      %shift_right_arithmetic3A_922 = arith.shrsi %bitcast3A_909, %shift_right_arithmetic3A_921 : vector<16xi32>
      %add3A_923 = arith.constant 0 : i32
      %add3A_924 = vector.broadcast %add3A_923 : i32 to vector<16xi32>
      %add3A_925 = arith.addi %shift_right_arithmetic3A_922, %add3A_924 : vector<16xi32>
      %swap3A_926 = arith.constant 16 : index
      %swap3A_927 = tpu.vector_load %arg11[%swap3A_926] {strides = array<i32>} : memref<128xi32, #tpu.memory_space<vmem>>, vector<16xi32>,
      %swap3A_928 = vector.shape_cast %swap3A_927 : vector<16xi32> to vector<16xi32>
      %swap3A_929 = vector.shape_cast %add3A_925 : vector<16xi32> to vector<16xi32>
      tpu.vector_store %arg11[%swap3A_926], %swap3A_929 {strides = array<i32>} : memref<128xi32, #tpu.memory_space<vmem>>, vector<16xi32>,
      %get3A_930 = arith.index_cast %add3A_905 : i32 to index
      %get3A_931 = arith.constant 32 : index
      %get3A_932 = tpu.vector_load %arg6[%get3A_930, %get3A_931] {strides = array<i32>} : memref<160x128xi16, #tpu.memory_space<vmem>>, vector<32xi16>,
      %bitcast3A_933 = vector.bitcast %get3A_932 : vector<32xi16> to vector<16xi32>
      %and3A_934 = arith.constant 65535 : i32
      %and3A_935 = vector.broadcast %and3A_934 : i32 to vector<16xi32>
      %and3A_936 = arith.andi %bitcast3A_933, %and3A_935 : vector<16xi32>
      %add3A_937 = arith.constant 0 : i32
      %add3A_938 = vector.broadcast %add3A_937 : i32 to vector<16xi32>
      %add3A_939 = arith.addi %and3A_936, %add3A_938 : vector<16xi32>
      %swap3A_940 = arith.constant 32 : index
      %swap3A_941 = tpu.vector_load %arg11[%swap3A_940] {strides = array<i32>} : memref<128xi32, #tpu.memory_space<vmem>>, vector<16xi32>,
      %swap3A_942 = vector.shape_cast %swap3A_941 : vector<16xi32> to vector<16xi32>
      %swap3A_943 = vector.shape_cast %add3A_939 : vector<16xi32> to vector<16xi32>
      tpu.vector_store %arg11[%swap3A_940], %swap3A_943 {strides = array<i32>} : memref<128xi32, #tpu.memory_space<vmem>>, vector<16xi32>,
      %shift_right_arithmetic3A_944 = arith.constant 16 : i32
      %shift_right_arithmetic3A_945 = vector.broadcast %shift_right_arithmetic3A_944 : i32 to vector<16xi32>
      %shift_right_arithmetic3A_946 = arith.shrsi %bitcast3A_933, %shift_right_arithmetic3A_945 : vector<16xi32>
      %add3A_947 = arith.constant 0 : i32
      %add3A_948 = vector.broadcast %add3A_947 : i32 to vector<16xi32>
      %add3A_949 = arith.addi %shift_right_arithmetic3A_946, %add3A_948 : vector<16xi32>
      %swap3A_950 = arith.constant 48 : index
      %swap3A_951 = tpu.vector_load %arg11[%swap3A_950] {strides = array<i32>} : memref<128xi32, #tpu.memory_space<vmem>>, vector<16xi32>,
      %swap3A_952 = vector.shape_cast %swap3A_951 : vector<16xi32> to vector<16xi32>
      %swap3A_953 = vector.shape_cast %add3A_949 : vector<16xi32> to vector<16xi32>
      tpu.vector_store %arg11[%swap3A_950], %swap3A_953 {strides = array<i32>} : memref<128xi32, #tpu.memory_space<vmem>>, vector<16xi32>,
      %get3A_954 = arith.index_cast %add3A_905 : i32 to index
      %get3A_955 = arith.constant 64 : index
      %get3A_956 = tpu.vector_load %arg6[%get3A_954, %get3A_955] {strides = array<i32>} : memref<160x128xi16, #tpu.memory_space<vmem>>, vector<32xi16>,
      %bitcast3A_957 = vector.bitcast %get3A_956 : vector<32xi16> to vector<16xi32>
      %and3A_958 = arith.constant 65535 : i32
      %and3A_959 = vector.broadcast %and3A_958 : i32 to vector<16xi32>
      %and3A_960 = arith.andi %bitcast3A_957, %and3A_959 : vector<16xi32>
      %add3A_961 = arith.constant 0 : i32
      %add3A_962 = vector.broadcast %add3A_961 : i32 to vector<16xi32>
      %add3A_963 = arith.addi %and3A_960, %add3A_962 : vector<16xi32>
      %swap3A_964 = arith.constant 64 : index
      %swap3A_965 = tpu.vector_load %arg11[%swap3A_964] {strides = array<i32>} : memref<128xi32, #tpu.memory_space<vmem>>, vector<16xi32>,
      %swap3A_966 = vector.shape_cast %swap3A_965 : vector<16xi32> to vector<16xi32>
      %swap3A_967 = vector.shape_cast %add3A_963 : vector<16xi32> to vector<16xi32>
      tpu.vector_store %arg11[%swap3A_964], %swap3A_967 {strides = array<i32>} : memref<128xi32, #tpu.memory_space<vmem>>, vector<16xi32>,
      %shift_right_arithmetic3A_968 = arith.constant 16 : i32
      %shift_right_arithmetic3A_969 = vector.broadcast %shift_right_arithmetic3A_968 : i32 to vector<16xi32>
      %shift_right_arithmetic3A_970 = arith.shrsi %bitcast3A_957, %shift_right_arithmetic3A_969 : vector<16xi32>
      %add3A_971 = arith.constant 0 : i32
      %add3A_972 = vector.broadcast %add3A_971 : i32 to vector<16xi32>
      %add3A_973 = arith.addi %shift_right_arithmetic3A_970, %add3A_972 : vector<16xi32>
      %swap3A_974 = arith.constant 80 : index
      %swap3A_975 = tpu.vector_load %arg11[%swap3A_974] {strides = array<i32>} : memref<128xi32, #tpu.memory_space<vmem>>, vector<16xi32>,
      %swap3A_976 = vector.shape_cast %swap3A_975 : vector<16xi32> to vector<16xi32>
      %swap3A_977 = vector.shape_cast %add3A_973 : vector<16xi32> to vector<16xi32>
      tpu.vector_store %arg11[%swap3A_974], %swap3A_977 {strides = array<i32>} : memref<128xi32, #tpu.memory_space<vmem>>, vector<16xi32>,
      %get3A_978 = arith.index_cast %add3A_905 : i32 to index
      %get3A_979 = arith.constant 96 : index
      %get3A_980 = tpu.vector_load %arg6[%get3A_978, %get3A_979] {strides = array<i32>} : memref<160x128xi16, #tpu.memory_space<vmem>>, vector<32xi16>,
      %bitcast3A_981 = vector.bitcast %get3A_980 : vector<32xi16> to vector<16xi32>
      %and3A_982 = arith.constant 65535 : i32
      %and3A_983 = vector.broadcast %and3A_982 : i32 to vector<16xi32>
      %and3A_984 = arith.andi %bitcast3A_981, %and3A_983 : vector<16xi32>
      %add3A_985 = arith.constant 0 : i32
      %add3A_986 = vector.broadcast %add3A_985 : i32 to vector<16xi32>
      %add3A_987 = arith.addi %and3A_984, %add3A_986 : vector<16xi32>
      %swap3A_988 = arith.constant 96 : index
      %swap3A_989 = tpu.vector_load %arg11[%swap3A_988] {strides = array<i32>} : memref<128xi32, #tpu.memory_space<vmem>>, vector<16xi32>,
      %swap3A_990 = vector.shape_cast %swap3A_989 : vector<16xi32> to vector<16xi32>
      %swap3A_991 = vector.shape_cast %add3A_987 : vector<16xi32> to vector<16xi32>
      tpu.vector_store %arg11[%swap3A_988], %swap3A_991 {strides = array<i32>} : memref<128xi32, #tpu.memory_space<vmem>>, vector<16xi32>,
      %shift_right_arithmetic3A_992 = arith.constant 16 : i32
      %shift_right_arithmetic3A_993 = vector.broadcast %shift_right_arithmetic3A_992 : i32 to vector<16xi32>
      %shift_right_arithmetic3A_994 = arith.shrsi %bitcast3A_981, %shift_right_arithmetic3A_993 : vector<16xi32>
      %add3A_995 = arith.constant 0 : i32
      %add3A_996 = vector.broadcast %add3A_995 : i32 to vector<16xi32>
      %add3A_997 = arith.addi %shift_right_arithmetic3A_994, %add3A_996 : vector<16xi32>
      %swap3A_998 = arith.constant 112 : index
      %swap3A_999 = tpu.vector_load %arg11[%swap3A_998] {strides = array<i32>} : memref<128xi32, #tpu.memory_space<vmem>>, vector<16xi32>,
      %swap3A_1000 = vector.shape_cast %swap3A_999 : vector<16xi32> to vector<16xi32>
      %swap3A_1001 = vector.shape_cast %add3A_997 : vector<16xi32> to vector<16xi32>
      tpu.vector_store %arg11[%swap3A_998], %swap3A_1001 {strides = array<i32>} : memref<128xi32, #tpu.memory_space<vmem>>, vector<16xi32>,
      %dma_start3A_1002 = arith.constant 0 : i32
      %dma_start3A_1003 = arith.constant 0 : i32
      %dma_start3A_1004 = tpu.memref_slice %arg15[%dma_start3A_1002, %dma_start3A_1003] : memref<10240x64xf32, #tpu.memory_space<vmem_shared>> -> memref<10240x64xf32, #tpu.memory_space<vmem_shared>>
      tpu.enqueue_indirect_dma source(%dma_start3A_1004 : memref<10240x64xf32, #tpu.memory_space<vmem_shared>>) target(%arg9 : memref<128x64xf32, #tpu.memory_space<vmem>>) offsets(%arg11 : memref<128xi32, #tpu.memory_space<vmem>>) semaphore(%arg17 : memref<!tpu.dma_semaphore, #tpu.memory_space<semaphore_mem>>)
      %dma_wait3A_1005 = arith.constant 0 : i32
      %dma_wait3A_1006 = arith.constant 0 : i32
      %dma_wait3A_1007 = tpu.memref_slice %arg15[%dma_wait3A_1005, %dma_wait3A_1006] : memref<10240x64xf32, #tpu.memory_space<vmem_shared>> -> memref<10240x64xf32, #tpu.memory_space<vmem_shared>>
      tpu.wait_indirect_dma semaphore(%arg16 : memref<!tpu.dma_semaphore, #tpu.memory_space<semaphore_mem>>) src(%dma_wait3A_1007 : memref<10240x64xf32, #tpu.memory_space<vmem_shared>>) dst(%arg8 : memref<128x64xf32, #tpu.memory_space<vmem>>)
      %mul3A_1008 = arith.constant 2 : i32
      %mul3A_1009 = arith.muli %mul3A_1008, %scan3A_688 : i32
      %get3A_1010 = arith.index_cast %mul3A_1009 : i32 to index
      %get3A_1011 = arith.constant 0 : index
      %get3A_1012 = tpu.vector_load %arg7[%get3A_1010, %get3A_1011] {strides = array<i32>} : memref<160x128xi16, #tpu.memory_space<vmem>>, vector<32xi16>,
      %bitcast3A_1013 = vector.bitcast %get3A_1012 : vector<32xi16> to vector<16xi32>
      %and3A_1014 = arith.constant 65535 : i32
      %and3A_1015 = vector.broadcast %and3A_1014 : i32 to vector<16xi32>
      %and3A_1016 = arith.andi %bitcast3A_1013, %and3A_1015 : vector<16xi32>
      %add3A_1017 = arith.constant 0 : i32
      %add3A_1018 = vector.broadcast %add3A_1017 : i32 to vector<16xi32>
      %add3A_1019 = arith.addi %and3A_1016, %add3A_1018 : vector<16xi32>
      %swap3A_1020 = arith.constant 0 : index
      %swap3A_1021 = tpu.vector_load %arg12[%swap3A_1020] {strides = array<i32>} : memref<128xi32, #tpu.memory_space<vmem>>, vector<16xi32>,
      %swap3A_1022 = vector.shape_cast %swap3A_1021 : vector<16xi32> to vector<16xi32>
      %swap3A_1023 = vector.shape_cast %add3A_1019 : vector<16xi32> to vector<16xi32>
      tpu.vector_store %arg12[%swap3A_1020], %swap3A_1023 {strides = array<i32>} : memref<128xi32, #tpu.memory_space<vmem>>, vector<16xi32>,
      %shift_right_arithmetic3A_1024 = arith.constant 16 : i32
      %shift_right_arithmetic3A_1025 = vector.broadcast %shift_right_arithmetic3A_1024 : i32 to vector<16xi32>
      %shift_right_arithmetic3A_1026 = arith.shrsi %bitcast3A_1013, %shift_right_arithmetic3A_1025 : vector<16xi32>
      %add3A_1027 = arith.constant 0 : i32
      %add3A_1028 = vector.broadcast %add3A_1027 : i32 to vector<16xi32>
      %add3A_1029 = arith.addi %shift_right_arithmetic3A_1026, %add3A_1028 : vector<16xi32>
      %swap3A_1030 = arith.constant 16 : index
      %swap3A_1031 = tpu.vector_load %arg12[%swap3A_1030] {strides = array<i32>} : memref<128xi32, #tpu.memory_space<vmem>>, vector<16xi32>,
      %swap3A_1032 = vector.shape_cast %swap3A_1031 : vector<16xi32> to vector<16xi32>
      %swap3A_1033 = vector.shape_cast %add3A_1029 : vector<16xi32> to vector<16xi32>
      tpu.vector_store %arg12[%swap3A_1030], %swap3A_1033 {strides = array<i32>} : memref<128xi32, #tpu.memory_space<vmem>>, vector<16xi32>,
      %get3A_1034 = arith.index_cast %mul3A_1009 : i32 to index
      %get3A_1035 = arith.constant 32 : index
      %get3A_1036 = tpu.vector_load %arg7[%get3A_1034, %get3A_1035] {strides = array<i32>} : memref<160x128xi16, #tpu.memory_space<vmem>>, vector<32xi16>,
      %bitcast3A_1037 = vector.bitcast %get3A_1036 : vector<32xi16> to vector<16xi32>
      %and3A_1038 = arith.constant 65535 : i32
      %and3A_1039 = vector.broadcast %and3A_1038 : i32 to vector<16xi32>
      %and3A_1040 = arith.andi %bitcast3A_1037, %and3A_1039 : vector<16xi32>
      %add3A_1041 = arith.constant 0 : i32
      %add3A_1042 = vector.broadcast %add3A_1041 : i32 to vector<16xi32>
      %add3A_1043 = arith.addi %and3A_1040, %add3A_1042 : vector<16xi32>
      %swap3A_1044 = arith.constant 32 : index
      %swap3A_1045 = tpu.vector_load %arg12[%swap3A_1044] {strides = array<i32>} : memref<128xi32, #tpu.memory_space<vmem>>, vector<16xi32>,
      %swap3A_1046 = vector.shape_cast %swap3A_1045 : vector<16xi32> to vector<16xi32>
      %swap3A_1047 = vector.shape_cast %add3A_1043 : vector<16xi32> to vector<16xi32>
      tpu.vector_store %arg12[%swap3A_1044], %swap3A_1047 {strides = array<i32>} : memref<128xi32, #tpu.memory_space<vmem>>, vector<16xi32>,
      %shift_right_arithmetic3A_1048 = arith.constant 16 : i32
      %shift_right_arithmetic3A_1049 = vector.broadcast %shift_right_arithmetic3A_1048 : i32 to vector<16xi32>
      %shift_right_arithmetic3A_1050 = arith.shrsi %bitcast3A_1037, %shift_right_arithmetic3A_1049 : vector<16xi32>
      %add3A_1051 = arith.constant 0 : i32
      %add3A_1052 = vector.broadcast %add3A_1051 : i32 to vector<16xi32>
      %add3A_1053 = arith.addi %shift_right_arithmetic3A_1050, %add3A_1052 : vector<16xi32>
      %swap3A_1054 = arith.constant 48 : index
      %swap3A_1055 = tpu.vector_load %arg12[%swap3A_1054] {strides = array<i32>} : memref<128xi32, #tpu.memory_space<vmem>>, vector<16xi32>,
      %swap3A_1056 = vector.shape_cast %swap3A_1055 : vector<16xi32> to vector<16xi32>
      %swap3A_1057 = vector.shape_cast %add3A_1053 : vector<16xi32> to vector<16xi32>
      tpu.vector_store %arg12[%swap3A_1054], %swap3A_1057 {strides = array<i32>} : memref<128xi32, #tpu.memory_space<vmem>>, vector<16xi32>,
      %get3A_1058 = arith.index_cast %mul3A_1009 : i32 to index
      %get3A_1059 = arith.constant 64 : index
      %get3A_1060 = tpu.vector_load %arg7[%get3A_1058, %get3A_1059] {strides = array<i32>} : memref<160x128xi16, #tpu.memory_space<vmem>>, vector<32xi16>,
      %bitcast3A_1061 = vector.bitcast %get3A_1060 : vector<32xi16> to vector<16xi32>
      %and3A_1062 = arith.constant 65535 : i32
      %and3A_1063 = vector.broadcast %and3A_1062 : i32 to vector<16xi32>
      %and3A_1064 = arith.andi %bitcast3A_1061, %and3A_1063 : vector<16xi32>
      %add3A_1065 = arith.constant 0 : i32
      %add3A_1066 = vector.broadcast %add3A_1065 : i32 to vector<16xi32>
      %add3A_1067 = arith.addi %and3A_1064, %add3A_1066 : vector<16xi32>
      %swap3A_1068 = arith.constant 64 : index
      %swap3A_1069 = tpu.vector_load %arg12[%swap3A_1068] {strides = array<i32>} : memref<128xi32, #tpu.memory_space<vmem>>, vector<16xi32>,
      %swap3A_1070 = vector.shape_cast %swap3A_1069 : vector<16xi32> to vector<16xi32>
      %swap3A_1071 = vector.shape_cast %add3A_1067 : vector<16xi32> to vector<16xi32>
      tpu.vector_store %arg12[%swap3A_1068], %swap3A_1071 {strides = array<i32>} : memref<128xi32, #tpu.memory_space<vmem>>, vector<16xi32>,
      %shift_right_arithmetic3A_1072 = arith.constant 16 : i32
      %shift_right_arithmetic3A_1073 = vector.broadcast %shift_right_arithmetic3A_1072 : i32 to vector<16xi32>
      %shift_right_arithmetic3A_1074 = arith.shrsi %bitcast3A_1061, %shift_right_arithmetic3A_1073 : vector<16xi32>
      %add3A_1075 = arith.constant 0 : i32
      %add3A_1076 = vector.broadcast %add3A_1075 : i32 to vector<16xi32>
      %add3A_1077 = arith.addi %shift_right_arithmetic3A_1074, %add3A_1076 : vector<16xi32>
      %swap3A_1078 = arith.constant 80 : index
      %swap3A_1079 = tpu.vector_load %arg12[%swap3A_1078] {strides = array<i32>} : memref<128xi32, #tpu.memory_space<vmem>>, vector<16xi32>,
      %swap3A_1080 = vector.shape_cast %swap3A_1079 : vector<16xi32> to vector<16xi32>
      %swap3A_1081 = vector.shape_cast %add3A_1077 : vector<16xi32> to vector<16xi32>
      tpu.vector_store %arg12[%swap3A_1078], %swap3A_1081 {strides = array<i32>} : memref<128xi32, #tpu.memory_space<vmem>>, vector<16xi32>,
      %get3A_1082 = arith.index_cast %mul3A_1009 : i32 to index
      %get3A_1083 = arith.constant 96 : index
      %get3A_1084 = tpu.vector_load %arg7[%get3A_1082, %get3A_1083] {strides = array<i32>} : memref<160x128xi16, #tpu.memory_space<vmem>>, vector<32xi16>,
      %bitcast3A_1085 = vector.bitcast %get3A_1084 : vector<32xi16> to vector<16xi32>
      %and3A_1086 = arith.constant 65535 : i32
      %and3A_1087 = vector.broadcast %and3A_1086 : i32 to vector<16xi32>
      %and3A_1088 = arith.andi %bitcast3A_1085, %and3A_1087 : vector<16xi32>
      %add3A_1089 = arith.constant 0 : i32
      %add3A_1090 = vector.broadcast %add3A_1089 : i32 to vector<16xi32>
      %add3A_1091 = arith.addi %and3A_1088, %add3A_1090 : vector<16xi32>
      %swap3A_1092 = arith.constant 96 : index
      %swap3A_1093 = tpu.vector_load %arg12[%swap3A_1092] {strides = array<i32>} : memref<128xi32, #tpu.memory_space<vmem>>, vector<16xi32>,
      %swap3A_1094 = vector.shape_cast %swap3A_1093 : vector<16xi32> to vector<16xi32>
      %swap3A_1095 = vector.shape_cast %add3A_1091 : vector<16xi32> to vector<16xi32>
      tpu.vector_store %arg12[%swap3A_1092], %swap3A_1095 {strides = array<i32>} : memref<128xi32, #tpu.memory_space<vmem>>, vector<16xi32>,
      %shift_right_arithmetic3A_1096 = arith.constant 16 : i32
      %shift_right_arithmetic3A_1097 = vector.broadcast %shift_right_arithmetic3A_1096 : i32 to vector<16xi32>
      %shift_right_arithmetic3A_1098 = arith.shrsi %bitcast3A_1085, %shift_right_arithmetic3A_1097 : vector<16xi32>
      %add3A_1099 = arith.constant 0 : i32
      %add3A_1100 = vector.broadcast %add3A_1099 : i32 to vector<16xi32>
      %add3A_1101 = arith.addi %shift_right_arithmetic3A_1098, %add3A_1100 : vector<16xi32>
      %swap3A_1102 = arith.constant 112 : index
      %swap3A_1103 = tpu.vector_load %arg12[%swap3A_1102] {strides = array<i32>} : memref<128xi32, #tpu.memory_space<vmem>>, vector<16xi32>,
      %swap3A_1104 = vector.shape_cast %swap3A_1103 : vector<16xi32> to vector<16xi32>
      %swap3A_1105 = vector.shape_cast %add3A_1101 : vector<16xi32> to vector<16xi32>
      tpu.vector_store %arg12[%swap3A_1102], %swap3A_1105 {strides = array<i32>} : memref<128xi32, #tpu.memory_space<vmem>>, vector<16xi32>,
      %dma_start3A_1106 = arith.constant 0 : i32
      %dma_start3A_1107 = arith.constant 0 : i32
      %dma_start3A_1108 = tpu.memref_slice %arg14[%dma_start3A_1106, %dma_start3A_1107] : memref<10240x64xf32, #tpu.memory_space<vmem_shared>> -> memref<10240x64xf32, #tpu.memory_space<vmem_shared>>
      tpu.enqueue_indirect_dma source(%arg8 : memref<128x64xf32, #tpu.memory_space<vmem>>) target(%dma_start3A_1108 : memref<10240x64xf32, #tpu.memory_space<vmem_shared>>) offsets(%arg12 : memref<128xi32, #tpu.memory_space<vmem>>) semaphore(%arg18 : memref<!tpu.dma_semaphore, #tpu.memory_space<semaphore_mem>>) {add = true}
    }
    %scan3A_481 = arith.constant 79 : i32
    %dma_wait3A_482 = arith.constant 0 : i32
    %dma_wait3A_483 = arith.constant 0 : i32
    %dma_wait3A_484 = tpu.memref_slice %arg15[%dma_wait3A_482, %dma_wait3A_483] : memref<10240x64xf32, #tpu.memory_space<vmem_shared>> -> memref<10240x64xf32, #tpu.memory_space<vmem_shared>>
    tpu.wait_indirect_dma semaphore(%arg17 : memref<!tpu.dma_semaphore, #tpu.memory_space<semaphore_mem>>) src(%dma_wait3A_484 : memref<10240x64xf32, #tpu.memory_space<vmem_shared>>) dst(%arg9 : memref<128x64xf32, #tpu.memory_space<vmem>>)
    %get3A_485 = arith.constant 159 : i32
    %get3A_486 = arith.index_cast %get3A_485 : i32 to index
    %get3A_487 = arith.constant 0 : index
    %get3A_488 = tpu.vector_load %arg7[%get3A_486, %get3A_487] {strides = array<i32>} : memref<160x128xi16, #tpu.memory_space<vmem>>, vector<32xi16>,
    %bitcast3A_489 = vector.bitcast %get3A_488 : vector<32xi16> to vector<16xi32>
    %and3A_490 = arith.constant 65535 : i32
    %and3A_491 = vector.broadcast %and3A_490 : i32 to vector<16xi32>
    %and3A_492 = arith.andi %bitcast3A_489, %and3A_491 : vector<16xi32>
    %add3A_493 = arith.constant 0 : i32
    %add3A_494 = vector.broadcast %add3A_493 : i32 to vector<16xi32>
    %add3A_495 = arith.addi %and3A_492, %add3A_494 : vector<16xi32>
    %swap3A_496 = arith.constant 0 : index
    %swap3A_497 = tpu.vector_load %arg13[%swap3A_496] {strides = array<i32>} : memref<128xi32, #tpu.memory_space<vmem>>, vector<16xi32>,
    %swap3A_498 = vector.shape_cast %swap3A_497 : vector<16xi32> to vector<16xi32>
    %swap3A_499 = vector.shape_cast %add3A_495 : vector<16xi32> to vector<16xi32>
    tpu.vector_store %arg13[%swap3A_496], %swap3A_499 {strides = array<i32>} : memref<128xi32, #tpu.memory_space<vmem>>, vector<16xi32>,
    %shift_right_arithmetic3A_500 = arith.constant 16 : i32
    %shift_right_arithmetic3A_501 = vector.broadcast %shift_right_arithmetic3A_500 : i32 to vector<16xi32>
    %shift_right_arithmetic3A_502 = arith.shrsi %bitcast3A_489, %shift_right_arithmetic3A_501 : vector<16xi32>
    %add3A_503 = arith.constant 0 : i32
    %add3A_504 = vector.broadcast %add3A_503 : i32 to vector<16xi32>
    %add3A_505 = arith.addi %shift_right_arithmetic3A_502, %add3A_504 : vector<16xi32>
    %swap3A_506 = arith.constant 16 : index
    %swap3A_507 = tpu.vector_load %arg13[%swap3A_506] {strides = array<i32>} : memref<128xi32, #tpu.memory_space<vmem>>, vector<16xi32>,
    %swap3A_508 = vector.shape_cast %swap3A_507 : vector<16xi32> to vector<16xi32>
    %swap3A_509 = vector.shape_cast %add3A_505 : vector<16xi32> to vector<16xi32>
    tpu.vector_store %arg13[%swap3A_506], %swap3A_509 {strides = array<i32>} : memref<128xi32, #tpu.memory_space<vmem>>, vector<16xi32>,
    %get3A_510 = arith.constant 159 : i32
    %get3A_511 = arith.index_cast %get3A_510 : i32 to index
    %get3A_512 = arith.constant 32 : index
    %get3A_513 = tpu.vector_load %arg7[%get3A_511, %get3A_512] {strides = array<i32>} : memref<160x128xi16, #tpu.memory_space<vmem>>, vector<32xi16>,
    %bitcast3A_514 = vector.bitcast %get3A_513 : vector<32xi16> to vector<16xi32>
    %and3A_515 = arith.constant 65535 : i32
    %and3A_516 = vector.broadcast %and3A_515 : i32 to vector<16xi32>
    %and3A_517 = arith.andi %bitcast3A_514, %and3A_516 : vector<16xi32>
    %add3A_518 = arith.constant 0 : i32
    %add3A_519 = vector.broadcast %add3A_518 : i32 to vector<16xi32>
    %add3A_520 = arith.addi %and3A_517, %add3A_519 : vector<16xi32>
    %swap3A_521 = arith.constant 32 : index
    %swap3A_522 = tpu.vector_load %arg13[%swap3A_521] {strides = array<i32>} : memref<128xi32, #tpu.memory_space<vmem>>, vector<16xi32>,
    %swap3A_523 = vector.shape_cast %swap3A_522 : vector<16xi32> to vector<16xi32>
    %swap3A_524 = vector.shape_cast %add3A_520 : vector<16xi32> to vector<16xi32>
    tpu.vector_store %arg13[%swap3A_521], %swap3A_524 {strides = array<i32>} : memref<128xi32, #tpu.memory_space<vmem>>, vector<16xi32>,
    %shift_right_arithmetic3A_525 = arith.constant 16 : i32
    %shift_right_arithmetic3A_526 = vector.broadcast %shift_right_arithmetic3A_525 : i32 to vector<16xi32>
    %shift_right_arithmetic3A_527 = arith.shrsi %bitcast3A_514, %shift_right_arithmetic3A_526 : vector<16xi32>
    %add3A_528 = arith.constant 0 : i32
    %add3A_529 = vector.broadcast %add3A_528 : i32 to vector<16xi32>
    %add3A_530 = arith.addi %shift_right_arithmetic3A_527, %add3A_529 : vector<16xi32>
    %swap3A_531 = arith.constant 48 : index
    %swap3A_532 = tpu.vector_load %arg13[%swap3A_531] {strides = array<i32>} : memref<128xi32, #tpu.memory_space<vmem>>, vector<16xi32>,
    %swap3A_533 = vector.shape_cast %swap3A_532 : vector<16xi32> to vector<16xi32>
    %swap3A_534 = vector.shape_cast %add3A_530 : vector<16xi32> to vector<16xi32>
    tpu.vector_store %arg13[%swap3A_531], %swap3A_534 {strides = array<i32>} : memref<128xi32, #tpu.memory_space<vmem>>, vector<16xi32>,
    %get3A_535 = arith.constant 159 : i32
    %get3A_536 = arith.index_cast %get3A_535 : i32 to index
    %get3A_537 = arith.constant 64 : index
    %get3A_538 = tpu.vector_load %arg7[%get3A_536, %get3A_537] {strides = array<i32>} : memref<160x128xi16, #tpu.memory_space<vmem>>, vector<32xi16>,
    %bitcast3A_539 = vector.bitcast %get3A_538 : vector<32xi16> to vector<16xi32>
    %and3A_540 = arith.constant 65535 : i32
    %and3A_541 = vector.broadcast %and3A_540 : i32 to vector<16xi32>
    %and3A_542 = arith.andi %bitcast3A_539, %and3A_541 : vector<16xi32>
    %add3A_543 = arith.constant 0 : i32
    %add3A_544 = vector.broadcast %add3A_543 : i32 to vector<16xi32>
    %add3A_545 = arith.addi %and3A_542, %add3A_544 : vector<16xi32>
    %swap3A_546 = arith.constant 64 : index
    %swap3A_547 = tpu.vector_load %arg13[%swap3A_546] {strides = array<i32>} : memref<128xi32, #tpu.memory_space<vmem>>, vector<16xi32>,
    %swap3A_548 = vector.shape_cast %swap3A_547 : vector<16xi32> to vector<16xi32>
    %swap3A_549 = vector.shape_cast %add3A_545 : vector<16xi32> to vector<16xi32>
    tpu.vector_store %arg13[%swap3A_546], %swap3A_549 {strides = array<i32>} : memref<128xi32, #tpu.memory_space<vmem>>, vector<16xi32>,
    %shift_right_arithmetic3A_550 = arith.constant 16 : i32
    %shift_right_arithmetic3A_551 = vector.broadcast %shift_right_arithmetic3A_550 : i32 to vector<16xi32>
    %shift_right_arithmetic3A_552 = arith.shrsi %bitcast3A_539, %shift_right_arithmetic3A_551 : vector<16xi32>
    %add3A_553 = arith.constant 0 : i32
    %add3A_554 = vector.broadcast %add3A_553 : i32 to vector<16xi32>
    %add3A_555 = arith.addi %shift_right_arithmetic3A_552, %add3A_554 : vector<16xi32>
    %swap3A_556 = arith.constant 80 : index
    %swap3A_557 = tpu.vector_load %arg13[%swap3A_556] {strides = array<i32>} : memref<128xi32, #tpu.memory_space<vmem>>, vector<16xi32>,
    %swap3A_558 = vector.shape_cast %swap3A_557 : vector<16xi32> to vector<16xi32>
    %swap3A_559 = vector.shape_cast %add3A_555 : vector<16xi32> to vector<16xi32>
    tpu.vector_store %arg13[%swap3A_556], %swap3A_559 {strides = array<i32>} : memref<128xi32, #tpu.memory_space<vmem>>, vector<16xi32>,
    %get3A_560 = arith.constant 159 : i32
    %get3A_561 = arith.index_cast %get3A_560 : i32 to index
    %get3A_562 = arith.constant 96 : index
    %get3A_563 = tpu.vector_load %arg7[%get3A_561, %get3A_562] {strides = array<i32>} : memref<160x128xi16, #tpu.memory_space<vmem>>, vector<32xi16>,
    %bitcast3A_564 = vector.bitcast %get3A_563 : vector<32xi16> to vector<16xi32>
    %and3A_565 = arith.constant 65535 : i32
    %and3A_566 = vector.broadcast %and3A_565 : i32 to vector<16xi32>
    %and3A_567 = arith.andi %bitcast3A_564, %and3A_566 : vector<16xi32>
    %add3A_568 = arith.constant 0 : i32
    %add3A_569 = vector.broadcast %add3A_568 : i32 to vector<16xi32>
    %add3A_570 = arith.addi %and3A_567, %add3A_569 : vector<16xi32>
    %swap3A_571 = arith.constant 96 : index
    %swap3A_572 = tpu.vector_load %arg13[%swap3A_571] {strides = array<i32>} : memref<128xi32, #tpu.memory_space<vmem>>, vector<16xi32>,
    %swap3A_573 = vector.shape_cast %swap3A_572 : vector<16xi32> to vector<16xi32>
    %swap3A_574 = vector.shape_cast %add3A_570 : vector<16xi32> to vector<16xi32>
    tpu.vector_store %arg13[%swap3A_571], %swap3A_574 {strides = array<i32>} : memref<128xi32, #tpu.memory_space<vmem>>, vector<16xi32>,
    %shift_right_arithmetic3A_575 = arith.constant 16 : i32
    %shift_right_arithmetic3A_576 = vector.broadcast %shift_right_arithmetic3A_575 : i32 to vector<16xi32>
    %shift_right_arithmetic3A_577 = arith.shrsi %bitcast3A_564, %shift_right_arithmetic3A_576 : vector<16xi32>
    %add3A_578 = arith.constant 0 : i32
    %add3A_579 = vector.broadcast %add3A_578 : i32 to vector<16xi32>
    %add3A_580 = arith.addi %shift_right_arithmetic3A_577, %add3A_579 : vector<16xi32>
    %swap3A_581 = arith.constant 112 : index
    %swap3A_582 = tpu.vector_load %arg13[%swap3A_581] {strides = array<i32>} : memref<128xi32, #tpu.memory_space<vmem>>, vector<16xi32>,
    %swap3A_583 = vector.shape_cast %swap3A_582 : vector<16xi32> to vector<16xi32>
    %swap3A_584 = vector.shape_cast %add3A_580 : vector<16xi32> to vector<16xi32>
    tpu.vector_store %arg13[%swap3A_581], %swap3A_584 {strides = array<i32>} : memref<128xi32, #tpu.memory_space<vmem>>, vector<16xi32>,
    %dma_start3A_585 = arith.constant 0 : i32
    %dma_start3A_586 = arith.constant 0 : i32
    %dma_start3A_587 = tpu.memref_slice %arg14[%dma_start3A_585, %dma_start3A_586] : memref<10240x64xf32, #tpu.memory_space<vmem_shared>> -> memref<10240x64xf32, #tpu.memory_space<vmem_shared>>
    tpu.enqueue_indirect_dma source(%arg9 : memref<128x64xf32, #tpu.memory_space<vmem>>) target(%dma_start3A_587 : memref<10240x64xf32, #tpu.memory_space<vmem_shared>>) offsets(%arg13 : memref<128xi32, #tpu.memory_space<vmem>>) semaphore(%arg19 : memref<!tpu.dma_semaphore, #tpu.memory_space<semaphore_mem>>) {add = true}
    %dma_wait3A_588 = arith.constant 0 : i32
    %dma_wait3A_589 = arith.constant 0 : i32
    %dma_wait3A_590 = tpu.memref_slice %arg14[%dma_wait3A_588, %dma_wait3A_589] : memref<10240x64xf32, #tpu.memory_space<vmem_shared>> -> memref<10240x64xf32, #tpu.memory_space<vmem_shared>>
    tpu.wait_indirect_dma semaphore(%arg18 : memref<!tpu.dma_semaphore, #tpu.memory_space<semaphore_mem>>) src(%arg8 : memref<128x64xf32, #tpu.memory_space<vmem>>) dst(%dma_wait3A_590 : memref<10240x64xf32, #tpu.memory_space<vmem_shared>>)
    %dma_wait3A_591 = arith.constant 0 : i32
    %dma_wait3A_592 = arith.constant 0 : i32
    %dma_wait3A_593 = tpu.memref_slice %arg14[%dma_wait3A_591, %dma_wait3A_592] : memref<10240x64xf32, #tpu.memory_space<vmem_shared>> -> memref<10240x64xf32, #tpu.memory_space<vmem_shared>>
    tpu.wait_indirect_dma semaphore(%arg19 : memref<!tpu.dma_semaphore, #tpu.memory_space<semaphore_mem>>) src(%arg9 : memref<128x64xf32, #tpu.memory_space<vmem>>) dst(%dma_wait3A_593 : memref<10240x64xf32, #tpu.memory_space<vmem_shared>>)
    %barrier3A_594 = arith.constant 0 : index
    tpu.barrier barrier_id(%barrier3A_594)
    %mul3A_595 = arith.constant 640 : i32
    %mul3A_596 = arith.muli %arg1, %mul3A_595 : i32
    %add3A_597 = arith.constant 0 : i32
    %add3A_598 = arith.addi %mul3A_596, %add3A_597 : i32
    "tpu.region"() ({
      %run_scoped3A = tpu.sem_alloc : memref<!tpu.dma_semaphore, #tpu.memory_space<semaphore_mem>>
      %dma_start3A_688 = arith.constant 0 : i32
      %dma_start3A_689 = tpu.memref_slice %arg14[%add3A_598, %dma_start3A_688] : memref<10240x64xf32, #tpu.memory_space<vmem_shared>> -> memref<128x64xf32, #tpu.memory_space<vmem_shared>>
      %dma_start3A_690 = arith.constant 0 : i32
      %dma_start3A_691 = tpu.memref_slice %arg14[%add3A_598, %dma_start3A_690] : memref<10240x64xf32, #tpu.memory_space<vmem_shared>> -> memref<128x64xf32, #tpu.memory_space<vmem_shared>>
      tpu.enqueue_dma source(%dma_start3A_691 : memref<128x64xf32, #tpu.memory_space<vmem_shared>>) target(%arg8 : memref<128x64xf32, #tpu.memory_space<vmem>>) target_semaphore(%run_scoped3A : memref<!tpu.dma_semaphore, #tpu.memory_space<semaphore_mem>>)
      %dma_wait3A_692 = arith.constant 0 : i32
      %dma_wait3A_693 = tpu.memref_slice %arg14[%add3A_598, %dma_wait3A_692] : memref<10240x64xf32, #tpu.memory_space<vmem_shared>> -> memref<128x64xf32, #tpu.memory_space<vmem_shared>>
      %dma_wait3A_694 = arith.constant 0 : i32
      %dma_wait3A_695 = tpu.memref_slice %arg14[%add3A_598, %dma_wait3A_694] : memref<10240x64xf32, #tpu.memory_space<vmem_shared>> -> memref<128x64xf32, #tpu.memory_space<vmem_shared>>
      tpu.wait_dma2 semaphore(%run_scoped3A : memref<!tpu.dma_semaphore, #tpu.memory_space<semaphore_mem>>) src(%dma_wait3A_695 : memref<128x64xf32, #tpu.memory_space<vmem_shared>>) dst(%arg8 : memref<128x64xf32, #tpu.memory_space<vmem>>)
      tpu.yield
    }) : () -> ()
    %dma_start3A_599 = arith.constant 0 : i32
    %dma_start3A_600 = tpu.memref_slice %arg5[%arg0, %add3A_598, %dma_start3A_599] : memref<2x10240x64xf32, #tpu.memory_space<hbm>> -> memref<1x128x64xf32, #tpu.memory_space<hbm>>
    %dma_start3A_601 = tpu.memref_squeeze %dma_start3A_600 : memref<1x128x64xf32, #tpu.memory_space<hbm>> -> memref<128x64xf32, #tpu.memory_space<hbm>>
    %dma_start3A_602 = arith.constant 0 : i32
    %dma_start3A_603 = tpu.memref_slice %arg5[%arg0, %add3A_598, %dma_start3A_602] : memref<2x10240x64xf32, #tpu.memory_space<hbm>> -> memref<1x128x64xf32, #tpu.memory_space<hbm>>
    %dma_start3A_604 = tpu.memref_squeeze %dma_start3A_603 : memref<1x128x64xf32, #tpu.memory_space<hbm>> -> memref<128x64xf32, #tpu.memory_space<hbm>>
    tpu.enqueue_dma source(%arg8 : memref<128x64xf32, #tpu.memory_space<vmem>>) target(%dma_start3A_604 : memref<128x64xf32, #tpu.memory_space<hbm>>) target_semaphore(%arg16 : memref<!tpu.dma_semaphore, #tpu.memory_space<semaphore_mem>>)
    %mul3A_605 = arith.constant 640 : i32
    %mul3A_606 = arith.muli %arg1, %mul3A_605 : i32
    %add3A_607 = arith.constant 128 : i32
    %add3A_608 = arith.addi %mul3A_606, %add3A_607 : i32
    "tpu.region"() ({
      %run_scoped3A = tpu.sem_alloc : memref<!tpu.dma_semaphore, #tpu.memory_space<semaphore_mem>>
      %dma_start3A_688 = arith.constant 0 : i32
      %dma_start3A_689 = tpu.memref_slice %arg14[%add3A_608, %dma_start3A_688] : memref<10240x64xf32, #tpu.memory_space<vmem_shared>> -> memref<128x64xf32, #tpu.memory_space<vmem_shared>>
      %dma_start3A_690 = arith.constant 0 : i32
      %dma_start3A_691 = tpu.memref_slice %arg14[%add3A_608, %dma_start3A_690] : memref<10240x64xf32, #tpu.memory_space<vmem_shared>> -> memref<128x64xf32, #tpu.memory_space<vmem_shared>>
      tpu.enqueue_dma source(%dma_start3A_691 : memref<128x64xf32, #tpu.memory_space<vmem_shared>>) target(%arg9 : memref<128x64xf32, #tpu.memory_space<vmem>>) target_semaphore(%run_scoped3A : memref<!tpu.dma_semaphore, #tpu.memory_space<semaphore_mem>>)
      %dma_wait3A_692 = arith.constant 0 : i32
      %dma_wait3A_693 = tpu.memref_slice %arg14[%add3A_608, %dma_wait3A_692] : memref<10240x64xf32, #tpu.memory_space<vmem_shared>> -> memref<128x64xf32, #tpu.memory_space<vmem_shared>>
      %dma_wait3A_694 = arith.constant 0 : i32
      %dma_wait3A_695 = tpu.memref_slice %arg14[%add3A_608, %dma_wait3A_694] : memref<10240x64xf32, #tpu.memory_space<vmem_shared>> -> memref<128x64xf32, #tpu.memory_space<vmem_shared>>
      tpu.wait_dma2 semaphore(%run_scoped3A : memref<!tpu.dma_semaphore, #tpu.memory_space<semaphore_mem>>) src(%dma_wait3A_695 : memref<128x64xf32, #tpu.memory_space<vmem_shared>>) dst(%arg9 : memref<128x64xf32, #tpu.memory_space<vmem>>)
      tpu.yield
    }) : () -> ()
    %dma_start3A_609 = arith.constant 0 : i32
    %dma_start3A_610 = tpu.memref_slice %arg5[%arg0, %add3A_608, %dma_start3A_609] : memref<2x10240x64xf32, #tpu.memory_space<hbm>> -> memref<1x128x64xf32, #tpu.memory_space<hbm>>
    %dma_start3A_611 = tpu.memref_squeeze %dma_start3A_610 : memref<1x128x64xf32, #tpu.memory_space<hbm>> -> memref<128x64xf32, #tpu.memory_space<hbm>>
    %dma_start3A_612 = arith.constant 0 : i32
    %dma_start3A_613 = tpu.memref_slice %arg5[%arg0, %add3A_608, %dma_start3A_612] : memref<2x10240x64xf32, #tpu.memory_space<hbm>> -> memref<1x128x64xf32, #tpu.memory_space<hbm>>
    %dma_start3A_614 = tpu.memref_squeeze %dma_start3A_613 : memref<1x128x64xf32, #tpu.memory_space<hbm>> -> memref<128x64xf32, #tpu.memory_space<hbm>>
    tpu.enqueue_dma source(%arg9 : memref<128x64xf32, #tpu.memory_space<vmem>>) target(%dma_start3A_614 : memref<128x64xf32, #tpu.memory_space<hbm>>) target_semaphore(%arg17 : memref<!tpu.dma_semaphore, #tpu.memory_space<semaphore_mem>>)
    %mul3A_615 = arith.constant 640 : i32
    %mul3A_616 = arith.muli %arg1, %mul3A_615 : i32
    %add3A_617 = arith.constant 256 : i32
    %add3A_618 = arith.addi %mul3A_616, %add3A_617 : i32
    %sub3A = arith.constant 256 : i32
    %sub3A_619 = arith.subi %add3A_618, %sub3A : i32
    %dma_wait3A_620 = arith.constant 0 : i32
    %dma_wait3A_621 = tpu.memref_slice %arg5[%arg0, %sub3A_619, %dma_wait3A_620] : memref<2x10240x64xf32, #tpu.memory_space<hbm>> -> memref<1x128x64xf32, #tpu.memory_space<hbm>>
    %dma_wait3A_622 = tpu.memref_squeeze %dma_wait3A_621 : memref<1x128x64xf32, #tpu.memory_space<hbm>> -> memref<128x64xf32, #tpu.memory_space<hbm>>
    %dma_wait3A_623 = arith.constant 0 : i32
    %dma_wait3A_624 = tpu.memref_slice %arg5[%arg0, %sub3A_619, %dma_wait3A_623] : memref<2x10240x64xf32, #tpu.memory_space<hbm>> -> memref<1x128x64xf32, #tpu.memory_space<hbm>>
    %dma_wait3A_625 = tpu.memref_squeeze %dma_wait3A_624 : memref<1x128x64xf32, #tpu.memory_space<hbm>> -> memref<128x64xf32, #tpu.memory_space<hbm>>
    tpu.wait_dma2 semaphore(%arg16 : memref<!tpu.dma_semaphore, #tpu.memory_space<semaphore_mem>>) src(%arg8 : memref<128x64xf32, #tpu.memory_space<vmem>>) dst(%dma_wait3A_625 : memref<128x64xf32, #tpu.memory_space<hbm>>)
    "tpu.region"() ({
      %run_scoped3A = tpu.sem_alloc : memref<!tpu.dma_semaphore, #tpu.memory_space<semaphore_mem>>
      %dma_start3A_688 = arith.constant 0 : i32
      %dma_start3A_689 = tpu.memref_slice %arg14[%add3A_618, %dma_start3A_688] : memref<10240x64xf32, #tpu.memory_space<vmem_shared>> -> memref<128x64xf32, #tpu.memory_space<vmem_shared>>
      %dma_start3A_690 = arith.constant 0 : i32
      %dma_start3A_691 = tpu.memref_slice %arg14[%add3A_618, %dma_start3A_690] : memref<10240x64xf32, #tpu.memory_space<vmem_shared>> -> memref<128x64xf32, #tpu.memory_space<vmem_shared>>
      tpu.enqueue_dma source(%dma_start3A_691 : memref<128x64xf32, #tpu.memory_space<vmem_shared>>) target(%arg8 : memref<128x64xf32, #tpu.memory_space<vmem>>) target_semaphore(%run_scoped3A : memref<!tpu.dma_semaphore, #tpu.memory_space<semaphore_mem>>)
      %dma_wait3A_692 = arith.constant 0 : i32
      %dma_wait3A_693 = tpu.memref_slice %arg14[%add3A_618, %dma_wait3A_692] : memref<10240x64xf32, #tpu.memory_space<vmem_shared>> -> memref<128x64xf32, #tpu.memory_space<vmem_shared>>
      %dma_wait3A_694 = arith.constant 0 : i32
      %dma_wait3A_695 = tpu.memref_slice %arg14[%add3A_618, %dma_wait3A_694] : memref<10240x64xf32, #tpu.memory_space<vmem_shared>> -> memref<128x64xf32, #tpu.memory_space<vmem_shared>>
      tpu.wait_dma2 semaphore(%run_scoped3A : memref<!tpu.dma_semaphore, #tpu.memory_space<semaphore_mem>>) src(%dma_wait3A_695 : memref<128x64xf32, #tpu.memory_space<vmem_shared>>) dst(%arg8 : memref<128x64xf32, #tpu.memory_space<vmem>>)
      tpu.yield
    }) : () -> ()
    %dma_start3A_626 = arith.constant 0 : i32
    %dma_start3A_627 = tpu.memref_slice %arg5[%arg0, %add3A_618, %dma_start3A_626] : memref<2x10240x64xf32, #tpu.memory_space<hbm>> -> memref<1x128x64xf32, #tpu.memory_space<hbm>>
    %dma_start3A_628 = tpu.memref_squeeze %dma_start3A_627 : memref<1x128x64xf32, #tpu.memory_space<hbm>> -> memref<128x64xf32, #tpu.memory_space<hbm>>
    %dma_start3A_629 = arith.constant 0 : i32
    %dma_start3A_630 = tpu.memref_slice %arg5[%arg0, %add3A_618, %dma_start3A_629] : memref<2x10240x64xf32, #tpu.memory_space<hbm>> -> memref<1x128x64xf32, #tpu.memory_space<hbm>>
    %dma_start3A_631 = tpu.memref_squeeze %dma_start3A_630 : memref<1x128x64xf32, #tpu.memory_space<hbm>> -> memref<128x64xf32, #tpu.memory_space<hbm>>
    tpu.enqueue_dma source(%arg8 : memref<128x64xf32, #tpu.memory_space<vmem>>) target(%dma_start3A_631 : memref<128x64xf32, #tpu.memory_space<hbm>>) target_semaphore(%arg16 : memref<!tpu.dma_semaphore, #tpu.memory_space<semaphore_mem>>)
    %mul3A_632 = arith.constant 640 : i32
    %mul3A_633 = arith.muli %arg1, %mul3A_632 : i32
    %add3A_634 = arith.constant 384 : i32
    %add3A_635 = arith.addi %mul3A_633, %add3A_634 : i32
    %sub3A_636 = arith.constant 256 : i32
    %sub3A_637 = arith.subi %add3A_635, %sub3A_636 : i32
    %dma_wait3A_638 = arith.constant 0 : i32
    %dma_wait3A_639 = tpu.memref_slice %arg5[%arg0, %sub3A_637, %dma_wait3A_638] : memref<2x10240x64xf32, #tpu.memory_space<hbm>> -> memref<1x128x64xf32, #tpu.memory_space<hbm>>
    %dma_wait3A_640 = tpu.memref_squeeze %dma_wait3A_639 : memref<1x128x64xf32, #tpu.memory_space<hbm>> -> memref<128x64xf32, #tpu.memory_space<hbm>>
    %dma_wait3A_641 = arith.constant 0 : i32
    %dma_wait3A_642 = tpu.memref_slice %arg5[%arg0, %sub3A_637, %dma_wait3A_641] : memref<2x10240x64xf32, #tpu.memory_space<hbm>> -> memref<1x128x64xf32, #tpu.memory_space<hbm>>
    %dma_wait3A_643 = tpu.memref_squeeze %dma_wait3A_642 : memref<1x128x64xf32, #tpu.memory_space<hbm>> -> memref<128x64xf32, #tpu.memory_space<hbm>>
    tpu.wait_dma2 semaphore(%arg17 : memref<!tpu.dma_semaphore, #tpu.memory_space<semaphore_mem>>) src(%arg9 : memref<128x64xf32, #tpu.memory_space<vmem>>) dst(%dma_wait3A_643 : memref<128x64xf32, #tpu.memory_space<hbm>>)
    "tpu.region"() ({
      %run_scoped3A = tpu.sem_alloc : memref<!tpu.dma_semaphore, #tpu.memory_space<semaphore_mem>>
      %dma_start3A_688 = arith.constant 0 : i32
      %dma_start3A_689 = tpu.memref_slice %arg14[%add3A_635, %dma_start3A_688] : memref<10240x64xf32, #tpu.memory_space<vmem_shared>> -> memref<128x64xf32, #tpu.memory_space<vmem_shared>>
      %dma_start3A_690 = arith.constant 0 : i32
      %dma_start3A_691 = tpu.memref_slice %arg14[%add3A_635, %dma_start3A_690] : memref<10240x64xf32, #tpu.memory_space<vmem_shared>> -> memref<128x64xf32, #tpu.memory_space<vmem_shared>>
      tpu.enqueue_dma source(%dma_start3A_691 : memref<128x64xf32, #tpu.memory_space<vmem_shared>>) target(%arg9 : memref<128x64xf32, #tpu.memory_space<vmem>>) target_semaphore(%run_scoped3A : memref<!tpu.dma_semaphore, #tpu.memory_space<semaphore_mem>>)
      %dma_wait3A_692 = arith.constant 0 : i32
      %dma_wait3A_693 = tpu.memref_slice %arg14[%add3A_635, %dma_wait3A_692] : memref<10240x64xf32, #tpu.memory_space<vmem_shared>> -> memref<128x64xf32, #tpu.memory_space<vmem_shared>>
      %dma_wait3A_694 = arith.constant 0 : i32
      %dma_wait3A_695 = tpu.memref_slice %arg14[%add3A_635, %dma_wait3A_694] : memref<10240x64xf32, #tpu.memory_space<vmem_shared>> -> memref<128x64xf32, #tpu.memory_space<vmem_shared>>
      tpu.wait_dma2 semaphore(%run_scoped3A : memref<!tpu.dma_semaphore, #tpu.memory_space<semaphore_mem>>) src(%dma_wait3A_695 : memref<128x64xf32, #tpu.memory_space<vmem_shared>>) dst(%arg9 : memref<128x64xf32, #tpu.memory_space<vmem>>)
      tpu.yield
    }) : () -> ()
    %dma_start3A_644 = arith.constant 0 : i32
    %dma_start3A_645 = tpu.memref_slice %arg5[%arg0, %add3A_635, %dma_start3A_644] : memref<2x10240x64xf32, #tpu.memory_space<hbm>> -> memref<1x128x64xf32, #tpu.memory_space<hbm>>
    %dma_start3A_646 = tpu.memref_squeeze %dma_start3A_645 : memref<1x128x64xf32, #tpu.memory_space<hbm>> -> memref<128x64xf32, #tpu.memory_space<hbm>>
    %dma_start3A_647 = arith.constant 0 : i32
    %dma_start3A_648 = tpu.memref_slice %arg5[%arg0, %add3A_635, %dma_start3A_647] : memref<2x10240x64xf32, #tpu.memory_space<hbm>> -> memref<1x128x64xf32, #tpu.memory_space<hbm>>
    %dma_start3A_649 = tpu.memref_squeeze %dma_start3A_648 : memref<1x128x64xf32, #tpu.memory_space<hbm>> -> memref<128x64xf32, #tpu.memory_space<hbm>>
    tpu.enqueue_dma source(%arg9 : memref<128x64xf32, #tpu.memory_space<vmem>>) target(%dma_start3A_649 : memref<128x64xf32, #tpu.memory_space<hbm>>) target_semaphore(%arg17 : memref<!tpu.dma_semaphore, #tpu.memory_space<semaphore_mem>>)
    %mul3A_650 = arith.constant 640 : i32
    %mul3A_651 = arith.muli %arg1, %mul3A_650 : i32
    %add3A_652 = arith.constant 512 : i32
    %add3A_653 = arith.addi %mul3A_651, %add3A_652 : i32
    %sub3A_654 = arith.constant 256 : i32
    %sub3A_655 = arith.subi %add3A_653, %sub3A_654 : i32
    %dma_wait3A_656 = arith.constant 0 : i32
    %dma_wait3A_657 = tpu.memref_slice %arg5[%arg0, %sub3A_655, %dma_wait3A_656] : memref<2x10240x64xf32, #tpu.memory_space<hbm>> -> memref<1x128x64xf32, #tpu.memory_space<hbm>>
    %dma_wait3A_658 = tpu.memref_squeeze %dma_wait3A_657 : memref<1x128x64xf32, #tpu.memory_space<hbm>> -> memref<128x64xf32, #tpu.memory_space<hbm>>
    %dma_wait3A_659 = arith.constant 0 : i32
    %dma_wait3A_660 = tpu.memref_slice %arg5[%arg0, %sub3A_655, %dma_wait3A_659] : memref<2x10240x64xf32, #tpu.memory_space<hbm>> -> memref<1x128x64xf32, #tpu.memory_space<hbm>>
    %dma_wait3A_661 = tpu.memref_squeeze %dma_wait3A_660 : memref<1x128x64xf32, #tpu.memory_space<hbm>> -> memref<128x64xf32, #tpu.memory_space<hbm>>
    tpu.wait_dma2 semaphore(%arg16 : memref<!tpu.dma_semaphore, #tpu.memory_space<semaphore_mem>>) src(%arg8 : memref<128x64xf32, #tpu.memory_space<vmem>>) dst(%dma_wait3A_661 : memref<128x64xf32, #tpu.memory_space<hbm>>)
    "tpu.region"() ({
      %run_scoped3A = tpu.sem_alloc : memref<!tpu.dma_semaphore, #tpu.memory_space<semaphore_mem>>
      %dma_start3A_688 = arith.constant 0 : i32
      %dma_start3A_689 = tpu.memref_slice %arg14[%add3A_653, %dma_start3A_688] : memref<10240x64xf32, #tpu.memory_space<vmem_shared>> -> memref<128x64xf32, #tpu.memory_space<vmem_shared>>
      %dma_start3A_690 = arith.constant 0 : i32
      %dma_start3A_691 = tpu.memref_slice %arg14[%add3A_653, %dma_start3A_690] : memref<10240x64xf32, #tpu.memory_space<vmem_shared>> -> memref<128x64xf32, #tpu.memory_space<vmem_shared>>
      tpu.enqueue_dma source(%dma_start3A_691 : memref<128x64xf32, #tpu.memory_space<vmem_shared>>) target(%arg8 : memref<128x64xf32, #tpu.memory_space<vmem>>) target_semaphore(%run_scoped3A : memref<!tpu.dma_semaphore, #tpu.memory_space<semaphore_mem>>)
      %dma_wait3A_692 = arith.constant 0 : i32
      %dma_wait3A_693 = tpu.memref_slice %arg14[%add3A_653, %dma_wait3A_692] : memref<10240x64xf32, #tpu.memory_space<vmem_shared>> -> memref<128x64xf32, #tpu.memory_space<vmem_shared>>
      %dma_wait3A_694 = arith.constant 0 : i32
      %dma_wait3A_695 = tpu.memref_slice %arg14[%add3A_653, %dma_wait3A_694] : memref<10240x64xf32, #tpu.memory_space<vmem_shared>> -> memref<128x64xf32, #tpu.memory_space<vmem_shared>>
      tpu.wait_dma2 semaphore(%run_scoped3A : memref<!tpu.dma_semaphore, #tpu.memory_space<semaphore_mem>>) src(%dma_wait3A_695 : memref<128x64xf32, #tpu.memory_space<vmem_shared>>) dst(%arg8 : memref<128x64xf32, #tpu.memory_space<vmem>>)
      tpu.yield
    }) : () -> ()
    %dma_start3A_662 = arith.constant 0 : i32
    %dma_start3A_663 = tpu.memref_slice %arg5[%arg0, %add3A_653, %dma_start3A_662] : memref<2x10240x64xf32, #tpu.memory_space<hbm>> -> memref<1x128x64xf32, #tpu.memory_space<hbm>>
    %dma_start3A_664 = tpu.memref_squeeze %dma_start3A_663 : memref<1x128x64xf32, #tpu.memory_space<hbm>> -> memref<128x64xf32, #tpu.memory_space<hbm>>
    %dma_start3A_665 = arith.constant 0 : i32
    %dma_start3A_666 = tpu.memref_slice %arg5[%arg0, %add3A_653, %dma_start3A_665] : memref<2x10240x64xf32, #tpu.memory_space<hbm>> -> memref<1x128x64xf32, #tpu.memory_space<hbm>>
    %dma_start3A_667 = tpu.memref_squeeze %dma_start3A_666 : memref<1x128x64xf32, #tpu.memory_space<hbm>> -> memref<128x64xf32, #tpu.memory_space<hbm>>
    tpu.enqueue_dma source(%arg8 : memref<128x64xf32, #tpu.memory_space<vmem>>) target(%dma_start3A_667 : memref<128x64xf32, #tpu.memory_space<hbm>>) target_semaphore(%arg16 : memref<!tpu.dma_semaphore, #tpu.memory_space<semaphore_mem>>)
    %mul3A_668 = arith.constant 640 : i32
    %mul3A_669 = arith.muli %arg1, %mul3A_668 : i32
    %add3A_670 = arith.constant 384 : i32
    %add3A_671 = arith.addi %mul3A_669, %add3A_670 : i32
    %dma_wait3A_672 = arith.constant 0 : i32
    %dma_wait3A_673 = tpu.memref_slice %arg5[%arg0, %add3A_671, %dma_wait3A_672] : memref<2x10240x64xf32, #tpu.memory_space<hbm>> -> memref<1x128x64xf32, #tpu.memory_space<hbm>>
    %dma_wait3A_674 = tpu.memref_squeeze %dma_wait3A_673 : memref<1x128x64xf32, #tpu.memory_space<hbm>> -> memref<128x64xf32, #tpu.memory_space<hbm>>
    %dma_wait3A_675 = arith.constant 0 : i32
    %dma_wait3A_676 = tpu.memref_slice %arg5[%arg0, %add3A_671, %dma_wait3A_675] : memref<2x10240x64xf32, #tpu.memory_space<hbm>> -> memref<1x128x64xf32, #tpu.memory_space<hbm>>
    %dma_wait3A_677 = tpu.memref_squeeze %dma_wait3A_676 : memref<1x128x64xf32, #tpu.memory_space<hbm>> -> memref<128x64xf32, #tpu.memory_space<hbm>>
    tpu.wait_dma2 semaphore(%arg17 : memref<!tpu.dma_semaphore, #tpu.memory_space<semaphore_mem>>) src(%arg9 : memref<128x64xf32, #tpu.memory_space<vmem>>) dst(%dma_wait3A_677 : memref<128x64xf32, #tpu.memory_space<hbm>>)
    %mul3A_678 = arith.constant 640 : i32
    %mul3A_679 = arith.muli %arg1, %mul3A_678 : i32
    %add3A_680 = arith.constant 512 : i32
    %add3A_681 = arith.addi %mul3A_679, %add3A_680 : i32
    %dma_wait3A_682 = arith.constant 0 : i32
    %dma_wait3A_683 = tpu.memref_slice %arg5[%arg0, %add3A_681, %dma_wait3A_682] : memref<2x10240x64xf32, #tpu.memory_space<hbm>> -> memref<1x128x64xf32, #tpu.memory_space<hbm>>
    %dma_wait3A_684 = tpu.memref_squeeze %dma_wait3A_683 : memref<1x128x64xf32, #tpu.memory_space<hbm>> -> memref<128x64xf32, #tpu.memory_space<hbm>>
    %dma_wait3A_685 = arith.constant 0 : i32
    %dma_wait3A_686 = tpu.memref_slice %arg5[%arg0, %add3A_681, %dma_wait3A_685] : memref<2x10240x64xf32, #tpu.memory_space<hbm>> -> memref<1x128x64xf32, #tpu.memory_space<hbm>>
    %dma_wait3A_687 = tpu.memref_squeeze %dma_wait3A_686 : memref<1x128x64xf32, #tpu.memory_space<hbm>> -> memref<128x64xf32, #tpu.memory_space<hbm>>
    tpu.wait_dma2 semaphore(%arg16 : memref<!tpu.dma_semaphore, #tpu.memory_space<semaphore_mem>>) src(%arg8 : memref<128x64xf32, #tpu.memory_space<vmem>>) dst(%dma_wait3A_687 : memref<128x64xf32, #tpu.memory_space<hbm>>)
    return
  }
}

#map = affine_map<(d0, d1) -> (0, 0)>
#map1 = affine_map<(d0, d1) -> (0, 0, 0)>
module attributes {stable_mosaic.version = 14 : i64} {
  func.func @degree(%arg0: i32, %arg1: i32, %arg2: memref<2560x128xi32, #tpu.memory_space<hbm>>, %arg3: memref<2x10240x16xf32, #tpu.memory_space<hbm>>, %arg4: memref<80x128xi32, #tpu.memory_space<vmem>>, %arg5: memref<128xi32, #tpu.memory_space<vmem>>, %arg6: memref<128xi32, #tpu.memory_space<vmem>>, %arg7: memref<128x16xf32, #tpu.memory_space<vmem>>, %arg8: memref<10240x16xf32, #tpu.memory_space<vmem_shared>>, %arg9: memref<!tpu.dma_semaphore, #tpu.memory_space<semaphore_mem>>, %arg10: memref<!tpu.dma_semaphore, #tpu.memory_space<semaphore_mem>>, %arg11: memref<!tpu.dma_semaphore, #tpu.memory_space<semaphore_mem>>) attributes {dimension_semantics = [#tpu.dimension_semantics<core_parallel>, #tpu.dimension_semantics<subcore_parallel>], iteration_bounds = array<i64: 2, 16>, scalar_prefetch = 0 : i64, scratch_operands = 8 : i64, tpu.core_type = #tpu.core_type<sc_vector_subcore>, window_params = [{transform_indices = #map}, {transform_indices = #map1}]} {
    %mul3A = arith.constant 16 : i32
    %mul3A_0 = arith.muli %arg0, %mul3A : i32
    %add3A = arith.addi %mul3A_0, %arg1 : i32
    %mul3A_1 = arith.constant 80 : i32
    %mul3A_2 = arith.muli %add3A, %mul3A_1 : i32
    %dma_start3A = arith.constant 0 : i32
    %dma_start3A_3 = tpu.memref_slice %arg2[%mul3A_2, %dma_start3A] : memref<2560x128xi32, #tpu.memory_space<hbm>> -> memref<80x128xi32, #tpu.memory_space<hbm>>
    %dma_start3A_4 = arith.constant 0 : i32
    %dma_start3A_5 = tpu.memref_slice %arg2[%mul3A_2, %dma_start3A_4] : memref<2560x128xi32, #tpu.memory_space<hbm>> -> memref<80x128xi32, #tpu.memory_space<hbm>>
    tpu.enqueue_dma source(%dma_start3A_5 : memref<80x128xi32, #tpu.memory_space<hbm>>) target(%arg4 : memref<80x128xi32, #tpu.memory_space<vmem>>) target_semaphore(%arg11 : memref<!tpu.dma_semaphore, #tpu.memory_space<semaphore_mem>>)
    %scan3A = arith.constant 0 : i32
    %scan3A_6 = arith.constant 0 : i32
    %scan3A_7 = arith.constant 128 : i32
    %scan3A_8 = arith.addi %scan3A_6, %scan3A_7 : i32
    %scan3A_9 = arith.constant 1 : i32
    scf.for %scan3A_223 = %scan3A_6 to %scan3A_8 step %scan3A_9  : i32 {
      %broadcast_in_dim3A = arith.constant 0.000000e+00 : f32
      %broadcast_in_dim3A_224 = vector.broadcast %broadcast_in_dim3A : f32 to vector<16xf32>
      %swap3A_225 = arith.index_cast %scan3A_223 : i32 to index
      %swap3A_226 = arith.constant 0 : index
      %swap3A_227 = tpu.vector_load %arg7[%swap3A_225, %swap3A_226] {strides = array<i32>} : memref<128x16xf32, #tpu.memory_space<vmem>>, vector<1x16xf32>,
      %swap3A_228 = vector.shape_cast %swap3A_227 : vector<1x16xf32> to vector<16xf32>
      %swap3A_229 = vector.shape_cast %broadcast_in_dim3A_224 : vector<16xf32> to vector<1x16xf32>
      tpu.vector_store %arg7[%swap3A_225, %swap3A_226], %swap3A_229 {strides = array<i32>} : memref<128x16xf32, #tpu.memory_space<vmem>>, vector<1x16xf32>,
    }
    %scan3A_10 = arith.constant 128 : i32
    %mul3A_11 = arith.constant 640 : i32
    %mul3A_12 = arith.muli %arg1, %mul3A_11 : i32
    %add3A_13 = arith.constant 0 : i32
    %add3A_14 = arith.addi %mul3A_12, %add3A_13 : i32
    "tpu.region"() ({
      %run_scoped3A = tpu.sem_alloc : memref<!tpu.dma_semaphore, #tpu.memory_space<semaphore_mem>>
      %dma_start3A_223 = arith.constant 0 : i32
      %dma_start3A_224 = tpu.memref_slice %arg8[%add3A_14, %dma_start3A_223] : memref<10240x16xf32, #tpu.memory_space<vmem_shared>> -> memref<128x16xf32, #tpu.memory_space<vmem_shared>>
      %dma_start3A_225 = arith.constant 0 : i32
      %dma_start3A_226 = tpu.memref_slice %arg8[%add3A_14, %dma_start3A_225] : memref<10240x16xf32, #tpu.memory_space<vmem_shared>> -> memref<128x16xf32, #tpu.memory_space<vmem_shared>>
      tpu.enqueue_dma source(%arg7 : memref<128x16xf32, #tpu.memory_space<vmem>>) target(%dma_start3A_226 : memref<128x16xf32, #tpu.memory_space<vmem_shared>>) target_semaphore(%run_scoped3A : memref<!tpu.dma_semaphore, #tpu.memory_space<semaphore_mem>>)
      %dma_wait3A_227 = arith.constant 0 : i32
      %dma_wait3A_228 = tpu.memref_slice %arg8[%add3A_14, %dma_wait3A_227] : memref<10240x16xf32, #tpu.memory_space<vmem_shared>> -> memref<128x16xf32, #tpu.memory_space<vmem_shared>>
      %dma_wait3A_229 = arith.constant 0 : i32
      %dma_wait3A_230 = tpu.memref_slice %arg8[%add3A_14, %dma_wait3A_229] : memref<10240x16xf32, #tpu.memory_space<vmem_shared>> -> memref<128x16xf32, #tpu.memory_space<vmem_shared>>
      tpu.wait_dma2 semaphore(%run_scoped3A : memref<!tpu.dma_semaphore, #tpu.memory_space<semaphore_mem>>) src(%arg7 : memref<128x16xf32, #tpu.memory_space<vmem>>) dst(%dma_wait3A_230 : memref<128x16xf32, #tpu.memory_space<vmem_shared>>)
      tpu.yield
    }) : () -> ()
    %mul3A_15 = arith.constant 640 : i32
    %mul3A_16 = arith.muli %arg1, %mul3A_15 : i32
    %add3A_17 = arith.constant 128 : i32
    %add3A_18 = arith.addi %mul3A_16, %add3A_17 : i32
    "tpu.region"() ({
      %run_scoped3A = tpu.sem_alloc : memref<!tpu.dma_semaphore, #tpu.memory_space<semaphore_mem>>
      %dma_start3A_223 = arith.constant 0 : i32
      %dma_start3A_224 = tpu.memref_slice %arg8[%add3A_18, %dma_start3A_223] : memref<10240x16xf32, #tpu.memory_space<vmem_shared>> -> memref<128x16xf32, #tpu.memory_space<vmem_shared>>
      %dma_start3A_225 = arith.constant 0 : i32
      %dma_start3A_226 = tpu.memref_slice %arg8[%add3A_18, %dma_start3A_225] : memref<10240x16xf32, #tpu.memory_space<vmem_shared>> -> memref<128x16xf32, #tpu.memory_space<vmem_shared>>
      tpu.enqueue_dma source(%arg7 : memref<128x16xf32, #tpu.memory_space<vmem>>) target(%dma_start3A_226 : memref<128x16xf32, #tpu.memory_space<vmem_shared>>) target_semaphore(%run_scoped3A : memref<!tpu.dma_semaphore, #tpu.memory_space<semaphore_mem>>)
      %dma_wait3A_227 = arith.constant 0 : i32
      %dma_wait3A_228 = tpu.memref_slice %arg8[%add3A_18, %dma_wait3A_227] : memref<10240x16xf32, #tpu.memory_space<vmem_shared>> -> memref<128x16xf32, #tpu.memory_space<vmem_shared>>
      %dma_wait3A_229 = arith.constant 0 : i32
      %dma_wait3A_230 = tpu.memref_slice %arg8[%add3A_18, %dma_wait3A_229] : memref<10240x16xf32, #tpu.memory_space<vmem_shared>> -> memref<128x16xf32, #tpu.memory_space<vmem_shared>>
      tpu.wait_dma2 semaphore(%run_scoped3A : memref<!tpu.dma_semaphore, #tpu.memory_space<semaphore_mem>>) src(%arg7 : memref<128x16xf32, #tpu.memory_space<vmem>>) dst(%dma_wait3A_230 : memref<128x16xf32, #tpu.memory_space<vmem_shared>>)
      tpu.yield
    }) : () -> ()
    %mul3A_19 = arith.constant 640 : i32
    %mul3A_20 = arith.muli %arg1, %mul3A_19 : i32
    %add3A_21 = arith.constant 256 : i32
    %add3A_22 = arith.addi %mul3A_20, %add3A_21 : i32
    "tpu.region"() ({
      %run_scoped3A = tpu.sem_alloc : memref<!tpu.dma_semaphore, #tpu.memory_space<semaphore_mem>>
      %dma_start3A_223 = arith.constant 0 : i32
      %dma_start3A_224 = tpu.memref_slice %arg8[%add3A_22, %dma_start3A_223] : memref<10240x16xf32, #tpu.memory_space<vmem_shared>> -> memref<128x16xf32, #tpu.memory_space<vmem_shared>>
      %dma_start3A_225 = arith.constant 0 : i32
      %dma_start3A_226 = tpu.memref_slice %arg8[%add3A_22, %dma_start3A_225] : memref<10240x16xf32, #tpu.memory_space<vmem_shared>> -> memref<128x16xf32, #tpu.memory_space<vmem_shared>>
      tpu.enqueue_dma source(%arg7 : memref<128x16xf32, #tpu.memory_space<vmem>>) target(%dma_start3A_226 : memref<128x16xf32, #tpu.memory_space<vmem_shared>>) target_semaphore(%run_scoped3A : memref<!tpu.dma_semaphore, #tpu.memory_space<semaphore_mem>>)
      %dma_wait3A_227 = arith.constant 0 : i32
      %dma_wait3A_228 = tpu.memref_slice %arg8[%add3A_22, %dma_wait3A_227] : memref<10240x16xf32, #tpu.memory_space<vmem_shared>> -> memref<128x16xf32, #tpu.memory_space<vmem_shared>>
      %dma_wait3A_229 = arith.constant 0 : i32
      %dma_wait3A_230 = tpu.memref_slice %arg8[%add3A_22, %dma_wait3A_229] : memref<10240x16xf32, #tpu.memory_space<vmem_shared>> -> memref<128x16xf32, #tpu.memory_space<vmem_shared>>
      tpu.wait_dma2 semaphore(%run_scoped3A : memref<!tpu.dma_semaphore, #tpu.memory_space<semaphore_mem>>) src(%arg7 : memref<128x16xf32, #tpu.memory_space<vmem>>) dst(%dma_wait3A_230 : memref<128x16xf32, #tpu.memory_space<vmem_shared>>)
      tpu.yield
    }) : () -> ()
    %mul3A_23 = arith.constant 640 : i32
    %mul3A_24 = arith.muli %arg1, %mul3A_23 : i32
    %add3A_25 = arith.constant 384 : i32
    %add3A_26 = arith.addi %mul3A_24, %add3A_25 : i32
    "tpu.region"() ({
      %run_scoped3A = tpu.sem_alloc : memref<!tpu.dma_semaphore, #tpu.memory_space<semaphore_mem>>
      %dma_start3A_223 = arith.constant 0 : i32
      %dma_start3A_224 = tpu.memref_slice %arg8[%add3A_26, %dma_start3A_223] : memref<10240x16xf32, #tpu.memory_space<vmem_shared>> -> memref<128x16xf32, #tpu.memory_space<vmem_shared>>
      %dma_start3A_225 = arith.constant 0 : i32
      %dma_start3A_226 = tpu.memref_slice %arg8[%add3A_26, %dma_start3A_225] : memref<10240x16xf32, #tpu.memory_space<vmem_shared>> -> memref<128x16xf32, #tpu.memory_space<vmem_shared>>
      tpu.enqueue_dma source(%arg7 : memref<128x16xf32, #tpu.memory_space<vmem>>) target(%dma_start3A_226 : memref<128x16xf32, #tpu.memory_space<vmem_shared>>) target_semaphore(%run_scoped3A : memref<!tpu.dma_semaphore, #tpu.memory_space<semaphore_mem>>)
      %dma_wait3A_227 = arith.constant 0 : i32
      %dma_wait3A_228 = tpu.memref_slice %arg8[%add3A_26, %dma_wait3A_227] : memref<10240x16xf32, #tpu.memory_space<vmem_shared>> -> memref<128x16xf32, #tpu.memory_space<vmem_shared>>
      %dma_wait3A_229 = arith.constant 0 : i32
      %dma_wait3A_230 = tpu.memref_slice %arg8[%add3A_26, %dma_wait3A_229] : memref<10240x16xf32, #tpu.memory_space<vmem_shared>> -> memref<128x16xf32, #tpu.memory_space<vmem_shared>>
      tpu.wait_dma2 semaphore(%run_scoped3A : memref<!tpu.dma_semaphore, #tpu.memory_space<semaphore_mem>>) src(%arg7 : memref<128x16xf32, #tpu.memory_space<vmem>>) dst(%dma_wait3A_230 : memref<128x16xf32, #tpu.memory_space<vmem_shared>>)
      tpu.yield
    }) : () -> ()
    %mul3A_27 = arith.constant 640 : i32
    %mul3A_28 = arith.muli %arg1, %mul3A_27 : i32
    %add3A_29 = arith.constant 512 : i32
    %add3A_30 = arith.addi %mul3A_28, %add3A_29 : i32
    "tpu.region"() ({
      %run_scoped3A = tpu.sem_alloc : memref<!tpu.dma_semaphore, #tpu.memory_space<semaphore_mem>>
      %dma_start3A_223 = arith.constant 0 : i32
      %dma_start3A_224 = tpu.memref_slice %arg8[%add3A_30, %dma_start3A_223] : memref<10240x16xf32, #tpu.memory_space<vmem_shared>> -> memref<128x16xf32, #tpu.memory_space<vmem_shared>>
      %dma_start3A_225 = arith.constant 0 : i32
      %dma_start3A_226 = tpu.memref_slice %arg8[%add3A_30, %dma_start3A_225] : memref<10240x16xf32, #tpu.memory_space<vmem_shared>> -> memref<128x16xf32, #tpu.memory_space<vmem_shared>>
      tpu.enqueue_dma source(%arg7 : memref<128x16xf32, #tpu.memory_space<vmem>>) target(%dma_start3A_226 : memref<128x16xf32, #tpu.memory_space<vmem_shared>>) target_semaphore(%run_scoped3A : memref<!tpu.dma_semaphore, #tpu.memory_space<semaphore_mem>>)
      %dma_wait3A_227 = arith.constant 0 : i32
      %dma_wait3A_228 = tpu.memref_slice %arg8[%add3A_30, %dma_wait3A_227] : memref<10240x16xf32, #tpu.memory_space<vmem_shared>> -> memref<128x16xf32, #tpu.memory_space<vmem_shared>>
      %dma_wait3A_229 = arith.constant 0 : i32
      %dma_wait3A_230 = tpu.memref_slice %arg8[%add3A_30, %dma_wait3A_229] : memref<10240x16xf32, #tpu.memory_space<vmem_shared>> -> memref<128x16xf32, #tpu.memory_space<vmem_shared>>
      tpu.wait_dma2 semaphore(%run_scoped3A : memref<!tpu.dma_semaphore, #tpu.memory_space<semaphore_mem>>) src(%arg7 : memref<128x16xf32, #tpu.memory_space<vmem>>) dst(%dma_wait3A_230 : memref<128x16xf32, #tpu.memory_space<vmem_shared>>)
      tpu.yield
    }) : () -> ()
    %barrier3A = arith.constant 0 : index
    tpu.barrier barrier_id(%barrier3A)
    %scan3A_31 = arith.constant 0 : i32
    %scan3A_32 = arith.constant 0 : i32
    %scan3A_33 = arith.constant 128 : i32
    %scan3A_34 = arith.addi %scan3A_32, %scan3A_33 : i32
    %scan3A_35 = arith.constant 1 : i32
    scf.for %scan3A_223 = %scan3A_32 to %scan3A_34 step %scan3A_35  : i32 {
      %broadcast_in_dim3A = arith.constant 1.000000e+00 : f32
      %broadcast_in_dim3A_224 = vector.broadcast %broadcast_in_dim3A : f32 to vector<16xf32>
      %swap3A_225 = arith.index_cast %scan3A_223 : i32 to index
      %swap3A_226 = arith.constant 0 : index
      %swap3A_227 = tpu.vector_load %arg7[%swap3A_225, %swap3A_226] {strides = array<i32>} : memref<128x16xf32, #tpu.memory_space<vmem>>, vector<1x16xf32>,
      %swap3A_228 = vector.shape_cast %swap3A_227 : vector<1x16xf32> to vector<16xf32>
      %swap3A_229 = vector.shape_cast %broadcast_in_dim3A_224 : vector<16xf32> to vector<1x16xf32>
      tpu.vector_store %arg7[%swap3A_225, %swap3A_226], %swap3A_229 {strides = array<i32>} : memref<128x16xf32, #tpu.memory_space<vmem>>, vector<1x16xf32>,
    }
    %scan3A_36 = arith.constant 128 : i32
    %mul3A_37 = arith.constant 80 : i32
    %mul3A_38 = arith.muli %add3A, %mul3A_37 : i32
    %dma_wait3A = arith.constant 0 : i32
    %dma_wait3A_39 = tpu.memref_slice %arg2[%mul3A_38, %dma_wait3A] : memref<2560x128xi32, #tpu.memory_space<hbm>> -> memref<80x128xi32, #tpu.memory_space<hbm>>
    %dma_wait3A_40 = arith.constant 0 : i32
    %dma_wait3A_41 = tpu.memref_slice %arg2[%mul3A_38, %dma_wait3A_40] : memref<2560x128xi32, #tpu.memory_space<hbm>> -> memref<80x128xi32, #tpu.memory_space<hbm>>
    tpu.wait_dma2 semaphore(%arg11 : memref<!tpu.dma_semaphore, #tpu.memory_space<semaphore_mem>>) src(%dma_wait3A_41 : memref<80x128xi32, #tpu.memory_space<hbm>>) dst(%arg4 : memref<80x128xi32, #tpu.memory_space<vmem>>)
    %get3A = arith.constant 0 : i32
    %get3A_42 = arith.index_cast %get3A : i32 to index
    %get3A_43 = arith.constant 0 : index
    %get3A_44 = tpu.vector_load %arg4[%get3A_42, %get3A_43] {strides = array<i32>} : memref<80x128xi32, #tpu.memory_space<vmem>>, vector<1x16xi32>,
    %get3A_45 = vector.shape_cast %get3A_44 : vector<1x16xi32> to vector<16xi32>
    %swap3A = arith.constant 0 : index
    %swap3A_46 = tpu.vector_load %arg5[%swap3A] {strides = array<i32>} : memref<128xi32, #tpu.memory_space<vmem>>, vector<16xi32>,
    %swap3A_47 = vector.shape_cast %swap3A_46 : vector<16xi32> to vector<16xi32>
    %swap3A_48 = vector.shape_cast %get3A_45 : vector<16xi32> to vector<16xi32>
    tpu.vector_store %arg5[%swap3A], %swap3A_48 {strides = array<i32>} : memref<128xi32, #tpu.memory_space<vmem>>, vector<16xi32>,
    %get3A_49 = arith.constant 0 : i32
    %get3A_50 = arith.index_cast %get3A_49 : i32 to index
    %get3A_51 = arith.constant 16 : index
    %get3A_52 = tpu.vector_load %arg4[%get3A_50, %get3A_51] {strides = array<i32>} : memref<80x128xi32, #tpu.memory_space<vmem>>, vector<1x16xi32>,
    %get3A_53 = vector.shape_cast %get3A_52 : vector<1x16xi32> to vector<16xi32>
    %swap3A_54 = arith.constant 16 : index
    %swap3A_55 = tpu.vector_load %arg5[%swap3A_54] {strides = array<i32>} : memref<128xi32, #tpu.memory_space<vmem>>, vector<16xi32>,
    %swap3A_56 = vector.shape_cast %swap3A_55 : vector<16xi32> to vector<16xi32>
    %swap3A_57 = vector.shape_cast %get3A_53 : vector<16xi32> to vector<16xi32>
    tpu.vector_store %arg5[%swap3A_54], %swap3A_57 {strides = array<i32>} : memref<128xi32, #tpu.memory_space<vmem>>, vector<16xi32>,
    %get3A_58 = arith.constant 0 : i32
    %get3A_59 = arith.index_cast %get3A_58 : i32 to index
    %get3A_60 = arith.constant 32 : index
    %get3A_61 = tpu.vector_load %arg4[%get3A_59, %get3A_60] {strides = array<i32>} : memref<80x128xi32, #tpu.memory_space<vmem>>, vector<1x16xi32>,
    %get3A_62 = vector.shape_cast %get3A_61 : vector<1x16xi32> to vector<16xi32>
    %swap3A_63 = arith.constant 32 : index
    %swap3A_64 = tpu.vector_load %arg5[%swap3A_63] {strides = array<i32>} : memref<128xi32, #tpu.memory_space<vmem>>, vector<16xi32>,
    %swap3A_65 = vector.shape_cast %swap3A_64 : vector<16xi32> to vector<16xi32>
    %swap3A_66 = vector.shape_cast %get3A_62 : vector<16xi32> to vector<16xi32>
    tpu.vector_store %arg5[%swap3A_63], %swap3A_66 {strides = array<i32>} : memref<128xi32, #tpu.memory_space<vmem>>, vector<16xi32>,
    %get3A_67 = arith.constant 0 : i32
    %get3A_68 = arith.index_cast %get3A_67 : i32 to index
    %get3A_69 = arith.constant 48 : index
    %get3A_70 = tpu.vector_load %arg4[%get3A_68, %get3A_69] {strides = array<i32>} : memref<80x128xi32, #tpu.memory_space<vmem>>, vector<1x16xi32>,
    %get3A_71 = vector.shape_cast %get3A_70 : vector<1x16xi32> to vector<16xi32>
    %swap3A_72 = arith.constant 48 : index
    %swap3A_73 = tpu.vector_load %arg5[%swap3A_72] {strides = array<i32>} : memref<128xi32, #tpu.memory_space<vmem>>, vector<16xi32>,
    %swap3A_74 = vector.shape_cast %swap3A_73 : vector<16xi32> to vector<16xi32>
    %swap3A_75 = vector.shape_cast %get3A_71 : vector<16xi32> to vector<16xi32>
    tpu.vector_store %arg5[%swap3A_72], %swap3A_75 {strides = array<i32>} : memref<128xi32, #tpu.memory_space<vmem>>, vector<16xi32>,
    %get3A_76 = arith.constant 0 : i32
    %get3A_77 = arith.index_cast %get3A_76 : i32 to index
    %get3A_78 = arith.constant 64 : index
    %get3A_79 = tpu.vector_load %arg4[%get3A_77, %get3A_78] {strides = array<i32>} : memref<80x128xi32, #tpu.memory_space<vmem>>, vector<1x16xi32>,
    %get3A_80 = vector.shape_cast %get3A_79 : vector<1x16xi32> to vector<16xi32>
    %swap3A_81 = arith.constant 64 : index
    %swap3A_82 = tpu.vector_load %arg5[%swap3A_81] {strides = array<i32>} : memref<128xi32, #tpu.memory_space<vmem>>, vector<16xi32>,
    %swap3A_83 = vector.shape_cast %swap3A_82 : vector<16xi32> to vector<16xi32>
    %swap3A_84 = vector.shape_cast %get3A_80 : vector<16xi32> to vector<16xi32>
    tpu.vector_store %arg5[%swap3A_81], %swap3A_84 {strides = array<i32>} : memref<128xi32, #tpu.memory_space<vmem>>, vector<16xi32>,
    %get3A_85 = arith.constant 0 : i32
    %get3A_86 = arith.index_cast %get3A_85 : i32 to index
    %get3A_87 = arith.constant 80 : index
    %get3A_88 = tpu.vector_load %arg4[%get3A_86, %get3A_87] {strides = array<i32>} : memref<80x128xi32, #tpu.memory_space<vmem>>, vector<1x16xi32>,
    %get3A_89 = vector.shape_cast %get3A_88 : vector<1x16xi32> to vector<16xi32>
    %swap3A_90 = arith.constant 80 : index
    %swap3A_91 = tpu.vector_load %arg5[%swap3A_90] {strides = array<i32>} : memref<128xi32, #tpu.memory_space<vmem>>, vector<16xi32>,
    %swap3A_92 = vector.shape_cast %swap3A_91 : vector<16xi32> to vector<16xi32>
    %swap3A_93 = vector.shape_cast %get3A_89 : vector<16xi32> to vector<16xi32>
    tpu.vector_store %arg5[%swap3A_90], %swap3A_93 {strides = array<i32>} : memref<128xi32, #tpu.memory_space<vmem>>, vector<16xi32>,
    %get3A_94 = arith.constant 0 : i32
    %get3A_95 = arith.index_cast %get3A_94 : i32 to index
    %get3A_96 = arith.constant 96 : index
    %get3A_97 = tpu.vector_load %arg4[%get3A_95, %get3A_96] {strides = array<i32>} : memref<80x128xi32, #tpu.memory_space<vmem>>, vector<1x16xi32>,
    %get3A_98 = vector.shape_cast %get3A_97 : vector<1x16xi32> to vector<16xi32>
    %swap3A_99 = arith.constant 96 : index
    %swap3A_100 = tpu.vector_load %arg5[%swap3A_99] {strides = array<i32>} : memref<128xi32, #tpu.memory_space<vmem>>, vector<16xi32>,
    %swap3A_101 = vector.shape_cast %swap3A_100 : vector<16xi32> to vector<16xi32>
    %swap3A_102 = vector.shape_cast %get3A_98 : vector<16xi32> to vector<16xi32>
    tpu.vector_store %arg5[%swap3A_99], %swap3A_102 {strides = array<i32>} : memref<128xi32, #tpu.memory_space<vmem>>, vector<16xi32>,
    %get3A_103 = arith.constant 0 : i32
    %get3A_104 = arith.index_cast %get3A_103 : i32 to index
    %get3A_105 = arith.constant 112 : index
    %get3A_106 = tpu.vector_load %arg4[%get3A_104, %get3A_105] {strides = array<i32>} : memref<80x128xi32, #tpu.memory_space<vmem>>, vector<1x16xi32>,
    %get3A_107 = vector.shape_cast %get3A_106 : vector<1x16xi32> to vector<16xi32>
    %swap3A_108 = arith.constant 112 : index
    %swap3A_109 = tpu.vector_load %arg5[%swap3A_108] {strides = array<i32>} : memref<128xi32, #tpu.memory_space<vmem>>, vector<16xi32>,
    %swap3A_110 = vector.shape_cast %swap3A_109 : vector<16xi32> to vector<16xi32>
    %swap3A_111 = vector.shape_cast %get3A_107 : vector<16xi32> to vector<16xi32>
    tpu.vector_store %arg5[%swap3A_108], %swap3A_111 {strides = array<i32>} : memref<128xi32, #tpu.memory_space<vmem>>, vector<16xi32>,
    %dma_start3A_112 = arith.constant 0 : i32
    %dma_start3A_113 = arith.constant 0 : i32
    %dma_start3A_114 = tpu.memref_slice %arg8[%dma_start3A_112, %dma_start3A_113] : memref<10240x16xf32, #tpu.memory_space<vmem_shared>> -> memref<10240x16xf32, #tpu.memory_space<vmem_shared>>
    tpu.enqueue_indirect_dma source(%arg7 : memref<128x16xf32, #tpu.memory_space<vmem>>) target(%dma_start3A_114 : memref<10240x16xf32, #tpu.memory_space<vmem_shared>>) offsets(%arg5 : memref<128xi32, #tpu.memory_space<vmem>>) semaphore(%arg9 : memref<!tpu.dma_semaphore, #tpu.memory_space<semaphore_mem>>) {add = true}
    %get3A_115 = arith.constant 1 : i32
    %get3A_116 = arith.index_cast %get3A_115 : i32 to index
    %get3A_117 = arith.constant 0 : index
    %get3A_118 = tpu.vector_load %arg4[%get3A_116, %get3A_117] {strides = array<i32>} : memref<80x128xi32, #tpu.memory_space<vmem>>, vector<1x16xi32>,
    %get3A_119 = vector.shape_cast %get3A_118 : vector<1x16xi32> to vector<16xi32>
    %swap3A_120 = arith.constant 0 : index
    %swap3A_121 = tpu.vector_load %arg6[%swap3A_120] {strides = array<i32>} : memref<128xi32, #tpu.memory_space<vmem>>, vector<16xi32>,
    %swap3A_122 = vector.shape_cast %swap3A_121 : vector<16xi32> to vector<16xi32>
    %swap3A_123 = vector.shape_cast %get3A_119 : vector<16xi32> to vector<16xi32>
    tpu.vector_store %arg6[%swap3A_120], %swap3A_123 {strides = array<i32>} : memref<128xi32, #tpu.memory_space<vmem>>, vector<16xi32>,
    %get3A_124 = arith.constant 1 : i32
    %get3A_125 = arith.index_cast %get3A_124 : i32 to index
    %get3A_126 = arith.constant 16 : index
    %get3A_127 = tpu.vector_load %arg4[%get3A_125, %get3A_126] {strides = array<i32>} : memref<80x128xi32, #tpu.memory_space<vmem>>, vector<1x16xi32>,
    %get3A_128 = vector.shape_cast %get3A_127 : vector<1x16xi32> to vector<16xi32>
    %swap3A_129 = arith.constant 16 : index
    %swap3A_130 = tpu.vector_load %arg6[%swap3A_129] {strides = array<i32>} : memref<128xi32, #tpu.memory_space<vmem>>, vector<16xi32>,
    %swap3A_131 = vector.shape_cast %swap3A_130 : vector<16xi32> to vector<16xi32>
    %swap3A_132 = vector.shape_cast %get3A_128 : vector<16xi32> to vector<16xi32>
    tpu.vector_store %arg6[%swap3A_129], %swap3A_132 {strides = array<i32>} : memref<128xi32, #tpu.memory_space<vmem>>, vector<16xi32>,
    %get3A_133 = arith.constant 1 : i32
    %get3A_134 = arith.index_cast %get3A_133 : i32 to index
    %get3A_135 = arith.constant 32 : index
    %get3A_136 = tpu.vector_load %arg4[%get3A_134, %get3A_135] {strides = array<i32>} : memref<80x128xi32, #tpu.memory_space<vmem>>, vector<1x16xi32>,
    %get3A_137 = vector.shape_cast %get3A_136 : vector<1x16xi32> to vector<16xi32>
    %swap3A_138 = arith.constant 32 : index
    %swap3A_139 = tpu.vector_load %arg6[%swap3A_138] {strides = array<i32>} : memref<128xi32, #tpu.memory_space<vmem>>, vector<16xi32>,
    %swap3A_140 = vector.shape_cast %swap3A_139 : vector<16xi32> to vector<16xi32>
    %swap3A_141 = vector.shape_cast %get3A_137 : vector<16xi32> to vector<16xi32>
    tpu.vector_store %arg6[%swap3A_138], %swap3A_141 {strides = array<i32>} : memref<128xi32, #tpu.memory_space<vmem>>, vector<16xi32>,
    %get3A_142 = arith.constant 1 : i32
    %get3A_143 = arith.index_cast %get3A_142 : i32 to index
    %get3A_144 = arith.constant 48 : index
    %get3A_145 = tpu.vector_load %arg4[%get3A_143, %get3A_144] {strides = array<i32>} : memref<80x128xi32, #tpu.memory_space<vmem>>, vector<1x16xi32>,
    %get3A_146 = vector.shape_cast %get3A_145 : vector<1x16xi32> to vector<16xi32>
    %swap3A_147 = arith.constant 48 : index
    %swap3A_148 = tpu.vector_load %arg6[%swap3A_147] {strides = array<i32>} : memref<128xi32, #tpu.memory_space<vmem>>, vector<16xi32>,
    %swap3A_149 = vector.shape_cast %swap3A_148 : vector<16xi32> to vector<16xi32>
    %swap3A_150 = vector.shape_cast %get3A_146 : vector<16xi32> to vector<16xi32>
    tpu.vector_store %arg6[%swap3A_147], %swap3A_150 {strides = array<i32>} : memref<128xi32, #tpu.memory_space<vmem>>, vector<16xi32>,
    %get3A_151 = arith.constant 1 : i32
    %get3A_152 = arith.index_cast %get3A_151 : i32 to index
    %get3A_153 = arith.constant 64 : index
    %get3A_154 = tpu.vector_load %arg4[%get3A_152, %get3A_153] {strides = array<i32>} : memref<80x128xi32, #tpu.memory_space<vmem>>, vector<1x16xi32>,
    %get3A_155 = vector.shape_cast %get3A_154 : vector<1x16xi32> to vector<16xi32>
    %swap3A_156 = arith.constant 64 : index
    %swap3A_157 = tpu.vector_load %arg6[%swap3A_156] {strides = array<i32>} : memref<128xi32, #tpu.memory_space<vmem>>, vector<16xi32>,
    %swap3A_158 = vector.shape_cast %swap3A_157 : vector<16xi32> to vector<16xi32>
    %swap3A_159 = vector.shape_cast %get3A_155 : vector<16xi32> to vector<16xi32>
    tpu.vector_store %arg6[%swap3A_156], %swap3A_159 {strides = array<i32>} : memref<128xi32, #tpu.memory_space<vmem>>, vector<16xi32>,
    %get3A_160 = arith.constant 1 : i32
    %get3A_161 = arith.index_cast %get3A_160 : i32 to index
    %get3A_162 = arith.constant 80 : index
    %get3A_163 = tpu.vector_load %arg4[%get3A_161, %get3A_162] {strides = array<i32>} : memref<80x128xi32, #tpu.memory_space<vmem>>, vector<1x16xi32>,
    %get3A_164 = vector.shape_cast %get3A_163 : vector<1x16xi32> to vector<16xi32>
    %swap3A_165 = arith.constant 80 : index
    %swap3A_166 = tpu.vector_load %arg6[%swap3A_165] {strides = array<i32>} : memref<128xi32, #tpu.memory_space<vmem>>, vector<16xi32>,
    %swap3A_167 = vector.shape_cast %swap3A_166 : vector<16xi32> to vector<16xi32>
    %swap3A_168 = vector.shape_cast %get3A_164 : vector<16xi32> to vector<16xi32>
    tpu.vector_store %arg6[%swap3A_165], %swap3A_168 {strides = array<i32>} : memref<128xi32, #tpu.memory_space<vmem>>, vector<16xi32>,
    %get3A_169 = arith.constant 1 : i32
    %get3A_170 = arith.index_cast %get3A_169 : i32 to index
    %get3A_171 = arith.constant 96 : index
    %get3A_172 = tpu.vector_load %arg4[%get3A_170, %get3A_171] {strides = array<i32>} : memref<80x128xi32, #tpu.memory_space<vmem>>, vector<1x16xi32>,
    %get3A_173 = vector.shape_cast %get3A_172 : vector<1x16xi32> to vector<16xi32>
    %swap3A_174 = arith.constant 96 : index
    %swap3A_175 = tpu.vector_load %arg6[%swap3A_174] {strides = array<i32>} : memref<128xi32, #tpu.memory_space<vmem>>, vector<16xi32>,
    %swap3A_176 = vector.shape_cast %swap3A_175 : vector<16xi32> to vector<16xi32>
    %swap3A_177 = vector.shape_cast %get3A_173 : vector<16xi32> to vector<16xi32>
    tpu.vector_store %arg6[%swap3A_174], %swap3A_177 {strides = array<i32>} : memref<128xi32, #tpu.memory_space<vmem>>, vector<16xi32>,
    %get3A_178 = arith.constant 1 : i32
    %get3A_179 = arith.index_cast %get3A_178 : i32 to index
    %get3A_180 = arith.constant 112 : index
    %get3A_181 = tpu.vector_load %arg4[%get3A_179, %get3A_180] {strides = array<i32>} : memref<80x128xi32, #tpu.memory_space<vmem>>, vector<1x16xi32>,
    %get3A_182 = vector.shape_cast %get3A_181 : vector<1x16xi32> to vector<16xi32>
    %swap3A_183 = arith.constant 112 : index
    %swap3A_184 = tpu.vector_load %arg6[%swap3A_183] {strides = array<i32>} : memref<128xi32, #tpu.memory_space<vmem>>, vector<16xi32>,
    %swap3A_185 = vector.shape_cast %swap3A_184 : vector<16xi32> to vector<16xi32>
    %swap3A_186 = vector.shape_cast %get3A_182 : vector<16xi32> to vector<16xi32>
    tpu.vector_store %arg6[%swap3A_183], %swap3A_186 {strides = array<i32>} : memref<128xi32, #tpu.memory_space<vmem>>, vector<16xi32>,
    %dma_start3A_187 = arith.constant 0 : i32
    %dma_start3A_188 = arith.constant 0 : i32
    %dma_start3A_189 = tpu.memref_slice %arg8[%dma_start3A_187, %dma_start3A_188] : memref<10240x16xf32, #tpu.memory_space<vmem_shared>> -> memref<10240x16xf32, #tpu.memory_space<vmem_shared>>
    tpu.enqueue_indirect_dma source(%arg7 : memref<128x16xf32, #tpu.memory_space<vmem>>) target(%dma_start3A_189 : memref<10240x16xf32, #tpu.memory_space<vmem_shared>>) offsets(%arg6 : memref<128xi32, #tpu.memory_space<vmem>>) semaphore(%arg10 : memref<!tpu.dma_semaphore, #tpu.memory_space<semaphore_mem>>) {add = true}
    %scan3A_190 = arith.constant 0 : i32
    %scan3A_191 = arith.constant 1 : i32
    %scan3A_192 = arith.constant 39 : i32
    %scan3A_193 = arith.addi %scan3A_191, %scan3A_192 : i32
    %scan3A_194 = arith.constant 1 : i32
    scf.for %scan3A_223 = %scan3A_191 to %scan3A_193 step %scan3A_194  : i32 {
      %dma_wait3A_224 = arith.constant 0 : i32
      %dma_wait3A_225 = arith.constant 0 : i32
      %dma_wait3A_226 = tpu.memref_slice %arg8[%dma_wait3A_224, %dma_wait3A_225] : memref<10240x16xf32, #tpu.memory_space<vmem_shared>> -> memref<10240x16xf32, #tpu.memory_space<vmem_shared>>
      tpu.wait_indirect_dma semaphore(%arg9 : memref<!tpu.dma_semaphore, #tpu.memory_space<semaphore_mem>>) src(%arg7 : memref<128x16xf32, #tpu.memory_space<vmem>>) dst(%dma_wait3A_226 : memref<10240x16xf32, #tpu.memory_space<vmem_shared>>)
      %mul3A_227 = arith.constant 2 : i32
      %mul3A_228 = arith.muli %mul3A_227, %scan3A_223 : i32
      %get3A_229 = arith.index_cast %mul3A_228 : i32 to index
      %get3A_230 = arith.constant 0 : index
      %get3A_231 = tpu.vector_load %arg4[%get3A_229, %get3A_230] {strides = array<i32>} : memref<80x128xi32, #tpu.memory_space<vmem>>, vector<1x16xi32>,
      %get3A_232 = vector.shape_cast %get3A_231 : vector<1x16xi32> to vector<16xi32>
      %swap3A_233 = arith.constant 0 : index
      %swap3A_234 = tpu.vector_load %arg5[%swap3A_233] {strides = array<i32>} : memref<128xi32, #tpu.memory_space<vmem>>, vector<16xi32>,
      %swap3A_235 = vector.shape_cast %swap3A_234 : vector<16xi32> to vector<16xi32>
      %swap3A_236 = vector.shape_cast %get3A_232 : vector<16xi32> to vector<16xi32>
      tpu.vector_store %arg5[%swap3A_233], %swap3A_236 {strides = array<i32>} : memref<128xi32, #tpu.memory_space<vmem>>, vector<16xi32>,
      %get3A_237 = arith.index_cast %mul3A_228 : i32 to index
      %get3A_238 = arith.constant 16 : index
      %get3A_239 = tpu.vector_load %arg4[%get3A_237, %get3A_238] {strides = array<i32>} : memref<80x128xi32, #tpu.memory_space<vmem>>, vector<1x16xi32>,
      %get3A_240 = vector.shape_cast %get3A_239 : vector<1x16xi32> to vector<16xi32>
      %swap3A_241 = arith.constant 16 : index
      %swap3A_242 = tpu.vector_load %arg5[%swap3A_241] {strides = array<i32>} : memref<128xi32, #tpu.memory_space<vmem>>, vector<16xi32>,
      %swap3A_243 = vector.shape_cast %swap3A_242 : vector<16xi32> to vector<16xi32>
      %swap3A_244 = vector.shape_cast %get3A_240 : vector<16xi32> to vector<16xi32>
      tpu.vector_store %arg5[%swap3A_241], %swap3A_244 {strides = array<i32>} : memref<128xi32, #tpu.memory_space<vmem>>, vector<16xi32>,
      %get3A_245 = arith.index_cast %mul3A_228 : i32 to index
      %get3A_246 = arith.constant 32 : index
      %get3A_247 = tpu.vector_load %arg4[%get3A_245, %get3A_246] {strides = array<i32>} : memref<80x128xi32, #tpu.memory_space<vmem>>, vector<1x16xi32>,
      %get3A_248 = vector.shape_cast %get3A_247 : vector<1x16xi32> to vector<16xi32>
      %swap3A_249 = arith.constant 32 : index
      %swap3A_250 = tpu.vector_load %arg5[%swap3A_249] {strides = array<i32>} : memref<128xi32, #tpu.memory_space<vmem>>, vector<16xi32>,
      %swap3A_251 = vector.shape_cast %swap3A_250 : vector<16xi32> to vector<16xi32>
      %swap3A_252 = vector.shape_cast %get3A_248 : vector<16xi32> to vector<16xi32>
      tpu.vector_store %arg5[%swap3A_249], %swap3A_252 {strides = array<i32>} : memref<128xi32, #tpu.memory_space<vmem>>, vector<16xi32>,
      %get3A_253 = arith.index_cast %mul3A_228 : i32 to index
      %get3A_254 = arith.constant 48 : index
      %get3A_255 = tpu.vector_load %arg4[%get3A_253, %get3A_254] {strides = array<i32>} : memref<80x128xi32, #tpu.memory_space<vmem>>, vector<1x16xi32>,
      %get3A_256 = vector.shape_cast %get3A_255 : vector<1x16xi32> to vector<16xi32>
      %swap3A_257 = arith.constant 48 : index
      %swap3A_258 = tpu.vector_load %arg5[%swap3A_257] {strides = array<i32>} : memref<128xi32, #tpu.memory_space<vmem>>, vector<16xi32>,
      %swap3A_259 = vector.shape_cast %swap3A_258 : vector<16xi32> to vector<16xi32>
      %swap3A_260 = vector.shape_cast %get3A_256 : vector<16xi32> to vector<16xi32>
      tpu.vector_store %arg5[%swap3A_257], %swap3A_260 {strides = array<i32>} : memref<128xi32, #tpu.memory_space<vmem>>, vector<16xi32>,
      %get3A_261 = arith.index_cast %mul3A_228 : i32 to index
      %get3A_262 = arith.constant 64 : index
      %get3A_263 = tpu.vector_load %arg4[%get3A_261, %get3A_262] {strides = array<i32>} : memref<80x128xi32, #tpu.memory_space<vmem>>, vector<1x16xi32>,
      %get3A_264 = vector.shape_cast %get3A_263 : vector<1x16xi32> to vector<16xi32>
      %swap3A_265 = arith.constant 64 : index
      %swap3A_266 = tpu.vector_load %arg5[%swap3A_265] {strides = array<i32>} : memref<128xi32, #tpu.memory_space<vmem>>, vector<16xi32>,
      %swap3A_267 = vector.shape_cast %swap3A_266 : vector<16xi32> to vector<16xi32>
      %swap3A_268 = vector.shape_cast %get3A_264 : vector<16xi32> to vector<16xi32>
      tpu.vector_store %arg5[%swap3A_265], %swap3A_268 {strides = array<i32>} : memref<128xi32, #tpu.memory_space<vmem>>, vector<16xi32>,
      %get3A_269 = arith.index_cast %mul3A_228 : i32 to index
      %get3A_270 = arith.constant 80 : index
      %get3A_271 = tpu.vector_load %arg4[%get3A_269, %get3A_270] {strides = array<i32>} : memref<80x128xi32, #tpu.memory_space<vmem>>, vector<1x16xi32>,
      %get3A_272 = vector.shape_cast %get3A_271 : vector<1x16xi32> to vector<16xi32>
      %swap3A_273 = arith.constant 80 : index
      %swap3A_274 = tpu.vector_load %arg5[%swap3A_273] {strides = array<i32>} : memref<128xi32, #tpu.memory_space<vmem>>, vector<16xi32>,
      %swap3A_275 = vector.shape_cast %swap3A_274 : vector<16xi32> to vector<16xi32>
      %swap3A_276 = vector.shape_cast %get3A_272 : vector<16xi32> to vector<16xi32>
      tpu.vector_store %arg5[%swap3A_273], %swap3A_276 {strides = array<i32>} : memref<128xi32, #tpu.memory_space<vmem>>, vector<16xi32>,
      %get3A_277 = arith.index_cast %mul3A_228 : i32 to index
      %get3A_278 = arith.constant 96 : index
      %get3A_279 = tpu.vector_load %arg4[%get3A_277, %get3A_278] {strides = array<i32>} : memref<80x128xi32, #tpu.memory_space<vmem>>, vector<1x16xi32>,
      %get3A_280 = vector.shape_cast %get3A_279 : vector<1x16xi32> to vector<16xi32>
      %swap3A_281 = arith.constant 96 : index
      %swap3A_282 = tpu.vector_load %arg5[%swap3A_281] {strides = array<i32>} : memref<128xi32, #tpu.memory_space<vmem>>, vector<16xi32>,
      %swap3A_283 = vector.shape_cast %swap3A_282 : vector<16xi32> to vector<16xi32>
      %swap3A_284 = vector.shape_cast %get3A_280 : vector<16xi32> to vector<16xi32>
      tpu.vector_store %arg5[%swap3A_281], %swap3A_284 {strides = array<i32>} : memref<128xi32, #tpu.memory_space<vmem>>, vector<16xi32>,
      %get3A_285 = arith.index_cast %mul3A_228 : i32 to index
      %get3A_286 = arith.constant 112 : index
      %get3A_287 = tpu.vector_load %arg4[%get3A_285, %get3A_286] {strides = array<i32>} : memref<80x128xi32, #tpu.memory_space<vmem>>, vector<1x16xi32>,
      %get3A_288 = vector.shape_cast %get3A_287 : vector<1x16xi32> to vector<16xi32>
      %swap3A_289 = arith.constant 112 : index
      %swap3A_290 = tpu.vector_load %arg5[%swap3A_289] {strides = array<i32>} : memref<128xi32, #tpu.memory_space<vmem>>, vector<16xi32>,
      %swap3A_291 = vector.shape_cast %swap3A_290 : vector<16xi32> to vector<16xi32>
      %swap3A_292 = vector.shape_cast %get3A_288 : vector<16xi32> to vector<16xi32>
      tpu.vector_store %arg5[%swap3A_289], %swap3A_292 {strides = array<i32>} : memref<128xi32, #tpu.memory_space<vmem>>, vector<16xi32>,
      %dma_start3A_293 = arith.constant 0 : i32
      %dma_start3A_294 = arith.constant 0 : i32
      %dma_start3A_295 = tpu.memref_slice %arg8[%dma_start3A_293, %dma_start3A_294] : memref<10240x16xf32, #tpu.memory_space<vmem_shared>> -> memref<10240x16xf32, #tpu.memory_space<vmem_shared>>
      tpu.enqueue_indirect_dma source(%arg7 : memref<128x16xf32, #tpu.memory_space<vmem>>) target(%dma_start3A_295 : memref<10240x16xf32, #tpu.memory_space<vmem_shared>>) offsets(%arg5 : memref<128xi32, #tpu.memory_space<vmem>>) semaphore(%arg9 : memref<!tpu.dma_semaphore, #tpu.memory_space<semaphore_mem>>) {add = true}
      %dma_wait3A_296 = arith.constant 0 : i32
      %dma_wait3A_297 = arith.constant 0 : i32
      %dma_wait3A_298 = tpu.memref_slice %arg8[%dma_wait3A_296, %dma_wait3A_297] : memref<10240x16xf32, #tpu.memory_space<vmem_shared>> -> memref<10240x16xf32, #tpu.memory_space<vmem_shared>>
      tpu.wait_indirect_dma semaphore(%arg10 : memref<!tpu.dma_semaphore, #tpu.memory_space<semaphore_mem>>) src(%arg7 : memref<128x16xf32, #tpu.memory_space<vmem>>) dst(%dma_wait3A_298 : memref<10240x16xf32, #tpu.memory_space<vmem_shared>>)
      %mul3A_299 = arith.constant 2 : i32
      %mul3A_300 = arith.muli %mul3A_299, %scan3A_223 : i32
      %add3A_301 = arith.constant 1 : i32
      %add3A_302 = arith.addi %mul3A_300, %add3A_301 : i32
      %get3A_303 = arith.index_cast %add3A_302 : i32 to index
      %get3A_304 = arith.constant 0 : index
      %get3A_305 = tpu.vector_load %arg4[%get3A_303, %get3A_304] {strides = array<i32>} : memref<80x128xi32, #tpu.memory_space<vmem>>, vector<1x16xi32>,
      %get3A_306 = vector.shape_cast %get3A_305 : vector<1x16xi32> to vector<16xi32>
      %swap3A_307 = arith.constant 0 : index
      %swap3A_308 = tpu.vector_load %arg6[%swap3A_307] {strides = array<i32>} : memref<128xi32, #tpu.memory_space<vmem>>, vector<16xi32>,
      %swap3A_309 = vector.shape_cast %swap3A_308 : vector<16xi32> to vector<16xi32>
      %swap3A_310 = vector.shape_cast %get3A_306 : vector<16xi32> to vector<16xi32>
      tpu.vector_store %arg6[%swap3A_307], %swap3A_310 {strides = array<i32>} : memref<128xi32, #tpu.memory_space<vmem>>, vector<16xi32>,
      %get3A_311 = arith.index_cast %add3A_302 : i32 to index
      %get3A_312 = arith.constant 16 : index
      %get3A_313 = tpu.vector_load %arg4[%get3A_311, %get3A_312] {strides = array<i32>} : memref<80x128xi32, #tpu.memory_space<vmem>>, vector<1x16xi32>,
      %get3A_314 = vector.shape_cast %get3A_313 : vector<1x16xi32> to vector<16xi32>
      %swap3A_315 = arith.constant 16 : index
      %swap3A_316 = tpu.vector_load %arg6[%swap3A_315] {strides = array<i32>} : memref<128xi32, #tpu.memory_space<vmem>>, vector<16xi32>,
      %swap3A_317 = vector.shape_cast %swap3A_316 : vector<16xi32> to vector<16xi32>
      %swap3A_318 = vector.shape_cast %get3A_314 : vector<16xi32> to vector<16xi32>
      tpu.vector_store %arg6[%swap3A_315], %swap3A_318 {strides = array<i32>} : memref<128xi32, #tpu.memory_space<vmem>>, vector<16xi32>,
      %get3A_319 = arith.index_cast %add3A_302 : i32 to index
      %get3A_320 = arith.constant 32 : index
      %get3A_321 = tpu.vector_load %arg4[%get3A_319, %get3A_320] {strides = array<i32>} : memref<80x128xi32, #tpu.memory_space<vmem>>, vector<1x16xi32>,
      %get3A_322 = vector.shape_cast %get3A_321 : vector<1x16xi32> to vector<16xi32>
      %swap3A_323 = arith.constant 32 : index
      %swap3A_324 = tpu.vector_load %arg6[%swap3A_323] {strides = array<i32>} : memref<128xi32, #tpu.memory_space<vmem>>, vector<16xi32>,
      %swap3A_325 = vector.shape_cast %swap3A_324 : vector<16xi32> to vector<16xi32>
      %swap3A_326 = vector.shape_cast %get3A_322 : vector<16xi32> to vector<16xi32>
      tpu.vector_store %arg6[%swap3A_323], %swap3A_326 {strides = array<i32>} : memref<128xi32, #tpu.memory_space<vmem>>, vector<16xi32>,
      %get3A_327 = arith.index_cast %add3A_302 : i32 to index
      %get3A_328 = arith.constant 48 : index
      %get3A_329 = tpu.vector_load %arg4[%get3A_327, %get3A_328] {strides = array<i32>} : memref<80x128xi32, #tpu.memory_space<vmem>>, vector<1x16xi32>,
      %get3A_330 = vector.shape_cast %get3A_329 : vector<1x16xi32> to vector<16xi32>
      %swap3A_331 = arith.constant 48 : index
      %swap3A_332 = tpu.vector_load %arg6[%swap3A_331] {strides = array<i32>} : memref<128xi32, #tpu.memory_space<vmem>>, vector<16xi32>,
      %swap3A_333 = vector.shape_cast %swap3A_332 : vector<16xi32> to vector<16xi32>
      %swap3A_334 = vector.shape_cast %get3A_330 : vector<16xi32> to vector<16xi32>
      tpu.vector_store %arg6[%swap3A_331], %swap3A_334 {strides = array<i32>} : memref<128xi32, #tpu.memory_space<vmem>>, vector<16xi32>,
      %get3A_335 = arith.index_cast %add3A_302 : i32 to index
      %get3A_336 = arith.constant 64 : index
      %get3A_337 = tpu.vector_load %arg4[%get3A_335, %get3A_336] {strides = array<i32>} : memref<80x128xi32, #tpu.memory_space<vmem>>, vector<1x16xi32>,
      %get3A_338 = vector.shape_cast %get3A_337 : vector<1x16xi32> to vector<16xi32>
      %swap3A_339 = arith.constant 64 : index
      %swap3A_340 = tpu.vector_load %arg6[%swap3A_339] {strides = array<i32>} : memref<128xi32, #tpu.memory_space<vmem>>, vector<16xi32>,
      %swap3A_341 = vector.shape_cast %swap3A_340 : vector<16xi32> to vector<16xi32>
      %swap3A_342 = vector.shape_cast %get3A_338 : vector<16xi32> to vector<16xi32>
      tpu.vector_store %arg6[%swap3A_339], %swap3A_342 {strides = array<i32>} : memref<128xi32, #tpu.memory_space<vmem>>, vector<16xi32>,
      %get3A_343 = arith.index_cast %add3A_302 : i32 to index
      %get3A_344 = arith.constant 80 : index
      %get3A_345 = tpu.vector_load %arg4[%get3A_343, %get3A_344] {strides = array<i32>} : memref<80x128xi32, #tpu.memory_space<vmem>>, vector<1x16xi32>,
      %get3A_346 = vector.shape_cast %get3A_345 : vector<1x16xi32> to vector<16xi32>
      %swap3A_347 = arith.constant 80 : index
      %swap3A_348 = tpu.vector_load %arg6[%swap3A_347] {strides = array<i32>} : memref<128xi32, #tpu.memory_space<vmem>>, vector<16xi32>,
      %swap3A_349 = vector.shape_cast %swap3A_348 : vector<16xi32> to vector<16xi32>
      %swap3A_350 = vector.shape_cast %get3A_346 : vector<16xi32> to vector<16xi32>
      tpu.vector_store %arg6[%swap3A_347], %swap3A_350 {strides = array<i32>} : memref<128xi32, #tpu.memory_space<vmem>>, vector<16xi32>,
      %get3A_351 = arith.index_cast %add3A_302 : i32 to index
      %get3A_352 = arith.constant 96 : index
      %get3A_353 = tpu.vector_load %arg4[%get3A_351, %get3A_352] {strides = array<i32>} : memref<80x128xi32, #tpu.memory_space<vmem>>, vector<1x16xi32>,
      %get3A_354 = vector.shape_cast %get3A_353 : vector<1x16xi32> to vector<16xi32>
      %swap3A_355 = arith.constant 96 : index
      %swap3A_356 = tpu.vector_load %arg6[%swap3A_355] {strides = array<i32>} : memref<128xi32, #tpu.memory_space<vmem>>, vector<16xi32>,
      %swap3A_357 = vector.shape_cast %swap3A_356 : vector<16xi32> to vector<16xi32>
      %swap3A_358 = vector.shape_cast %get3A_354 : vector<16xi32> to vector<16xi32>
      tpu.vector_store %arg6[%swap3A_355], %swap3A_358 {strides = array<i32>} : memref<128xi32, #tpu.memory_space<vmem>>, vector<16xi32>,
      %get3A_359 = arith.index_cast %add3A_302 : i32 to index
      %get3A_360 = arith.constant 112 : index
      %get3A_361 = tpu.vector_load %arg4[%get3A_359, %get3A_360] {strides = array<i32>} : memref<80x128xi32, #tpu.memory_space<vmem>>, vector<1x16xi32>,
      %get3A_362 = vector.shape_cast %get3A_361 : vector<1x16xi32> to vector<16xi32>
      %swap3A_363 = arith.constant 112 : index
      %swap3A_364 = tpu.vector_load %arg6[%swap3A_363] {strides = array<i32>} : memref<128xi32, #tpu.memory_space<vmem>>, vector<16xi32>,
      %swap3A_365 = vector.shape_cast %swap3A_364 : vector<16xi32> to vector<16xi32>
      %swap3A_366 = vector.shape_cast %get3A_362 : vector<16xi32> to vector<16xi32>
      tpu.vector_store %arg6[%swap3A_363], %swap3A_366 {strides = array<i32>} : memref<128xi32, #tpu.memory_space<vmem>>, vector<16xi32>,
      %dma_start3A_367 = arith.constant 0 : i32
      %dma_start3A_368 = arith.constant 0 : i32
      %dma_start3A_369 = tpu.memref_slice %arg8[%dma_start3A_367, %dma_start3A_368] : memref<10240x16xf32, #tpu.memory_space<vmem_shared>> -> memref<10240x16xf32, #tpu.memory_space<vmem_shared>>
      tpu.enqueue_indirect_dma source(%arg7 : memref<128x16xf32, #tpu.memory_space<vmem>>) target(%dma_start3A_369 : memref<10240x16xf32, #tpu.memory_space<vmem_shared>>) offsets(%arg6 : memref<128xi32, #tpu.memory_space<vmem>>) semaphore(%arg10 : memref<!tpu.dma_semaphore, #tpu.memory_space<semaphore_mem>>) {add = true}
    }
    %scan3A_195 = arith.constant 39 : i32
    %dma_wait3A_196 = arith.constant 0 : i32
    %dma_wait3A_197 = arith.constant 0 : i32
    %dma_wait3A_198 = tpu.memref_slice %arg8[%dma_wait3A_196, %dma_wait3A_197] : memref<10240x16xf32, #tpu.memory_space<vmem_shared>> -> memref<10240x16xf32, #tpu.memory_space<vmem_shared>>
    tpu.wait_indirect_dma semaphore(%arg9 : memref<!tpu.dma_semaphore, #tpu.memory_space<semaphore_mem>>) src(%arg7 : memref<128x16xf32, #tpu.memory_space<vmem>>) dst(%dma_wait3A_198 : memref<10240x16xf32, #tpu.memory_space<vmem_shared>>)
    %dma_wait3A_199 = arith.constant 0 : i32
    %dma_wait3A_200 = arith.constant 0 : i32
    %dma_wait3A_201 = tpu.memref_slice %arg8[%dma_wait3A_199, %dma_wait3A_200] : memref<10240x16xf32, #tpu.memory_space<vmem_shared>> -> memref<10240x16xf32, #tpu.memory_space<vmem_shared>>
    tpu.wait_indirect_dma semaphore(%arg10 : memref<!tpu.dma_semaphore, #tpu.memory_space<semaphore_mem>>) src(%arg7 : memref<128x16xf32, #tpu.memory_space<vmem>>) dst(%dma_wait3A_201 : memref<10240x16xf32, #tpu.memory_space<vmem_shared>>)
    %barrier3A_202 = arith.constant 0 : index
    tpu.barrier barrier_id(%barrier3A_202)
    %mul3A_203 = arith.constant 640 : i32
    %mul3A_204 = arith.muli %arg1, %mul3A_203 : i32
    %add3A_205 = arith.constant 0 : i32
    %add3A_206 = arith.addi %mul3A_204, %add3A_205 : i32
    "tpu.region"() ({
      %run_scoped3A = tpu.sem_alloc : memref<!tpu.dma_semaphore, #tpu.memory_space<semaphore_mem>>
      %dma_start3A_223 = arith.constant 0 : i32
      %dma_start3A_224 = tpu.memref_slice %arg8[%add3A_206, %dma_start3A_223] : memref<10240x16xf32, #tpu.memory_space<vmem_shared>> -> memref<128x16xf32, #tpu.memory_space<vmem_shared>>
      %dma_start3A_225 = arith.constant 0 : i32
      %dma_start3A_226 = tpu.memref_slice %arg8[%add3A_206, %dma_start3A_225] : memref<10240x16xf32, #tpu.memory_space<vmem_shared>> -> memref<128x16xf32, #tpu.memory_space<vmem_shared>>
      tpu.enqueue_dma source(%dma_start3A_226 : memref<128x16xf32, #tpu.memory_space<vmem_shared>>) target(%arg7 : memref<128x16xf32, #tpu.memory_space<vmem>>) target_semaphore(%run_scoped3A : memref<!tpu.dma_semaphore, #tpu.memory_space<semaphore_mem>>)
      %dma_wait3A_227 = arith.constant 0 : i32
      %dma_wait3A_228 = tpu.memref_slice %arg8[%add3A_206, %dma_wait3A_227] : memref<10240x16xf32, #tpu.memory_space<vmem_shared>> -> memref<128x16xf32, #tpu.memory_space<vmem_shared>>
      %dma_wait3A_229 = arith.constant 0 : i32
      %dma_wait3A_230 = tpu.memref_slice %arg8[%add3A_206, %dma_wait3A_229] : memref<10240x16xf32, #tpu.memory_space<vmem_shared>> -> memref<128x16xf32, #tpu.memory_space<vmem_shared>>
      tpu.wait_dma2 semaphore(%run_scoped3A : memref<!tpu.dma_semaphore, #tpu.memory_space<semaphore_mem>>) src(%dma_wait3A_230 : memref<128x16xf32, #tpu.memory_space<vmem_shared>>) dst(%arg7 : memref<128x16xf32, #tpu.memory_space<vmem>>)
      tpu.yield
    }) : () -> ()
    "tpu.region"() ({
      %run_scoped3A = tpu.sem_alloc : memref<!tpu.dma_semaphore, #tpu.memory_space<semaphore_mem>>
      %dma_start3A_223 = arith.constant 0 : i32
      %dma_start3A_224 = tpu.memref_slice %arg3[%arg0, %add3A_206, %dma_start3A_223] : memref<2x10240x16xf32, #tpu.memory_space<hbm>> -> memref<1x128x16xf32, #tpu.memory_space<hbm>>
      %dma_start3A_225 = tpu.memref_squeeze %dma_start3A_224 : memref<1x128x16xf32, #tpu.memory_space<hbm>> -> memref<128x16xf32, #tpu.memory_space<hbm>>
      %dma_start3A_226 = arith.constant 0 : i32
      %dma_start3A_227 = tpu.memref_slice %arg3[%arg0, %add3A_206, %dma_start3A_226] : memref<2x10240x16xf32, #tpu.memory_space<hbm>> -> memref<1x128x16xf32, #tpu.memory_space<hbm>>
      %dma_start3A_228 = tpu.memref_squeeze %dma_start3A_227 : memref<1x128x16xf32, #tpu.memory_space<hbm>> -> memref<128x16xf32, #tpu.memory_space<hbm>>
      tpu.enqueue_dma source(%arg7 : memref<128x16xf32, #tpu.memory_space<vmem>>) target(%dma_start3A_228 : memref<128x16xf32, #tpu.memory_space<hbm>>) target_semaphore(%run_scoped3A : memref<!tpu.dma_semaphore, #tpu.memory_space<semaphore_mem>>)
      %dma_wait3A_229 = arith.constant 0 : i32
      %dma_wait3A_230 = tpu.memref_slice %arg3[%arg0, %add3A_206, %dma_wait3A_229] : memref<2x10240x16xf32, #tpu.memory_space<hbm>> -> memref<1x128x16xf32, #tpu.memory_space<hbm>>
      %dma_wait3A_231 = tpu.memref_squeeze %dma_wait3A_230 : memref<1x128x16xf32, #tpu.memory_space<hbm>> -> memref<128x16xf32, #tpu.memory_space<hbm>>
      %dma_wait3A_232 = arith.constant 0 : i32
      %dma_wait3A_233 = tpu.memref_slice %arg3[%arg0, %add3A_206, %dma_wait3A_232] : memref<2x10240x16xf32, #tpu.memory_space<hbm>> -> memref<1x128x16xf32, #tpu.memory_space<hbm>>
      %dma_wait3A_234 = tpu.memref_squeeze %dma_wait3A_233 : memref<1x128x16xf32, #tpu.memory_space<hbm>> -> memref<128x16xf32, #tpu.memory_space<hbm>>
      tpu.wait_dma2 semaphore(%run_scoped3A : memref<!tpu.dma_semaphore, #tpu.memory_space<semaphore_mem>>) src(%arg7 : memref<128x16xf32, #tpu.memory_space<vmem>>) dst(%dma_wait3A_234 : memref<128x16xf32, #tpu.memory_space<hbm>>)
      tpu.yield
    }) : () -> ()
    %mul3A_207 = arith.constant 640 : i32
    %mul3A_208 = arith.muli %arg1, %mul3A_207 : i32
    %add3A_209 = arith.constant 128 : i32
    %add3A_210 = arith.addi %mul3A_208, %add3A_209 : i32
    "tpu.region"() ({
      %run_scoped3A = tpu.sem_alloc : memref<!tpu.dma_semaphore, #tpu.memory_space<semaphore_mem>>
      %dma_start3A_223 = arith.constant 0 : i32
      %dma_start3A_224 = tpu.memref_slice %arg8[%add3A_210, %dma_start3A_223] : memref<10240x16xf32, #tpu.memory_space<vmem_shared>> -> memref<128x16xf32, #tpu.memory_space<vmem_shared>>
      %dma_start3A_225 = arith.constant 0 : i32
      %dma_start3A_226 = tpu.memref_slice %arg8[%add3A_210, %dma_start3A_225] : memref<10240x16xf32, #tpu.memory_space<vmem_shared>> -> memref<128x16xf32, #tpu.memory_space<vmem_shared>>
      tpu.enqueue_dma source(%dma_start3A_226 : memref<128x16xf32, #tpu.memory_space<vmem_shared>>) target(%arg7 : memref<128x16xf32, #tpu.memory_space<vmem>>) target_semaphore(%run_scoped3A : memref<!tpu.dma_semaphore, #tpu.memory_space<semaphore_mem>>)
      %dma_wait3A_227 = arith.constant 0 : i32
      %dma_wait3A_228 = tpu.memref_slice %arg8[%add3A_210, %dma_wait3A_227] : memref<10240x16xf32, #tpu.memory_space<vmem_shared>> -> memref<128x16xf32, #tpu.memory_space<vmem_shared>>
      %dma_wait3A_229 = arith.constant 0 : i32
      %dma_wait3A_230 = tpu.memref_slice %arg8[%add3A_210, %dma_wait3A_229] : memref<10240x16xf32, #tpu.memory_space<vmem_shared>> -> memref<128x16xf32, #tpu.memory_space<vmem_shared>>
      tpu.wait_dma2 semaphore(%run_scoped3A : memref<!tpu.dma_semaphore, #tpu.memory_space<semaphore_mem>>) src(%dma_wait3A_230 : memref<128x16xf32, #tpu.memory_space<vmem_shared>>) dst(%arg7 : memref<128x16xf32, #tpu.memory_space<vmem>>)
      tpu.yield
    }) : () -> ()
    "tpu.region"() ({
      %run_scoped3A = tpu.sem_alloc : memref<!tpu.dma_semaphore, #tpu.memory_space<semaphore_mem>>
      %dma_start3A_223 = arith.constant 0 : i32
      %dma_start3A_224 = tpu.memref_slice %arg3[%arg0, %add3A_210, %dma_start3A_223] : memref<2x10240x16xf32, #tpu.memory_space<hbm>> -> memref<1x128x16xf32, #tpu.memory_space<hbm>>
      %dma_start3A_225 = tpu.memref_squeeze %dma_start3A_224 : memref<1x128x16xf32, #tpu.memory_space<hbm>> -> memref<128x16xf32, #tpu.memory_space<hbm>>
      %dma_start3A_226 = arith.constant 0 : i32
      %dma_start3A_227 = tpu.memref_slice %arg3[%arg0, %add3A_210, %dma_start3A_226] : memref<2x10240x16xf32, #tpu.memory_space<hbm>> -> memref<1x128x16xf32, #tpu.memory_space<hbm>>
      %dma_start3A_228 = tpu.memref_squeeze %dma_start3A_227 : memref<1x128x16xf32, #tpu.memory_space<hbm>> -> memref<128x16xf32, #tpu.memory_space<hbm>>
      tpu.enqueue_dma source(%arg7 : memref<128x16xf32, #tpu.memory_space<vmem>>) target(%dma_start3A_228 : memref<128x16xf32, #tpu.memory_space<hbm>>) target_semaphore(%run_scoped3A : memref<!tpu.dma_semaphore, #tpu.memory_space<semaphore_mem>>)
      %dma_wait3A_229 = arith.constant 0 : i32
      %dma_wait3A_230 = tpu.memref_slice %arg3[%arg0, %add3A_210, %dma_wait3A_229] : memref<2x10240x16xf32, #tpu.memory_space<hbm>> -> memref<1x128x16xf32, #tpu.memory_space<hbm>>
      %dma_wait3A_231 = tpu.memref_squeeze %dma_wait3A_230 : memref<1x128x16xf32, #tpu.memory_space<hbm>> -> memref<128x16xf32, #tpu.memory_space<hbm>>
      %dma_wait3A_232 = arith.constant 0 : i32
      %dma_wait3A_233 = tpu.memref_slice %arg3[%arg0, %add3A_210, %dma_wait3A_232] : memref<2x10240x16xf32, #tpu.memory_space<hbm>> -> memref<1x128x16xf32, #tpu.memory_space<hbm>>
      %dma_wait3A_234 = tpu.memref_squeeze %dma_wait3A_233 : memref<1x128x16xf32, #tpu.memory_space<hbm>> -> memref<128x16xf32, #tpu.memory_space<hbm>>
      tpu.wait_dma2 semaphore(%run_scoped3A : memref<!tpu.dma_semaphore, #tpu.memory_space<semaphore_mem>>) src(%arg7 : memref<128x16xf32, #tpu.memory_space<vmem>>) dst(%dma_wait3A_234 : memref<128x16xf32, #tpu.memory_space<hbm>>)
      tpu.yield
    }) : () -> ()
    %mul3A_211 = arith.constant 640 : i32
    %mul3A_212 = arith.muli %arg1, %mul3A_211 : i32
    %add3A_213 = arith.constant 256 : i32
    %add3A_214 = arith.addi %mul3A_212, %add3A_213 : i32
    "tpu.region"() ({
      %run_scoped3A = tpu.sem_alloc : memref<!tpu.dma_semaphore, #tpu.memory_space<semaphore_mem>>
      %dma_start3A_223 = arith.constant 0 : i32
      %dma_start3A_224 = tpu.memref_slice %arg8[%add3A_214, %dma_start3A_223] : memref<10240x16xf32, #tpu.memory_space<vmem_shared>> -> memref<128x16xf32, #tpu.memory_space<vmem_shared>>
      %dma_start3A_225 = arith.constant 0 : i32
      %dma_start3A_226 = tpu.memref_slice %arg8[%add3A_214, %dma_start3A_225] : memref<10240x16xf32, #tpu.memory_space<vmem_shared>> -> memref<128x16xf32, #tpu.memory_space<vmem_shared>>
      tpu.enqueue_dma source(%dma_start3A_226 : memref<128x16xf32, #tpu.memory_space<vmem_shared>>) target(%arg7 : memref<128x16xf32, #tpu.memory_space<vmem>>) target_semaphore(%run_scoped3A : memref<!tpu.dma_semaphore, #tpu.memory_space<semaphore_mem>>)
      %dma_wait3A_227 = arith.constant 0 : i32
      %dma_wait3A_228 = tpu.memref_slice %arg8[%add3A_214, %dma_wait3A_227] : memref<10240x16xf32, #tpu.memory_space<vmem_shared>> -> memref<128x16xf32, #tpu.memory_space<vmem_shared>>
      %dma_wait3A_229 = arith.constant 0 : i32
      %dma_wait3A_230 = tpu.memref_slice %arg8[%add3A_214, %dma_wait3A_229] : memref<10240x16xf32, #tpu.memory_space<vmem_shared>> -> memref<128x16xf32, #tpu.memory_space<vmem_shared>>
      tpu.wait_dma2 semaphore(%run_scoped3A : memref<!tpu.dma_semaphore, #tpu.memory_space<semaphore_mem>>) src(%dma_wait3A_230 : memref<128x16xf32, #tpu.memory_space<vmem_shared>>) dst(%arg7 : memref<128x16xf32, #tpu.memory_space<vmem>>)
      tpu.yield
    }) : () -> ()
    "tpu.region"() ({
      %run_scoped3A = tpu.sem_alloc : memref<!tpu.dma_semaphore, #tpu.memory_space<semaphore_mem>>
      %dma_start3A_223 = arith.constant 0 : i32
      %dma_start3A_224 = tpu.memref_slice %arg3[%arg0, %add3A_214, %dma_start3A_223] : memref<2x10240x16xf32, #tpu.memory_space<hbm>> -> memref<1x128x16xf32, #tpu.memory_space<hbm>>
      %dma_start3A_225 = tpu.memref_squeeze %dma_start3A_224 : memref<1x128x16xf32, #tpu.memory_space<hbm>> -> memref<128x16xf32, #tpu.memory_space<hbm>>
      %dma_start3A_226 = arith.constant 0 : i32
      %dma_start3A_227 = tpu.memref_slice %arg3[%arg0, %add3A_214, %dma_start3A_226] : memref<2x10240x16xf32, #tpu.memory_space<hbm>> -> memref<1x128x16xf32, #tpu.memory_space<hbm>>
      %dma_start3A_228 = tpu.memref_squeeze %dma_start3A_227 : memref<1x128x16xf32, #tpu.memory_space<hbm>> -> memref<128x16xf32, #tpu.memory_space<hbm>>
      tpu.enqueue_dma source(%arg7 : memref<128x16xf32, #tpu.memory_space<vmem>>) target(%dma_start3A_228 : memref<128x16xf32, #tpu.memory_space<hbm>>) target_semaphore(%run_scoped3A : memref<!tpu.dma_semaphore, #tpu.memory_space<semaphore_mem>>)
      %dma_wait3A_229 = arith.constant 0 : i32
      %dma_wait3A_230 = tpu.memref_slice %arg3[%arg0, %add3A_214, %dma_wait3A_229] : memref<2x10240x16xf32, #tpu.memory_space<hbm>> -> memref<1x128x16xf32, #tpu.memory_space<hbm>>
      %dma_wait3A_231 = tpu.memref_squeeze %dma_wait3A_230 : memref<1x128x16xf32, #tpu.memory_space<hbm>> -> memref<128x16xf32, #tpu.memory_space<hbm>>
      %dma_wait3A_232 = arith.constant 0 : i32
      %dma_wait3A_233 = tpu.memref_slice %arg3[%arg0, %add3A_214, %dma_wait3A_232] : memref<2x10240x16xf32, #tpu.memory_space<hbm>> -> memref<1x128x16xf32, #tpu.memory_space<hbm>>
      %dma_wait3A_234 = tpu.memref_squeeze %dma_wait3A_233 : memref<1x128x16xf32, #tpu.memory_space<hbm>> -> memref<128x16xf32, #tpu.memory_space<hbm>>
      tpu.wait_dma2 semaphore(%run_scoped3A : memref<!tpu.dma_semaphore, #tpu.memory_space<semaphore_mem>>) src(%arg7 : memref<128x16xf32, #tpu.memory_space<vmem>>) dst(%dma_wait3A_234 : memref<128x16xf32, #tpu.memory_space<hbm>>)
      tpu.yield
    }) : () -> ()
    %mul3A_215 = arith.constant 640 : i32
    %mul3A_216 = arith.muli %arg1, %mul3A_215 : i32
    %add3A_217 = arith.constant 384 : i32
    %add3A_218 = arith.addi %mul3A_216, %add3A_217 : i32
    "tpu.region"() ({
      %run_scoped3A = tpu.sem_alloc : memref<!tpu.dma_semaphore, #tpu.memory_space<semaphore_mem>>
      %dma_start3A_223 = arith.constant 0 : i32
      %dma_start3A_224 = tpu.memref_slice %arg8[%add3A_218, %dma_start3A_223] : memref<10240x16xf32, #tpu.memory_space<vmem_shared>> -> memref<128x16xf32, #tpu.memory_space<vmem_shared>>
      %dma_start3A_225 = arith.constant 0 : i32
      %dma_start3A_226 = tpu.memref_slice %arg8[%add3A_218, %dma_start3A_225] : memref<10240x16xf32, #tpu.memory_space<vmem_shared>> -> memref<128x16xf32, #tpu.memory_space<vmem_shared>>
      tpu.enqueue_dma source(%dma_start3A_226 : memref<128x16xf32, #tpu.memory_space<vmem_shared>>) target(%arg7 : memref<128x16xf32, #tpu.memory_space<vmem>>) target_semaphore(%run_scoped3A : memref<!tpu.dma_semaphore, #tpu.memory_space<semaphore_mem>>)
      %dma_wait3A_227 = arith.constant 0 : i32
      %dma_wait3A_228 = tpu.memref_slice %arg8[%add3A_218, %dma_wait3A_227] : memref<10240x16xf32, #tpu.memory_space<vmem_shared>> -> memref<128x16xf32, #tpu.memory_space<vmem_shared>>
      %dma_wait3A_229 = arith.constant 0 : i32
      %dma_wait3A_230 = tpu.memref_slice %arg8[%add3A_218, %dma_wait3A_229] : memref<10240x16xf32, #tpu.memory_space<vmem_shared>> -> memref<128x16xf32, #tpu.memory_space<vmem_shared>>
      tpu.wait_dma2 semaphore(%run_scoped3A : memref<!tpu.dma_semaphore, #tpu.memory_space<semaphore_mem>>) src(%dma_wait3A_230 : memref<128x16xf32, #tpu.memory_space<vmem_shared>>) dst(%arg7 : memref<128x16xf32, #tpu.memory_space<vmem>>)
      tpu.yield
    }) : () -> ()
    "tpu.region"() ({
      %run_scoped3A = tpu.sem_alloc : memref<!tpu.dma_semaphore, #tpu.memory_space<semaphore_mem>>
      %dma_start3A_223 = arith.constant 0 : i32
      %dma_start3A_224 = tpu.memref_slice %arg3[%arg0, %add3A_218, %dma_start3A_223] : memref<2x10240x16xf32, #tpu.memory_space<hbm>> -> memref<1x128x16xf32, #tpu.memory_space<hbm>>
      %dma_start3A_225 = tpu.memref_squeeze %dma_start3A_224 : memref<1x128x16xf32, #tpu.memory_space<hbm>> -> memref<128x16xf32, #tpu.memory_space<hbm>>
      %dma_start3A_226 = arith.constant 0 : i32
      %dma_start3A_227 = tpu.memref_slice %arg3[%arg0, %add3A_218, %dma_start3A_226] : memref<2x10240x16xf32, #tpu.memory_space<hbm>> -> memref<1x128x16xf32, #tpu.memory_space<hbm>>
      %dma_start3A_228 = tpu.memref_squeeze %dma_start3A_227 : memref<1x128x16xf32, #tpu.memory_space<hbm>> -> memref<128x16xf32, #tpu.memory_space<hbm>>
      tpu.enqueue_dma source(%arg7 : memref<128x16xf32, #tpu.memory_space<vmem>>) target(%dma_start3A_228 : memref<128x16xf32, #tpu.memory_space<hbm>>) target_semaphore(%run_scoped3A : memref<!tpu.dma_semaphore, #tpu.memory_space<semaphore_mem>>)
      %dma_wait3A_229 = arith.constant 0 : i32
      %dma_wait3A_230 = tpu.memref_slice %arg3[%arg0, %add3A_218, %dma_wait3A_229] : memref<2x10240x16xf32, #tpu.memory_space<hbm>> -> memref<1x128x16xf32, #tpu.memory_space<hbm>>
      %dma_wait3A_231 = tpu.memref_squeeze %dma_wait3A_230 : memref<1x128x16xf32, #tpu.memory_space<hbm>> -> memref<128x16xf32, #tpu.memory_space<hbm>>
      %dma_wait3A_232 = arith.constant 0 : i32
      %dma_wait3A_233 = tpu.memref_slice %arg3[%arg0, %add3A_218, %dma_wait3A_232] : memref<2x10240x16xf32, #tpu.memory_space<hbm>> -> memref<1x128x16xf32, #tpu.memory_space<hbm>>
      %dma_wait3A_234 = tpu.memref_squeeze %dma_wait3A_233 : memref<1x128x16xf32, #tpu.memory_space<hbm>> -> memref<128x16xf32, #tpu.memory_space<hbm>>
      tpu.wait_dma2 semaphore(%run_scoped3A : memref<!tpu.dma_semaphore, #tpu.memory_space<semaphore_mem>>) src(%arg7 : memref<128x16xf32, #tpu.memory_space<vmem>>) dst(%dma_wait3A_234 : memref<128x16xf32, #tpu.memory_space<hbm>>)
      tpu.yield
    }) : () -> ()
    %mul3A_219 = arith.constant 640 : i32
    %mul3A_220 = arith.muli %arg1, %mul3A_219 : i32
    %add3A_221 = arith.constant 512 : i32
    %add3A_222 = arith.addi %mul3A_220, %add3A_221 : i32
    "tpu.region"() ({
      %run_scoped3A = tpu.sem_alloc : memref<!tpu.dma_semaphore, #tpu.memory_space<semaphore_mem>>
      %dma_start3A_223 = arith.constant 0 : i32
      %dma_start3A_224 = tpu.memref_slice %arg8[%add3A_222, %dma_start3A_223] : memref<10240x16xf32, #tpu.memory_space<vmem_shared>> -> memref<128x16xf32, #tpu.memory_space<vmem_shared>>
      %dma_start3A_225 = arith.constant 0 : i32
      %dma_start3A_226 = tpu.memref_slice %arg8[%add3A_222, %dma_start3A_225] : memref<10240x16xf32, #tpu.memory_space<vmem_shared>> -> memref<128x16xf32, #tpu.memory_space<vmem_shared>>
      tpu.enqueue_dma source(%dma_start3A_226 : memref<128x16xf32, #tpu.memory_space<vmem_shared>>) target(%arg7 : memref<128x16xf32, #tpu.memory_space<vmem>>) target_semaphore(%run_scoped3A : memref<!tpu.dma_semaphore, #tpu.memory_space<semaphore_mem>>)
      %dma_wait3A_227 = arith.constant 0 : i32
      %dma_wait3A_228 = tpu.memref_slice %arg8[%add3A_222, %dma_wait3A_227] : memref<10240x16xf32, #tpu.memory_space<vmem_shared>> -> memref<128x16xf32, #tpu.memory_space<vmem_shared>>
      %dma_wait3A_229 = arith.constant 0 : i32
      %dma_wait3A_230 = tpu.memref_slice %arg8[%add3A_222, %dma_wait3A_229] : memref<10240x16xf32, #tpu.memory_space<vmem_shared>> -> memref<128x16xf32, #tpu.memory_space<vmem_shared>>
      tpu.wait_dma2 semaphore(%run_scoped3A : memref<!tpu.dma_semaphore, #tpu.memory_space<semaphore_mem>>) src(%dma_wait3A_230 : memref<128x16xf32, #tpu.memory_space<vmem_shared>>) dst(%arg7 : memref<128x16xf32, #tpu.memory_space<vmem>>)
      tpu.yield
    }) : () -> ()
    "tpu.region"() ({
      %run_scoped3A = tpu.sem_alloc : memref<!tpu.dma_semaphore, #tpu.memory_space<semaphore_mem>>
      %dma_start3A_223 = arith.constant 0 : i32
      %dma_start3A_224 = tpu.memref_slice %arg3[%arg0, %add3A_222, %dma_start3A_223] : memref<2x10240x16xf32, #tpu.memory_space<hbm>> -> memref<1x128x16xf32, #tpu.memory_space<hbm>>
      %dma_start3A_225 = tpu.memref_squeeze %dma_start3A_224 : memref<1x128x16xf32, #tpu.memory_space<hbm>> -> memref<128x16xf32, #tpu.memory_space<hbm>>
      %dma_start3A_226 = arith.constant 0 : i32
      %dma_start3A_227 = tpu.memref_slice %arg3[%arg0, %add3A_222, %dma_start3A_226] : memref<2x10240x16xf32, #tpu.memory_space<hbm>> -> memref<1x128x16xf32, #tpu.memory_space<hbm>>
      %dma_start3A_228 = tpu.memref_squeeze %dma_start3A_227 : memref<1x128x16xf32, #tpu.memory_space<hbm>> -> memref<128x16xf32, #tpu.memory_space<hbm>>
      tpu.enqueue_dma source(%arg7 : memref<128x16xf32, #tpu.memory_space<vmem>>) target(%dma_start3A_228 : memref<128x16xf32, #tpu.memory_space<hbm>>) target_semaphore(%run_scoped3A : memref<!tpu.dma_semaphore, #tpu.memory_space<semaphore_mem>>)
      %dma_wait3A_229 = arith.constant 0 : i32
      %dma_wait3A_230 = tpu.memref_slice %arg3[%arg0, %add3A_222, %dma_wait3A_229] : memref<2x10240x16xf32, #tpu.memory_space<hbm>> -> memref<1x128x16xf32, #tpu.memory_space<hbm>>
      %dma_wait3A_231 = tpu.memref_squeeze %dma_wait3A_230 : memref<1x128x16xf32, #tpu.memory_space<hbm>> -> memref<128x16xf32, #tpu.memory_space<hbm>>
      %dma_wait3A_232 = arith.constant 0 : i32
      %dma_wait3A_233 = tpu.memref_slice %arg3[%arg0, %add3A_222, %dma_wait3A_232] : memref<2x10240x16xf32, #tpu.memory_space<hbm>> -> memref<1x128x16xf32, #tpu.memory_space<hbm>>
      %dma_wait3A_234 = tpu.memref_squeeze %dma_wait3A_233 : memref<1x128x16xf32, #tpu.memory_space<hbm>> -> memref<128x16xf32, #tpu.memory_space<hbm>>
      tpu.wait_dma2 semaphore(%run_scoped3A : memref<!tpu.dma_semaphore, #tpu.memory_space<semaphore_mem>>) src(%arg7 : memref<128x16xf32, #tpu.memory_space<vmem>>) dst(%dma_wait3A_234 : memref<128x16xf32, #tpu.memory_space<hbm>>)
      tpu.yield
    }) : () -> ()
    return
  }
}

module attributes {stable_mosaic.version = 14 : i64} {
  func.func @body(%arg0: i32, %arg1: memref<1024x128xf32, #tpu.memory_space<vmem>>, %arg2: memref<128x128xf32, #tpu.memory_space<vmem>>, %arg3: memref<1024x128xf32, #tpu.memory_space<vmem>>) attributes {dimension_semantics = [#tpu.dimension_semantics<arbitrary>], iteration_bounds = array<i64: 10>, scalar_prefetch = 0 : i64, scratch_operands = 0 : i64, tpu.core_type = #tpu.core_type<tc>, window_params = [{transform_indices = @transform_0, window_bounds = array<i64: 1024, 128>}, {pipeline_mode = #tpu.pipeline_mode<synchronous>, transform_indices = @transform_1, window_bounds = array<i64: 128, 128>}, {transform_indices = @transform_2, window_bounds = array<i64: 1024, 128>}]} {
    %get3A = arith.constant 0 : index
    %get3A_0 = arith.constant 0 : index
    %get3A_1 = vector.load %arg1[%get3A, %get3A_0] : memref<1024x128xf32, #tpu.memory_space<vmem>>, vector<1024x128xf32>
    %get3A_2 = arith.constant 0 : index
    %get3A_3 = arith.constant 0 : index
    %get3A_4 = vector.load %arg2[%get3A_2, %get3A_3] : memref<128x128xf32, #tpu.memory_space<vmem>>, vector<128x128xf32>
    %dot_general3A = arith.constant dense<0.000000e+00> : vector<1024x128xf32>
    %dot_general3A_5 = tpu.matmul %get3A_1, %get3A_4, %dot_general3A {dimension_numbers = #tpu.dot_dimension_numbers<[1], [0], [0], [1], [0, 0, 1, 1], [], []>, transpose_lhs_hint = false} : vector<1024x128xf32>, vector<128x128xf32>, vector<1024x128xf32> -> vector<1024x128xf32>
    %swap3A = arith.constant 0 : index
    %swap3A_6 = arith.constant 0 : index
    %swap3A_7 = vector.load %arg3[%swap3A, %swap3A_6] : memref<1024x128xf32, #tpu.memory_space<vmem>>, vector<1024x128xf32>
    tpu.vector_store %arg3[%swap3A, %swap3A_6], %dot_general3A_5 {strides = array<i32>} : memref<1024x128xf32, #tpu.memory_space<vmem>>, vector<1024x128xf32>,
    return
  }
  func.func @transform_0(%arg0: i32) -> (i32, i32) {
    %c0_i32 = arith.constant 0 : i32
    %c0_i32_0 = arith.constant 0 : i32
    return %arg0, %c0_i32 : i32, i32
  }
  func.func @transform_1(%arg0: i32) -> (i32, i32) {
    %c0_i32 = arith.constant 0 : i32
    %c0_i32_0 = arith.constant 0 : i32
    %c0_i32_1 = arith.constant 0 : i32
    return %c0_i32, %c0_i32_0 : i32, i32
  }
  func.func @transform_2(%arg0: i32) -> (i32, i32) {
    %c0_i32 = arith.constant 0 : i32
    %c0_i32_0 = arith.constant 0 : i32
    return %arg0, %c0_i32 : i32, i32
  }
}

module attributes {stable_mosaic.version = 14 : i64} {
  func.func @body(%arg0: i32, %arg1: memref<2x1024x16xf32, #tpu.memory_space<vmem>>, %arg2: memref<1024x128xf32, #tpu.memory_space<vmem>>, %arg3: memref<1024x16xf32, #tpu.memory_space<vmem>>, %arg4: memref<2x1024x64xf32, #tpu.memory_space<vmem>>) attributes {dimension_semantics = [#tpu.dimension_semantics<arbitrary>], iteration_bounds = array<i64: 10>, scalar_prefetch = 0 : i64, scratch_operands = 0 : i64, tpu.core_type = #tpu.core_type<tc>, window_params = [{transform_indices = @transform_0, window_bounds = array<i64: 2, 1024, 16>}, {transform_indices = @transform_1, window_bounds = array<i64: 1024, 128>}, {transform_indices = @transform_2, window_bounds = array<i64: 1024, 16>}, {transform_indices = @transform_3, window_bounds = array<i64: 2, 1024, 64>}]} {
    %get3A = arith.constant 0 : index
    %get3A_0 = arith.constant 0 : index
    %get3A_1 = arith.constant 0 : index
    %get3A_2 = vector.load %arg1[%get3A, %get3A_0, %get3A_1] : memref<2x1024x16xf32, #tpu.memory_space<vmem>>, vector<1x1024x16xf32>
    %get3A_3 = vector.shape_cast %get3A_2 : vector<1x1024x16xf32> to vector<1024x16xf32>
    %get3A_4 = arith.constant 1 : index
    %get3A_5 = arith.constant 0 : index
    %get3A_6 = arith.constant 0 : index
    %get3A_7 = vector.load %arg1[%get3A_4, %get3A_5, %get3A_6] : memref<2x1024x16xf32, #tpu.memory_space<vmem>>, vector<1x1024x16xf32>
    %get3A_8 = vector.shape_cast %get3A_7 : vector<1x1024x16xf32> to vector<1024x16xf32>
    %add3A = arith.addf %get3A_3, %get3A_8 : vector<1024x16xf32>
    %add3A_9 = arith.constant 1.000000e+00 : f32
    %add3A_10 = vector.broadcast %add3A_9 : f32 to vector<1024x16xf32>
    %add3A_11 = arith.addf %add3A, %add3A_10 : vector<1024x16xf32>
    %rsqrt3A = math.rsqrt %add3A_11 : vector<1024x16xf32>
    %swap3A = arith.constant 0 : index
    %swap3A_12 = arith.constant 0 : index
    %swap3A_13 = vector.load %arg3[%swap3A, %swap3A_12] : memref<1024x16xf32, #tpu.memory_space<vmem>>, vector<1024x16xf32>
    tpu.vector_store %arg3[%swap3A, %swap3A_12], %rsqrt3A {strides = array<i32>} : memref<1024x16xf32, #tpu.memory_space<vmem>>, vector<1024x16xf32>,
    %get3A_14 = arith.constant 0 : index
    %get3A_15 = arith.constant 0 : index
    %get3A_16 = vector.load %arg2[%get3A_14, %get3A_15] : memref<1024x128xf32, #tpu.memory_space<vmem>>, vector<1024x128xf32>
    %slice3A = vector.extract_strided_slice %rsqrt3A {offsets = [0, 0], sizes = [1024, 1], strides = [1, 1]} : vector<1024x16xf32> to vector<1024x1xf32>
    %mul3A = vector.broadcast %slice3A : vector<1024x1xf32> to vector<1024x128xf32>
    %mul3A_17 = arith.mulf %get3A_16, %mul3A : vector<1024x128xf32>
    %slice3A_18 = vector.extract_strided_slice %mul3A_17 {offsets = [0, 0], sizes = [1024, 64], strides = [1, 1]} : vector<1024x128xf32> to vector<1024x64xf32>
    %swap3A_19 = arith.constant 0 : index
    %swap3A_20 = arith.constant 0 : index
    %swap3A_21 = arith.constant 0 : index
    %swap3A_22 = vector.load %arg4[%swap3A_19, %swap3A_20, %swap3A_21] : memref<2x1024x64xf32, #tpu.memory_space<vmem>>, vector<1x1024x64xf32>
    %swap3A_23 = vector.shape_cast %swap3A_22 : vector<1x1024x64xf32> to vector<1024x64xf32>
    %swap3A_24 = vector.shape_cast %slice3A_18 : vector<1024x64xf32> to vector<1x1024x64xf32>
    tpu.vector_store %arg4[%swap3A_19, %swap3A_20, %swap3A_21], %swap3A_24 {strides = array<i32>} : memref<2x1024x64xf32, #tpu.memory_space<vmem>>, vector<1x1024x64xf32>,
    %slice3A_25 = vector.extract_strided_slice %mul3A_17 {offsets = [0, 64], sizes = [1024, 64], strides = [1, 1]} : vector<1024x128xf32> to vector<1024x64xf32>
    %swap3A_26 = arith.constant 1 : index
    %swap3A_27 = arith.constant 0 : index
    %swap3A_28 = arith.constant 0 : index
    %swap3A_29 = vector.load %arg4[%swap3A_26, %swap3A_27, %swap3A_28] : memref<2x1024x64xf32, #tpu.memory_space<vmem>>, vector<1x1024x64xf32>
    %swap3A_30 = vector.shape_cast %swap3A_29 : vector<1x1024x64xf32> to vector<1024x64xf32>
    %swap3A_31 = vector.shape_cast %slice3A_25 : vector<1024x64xf32> to vector<1x1024x64xf32>
    tpu.vector_store %arg4[%swap3A_26, %swap3A_27, %swap3A_28], %swap3A_31 {strides = array<i32>} : memref<2x1024x64xf32, #tpu.memory_space<vmem>>, vector<1x1024x64xf32>,
    return
  }
  func.func @transform_0(%arg0: i32) -> (i32, i32, i32) {
    %c0_i32 = arith.constant 0 : i32
    %c0_i32_0 = arith.constant 0 : i32
    %c0_i32_1 = arith.constant 0 : i32
    return %c0_i32, %arg0, %c0_i32_0 : i32, i32, i32
  }
  func.func @transform_1(%arg0: i32) -> (i32, i32) {
    %c0_i32 = arith.constant 0 : i32
    %c0_i32_0 = arith.constant 0 : i32
    return %arg0, %c0_i32 : i32, i32
  }
  func.func @transform_2(%arg0: i32) -> (i32, i32) {
    %c0_i32 = arith.constant 0 : i32
    %c0_i32_0 = arith.constant 0 : i32
    return %arg0, %c0_i32 : i32, i32
  }
  func.func @transform_3(%arg0: i32) -> (i32, i32, i32) {
    %c0_i32 = arith.constant 0 : i32
    %c0_i32_0 = arith.constant 0 : i32
    %c0_i32_1 = arith.constant 0 : i32
    return %c0_i32, %arg0, %c0_i32_0 : i32, i32, i32
  }
}

module attributes {stable_mosaic.version = 14 : i64} {
  func.func @body(%arg0: i32, %arg1: memref<2x1024x64xf32, #tpu.memory_space<vmem>>, %arg2: memref<2x1024x64xf32, #tpu.memory_space<vmem>>, %arg3: memref<1024x16xf32, #tpu.memory_space<vmem>>, %arg4: memref<1x128xf32, #tpu.memory_space<vmem>>, %arg5: memref<1024x128xi32, #tpu.memory_space<vmem>>, %arg6: memref<128x128xf32, #tpu.memory_space<vmem>>, %arg7: memref<2x1024x64xf32, #tpu.memory_space<vmem>>) attributes {dimension_semantics = [#tpu.dimension_semantics<arbitrary>], iteration_bounds = array<i64: 10>, scalar_prefetch = 0 : i64, scratch_operands = 0 : i64, tpu.core_type = #tpu.core_type<tc>, window_params = [{transform_indices = @transform_0, window_bounds = array<i64: 2, 1024, 64>}, {transform_indices = @transform_1, window_bounds = array<i64: 2, 1024, 64>}, {transform_indices = @transform_2, window_bounds = array<i64: 1024, 16>}, {pipeline_mode = #tpu.pipeline_mode<synchronous>, transform_indices = @transform_3, window_bounds = array<i64: 1, 128>}, {transform_indices = @transform_4, window_bounds = array<i64: 1024, 128>}, {pipeline_mode = #tpu.pipeline_mode<synchronous>, transform_indices = @transform_5, window_bounds = array<i64: 128, 128>}, {transform_indices = @transform_6, window_bounds = array<i64: 2, 1024, 64>}]} {
    %get3A = arith.constant 0 : index
    %get3A_0 = arith.constant 0 : index
    %get3A_1 = vector.load %arg3[%get3A, %get3A_0] : memref<1024x16xf32, #tpu.memory_space<vmem>>, vector<1024x16xf32>
    %slice3A = vector.extract_strided_slice %get3A_1 {offsets = [0, 0], sizes = [1024, 1], strides = [1, 1]} : vector<1024x16xf32> to vector<1024x1xf32>
    %get3A_2 = arith.constant 0 : index
    %get3A_3 = arith.constant 0 : index
    %get3A_4 = arith.constant 0 : index
    %get3A_5 = vector.load %arg1[%get3A_2, %get3A_3, %get3A_4] : memref<2x1024x64xf32, #tpu.memory_space<vmem>>, vector<1x1024x64xf32>
    %get3A_6 = vector.shape_cast %get3A_5 : vector<1x1024x64xf32> to vector<1024x64xf32>
    %get3A_7 = arith.constant 1 : index
    %get3A_8 = arith.constant 0 : index
    %get3A_9 = arith.constant 0 : index
    %get3A_10 = vector.load %arg1[%get3A_7, %get3A_8, %get3A_9] : memref<2x1024x64xf32, #tpu.memory_space<vmem>>, vector<1x1024x64xf32>
    %get3A_11 = vector.shape_cast %get3A_10 : vector<1x1024x64xf32> to vector<1024x64xf32>
    %concatenate3A = tpu.concatenate %get3A_6, %get3A_11 in 1 : vector<1024x64xf32>, vector<1024x64xf32> -> vector<1024x128xf32>
    %get3A_12 = arith.constant 0 : index
    %get3A_13 = arith.constant 0 : index
    %get3A_14 = arith.constant 0 : index
    %get3A_15 = vector.load %arg2[%get3A_12, %get3A_13, %get3A_14] : memref<2x1024x64xf32, #tpu.memory_space<vmem>>, vector<1x1024x64xf32>
    %get3A_16 = vector.shape_cast %get3A_15 : vector<1x1024x64xf32> to vector<1024x64xf32>
    %get3A_17 = arith.constant 1 : index
    %get3A_18 = arith.constant 0 : index
    %get3A_19 = arith.constant 0 : index
    %get3A_20 = vector.load %arg2[%get3A_17, %get3A_18, %get3A_19] : memref<2x1024x64xf32, #tpu.memory_space<vmem>>, vector<1x1024x64xf32>
    %get3A_21 = vector.shape_cast %get3A_20 : vector<1x1024x64xf32> to vector<1024x64xf32>
    %concatenate3A_22 = tpu.concatenate %get3A_16, %get3A_21 in 1 : vector<1024x64xf32>, vector<1024x64xf32> -> vector<1024x128xf32>
    %add3A = arith.addf %concatenate3A, %concatenate3A_22 : vector<1024x128xf32>
    %mul3A = vector.broadcast %slice3A : vector<1024x1xf32> to vector<1024x128xf32>
    %mul3A_23 = arith.mulf %add3A, %mul3A : vector<1024x128xf32>
    %get3A_24 = arith.constant 0 : index
    %get3A_25 = arith.constant 0 : index
    %get3A_26 = vector.load %arg4[%get3A_24, %get3A_25] : memref<1x128xf32, #tpu.memory_space<vmem>>, vector<1x128xf32>
    %add3A_27 = vector.broadcast %get3A_26 : vector<1x128xf32> to vector<1024x128xf32>
    %add3A_28 = arith.addf %mul3A_23, %add3A_27 : vector<1024x128xf32>
    %max3A = arith.constant 0.000000e+00 : f32
    %max3A_29 = vector.broadcast %max3A : f32 to vector<1024x128xf32>
    %max3A_30 = arith.maximumf %add3A_28, %max3A_29 : vector<1024x128xf32>
    %get3A_31 = arith.constant 0 : index
    %get3A_32 = arith.constant 0 : index
    %get3A_33 = vector.load %arg5[%get3A_31, %get3A_32] : memref<1024x128xi32, #tpu.memory_space<vmem>>, vector<1024x128xi32>
    %convert_element_type3A = arith.sitofp %get3A_33 : vector<1024x128xi32> to vector<1024x128xf32>
    %mul3A_34 = arith.mulf %max3A_30, %convert_element_type3A : vector<1024x128xf32>
    %mul3A_35 = arith.constant 2.000000e+00 : f32
    %mul3A_36 = vector.broadcast %mul3A_35 : f32 to vector<1024x128xf32>
    %mul3A_37 = arith.mulf %mul3A_34, %mul3A_36 : vector<1024x128xf32>
    %get3A_38 = arith.constant 0 : index
    %get3A_39 = arith.constant 0 : index
    %get3A_40 = vector.load %arg6[%get3A_38, %get3A_39] : memref<128x128xf32, #tpu.memory_space<vmem>>, vector<128x128xf32>
    %dot_general3A = arith.constant dense<0.000000e+00> : vector<1024x128xf32>
    %dot_general3A_41 = tpu.matmul %mul3A_37, %get3A_40, %dot_general3A {dimension_numbers = #tpu.dot_dimension_numbers<[1], [0], [0], [1], [0, 0, 1, 1], [], []>, transpose_lhs_hint = false} : vector<1024x128xf32>, vector<128x128xf32>, vector<1024x128xf32> -> vector<1024x128xf32>
    %mul3A_42 = vector.broadcast %slice3A : vector<1024x1xf32> to vector<1024x128xf32>
    %mul3A_43 = arith.mulf %dot_general3A_41, %mul3A_42 : vector<1024x128xf32>
    %slice3A_44 = vector.extract_strided_slice %mul3A_43 {offsets = [0, 0], sizes = [1024, 64], strides = [1, 1]} : vector<1024x128xf32> to vector<1024x64xf32>
    %swap3A = arith.constant 0 : index
    %swap3A_45 = arith.constant 0 : index
    %swap3A_46 = arith.constant 0 : index
    %swap3A_47 = vector.load %arg7[%swap3A, %swap3A_45, %swap3A_46] : memref<2x1024x64xf32, #tpu.memory_space<vmem>>, vector<1x1024x64xf32>
    %swap3A_48 = vector.shape_cast %swap3A_47 : vector<1x1024x64xf32> to vector<1024x64xf32>
    %swap3A_49 = vector.shape_cast %slice3A_44 : vector<1024x64xf32> to vector<1x1024x64xf32>
    tpu.vector_store %arg7[%swap3A, %swap3A_45, %swap3A_46], %swap3A_49 {strides = array<i32>} : memref<2x1024x64xf32, #tpu.memory_space<vmem>>, vector<1x1024x64xf32>,
    %slice3A_50 = vector.extract_strided_slice %mul3A_43 {offsets = [0, 64], sizes = [1024, 64], strides = [1, 1]} : vector<1024x128xf32> to vector<1024x64xf32>
    %swap3A_51 = arith.constant 1 : index
    %swap3A_52 = arith.constant 0 : index
    %swap3A_53 = arith.constant 0 : index
    %swap3A_54 = vector.load %arg7[%swap3A_51, %swap3A_52, %swap3A_53] : memref<2x1024x64xf32, #tpu.memory_space<vmem>>, vector<1x1024x64xf32>
    %swap3A_55 = vector.shape_cast %swap3A_54 : vector<1x1024x64xf32> to vector<1024x64xf32>
    %swap3A_56 = vector.shape_cast %slice3A_50 : vector<1024x64xf32> to vector<1x1024x64xf32>
    tpu.vector_store %arg7[%swap3A_51, %swap3A_52, %swap3A_53], %swap3A_56 {strides = array<i32>} : memref<2x1024x64xf32, #tpu.memory_space<vmem>>, vector<1x1024x64xf32>,
    return
  }
  func.func @transform_0(%arg0: i32) -> (i32, i32, i32) {
    %c0_i32 = arith.constant 0 : i32
    %c0_i32_0 = arith.constant 0 : i32
    %c0_i32_1 = arith.constant 0 : i32
    return %c0_i32, %arg0, %c0_i32_0 : i32, i32, i32
  }
  func.func @transform_1(%arg0: i32) -> (i32, i32, i32) {
    %c0_i32 = arith.constant 0 : i32
    %c0_i32_0 = arith.constant 0 : i32
    %c0_i32_1 = arith.constant 0 : i32
    return %c0_i32, %arg0, %c0_i32_0 : i32, i32, i32
  }
  func.func @transform_2(%arg0: i32) -> (i32, i32) {
    %c0_i32 = arith.constant 0 : i32
    %c0_i32_0 = arith.constant 0 : i32
    return %arg0, %c0_i32 : i32, i32
  }
  func.func @transform_3(%arg0: i32) -> (i32, i32) {
    %c0_i32 = arith.constant 0 : i32
    %c0_i32_0 = arith.constant 0 : i32
    %c0_i32_1 = arith.constant 0 : i32
    return %c0_i32, %c0_i32_0 : i32, i32
  }
  func.func @transform_4(%arg0: i32) -> (i32, i32) {
    %c0_i32 = arith.constant 0 : i32
    %c0_i32_0 = arith.constant 0 : i32
    return %arg0, %c0_i32 : i32, i32
  }
  func.func @transform_5(%arg0: i32) -> (i32, i32) {
    %c0_i32 = arith.constant 0 : i32
    %c0_i32_0 = arith.constant 0 : i32
    %c0_i32_1 = arith.constant 0 : i32
    return %c0_i32, %c0_i32_0 : i32, i32
  }
  func.func @transform_6(%arg0: i32) -> (i32, i32, i32) {
    %c0_i32 = arith.constant 0 : i32
    %c0_i32_0 = arith.constant 0 : i32
    %c0_i32_1 = arith.constant 0 : i32
    return %c0_i32, %arg0, %c0_i32_0 : i32, i32, i32
  }
}

module attributes {stable_mosaic.version = 14 : i64} {
  func.func @body(%arg0: i32, %arg1: memref<2x1024x64xf32, #tpu.memory_space<vmem>>, %arg2: memref<2x1024x64xf32, #tpu.memory_space<vmem>>, %arg3: memref<1024x16xf32, #tpu.memory_space<vmem>>, %arg4: memref<1x128xf32, #tpu.memory_space<vmem>>, %arg5: memref<1024x128xf32, #tpu.memory_space<vmem>>) attributes {dimension_semantics = [#tpu.dimension_semantics<arbitrary>], iteration_bounds = array<i64: 10>, scalar_prefetch = 0 : i64, scratch_operands = 0 : i64, tpu.core_type = #tpu.core_type<tc>, window_params = [{transform_indices = @transform_0, window_bounds = array<i64: 2, 1024, 64>}, {transform_indices = @transform_1, window_bounds = array<i64: 2, 1024, 64>}, {transform_indices = @transform_2, window_bounds = array<i64: 1024, 16>}, {pipeline_mode = #tpu.pipeline_mode<synchronous>, transform_indices = @transform_3, window_bounds = array<i64: 1, 128>}, {transform_indices = @transform_4, window_bounds = array<i64: 1024, 128>}]} {
    %get3A = arith.constant 0 : index
    %get3A_0 = arith.constant 0 : index
    %get3A_1 = vector.load %arg3[%get3A, %get3A_0] : memref<1024x16xf32, #tpu.memory_space<vmem>>, vector<1024x16xf32>
    %slice3A = vector.extract_strided_slice %get3A_1 {offsets = [0, 0], sizes = [1024, 1], strides = [1, 1]} : vector<1024x16xf32> to vector<1024x1xf32>
    %get3A_2 = arith.constant 0 : index
    %get3A_3 = arith.constant 0 : index
    %get3A_4 = arith.constant 0 : index
    %get3A_5 = vector.load %arg1[%get3A_2, %get3A_3, %get3A_4] : memref<2x1024x64xf32, #tpu.memory_space<vmem>>, vector<1x1024x64xf32>
    %get3A_6 = vector.shape_cast %get3A_5 : vector<1x1024x64xf32> to vector<1024x64xf32>
    %get3A_7 = arith.constant 1 : index
    %get3A_8 = arith.constant 0 : index
    %get3A_9 = arith.constant 0 : index
    %get3A_10 = vector.load %arg1[%get3A_7, %get3A_8, %get3A_9] : memref<2x1024x64xf32, #tpu.memory_space<vmem>>, vector<1x1024x64xf32>
    %get3A_11 = vector.shape_cast %get3A_10 : vector<1x1024x64xf32> to vector<1024x64xf32>
    %concatenate3A = tpu.concatenate %get3A_6, %get3A_11 in 1 : vector<1024x64xf32>, vector<1024x64xf32> -> vector<1024x128xf32>
    %get3A_12 = arith.constant 0 : index
    %get3A_13 = arith.constant 0 : index
    %get3A_14 = arith.constant 0 : index
    %get3A_15 = vector.load %arg2[%get3A_12, %get3A_13, %get3A_14] : memref<2x1024x64xf32, #tpu.memory_space<vmem>>, vector<1x1024x64xf32>
    %get3A_16 = vector.shape_cast %get3A_15 : vector<1x1024x64xf32> to vector<1024x64xf32>
    %get3A_17 = arith.constant 1 : index
    %get3A_18 = arith.constant 0 : index
    %get3A_19 = arith.constant 0 : index
    %get3A_20 = vector.load %arg2[%get3A_17, %get3A_18, %get3A_19] : memref<2x1024x64xf32, #tpu.memory_space<vmem>>, vector<1x1024x64xf32>
    %get3A_21 = vector.shape_cast %get3A_20 : vector<1x1024x64xf32> to vector<1024x64xf32>
    %concatenate3A_22 = tpu.concatenate %get3A_16, %get3A_21 in 1 : vector<1024x64xf32>, vector<1024x64xf32> -> vector<1024x128xf32>
    %add3A = arith.addf %concatenate3A, %concatenate3A_22 : vector<1024x128xf32>
    %mul3A = vector.broadcast %slice3A : vector<1024x1xf32> to vector<1024x128xf32>
    %mul3A_23 = arith.mulf %add3A, %mul3A : vector<1024x128xf32>
    %get3A_24 = arith.constant 0 : index
    %get3A_25 = arith.constant 0 : index
    %get3A_26 = vector.load %arg4[%get3A_24, %get3A_25] : memref<1x128xf32, #tpu.memory_space<vmem>>, vector<1x128xf32>
    %add3A_27 = vector.broadcast %get3A_26 : vector<1x128xf32> to vector<1024x128xf32>
    %add3A_28 = arith.addf %mul3A_23, %add3A_27 : vector<1024x128xf32>
    %swap3A = arith.constant 0 : index
    %swap3A_29 = arith.constant 0 : index
    %swap3A_30 = vector.load %arg5[%swap3A, %swap3A_29] : memref<1024x128xf32, #tpu.memory_space<vmem>>, vector<1024x128xf32>
    tpu.vector_store %arg5[%swap3A, %swap3A_29], %add3A_28 {strides = array<i32>} : memref<1024x128xf32, #tpu.memory_space<vmem>>, vector<1024x128xf32>,
    return
  }
  func.func @transform_0(%arg0: i32) -> (i32, i32, i32) {
    %c0_i32 = arith.constant 0 : i32
    %c0_i32_0 = arith.constant 0 : i32
    %c0_i32_1 = arith.constant 0 : i32
    return %c0_i32, %arg0, %c0_i32_0 : i32, i32, i32
  }
  func.func @transform_1(%arg0: i32) -> (i32, i32, i32) {
    %c0_i32 = arith.constant 0 : i32
    %c0_i32_0 = arith.constant 0 : i32
    %c0_i32_1 = arith.constant 0 : i32
    return %c0_i32, %arg0, %c0_i32_0 : i32, i32, i32
  }
  func.func @transform_2(%arg0: i32) -> (i32, i32) {
    %c0_i32 = arith.constant 0 : i32
    %c0_i32_0 = arith.constant 0 : i32
    return %arg0, %c0_i32 : i32, i32
  }
  func.func @transform_3(%arg0: i32) -> (i32, i32) {
    %c0_i32 = arith.constant 0 : i32
    %c0_i32_0 = arith.constant 0 : i32
    %c0_i32_1 = arith.constant 0 : i32
    return %c0_i32, %c0_i32_0 : i32, i32
  }
  func.func @transform_4(%arg0: i32) -> (i32, i32) {
    %c0_i32 = arith.constant 0 : i32
    %c0_i32_0 = arith.constant 0 : i32
    return %arg0, %c0_i32 : i32, i32
  }
}

</mosaic_0001>

<sc_bundles>
// kernel: kernel.12.cloned.1.call-start
scs
__scs_entry_jumppad:
0x0: {  	(pc) =	sbr.rel $0x88, $3  }
0x1: {  	(tag) =	ssettag $0x0;
	lr =	simm.s32 $0x1  }
0x2: {  	[smem:$0x3F9A] =	sst lr;
	_ =	strace $0xD0000000  }
0x3: {  	_ = 	snop  }
0x4: {  	_ = 	snop  }
0x5: {  	_ = 	snop  }
0x6: {  	_ = 	snop  }
0x7: {  	_ = 	snop  }
__scs_overlays_trampoline_lowered:
0x8: {  	[smem:$0x3FA9] =	sst s0  }
0x9: {  	[smem:$0x3FAA] =	sst s1  }
0xa: {  	[smem:$0x3FAB] =	sst s2  }
0xb: {  	[smem:$0x3FAC] =	sst s3  }
0xc: {  	[smem:$0x3FAD] =	sst s4  }
0xd: {  	[smem:$0x3FAE] =	sst s5  }
0xe: {  	[smem:$0x3FAF] =	sst s6  }
0xf: {  	[smem:$0x3FB0] =	sst s7  }
0x10: {  	[smem:$0x3FB1] =	sst s8  }
0x11: {  	[smem:$0x3FB2] =	sst s9;
	s0 =	simm.s32 @!p0 $0x0  }
0x12: {  	s1 =	sld [smem:$0x3F98];
	s0 =	simm.s32 @p0 $0x1  }
0x13: {  	[smem:$0x3FB3] =	sst s0;
	s0 =	simm.s32 @!p1 $0x0  }
0x14: {  	s2 =	sld [smem:$0x3F97];
	s0 =	simm.s32 @p1 $0x1  }
0x15: {  	[smem:$0x3FB4] =	sst s0;
	s0 =	simm.s32 @!p2 $0x0  }
0x16: {  	s3 =	sld [smem:$0x3FDB];
	s0 =	simm.s32 @p2 $0x1  }
0x17: {  	s4 =	simm.s32 $0x1BF5;
	[smem:$0x3FB6] =	sst s0  }
0x18: {  	s0 =	sld [smem:$0x3F99];
	_ =	swait.ge [sflag:s4], $0x0  }
0x19: {  	s7 =	sld [smem:$0x3F9A]  }
0x1a: {  	s8 =	sadd.s32 $0xFFFFE003, lr  }
0x1b: {  	s9 =	sadd.s32 $0xFFFFFEF7, lr;
	s5 =	simm.s32 $0xFFFFFFFF;
	p2 =	slt.u32 s8, $0xFFFFF086  }
0x1c: {  	p1 =	slt.u32 s9, $0xF7A;
	s5 =	simm.s32 @!p2 $0x0  }
0x1d: {  	s5 =	simm.s32 @p1 $0x1;
	p0 =	seq.s32 s7, s2  }
0x1e: {  	s7 =	smul.u32 @!p0 $0xF7A, s2;
	p2 =	seq.s32 @!p0 s5, $0x0  }
0x1f: {  	s9 =	smul.u32 $0xF7A, s1;
	s8 =	simm.s32 @!p0 $0x1BF5;
	p2 =	por !p2, p0  }
0x20: {  	[sflag:s8] =	ssyncset.s32 @!p0 $0xFFFFF086;
	s6 =	sadd.s32 @!p0 s3, s7;
	s7 =	simm.s32 @!p0 $0x108  }
0x21: {  	s3 =	sadd.s32 s3, s9;
	s6 =	sadd.s32 @!p0 $0x88, s6;
	s7 =	simm.s32 @p2 $0x1082  }
0x22: {  	[simem:s7], [sflag:s8] =	dma.local @!p0 [hbm:s6], $0xF7A  }
0x23: {  	s9 =	sor.u32 $0xD0000000, s2;
	s6 =	simm.s32 $0x108;
	_ =	swait.ge @!p0 [sflag:s8], $0x0  }
0x24: {  	s3 =	sadd.s32 $0x88, s3;
	s6 =	simm.s32 @!p1 $0x1082;
	[sflag:s4] =	ssyncset.s32 $0xFFFFF086  }
0x25: {  	[simem:s6], [sflag:s4] =	dma.local [hbm:s3], $0xF7A  }
0x26: {  	[smem:$0x3F9A] =	sst s1;
	(tag) =	ssettag s2;
	_ =	strace s9  }
0x27: {  	s1 =	sld [smem:$0x3FAA]  }
0x28: {  	s2 =	sld [smem:$0x3FAB]  }
0x29: {  	s4 =	sld [smem:$0x3FAD]  }
0x2a: {  	p0 =	seq.s32 s5, $0x0;
	s5 =	sld [smem:$0x3FAE]  }
0x2b: {  	s6 =	sld [smem:$0x3FAF]  }
0x2c: {  	s7 =	sld [smem:$0x3FB0]  }
0x2d: {  	s3 =	simm.s32 $0x108;
	s8 =	sld [smem:$0x3FB1]  }
0x2e: {  	s3 =	simm.s32 @!p0 $0x1082;
	s9 =	sld [smem:$0x3FB2]  }
0x2f: {  	lr =	sadd.s32 s0, s3;
	s0 =	sld [smem:$0x3FA9]  }
0x30: {  	s3 =	sld [smem:$0x3FAC]  }
0x31: {  	[smem:$0x3FB5] =	sst s10  }
0x32: {  	s10 =	sld [smem:$0x3FB3];
	_ =	sdelay $0x3  }
0x33: {  	p0 =	seq.s32 s10, $0x1;
	s10 =	sld [smem:$0x3FB5];
	_ =	sdelay $0x3  }
0x34: {  	[smem:$0x3FB5] =	sst s10  }
0x35: {  	s10 =	sld [smem:$0x3FB4];
	_ =	sdelay $0x3  }
0x36: {  	p1 =	seq.s32 s10, $0x1;
	s10 =	sld [smem:$0x3FB5];
	_ =	sdelay $0x3  }
0x37: {  	[smem:$0x3FB5] =	sst s10  }
0x38: {  	s10 =	sld [smem:$0x3FB6]  }
0x39: {  	_ = 	snop;
	(pc) =	sbr.ind lr, $3  }
0x3a: {  	_ = 	snop  }
0x3b: {  	_ = 	snop  }
0x3c: {  	p2 =	seq.s32 s10, $0x1;
	s10 =	sld [smem:$0x3FB5]  }
0x3d: {  	_ =	shalt  }
0x3e: {  	_ =	shalt  }
0x3f: {  	_ =	shalt  }
0x40: {  	_ =	shalt  }
0x41: {  	_ =	shalt  }
0x42: {  	_ =	shalt  }
0x43: {  	_ =	shalt  }
0x44: {  	_ =	shalt  }
0x45: {  	_ =	shalt  }
0x46: {  	_ =	shalt  }
0x47: {  	_ =	shalt  }
0x48: {  	_ =	shalt  }
0x49: {  	_ =	shalt  }
0x4a: {  	_ =	shalt  }
0x4b: {  	_ =	shalt  }
0x4c: {  	_ =	shalt  }
0x4d: {  	_ =	shalt  }
0x4e: {  	_ =	shalt  }
0x4f: {  	_ =	shalt  }
0x50: {  	_ =	shalt  }
0x51: {  	_ =	shalt  }
0x52: {  	_ =	shalt  }
0x53: {  	_ =	shalt  }
0x54: {  	_ =	shalt  }
0x55: {  	_ =	shalt  }
0x56: {  	_ =	shalt  }
0x57: {  	_ =	shalt  }
0x58: {  	_ =	shalt  }
0x59: {  	_ =	shalt  }
0x5a: {  	_ =	shalt  }
0x5b: {  	_ =	shalt  }
0x5c: {  	_ =	shalt  }
0x5d: {  	_ =	shalt  }
0x5e: {  	_ =	shalt  }
0x5f: {  	_ =	shalt  }
0x60: {  	_ =	shalt  }
0x61: {  	_ =	shalt  }
0x62: {  	_ =	shalt  }
0x63: {  	_ =	shalt  }
0x64: {  	_ =	shalt  }
0x65: {  	_ =	shalt  }
0x66: {  	_ =	shalt  }
0x67: {  	_ =	shalt  }
0x68: {  	_ =	shalt  }
0x69: {  	_ =	shalt  }
0x6a: {  	_ =	shalt  }
0x6b: {  	_ =	shalt  }
0x6c: {  	_ =	shalt  }
0x6d: {  	_ =	shalt  }
0x6e: {  	_ =	shalt  }
0x6f: {  	_ =	shalt  }
0x70: {  	_ =	shalt  }
0x71: {  	_ =	shalt  }
0x72: {  	_ =	shalt  }
0x73: {  	_ =	shalt  }
0x74: {  	_ =	shalt  }
0x75: {  	_ =	shalt  }
0x76: {  	_ =	shalt  }
0x77: {  	_ =	shalt  }
0x78: {  	_ =	shalt  }
0x79: {  	_ =	shalt  }
0x7a: {  	_ =	shalt  }
0x7b: {  	_ =	shalt  }
0x7c: {  	_ =	shalt  }
0x7d: {  	_ =	shalt  }
0x7e: {  	_ =	shalt  }
0x7f: {  	_ =	shalt  }
0x80: {  	_ =	shalt  }
0x81: {  	_ =	shalt  }
0x82: {  	_ =	shalt  }
0x83: {  	_ =	shalt  }
0x84: {  	_ =	shalt  }
0x85: {  	_ =	shalt  }
0x86: {  	_ =	shalt  }
0x87: {  	_ =	shalt  }
.Lfunc_end0:
.L_simem_size_0:
called_computation.1_lowered:
.L_overlay_start_0:
0x88: {  	s2 =	sld [smem:$0x3FD9]  }
0x89: {  	s3 =	sld [smem:$0x3FFE];
	_ =	sdelay $0x1  }
0x8a: {  	s1 =	srdreg.scid  }
0x8b: {  	s0 =	sand.u32 $0x1, s1  }
0x8c: {  	s16 =	sshll.u32 s0, $0xA;
	s2 =	sadd.s32 s3, s2  }
0x8d: {  	s2 =	sadd.s32 s2, s16  }
0x8e: {  	[smem:$0x3FC1] =	sst s2  }
0x8f: {  	_ = 	snop  }
0x90: {  	(tm) =	ssettm $0x1  }
0x91: {  	s17 =	sld [smem:$0x3FFB];
	_ =	sdelay $0x3  }
0x92: {  	_ =	strace s17  }
0x93: {  	s2 =	sld [smem:$0x3FFC];
	_ =	sdelay $0x3  }
0x94: {  	_ =	strace s2  }
0x95: {  	s2 =	sld [smem:$0x3FFD];
	_ =	sdelay $0x3  }
0x96: {  	_ =	strace s2  }
0x97: {  	_ =	strace $0x8FFFFFFF  }
0x98: {  	s18 =	sld [smem:$0x3FDB];
	_ =	sdelay $0x1  }
0x99: {  	s19 =	simm.s32 $_scs_section_size  }
0x9a: {  	s4 =	simm.s32 $_size__tile_overlayer_lowered;
	s5 =	simm.s32 $_tile_overlayer_lowered  }
0x9b: {  	s22 =	simm.s32 $0x1BFF;
	s21 =	sshll.u32 s5, $0x1;
	s2 =	sadd.s32 s19, s18  }
0x9c: {  	s6 =	simm.s32 $0x0;
	s20 =	sshll.u32 s4, $0x1;
	s4 =	sadd.s32 s21, s2  }
0x9d: {  	[timem:s6], [sflag:s22] =	dma.local [hbm:s4], s20  }
0x9e: {  	_ =	swait.ge [sflag:s22], s20  }
0x9f: {  	s3 =	ssub.s32 $0x0, s20;
	[sflag:s22] =	ssyncset.done $0x0  }
0xa0: {  	[sflag:s22] =	ssyncadd.s32 s3;
	_ =	sdelay $0x1  }
0xa1: {  	s23 =	simm.s32 $0x1B8B  }
0xa2: {  	_ =	swait.ge [sflag:s23], $0x1  }
0xa3: {  	[sflag:s23] =	ssyncset.done $0x0  }
0xa4: {  	s25 =	simm.s32 $0x1B8E;
	s24 =	sld [smem:$0x3FFE];
	[sflag:s23] =	ssyncadd.s32 $0xFFFFFFFF  }
0xa5: {  	s26 =	simm.s32 $execute0_lowered;
	[smem:$0x3FD2] =	sst s25  }
0xa6: {  	s4 =	sshll.u32 s26, $0x1;
	_ =	strace $0x80000049;
	[dreg:$0x1] =	wrdreg $0xFFFFFFFF  }
0xa7: {  	s28 =	simm.s32 $_size_execute0_lowered;
	s2 =	sadd.s32 s2, s4;
	[dreg:$0x0] =	wrdreg $0x0  }
0xa8: {  	s4 =	sshll.u32 s28, $0x1;
	[dreg:$0x2] =	wrdreg s2  }
0xa9: {  	[dreg:$0x3] =	wrdreg s4  }
0xaa: {  	[dreg:$0x4] =	wrdreg $0xC0  }
0xab: {  	_ =	task [dreg:s6], $0x5FFFF  }
0xac: {  	[dreg:$0x1] =	wrdreg $0xFFFFFFFF  }
0xad: {  	[dreg:$0x0] =	wrdreg $0x60  }
0xae: {  	[dreg:$0x2] =	wrdreg s24  }
0xaf: {  	[dreg:$0x3] =	wrdreg $0x132000  }
0xb0: {  	[dreg:$0x4] =	wrdreg $0x92000  }
0xb1: {  	[dreg:$0x5] =	wrdreg $0x9  }
0xb2: {  	_ =	task.clear_ibuf [dreg:s6], $0x6FFFF;
	_ =	strace $0x90000049  }
0xb3: {  	s29 =	simm.s32 $0x9;
	_ =	strace $0x8000004B  }
0xb4: {  	_ =	swait.ge [sflag:s29], $0x1  }
0xb5: {  	[sflag:s29] =	ssyncadd.s32 $0xFFFFFFFF  }
0xb6: {  	_ =	strace $0x9000004B  }
0xb7: {  	_ =	sfence  }
0xb8: {  	s30 =	sld [smem:$0x0];
	_ =	sdelay $0x2  }
0xb9: {  	s31 =	sshll.u32 s1, $0xD;
	s1 =	sshrl.u32 s1, $0x2  }
0xba: {  	s3 =	sand.u32 $0x4000, s31;
	s1 =	sadd.s32 s1, s30  }
0xbb: {  	s0 =	sor.u32 s3, s0;
	s1 =	sshll.u32 s1, $0x11  }
0xbc: {  	s0 =	sor.u32 s1, s0  }
0xbd: {  	s0 =	sadd.s32 $0x8F2B, s0  }
0xbe: {  	[sflag:s0] =	ssyncadd.remote.s32 $0x1  }
0xbf: {  	_ =	sfence.sel $0xFFFF  }
0xc0: {  	[dreg:$0x0] =	wrdreg $0xFFFFFFFF;
	(pc) =	sbr.abs _section_cstart, $3  }
0xc1: {  	[dreg:$0x1] =	wrdreg $0xFFFFFFFF  }
0xc2: {  	_ =	task.clear_ibuf [dreg:s6], $0x2FFFF;
	_ =	strace $0x9FFFFFFF  }
0xc3: {  	(tm) =	ssettm $0x7FFFFFFF  }
tec
execute0_lowered:
.L_overlay_start_1:
0x0: {  	(tag) =	ssettag $0x1  }
0x1: {  	s0 =	rddreg [dreg:$0x0];
	s1 =	srdreg.scid  }
0x2: {  	s2 =	rddreg [dreg:$0x1];
	s9 =	stileid.u32  }
0x3: {  	s3 =	rddreg [dreg:$0x2];
	s4 =	simm.s32 $0x0;
	s6 =	smul.u32 $0x280, s9  }
0x4: {  	s30 =	simm.s32 $0x5000;
	s31 =	simm.s32 $0x7000;
	s7 =	smul.u32 $0x500, s9  }
0x5: {  	s1 =	sand.u32 $0x1, s1;
	[smem:$0x7FF] =	sst s4;
	s9 =	smul.u32 $0xA000, s9  }
0x6: {  	s29 =	simm.s32 $0x2;
	s5 =	smul.u32 $0x2800, s1;
	_ =	strace $0x8000004A  }
0x7: {  	s10 =	ssub.s32 $0x2, s1;
	s1 =	smul.u32 $0xA0000, s1;
	s26 =	sadd.s32 s7, s0  }
0x8: {  	s8 =	sshrl.u32 s10, $0x1;
	s14 =	sadd.s32 s9, s2;
	s16 =	sadd.s32 $0x2000, s9  }
0x9: {  	s22 =	sadd.s32 $0x4000, s9;
	s5 =	sadd.s32 s6, s5;
	s7 =	ssub.s32 s10, s8  }
0xa: {  	s11 =	sadd.s32 $0x11400, s26;
	s6 =	sadd.s32 $0xC400, s26;
	[dreg:$0x8] =	wrdreg s14  }
0xb: {  	s20 =	sadd.s32 s16, s2;
	s10 =	sadd.s32 $0x6000, s9;
	s24 =	sadd.s32 s1, s22  }
0xc: {  	s18 =	sadd.s32 s22, s2;
	s22 =	sadd.s32 s22, s3;
	[dreg:$0x4] =	wrdreg s11  }
0xd: {  	s8 =	simm.s32 $0x9080;
	s5 =	sshll.u32 s5, $0x3;
	[dreg:$0x5] =	wrdreg s6  }
0xe: {  	[dreg:$0xa] =	wrdreg s20;
	s11 =	sadd.s32 s9, s1;
	s25 =	sadd.s32 s1, s10  }
0xf: {  	s20 =	sadd.s32 s9, s3;
	s28 =	smax.u32 s7, $0x1;
	s6 =	simm.s32 $0x80  }
0x10: {  	s7 =	simm.s32 $0x9000;
	s5 =	sadd.s32 s5, s0;
	s0 =	sadd.s32 $0x8E400, s0  }
0x11: {  	s11 =	sshrl.u32 s11, $0x3;
	s26 =	sshrl.u32 s25, $0x3;
	s12 =	sadd.s32 $0x66400, s5  }
0x12: {  	s13 =	sadd.s32 $0x66800, s5;
	s15 =	sadd.s32 $0x66C00, s5;
	[dreg:$0x6] =	wrdreg s12  }
0x13: {  	s21 =	sadd.s32 $0x67000, s5;
	s11 =	sadd.s32 s0, s11;
	[dreg:$0x7] =	wrdreg s13  }
0x14: {  	s19 =	sadd.s32 $0x67400, s5;
	s5 =	simm.s32 $0x5;
	[dreg:$0x9] =	wrdreg s15  }
0x15: {  	[dreg:$0xb] =	wrdreg s21;
	s12 =	sadd.s32 s1, s16;
	s13 =	sadd.s32 $0x8000, s9  }
0x16: {  	[dreg:$0xc] =	wrdreg s11;
	s11 =	sshrl.u32 s24, $0x3;
	s21 =	sadd.s32 s16, s3  }
0x17: {  	s24 =	sadd.s32 s10, s3;
	s9 =	simm.s32 $0x9100;
	s12 =	sshrl.u32 s12, $0x3  }
0x18: {  	s1 =	sadd.s32 s1, s13;
	s11 =	sadd.s32 s0, s11;
	s25 =	sadd.s32 s13, s2  }
0x19: {  	s23 =	sadd.s32 s0, s12;
	[dreg:$0xe] =	wrdreg s11;
	s1 =	sshrl.u32 s1, $0x3  }
0x1a: {  	s11 =	sadd.s32 s0, s26;
	s26 =	sadd.s32 s13, s3;
	[dreg:$0xd] =	wrdreg s23  }
0x1b: {  	s12 =	simm.s32 $0x4;
	s13 =	simm.s32 $0x0;
	[dreg:$0xf] =	wrdreg s11  }
0x1c: {  	s17 =	sadd.s32 s0, s1;
	s23 =	sadd.s32 s10, s2;
	s1 =	simm.s32 $0x1  }
0x1d: {  	v0 =	vimm.f32 $0.0e+00;
	s0 =	simm.s32 $0x6;
	s10 =	simm.s32 $0x3;
	s11 =	simm.s32 $0x9180  }
.LBB2_1:
0x1e: {  	s14 =	rddreg [dreg:$0x4]  }
0x1f: {  	[tilespmem:s4], [sflag:$0x5] =	stream.linear.gather [hbm4b:s14+s4], $0x2800, $0x38;
	[tilespmem:$0x1D200] =	vst v63  }
0x20: {  	s16 =	rddreg [dreg:$0x5];
	s15 =	simm.s32 $0x2800  }
0x21: {  	[tilespmem:s15], [sflag:$0x5] =	stream.linear.gather [hbm4b:s16+s4], $0x2800, $0x38;
	[tilespmem:$0x1D200] =	vst v63  }
0x22: {  	s15 =	rddreg [dreg:$0x6]  }
0x23: {  	[tilespmem:s30], [sflag:$0x1] =	stream.linear.gather [hbm4b:s15+s4], $0x2000, $0x38;
	[tilespmem:$0x1D200] =	vst v63  }
0x24: {  	s16 =	rddreg [dreg:$0x7]  }
0x25: {  	[tilespmem:s31], [sflag:$0x2] =	stream.linear.gather [hbm4b:s16+s4], $0x2000, $0x38;
	[tilespmem:$0x1D200] =	vst v63  }
0x26: {  	_ =	swait.ge [sflag:s1], $0x2000  }
0x27: {  	[sflag:s1] =	ssyncset.done $0x0  }
0x28: {  	s15 =	rddreg [dreg:$0x8];
	[sflag:s1] =	ssyncadd.s32 $0xFFFFE000  }
0x29: {  	[spmem:s15] =	stream.linear.scatter [tilespmem:s30], [sflag:$0x6], $0x2000, $0x38;
	[tilespmem:$0x1D200] =	vst v63  }
0x2a: {  	_ =	swait.ge [sflag:s0], $0x2000  }
0x2b: {  	[sflag:s0] =	ssyncset.done $0x0  }
0x2c: {  	s16 =	rddreg [dreg:$0x9];
	[sflag:s0] =	ssyncadd.s32 $0xFFFFE000  }
0x2d: {  	[tilespmem:s30], [sflag:$0x1] =	stream.linear.gather [hbm4b:s16+s4], $0x2000, $0x38;
	[tilespmem:$0x1D200] =	vst v63  }
0x2e: {  	_ =	swait.ge [sflag:s29], $0x2000  }
0x2f: {  	[sflag:s29] =	ssyncset.done $0x0  }
0x30: {  	s15 =	rddreg [dreg:$0xa];
	[sflag:s29] =	ssyncadd.s32 $0xFFFFE000  }
0x31: {  	[spmem:s15] =	stream.linear.scatter [tilespmem:s31], [sflag:$0x6], $0x2000, $0x38;
	[tilespmem:$0x1D200] =	vst v63  }
0x32: {  	_ =	swait.ge [sflag:s0], $0x2000  }
0x33: {  	[sflag:s0] =	ssyncset.done $0x0  }
0x34: {  	s16 =	rddreg [dreg:$0xb];
	[sflag:s0] =	ssyncadd.s32 $0xFFFFE000  }
0x35: {  	[tilespmem:s31], [sflag:$0x2] =	stream.linear.gather [hbm4b:s16+s4], $0x2000, $0x38;
	[tilespmem:$0x1D200] =	vst v63  }
0x36: {  	_ =	swait.ge [sflag:s1], $0x2000  }
0x37: {  	[sflag:s1] =	ssyncset.done $0x0  }
0x38: {  	[sflag:s1] =	ssyncadd.s32 $0xFFFFE000  }
0x39: {  	[spmem:s18] =	stream.linear.scatter [tilespmem:s30], [sflag:$0x6], $0x2000, $0x38;
	[tilespmem:$0x1D200] =	vst v63  }
0x3a: {  	_ =	swait.ge [sflag:s0], $0x2000  }
0x3b: {  	[sflag:s0] =	ssyncset.done $0x0  }
0x3c: {  	[sflag:s0] =	ssyncadd.s32 $0xFFFFE000  }
0x3d: {  	[tilespmem:s30], [sflag:$0x1] =	stream.linear.gather [hbm4b:s19+s4], $0x2000, $0x38;
	[tilespmem:$0x1D200] =	vst v63  }
0x3e: {  	_ =	swait.ge [sflag:s29], $0x2000  }
0x3f: {  	[sflag:s29] =	ssyncset.done $0x0  }
0x40: {  	[sflag:s29] =	ssyncadd.s32 $0xFFFFE000  }
0x41: {  	[spmem:s23] =	stream.linear.scatter [tilespmem:s31], [sflag:$0x6], $0x2000, $0x38;
	[tilespmem:$0x1D200] =	vst v63  }
0x42: {  	_ =	swait.ge [sflag:s0], $0x2000  }
0x43: {  	[sflag:s0] =	ssyncset.done $0x0  }
0x44: {  	[sflag:s0] =	ssyncadd.s32 $0xFFFFE000  }
0x45: {  	_ =	swait.ge [sflag:s1], $0x2000  }
0x46: {  	[sflag:s1] =	ssyncset.done $0x0  }
0x47: {  	[sflag:s1] =	ssyncadd.s32 $0xFFFFE000  }
0x48: {  	[spmem:s25] =	stream.linear.scatter [tilespmem:s30], [sflag:$0x6], $0x2000, $0x38;
	[tilespmem:$0x1D200] =	vst v63  }
0x49: {  	_ =	swait.ge [sflag:s0], $0x2000  }
0x4a: {  	[sflag:s0] =	ssyncset.done $0x0  }
0x4b: {  	s14 =	simm.s32 $0x0;
	s15 =	simm.s32 $0x100;
	[sflag:s0] =	ssyncadd.s32 $0xFFFFE000  }
.LBB2_2:
0x4c: {  	p0 =	sne.s32 s15, $0x7F00;
	[tilespmem:s14+$0x5030] =	vst v0;
	s16 =	smov.u32 s15;
	s15 =	sadd.s32 $0x100, s15  }
.Ltmp0:
0x4d: {  	[tilespmem:s14+$0x5020] =	vst v0;
	(pc) =	sbr.rel @p0 .LBB2_2-.Ltmp0, $3  }
0x4e: {  	[tilespmem:s14+$0x5000] =	vst v0  }
0x4f: {  	[tilespmem:s14+$0x5010] =	vst v0;
	_ =	sdelay $0x1  }
0x50: {  	s14 =	sshra.s32 s16, $0x2  }
0x51: {  	[tilespmem:s14+$0x5030] =	vst v0  }
0x52: {  	[tilespmem:s14+$0x5020] =	vst v0  }
0x53: {  	[tilespmem:s14+$0x5000] =	vst v0  }
0x54: {  	[tilespmem:s14+$0x5010] =	vst v0  }
0x55: {  	[spmem:s20] =	stream.linear.scatter [tilespmem:s30], [sflag:$0x6], $0x2000, $0x38;
	[tilespmem:$0x1D200] =	vst v63  }
0x56: {  	_ =	swait.ge [sflag:s0], $0x2000  }
0x57: {  	[sflag:s0] =	ssyncset.done $0x0  }
0x58: {  	[sflag:s0] =	ssyncadd.s32 $0xFFFFE000  }
0x59: {  	[spmem:s21] =	stream.linear.scatter [tilespmem:s30], [sflag:$0x6], $0x2000, $0x38;
	[tilespmem:$0x1D200] =	vst v63  }
0x5a: {  	_ =	swait.ge [sflag:s0], $0x2000  }
0x5b: {  	[sflag:s0] =	ssyncset.done $0x0  }
0x5c: {  	[sflag:s0] =	ssyncadd.s32 $0xFFFFE000  }
0x5d: {  	[spmem:s22] =	stream.linear.scatter [tilespmem:s30], [sflag:$0x6], $0x2000, $0x38;
	[tilespmem:$0x1D200] =	vst v63  }
0x5e: {  	_ =	swait.ge [sflag:s0], $0x2000  }
0x5f: {  	[sflag:s0] =	ssyncset.done $0x0  }
0x60: {  	[sflag:s0] =	ssyncadd.s32 $0xFFFFE000  }
0x61: {  	[spmem:s24] =	stream.linear.scatter [tilespmem:s30], [sflag:$0x6], $0x2000, $0x38;
	[tilespmem:$0x1D200] =	vst v63  }
0x62: {  	_ =	swait.ge [sflag:s0], $0x2000  }
0x63: {  	[sflag:s0] =	ssyncset.done $0x0  }
0x64: {  	[sflag:s0] =	ssyncadd.s32 $0xFFFFE000  }
0x65: {  	[spmem:s26] =	stream.linear.scatter [tilespmem:s30], [sflag:$0x6], $0x2000, $0x38;
	[tilespmem:$0x1D200] =	vst v63  }
0x66: {  	_ =	swait.ge [sflag:s0], $0x2000  }
0x67: {  	[sflag:s0] =	ssyncset.done $0x0  }
0x68: {  	[sflag:s0] =	ssyncadd.s32 $0xFFFFE000  }
0x69: {  	[bflag:$0x0] =	sbarrier.arrive $0xFFFF  }
0x6a: {  	_ =	swait.ge [sflag:s5], $0x2800  }
0x6b: {  	[sflag:s5] =	ssyncset.done $0x0  }
0x6c: {  	[sflag:s5] =	ssyncadd.s32 $0xFFFFD800  }
0x6d: {  	_ =	swait.ge [sflag:s5], $0x2800  }
0x6e: {  	[sflag:s5] =	ssyncset.done $0x0  }
0x6f: {  	[sflag:s5] =	ssyncadd.s32 $0xFFFFD800  }
0x70: {  	v1 =	vld [tilespmem:$0x0];
	_ =	sdelay $0x1  }
0x71: {  	v2 =	vld [tilespmem:$0x10];
	_ =	sdelay $0x1  }
0x72: {  	v3 =	vld [tilespmem:$0x20]  }
0x73: {  	v4 =	vand.u32 $0xFFFF, v1  }
0x74: {  	v59 =	vld [tilespmem:$0x30];
	v1 =	vshra.s32 v1, $0x10;
	[tilespmem:$0x9000] =	vst v4  }
0x75: {  	[tilespmem:$0x9010] =	vst v1;
	v1 =	vand.u32 $0xFFFF, v2  }
0x76: {  	[tilespmem:$0x9020] =	vst v1;
	v1 =	vshra.s32 v2, $0x10  }
0x77: {  	[tilespmem:$0x9030] =	vst v1;
	v1 =	vand.u32 $0xFFFF, v3  }
0x78: {  	[tilespmem:$0x9040] =	vst v1;
	v1 =	vshra.s32 v3, $0x10  }
0x79: {  	[tilespmem:$0x9050] =	vst v1;
	v1 =	vand.u32 $0xFFFF, v59  }
0x7a: {  	[tilespmem:$0x9060] =	vst v1;
	v1 =	vshra.s32 v59, $0x10  }
0x7b: {  	[tilespmem:$0x9070] =	vst v1  }
0x7c: {  	[tilespmem:s30], [sflag:$0x1] =	stream.indirect.gather [spmem:s2], $0x40, s7, s6, $0xb8;
	[tilespmem:$0x1D200] =	vst v63  }
0x7d: {  	v1 =	vld [tilespmem:$0x40];
	_ =	sdelay $0x1  }
0x7e: {  	v2 =	vld [tilespmem:$0x50];
	_ =	sdelay $0x1  }
0x7f: {  	v3 =	vld [tilespmem:$0x60]  }
0x80: {  	v60 =	vand.u32 $0xFFFF, v1  }
0x81: {  	v61 =	vld [tilespmem:$0x70];
	v1 =	vshra.s32 v1, $0x10;
	[tilespmem:$0x9080] =	vst v60  }
0x82: {  	[tilespmem:$0x9090] =	vst v1;
	v1 =	vand.u32 $0xFFFF, v2  }
0x83: {  	[tilespmem:$0x90A0] =	vst v1;
	v1 =	vshra.s32 v2, $0x10  }
0x84: {  	[tilespmem:$0x90B0] =	vst v1;
	v1 =	vand.u32 $0xFFFF, v3  }
0x85: {  	[tilespmem:$0x90C0] =	vst v1;
	v1 =	vshra.s32 v3, $0x10  }
0x86: {  	[tilespmem:$0x90D0] =	vst v1;
	v1 =	vand.u32 $0xFFFF, v61  }
0x87: {  	[tilespmem:$0x90E0] =	vst v1;
	v1 =	vshra.s32 v61, $0x10  }
0x88: {  	[tilespmem:$0x90F0] =	vst v1  }
0x89: {  	[tilespmem:s31], [sflag:$0x2] =	stream.indirect.gather [spmem:s2], $0x40, s8, s6, $0xb8;
	[tilespmem:$0x1D200] =	vst v63  }
0x8a: {  	_ =	swait.ge [sflag:s1], $0x2000  }
0x8b: {  	[sflag:s1] =	ssyncset.done $0x0  }
0x8c: {  	[sflag:s1] =	ssyncadd.s32 $0xFFFFE000  }
0x8d: {  	v1 =	vld [tilespmem:$0x2800];
	_ =	sdelay $0x1  }
0x8e: {  	v2 =	vld [tilespmem:$0x2810];
	_ =	sdelay $0x1  }
0x8f: {  	v3 =	vld [tilespmem:$0x2820]  }
0x90: {  	v62 =	vand.u32 $0xFFFF, v1  }
0x91: {  	v63 =	vld [tilespmem:$0x2830];
	v1 =	vshra.s32 v1, $0x10;
	[tilespmem:$0x9100] =	vst v62  }
0x92: {  	[tilespmem:$0x9110] =	vst v1;
	v1 =	vand.u32 $0xFFFF, v2  }
0x93: {  	[tilespmem:$0x9120] =	vst v1;
	v1 =	vshra.s32 v2, $0x10  }
0x94: {  	[tilespmem:$0x9130] =	vst v1;
	v1 =	vand.u32 $0xFFFF, v3  }
0x95: {  	[tilespmem:$0x9140] =	vst v1;
	v1 =	vshra.s32 v3, $0x10  }
0x96: {  	[tilespmem:$0x9150] =	vst v1;
	v1 =	vand.u32 $0xFFFF, v63  }
0x97: {  	[tilespmem:$0x9160] =	vst v1;
	v1 =	vshra.s32 v63, $0x10  }
0x98: {  	[tilespmem:$0x9170] =	vst v1  }
0x99: {  	[spmem:s3] =	stream.indirect.scatter.add.f32 [tilespmem:s30], [sflag:$0x3], $0x40, s9, s6, $0xb8;
	[tilespmem:$0x1D200] =	vst v63  }
0x9a: {  	_ =	swait.ge [sflag:s10], $0x2000  }
0x9b: {  	[sflag:s10] =	ssyncset.done $0x0  }
0x9c: {  	s14 =	simm.s32 $0x0;
	[sflag:s10] =	ssyncadd.s32 $0xFFFFE000  }
0x9d: {  	v1 =	vld [tilespmem:s14+$0x80];
	_ =	sdelay $0x4  }
0x9e: {  	v2 =	vand.u32 $0xFFFF, v1  }
0x9f: {  	v1 =	vshra.s32 v1, $0x10;
	[tilespmem:$0x9000] =	vst v2  }
0xa0: {  	[tilespmem:$0x9010] =	vst v1  }
0xa1: {  	v1 =	vld [tilespmem:s14+$0x90];
	_ =	sdelay $0x4  }
0xa2: {  	v2 =	vand.u32 $0xFFFF, v1  }
0xa3: {  	v1 =	vshra.s32 v1, $0x10;
	[tilespmem:$0x9020] =	vst v2  }
0xa4: {  	[tilespmem:$0x9030] =	vst v1  }
0xa5: {  	v1 =	vld [tilespmem:s14+$0xA0];
	_ =	sdelay $0x4  }
0xa6: {  	v2 =	vand.u32 $0xFFFF, v1  }
0xa7: {  	v1 =	vshra.s32 v1, $0x10;
	[tilespmem:$0x9040] =	vst v2  }
0xa8: {  	[tilespmem:$0x9050] =	vst v1  }
0xa9: {  	v1 =	vld [tilespmem:s14+$0xB0];
	_ =	sdelay $0x4  }
0xaa: {  	v2 =	vand.u32 $0xFFFF, v1  }
0xab: {  	v1 =	vshra.s32 v1, $0x10;
	[tilespmem:$0x9060] =	vst v2  }
0xac: {  	[tilespmem:$0x9070] =	vst v1  }
0xad: {  	[tilespmem:s30], [sflag:$0x1] =	stream.indirect.gather [spmem:s2], $0x40, s7, s6, $0xb8;
	[tilespmem:$0x1D200] =	vst v63  }
0xae: {  	_ =	swait.ge [sflag:s29], $0x2000  }
0xaf: {  	[sflag:s29] =	ssyncset.done $0x0  }
0xb0: {  	[sflag:s29] =	ssyncadd.s32 $0xFFFFE000  }
0xb1: {  	v1 =	vld [tilespmem:s14+$0x2840];
	_ =	sdelay $0x4  }
0xb2: {  	v2 =	vand.u32 $0xFFFF, v1  }
0xb3: {  	v1 =	vshra.s32 v1, $0x10;
	[tilespmem:$0x9180] =	vst v2  }
0xb4: {  	[tilespmem:$0x9190] =	vst v1  }
0xb5: {  	v1 =	vld [tilespmem:s14+$0x2850];
	_ =	sdelay $0x4  }
0xb6: {  	v2 =	vand.u32 $0xFFFF, v1  }
0xb7: {  	v1 =	vshra.s32 v1, $0x10;
	[tilespmem:$0x91A0] =	vst v2  }
0xb8: {  	[tilespmem:$0x91B0] =	vst v1  }
0xb9: {  	v1 =	vld [tilespmem:s14+$0x2860];
	_ =	sdelay $0x4  }
0xba: {  	v2 =	vand.u32 $0xFFFF, v1  }
0xbb: {  	v1 =	vshra.s32 v1, $0x10;
	[tilespmem:$0x91C0] =	vst v2  }
0xbc: {  	[tilespmem:$0x91D0] =	vst v1  }
0xbd: {  	v1 =	vld [tilespmem:s14+$0x2870];
	_ =	sdelay $0x4  }
0xbe: {  	v2 =	vand.u32 $0xFFFF, v1  }
0xbf: {  	v1 =	vshra.s32 v1, $0x10;
	[tilespmem:$0x91E0] =	vst v2  }
0xc0: {  	[tilespmem:$0x91F0] =	vst v1  }
0xc1: {  	[spmem:s3] =	stream.indirect.scatter.add.f32 [tilespmem:s31], [sflag:$0x4], $0x40, s11, s6, $0xb8;
	[tilespmem:$0x1D200] =	vst v63  }
0xc2: {  	_ =	swait.ge [sflag:s12], $0x2000  }
0xc3: {  	[sflag:s12] =	ssyncset.done $0x0  }
0xc4: {  	[sflag:s12] =	ssyncadd.s32 $0xFFFFE000  }
0xc5: {  	v1 =	vld [tilespmem:s14+$0xC0];
	_ =	sdelay $0x4  }
0xc6: {  	v2 =	vand.u32 $0xFFFF, v1  }
0xc7: {  	v1 =	vshra.s32 v1, $0x10;
	[tilespmem:$0x9080] =	vst v2  }
0xc8: {  	[tilespmem:$0x9090] =	vst v1  }
0xc9: {  	v1 =	vld [tilespmem:s14+$0xD0];
	_ =	sdelay $0x4  }
0xca: {  	v2 =	vand.u32 $0xFFFF, v1  }
0xcb: {  	v1 =	vshra.s32 v1, $0x10;
	[tilespmem:$0x90A0] =	vst v2  }
0xcc: {  	[tilespmem:$0x90B0] =	vst v1  }
0xcd: {  	v1 =	vld [tilespmem:s14+$0xE0];
	_ =	sdelay $0x4  }
0xce: {  	v2 =	vand.u32 $0xFFFF, v1  }
0xcf: {  	v1 =	vshra.s32 v1, $0x10;
	[tilespmem:$0x90C0] =	vst v2  }
0xd0: {  	[tilespmem:$0x90D0] =	vst v1  }
0xd1: {  	v1 =	vld [tilespmem:s14+$0xF0];
	_ =	sdelay $0x4  }
0xd2: {  	v2 =	vand.u32 $0xFFFF, v1  }
0xd3: {  	v1 =	vshra.s32 v1, $0x10;
	[tilespmem:$0x90E0] =	vst v2  }
0xd4: {  	[tilespmem:$0x90F0] =	vst v1  }
0xd5: {  	[tilespmem:s31], [sflag:$0x2] =	stream.indirect.gather [spmem:s2], $0x40, s8, s6, $0xb8;
	[tilespmem:$0x1D200] =	vst v63  }
0xd6: {  	_ =	swait.ge [sflag:s1], $0x2000  }
0xd7: {  	[sflag:s1] =	ssyncset.done $0x0  }
0xd8: {  	[sflag:s1] =	ssyncadd.s32 $0xFFFFE000  }
0xd9: {  	v1 =	vld [tilespmem:s14+$0x2880];
	_ =	sdelay $0x4  }
0xda: {  	v2 =	vand.u32 $0xFFFF, v1  }
0xdb: {  	v1 =	vshra.s32 v1, $0x10;
	[tilespmem:$0x9100] =	vst v2  }
0xdc: {  	[tilespmem:$0x9110] =	vst v1  }
0xdd: {  	v1 =	vld [tilespmem:s14+$0x2890];
	_ =	sdelay $0x4  }
0xde: {  	v2 =	vand.u32 $0xFFFF, v1  }
0xdf: {  	v1 =	vshra.s32 v1, $0x10;
	[tilespmem:$0x9120] =	vst v2  }
0xe0: {  	s15 =	simm.s32 $0x200;
	[tilespmem:$0x9130] =	vst v1  }
.LBB2_4:
0xe1: {  	p0 =	sne.s32 s15, $0x9C00;
	v1 =	vld [tilespmem:s14+$0x28A0];
	s16 =	smov.u32 s15;
	s15 =	sadd.s32 $0x200, s15  }
0xe2: {  	_ =	sdelay $0x3  }
0xe3: {  	v2 =	vand.u32 $0xFFFF, v1;
	v1 =	vshra.s32 v1, $0x10  }
0xe4: {  	[tilespmem:$0x9140] =	vst v2  }
0xe5: {  	[tilespmem:$0x9150] =	vst v1  }
0xe6: {  	v1 =	vld [tilespmem:s14+$0x28B0];
	_ =	sdelay $0x4  }
0xe7: {  	v2 =	vand.u32 $0xFFFF, v1;
	v1 =	vshra.s32 v1, $0x10  }
0xe8: {  	[tilespmem:$0x9160] =	vst v2  }
0xe9: {  	[tilespmem:$0x9170] =	vst v1  }
0xea: {  	[spmem:s3] =	stream.indirect.scatter.add.f32 [tilespmem:s30], [sflag:$0x3], $0x40, s9, s6, $0xb8;
	[tilespmem:$0x1D200] =	vst v63  }
0xeb: {  	_ =	swait.ge [sflag:s10], $0x2000  }
0xec: {  	[sflag:s10] =	ssyncset.done $0x0  }
0xed: {  	s14 =	sshra.s32 s16, $0x2;
	[sflag:s10] =	ssyncadd.s32 $0xFFFFE000  }
0xee: {  	v1 =	vld [tilespmem:s14+$0x80];
	_ =	sdelay $0x4  }
0xef: {  	v2 =	vand.u32 $0xFFFF, v1;
	v1 =	vshra.s32 v1, $0x10  }
0xf0: {  	[tilespmem:$0x9000] =	vst v2  }
0xf1: {  	[tilespmem:$0x9010] =	vst v1  }
0xf2: {  	v1 =	vld [tilespmem:s14+$0x90];
	_ =	sdelay $0x4  }
0xf3: {  	v2 =	vand.u32 $0xFFFF, v1;
	v1 =	vshra.s32 v1, $0x10  }
0xf4: {  	[tilespmem:$0x9020] =	vst v2  }
0xf5: {  	[tilespmem:$0x9030] =	vst v1  }
0xf6: {  	v1 =	vld [tilespmem:s14+$0xA0];
	_ =	sdelay $0x4  }
0xf7: {  	v2 =	vand.u32 $0xFFFF, v1;
	v1 =	vshra.s32 v1, $0x10  }
0xf8: {  	[tilespmem:$0x9040] =	vst v2  }
0xf9: {  	[tilespmem:$0x9050] =	vst v1  }
0xfa: {  	v1 =	vld [tilespmem:s14+$0xB0];
	_ =	sdelay $0x4  }
0xfb: {  	v2 =	vand.u32 $0xFFFF, v1;
	v1 =	vshra.s32 v1, $0x10  }
0xfc: {  	[tilespmem:$0x9060] =	vst v2  }
0xfd: {  	[tilespmem:$0x9070] =	vst v1  }
0xfe: {  	[tilespmem:s30], [sflag:$0x1] =	stream.indirect.gather [spmem:s2], $0x40, s7, s6, $0xb8;
	[tilespmem:$0x1D200] =	vst v63  }
0xff: {  	_ =	swait.ge [sflag:s29], $0x2000  }
0x100: {  	[sflag:s29] =	ssyncset.done $0x0  }
0x101: {  	[sflag:s29] =	ssyncadd.s32 $0xFFFFE000  }
0x102: {  	v1 =	vld [tilespmem:s14+$0x2840];
	_ =	sdelay $0x4  }
0x103: {  	v2 =	vand.u32 $0xFFFF, v1;
	v1 =	vshra.s32 v1, $0x10  }
0x104: {  	[tilespmem:$0x9180] =	vst v2  }
0x105: {  	[tilespmem:$0x9190] =	vst v1  }
0x106: {  	v1 =	vld [tilespmem:s14+$0x2850];
	_ =	sdelay $0x4  }
0x107: {  	v2 =	vand.u32 $0xFFFF, v1;
	v1 =	vshra.s32 v1, $0x10  }
0x108: {  	[tilespmem:$0x91A0] =	vst v2  }
0x109: {  	[tilespmem:$0x91B0] =	vst v1  }
0x10a: {  	v1 =	vld [tilespmem:s14+$0x2860];
	_ =	sdelay $0x4  }
0x10b: {  	v2 =	vand.u32 $0xFFFF, v1;
	v1 =	vshra.s32 v1, $0x10  }
0x10c: {  	[tilespmem:$0x91C0] =	vst v2  }
0x10d: {  	[tilespmem:$0x91D0] =	vst v1  }
0x10e: {  	v1 =	vld [tilespmem:s14+$0x2870];
	_ =	sdelay $0x4  }
0x10f: {  	v2 =	vand.u32 $0xFFFF, v1;
	v1 =	vshra.s32 v1, $0x10  }
0x110: {  	[tilespmem:$0x91E0] =	vst v2  }
0x111: {  	[tilespmem:$0x91F0] =	vst v1  }
0x112: {  	[spmem:s3] =	stream.indirect.scatter.add.f32 [tilespmem:s31], [sflag:$0x4], $0x40, s11, s6, $0xb8;
	[tilespmem:$0x1D200] =	vst v63  }
0x113: {  	_ =	swait.ge [sflag:s12], $0x2000  }
0x114: {  	[sflag:s12] =	ssyncset.done $0x0  }
0x115: {  	[sflag:s12] =	ssyncadd.s32 $0xFFFFE000  }
0x116: {  	v1 =	vld [tilespmem:s14+$0xC0];
	_ =	sdelay $0x4  }
0x117: {  	v2 =	vand.u32 $0xFFFF, v1;
	v1 =	vshra.s32 v1, $0x10  }
0x118: {  	[tilespmem:$0x9080] =	vst v2  }
0x119: {  	[tilespmem:$0x9090] =	vst v1  }
0x11a: {  	v1 =	vld [tilespmem:s14+$0xD0];
	_ =	sdelay $0x4  }
0x11b: {  	v2 =	vand.u32 $0xFFFF, v1;
	v1 =	vshra.s32 v1, $0x10  }
0x11c: {  	[tilespmem:$0x90A0] =	vst v2  }
0x11d: {  	[tilespmem:$0x90B0] =	vst v1  }
0x11e: {  	v1 =	vld [tilespmem:s14+$0xE0];
	_ =	sdelay $0x4  }
0x11f: {  	v2 =	vand.u32 $0xFFFF, v1;
	v1 =	vshra.s32 v1, $0x10  }
0x120: {  	[tilespmem:$0x90C0] =	vst v2  }
0x121: {  	[tilespmem:$0x90D0] =	vst v1  }
0x122: {  	v1 =	vld [tilespmem:s14+$0xF0];
	_ =	sdelay $0x4  }
0x123: {  	v2 =	vand.u32 $0xFFFF, v1;
	v1 =	vshra.s32 v1, $0x10  }
0x124: {  	[tilespmem:$0x90E0] =	vst v2  }
0x125: {  	[tilespmem:$0x90F0] =	vst v1  }
0x126: {  	[tilespmem:s31], [sflag:$0x2] =	stream.indirect.gather [spmem:s2], $0x40, s8, s6, $0xb8;
	[tilespmem:$0x1D200] =	vst v63  }
0x127: {  	_ =	swait.ge [sflag:s1], $0x2000  }
0x128: {  	[sflag:s1] =	ssyncset.done $0x0  }
0x129: {  	[sflag:s1] =	ssyncadd.s32 $0xFFFFE000  }
0x12a: {  	v1 =	vld [tilespmem:s14+$0x2880];
	_ =	sdelay $0x4  }
0x12b: {  	v2 =	vand.u32 $0xFFFF, v1;
	v1 =	vshra.s32 v1, $0x10  }
0x12c: {  	[tilespmem:$0x9100] =	vst v2  }
0x12d: {  	[tilespmem:$0x9110] =	vst v1  }
0x12e: {  	v1 =	vld [tilespmem:s14+$0x2890];
	_ =	sdelay $0x2  }
.Ltmp1:
0x12f: {  	(pc) =	sbr.rel @p0 .LBB2_4-.Ltmp1, $4  }
0x130: {  	_ = 	snop  }
0x131: {  	v2 =	vand.u32 $0xFFFF, v1;
	v1 =	vshra.s32 v1, $0x10  }
0x132: {  	[tilespmem:$0x9120] =	vst v2  }
0x133: {  	[tilespmem:$0x9130] =	vst v1  }
0x134: {  	v1 =	vld [tilespmem:s14+$0x28A0];
	_ =	sdelay $0x4  }
0x135: {  	v2 =	vand.u32 $0xFFFF, v1  }
0x136: {  	v1 =	vshra.s32 v1, $0x10;
	[tilespmem:$0x9140] =	vst v2  }
0x137: {  	[tilespmem:$0x9150] =	vst v1  }
0x138: {  	v1 =	vld [tilespmem:s14+$0x28B0];
	_ =	sdelay $0x4  }
0x139: {  	v2 =	vand.u32 $0xFFFF, v1  }
0x13a: {  	v1 =	vshra.s32 v1, $0x10;
	[tilespmem:$0x9160] =	vst v2  }
0x13b: {  	[tilespmem:$0x9170] =	vst v1  }
0x13c: {  	[spmem:s3] =	stream.indirect.scatter.add.f32 [tilespmem:s30], [sflag:$0x3], $0x40, s9, s6, $0xb8;
	[tilespmem:$0x1D200] =	vst v63  }
0x13d: {  	_ =	swait.ge [sflag:s29], $0x2000  }
0x13e: {  	[sflag:s29] =	ssyncset.done $0x0  }
0x13f: {  	[sflag:s29] =	ssyncadd.s32 $0xFFFFE000  }
0x140: {  	v1 =	vld [tilespmem:$0x4FC0];
	_ =	sdelay $0x1  }
0x141: {  	v2 =	vld [tilespmem:$0x4FD0];
	_ =	sdelay $0x1  }
0x142: {  	v3 =	vld [tilespmem:$0x4FE0]  }
0x143: {  	v4 =	vand.u32 $0xFFFF, v1  }
0x144: {  	v63 =	vld [tilespmem:$0x4FF0];
	v1 =	vshra.s32 v1, $0x10;
	[tilespmem:$0x9180] =	vst v4  }
0x145: {  	[tilespmem:$0x9190] =	vst v1;
	v1 =	vand.u32 $0xFFFF, v2  }
0x146: {  	[tilespmem:$0x91A0] =	vst v1;
	v1 =	vshra.s32 v2, $0x10  }
0x147: {  	[tilespmem:$0x91B0] =	vst v1;
	v1 =	vand.u32 $0xFFFF, v3  }
0x148: {  	[tilespmem:$0x91C0] =	vst v1;
	v1 =	vshra.s32 v3, $0x10  }
0x149: {  	[tilespmem:$0x91D0] =	vst v1;
	v1 =	vand.u32 $0xFFFF, v63  }
0x14a: {  	[tilespmem:$0x91E0] =	vst v1;
	v1 =	vshra.s32 v63, $0x10  }
0x14b: {  	[tilespmem:$0x91F0] =	vst v1  }
0x14c: {  	[spmem:s3] =	stream.indirect.scatter.add.f32 [tilespmem:s31], [sflag:$0x4], $0x40, s11, s6, $0xb8;
	[tilespmem:$0x1D200] =	vst v63  }
0x14d: {  	_ =	swait.ge [sflag:s10], $0x2000  }
0x14e: {  	[sflag:s10] =	ssyncset.done $0x0  }
0x14f: {  	[sflag:s10] =	ssyncadd.s32 $0xFFFFE000  }
0x150: {  	_ =	swait.ge [sflag:s12], $0x2000  }
0x151: {  	[sflag:s12] =	ssyncset.done $0x0  }
0x152: {  	[sflag:s12] =	ssyncadd.s32 $0xFFFFE000  }
0x153: {  	[bflag:$0x0] =	sbarrier.arrive $0xFFFF  }
0x154: {  	[tilespmem:s30], [sflag:$0x6] =	stream.linear.gather [spmem:s20], $0x2000, $0x38;
	[tilespmem:$0x1D200] =	vst v63  }
0x155: {  	_ =	swait.ge [sflag:s0], $0x2000  }
0x156: {  	[sflag:s0] =	ssyncset.done $0x0  }
0x157: {  	s15 =	rddreg [dreg:$0xc];
	[sflag:s0] =	ssyncadd.s32 $0xFFFFE000  }
0x158: {  	[hbm4b:s15+s4] =	stream.linear.scatter [tilespmem:s30], [sflag:$0x1], $0x2000, $0x38;
	[tilespmem:$0x1D200] =	vst v63  }
0x159: {  	_ = 	snop  }
0x15a: {  	[tilespmem:s31], [sflag:$0x6] =	stream.linear.gather [spmem:s21], $0x2000, $0x38;
	[tilespmem:$0x1D200] =	vst v63  }
0x15b: {  	_ =	swait.ge [sflag:s0], $0x2000  }
0x15c: {  	[sflag:s0] =	ssyncset.done $0x0  }
0x15d: {  	s16 =	rddreg [dreg:$0xd];
	[sflag:s0] =	ssyncadd.s32 $0xFFFFE000  }
0x15e: {  	[hbm4b:s16+s4] =	stream.linear.scatter [tilespmem:s31], [sflag:$0x2], $0x2000, $0x38;
	[tilespmem:$0x1D200] =	vst v63  }
0x15f: {  	_ =	swait.ge [sflag:s1], $0x2000  }
0x160: {  	[sflag:s1] =	ssyncset.done $0x0  }
0x161: {  	[sflag:s1] =	ssyncadd.s32 $0xFFFFE000  }
0x162: {  	[tilespmem:s30], [sflag:$0x6] =	stream.linear.gather [spmem:s22], $0x2000, $0x38;
	[tilespmem:$0x1D200] =	vst v63  }
0x163: {  	_ =	swait.ge [sflag:s0], $0x2000  }
0x164: {  	[sflag:s0] =	ssyncset.done $0x0  }
0x165: {  	s15 =	rddreg [dreg:$0xe];
	[sflag:s0] =	ssyncadd.s32 $0xFFFFE000  }
0x166: {  	[hbm4b:s15+s4] =	stream.linear.scatter [tilespmem:s30], [sflag:$0x1], $0x2000, $0x38;
	[tilespmem:$0x1D200] =	vst v63  }
0x167: {  	_ =	swait.ge [sflag:s29], $0x2000  }
0x168: {  	[sflag:s29] =	ssyncset.done $0x0  }
0x169: {  	[sflag:s29] =	ssyncadd.s32 $0xFFFFE000  }
0x16a: {  	[tilespmem:s31], [sflag:$0x6] =	stream.linear.gather [spmem:s24], $0x2000, $0x38;
	[tilespmem:$0x1D200] =	vst v63  }
0x16b: {  	_ =	swait.ge [sflag:s0], $0x2000  }
0x16c: {  	[sflag:s0] =	ssyncset.done $0x0  }
0x16d: {  	s16 =	rddreg [dreg:$0xf];
	[sflag:s0] =	ssyncadd.s32 $0xFFFFE000  }
0x16e: {  	[hbm4b:s16+s4] =	stream.linear.scatter [tilespmem:s31], [sflag:$0x2], $0x2000, $0x38;
	[tilespmem:$0x1D200] =	vst v63  }
0x16f: {  	_ =	swait.ge [sflag:s1], $0x2000  }
0x170: {  	[sflag:s1] =	ssyncset.done $0x0  }
0x171: {  	[sflag:s1] =	ssyncadd.s32 $0xFFFFE000  }
0x172: {  	[tilespmem:s30], [sflag:$0x6] =	stream.linear.gather [spmem:s26], $0x2000, $0x38;
	[tilespmem:$0x1D200] =	vst v63  }
0x173: {  	_ =	swait.ge [sflag:s0], $0x2000  }
0x174: {  	[sflag:s0] =	ssyncset.done $0x0  }
0x175: {  	s13 =	sadd.s32 $0x1, s13;
	[sflag:s0] =	ssyncadd.s32 $0xFFFFE000  }
0x176: {  	[hbm4b:s17+s4] =	stream.linear.scatter [tilespmem:s30], [sflag:$0x1], $0x2000, $0x38;
	[tilespmem:$0x1D200] =	vst v63  }
0x177: {  	p0 =	sne.s32 s13, s28;
	_ =	swait.ge [sflag:s29], $0x2000  }
.Ltmp2:
0x178: {  	[sflag:s29] =	ssyncset.done $0x0;
	(pc) =	sbr.rel @p0 .LBB2_1-.Ltmp2, $4  }
0x179: {  	[sflag:s29] =	ssyncadd.s32 $0xFFFFE000  }
0x17a: {  	_ =	swait.ge [sflag:s1], $0x2000  }
0x17b: {  	[sflag:s1] =	ssyncset.done $0x0  }
0x17c: {  	[sflag:s1] =	ssyncadd.s32 $0xFFFFE000  }
0x17d: {  	_ =	sfence.sel $0x180000  }
0x17e: {  	[bflag:$0x0] =	sbarrier.arrive $0xFFFF  }
0x17f: {  	_ =	strace $0x9000004A  }
0x180: {  	s0 =	stileid.u32;
	[bflag:$0x2] =	sbarrier.arrive $0xFFFF  }
0x181: {  	p0 =	sne.s32 s0, $0x0;
	s0 =	rddreg [dreg:$0x3]  }
0x182: {  	s0 =	sadd.s32 @!p0 $0x100000, s0  }
0x183: {  	[sflag:s0] =	ssyncadd.tile.s32 @!p0 $0x1;
	_ =	shalt  }
.Lfunc_end2:
_tile_overlayer_lowered:
.L_overlay_start_2:
0x184: {  	(tag) =	ssettag $0x2  }
0x185: {  	s0 =	rddreg [dreg:$0x0];
	s2 =	stileid.u32  }
0x186: {  	s1 =	rddreg [dreg:$0x1];
	p0 =	sne.s32 s2, $0x0  }
0x187: {  	s3 =	rddreg [dreg:$0x2];
	[bflag:$0x3] =	sbarrier.arrive $0xFFFF;
	s2 =	simm.s32 @!p0 $0x1C06  }
0x188: {  	[timem:s3], [sflag:s2] =	dma.local @!p0 [hbm:s0], s1  }
0x189: {  	s0 =	simm.s32 @!p0 $0x6  }
0x18a: {  	_ =	swait.ge @!p0 [sflag:s0], s1  }
0x18b: {  	s1 =	ssub.s32 @!p0 $0x0, s1;
	[sflag:s0] =	ssyncset.done @!p0 $0x0  }
0x18c: {  	[sflag:s0] =	ssyncadd.s32 @!p0 s1  }
0x18d: {  	[bflag:$0x3] =	sbarrier.arrive $0xFFFF  }
0x18e: {  	_ =	shalt  }

// kernel: kernel.15.cloned.1.call-start
scs
__scs_entry_jumppad:
0x0: {  	(pc) =	sbr.rel $0x88, $3  }
0x1: {  	(tag) =	ssettag $0x0;
	lr =	simm.s32 $0x1  }
0x2: {  	[smem:$0x3F9A] =	sst lr;
	_ =	strace $0xD0000000  }
0x3: {  	_ = 	snop  }
0x4: {  	_ = 	snop  }
0x5: {  	_ = 	snop  }
0x6: {  	_ = 	snop  }
0x7: {  	_ = 	snop  }
__scs_overlays_trampoline_lowered:
0x8: {  	[smem:$0x3FA9] =	sst s0  }
0x9: {  	[smem:$0x3FAA] =	sst s1  }
0xa: {  	[smem:$0x3FAB] =	sst s2  }
0xb: {  	[smem:$0x3FAC] =	sst s3  }
0xc: {  	[smem:$0x3FAD] =	sst s4  }
0xd: {  	[smem:$0x3FAE] =	sst s5  }
0xe: {  	[smem:$0x3FAF] =	sst s6  }
0xf: {  	[smem:$0x3FB0] =	sst s7  }
0x10: {  	[smem:$0x3FB1] =	sst s8  }
0x11: {  	[smem:$0x3FB2] =	sst s9;
	s0 =	simm.s32 @!p0 $0x0  }
0x12: {  	s1 =	sld [smem:$0x3F98];
	s0 =	simm.s32 @p0 $0x1  }
0x13: {  	[smem:$0x3FB3] =	sst s0;
	s0 =	simm.s32 @!p1 $0x0  }
0x14: {  	s2 =	sld [smem:$0x3F97];
	s0 =	simm.s32 @p1 $0x1  }
0x15: {  	[smem:$0x3FB4] =	sst s0;
	s0 =	simm.s32 @!p2 $0x0  }
0x16: {  	s3 =	sld [smem:$0x3FDB];
	s0 =	simm.s32 @p2 $0x1  }
0x17: {  	s4 =	simm.s32 $0x1BF5;
	[smem:$0x3FB6] =	sst s0  }
0x18: {  	s0 =	sld [smem:$0x3F99];
	_ =	swait.ge [sflag:s4], $0x0  }
0x19: {  	s7 =	sld [smem:$0x3F9A]  }
0x1a: {  	s8 =	sadd.s32 $0xFFFFE003, lr  }
0x1b: {  	s9 =	sadd.s32 $0xFFFFFEF7, lr;
	s5 =	simm.s32 $0xFFFFFFFF;
	p2 =	slt.u32 s8, $0xFFFFF086  }
0x1c: {  	p1 =	slt.u32 s9, $0xF7A;
	s5 =	simm.s32 @!p2 $0x0  }
0x1d: {  	s5 =	simm.s32 @p1 $0x1;
	p0 =	seq.s32 s7, s2  }
0x1e: {  	s7 =	smul.u32 @!p0 $0xF7A, s2;
	p2 =	seq.s32 @!p0 s5, $0x0  }
0x1f: {  	s9 =	smul.u32 $0xF7A, s1;
	s8 =	simm.s32 @!p0 $0x1BF5;
	p2 =	por !p2, p0  }
0x20: {  	[sflag:s8] =	ssyncset.s32 @!p0 $0xFFFFF086;
	s6 =	sadd.s32 @!p0 s3, s7;
	s7 =	simm.s32 @!p0 $0x108  }
0x21: {  	s3 =	sadd.s32 s3, s9;
	s6 =	sadd.s32 @!p0 $0x88, s6;
	s7 =	simm.s32 @p2 $0x1082  }
0x22: {  	[simem:s7], [sflag:s8] =	dma.local @!p0 [hbm:s6], $0xF7A  }
0x23: {  	s9 =	sor.u32 $0xD0000000, s2;
	s6 =	simm.s32 $0x108;
	_ =	swait.ge @!p0 [sflag:s8], $0x0  }
0x24: {  	s3 =	sadd.s32 $0x88, s3;
	s6 =	simm.s32 @!p1 $0x1082;
	[sflag:s4] =	ssyncset.s32 $0xFFFFF086  }
0x25: {  	[simem:s6], [sflag:s4] =	dma.local [hbm:s3], $0xF7A  }
0x26: {  	[smem:$0x3F9A] =	sst s1;
	(tag) =	ssettag s2;
	_ =	strace s9  }
0x27: {  	s1 =	sld [smem:$0x3FAA]  }
0x28: {  	s2 =	sld [smem:$0x3FAB]  }
0x29: {  	s4 =	sld [smem:$0x3FAD]  }
0x2a: {  	p0 =	seq.s32 s5, $0x0;
	s5 =	sld [smem:$0x3FAE]  }
0x2b: {  	s6 =	sld [smem:$0x3FAF]  }
0x2c: {  	s7 =	sld [smem:$0x3FB0]  }
0x2d: {  	s3 =	simm.s32 $0x108;
	s8 =	sld [smem:$0x3FB1]  }
0x2e: {  	s3 =	simm.s32 @!p0 $0x1082;
	s9 =	sld [smem:$0x3FB2]  }
0x2f: {  	lr =	sadd.s32 s0, s3;
	s0 =	sld [smem:$0x3FA9]  }
0x30: {  	s3 =	sld [smem:$0x3FAC]  }
0x31: {  	[smem:$0x3FB5] =	sst s10  }
0x32: {  	s10 =	sld [smem:$0x3FB3];
	_ =	sdelay $0x3  }
0x33: {  	p0 =	seq.s32 s10, $0x1;
	s10 =	sld [smem:$0x3FB5];
	_ =	sdelay $0x3  }
0x34: {  	[smem:$0x3FB5] =	sst s10  }
0x35: {  	s10 =	sld [smem:$0x3FB4];
	_ =	sdelay $0x3  }
0x36: {  	p1 =	seq.s32 s10, $0x1;
	s10 =	sld [smem:$0x3FB5];
	_ =	sdelay $0x3  }
0x37: {  	[smem:$0x3FB5] =	sst s10  }
0x38: {  	s10 =	sld [smem:$0x3FB6]  }
0x39: {  	_ = 	snop;
	(pc) =	sbr.ind lr, $3  }
0x3a: {  	_ = 	snop  }
0x3b: {  	_ = 	snop  }
0x3c: {  	p2 =	seq.s32 s10, $0x1;
	s10 =	sld [smem:$0x3FB5]  }
0x3d: {  	_ =	shalt  }
0x3e: {  	_ =	shalt  }
0x3f: {  	_ =	shalt  }
0x40: {  	_ =	shalt  }
0x41: {  	_ =	shalt  }
0x42: {  	_ =	shalt  }
0x43: {  	_ =	shalt  }
0x44: {  	_ =	shalt  }
0x45: {  	_ =	shalt  }
0x46: {  	_ =	shalt  }
0x47: {  	_ =	shalt  }
0x48: {  	_ =	shalt  }
0x49: {  	_ =	shalt  }
0x4a: {  	_ =	shalt  }
0x4b: {  	_ =	shalt  }
0x4c: {  	_ =	shalt  }
0x4d: {  	_ =	shalt  }
0x4e: {  	_ =	shalt  }
0x4f: {  	_ =	shalt  }
0x50: {  	_ =	shalt  }
0x51: {  	_ =	shalt  }
0x52: {  	_ =	shalt  }
0x53: {  	_ =	shalt  }
0x54: {  	_ =	shalt  }
0x55: {  	_ =	shalt  }
0x56: {  	_ =	shalt  }
0x57: {  	_ =	shalt  }
0x58: {  	_ =	shalt  }
0x59: {  	_ =	shalt  }
0x5a: {  	_ =	shalt  }
0x5b: {  	_ =	shalt  }
0x5c: {  	_ =	shalt  }
0x5d: {  	_ =	shalt  }
0x5e: {  	_ =	shalt  }
0x5f: {  	_ =	shalt  }
0x60: {  	_ =	shalt  }
0x61: {  	_ =	shalt  }
0x62: {  	_ =	shalt  }
0x63: {  	_ =	shalt  }
0x64: {  	_ =	shalt  }
0x65: {  	_ =	shalt  }
0x66: {  	_ =	shalt  }
0x67: {  	_ =	shalt  }
0x68: {  	_ =	shalt  }
0x69: {  	_ =	shalt  }
0x6a: {  	_ =	shalt  }
0x6b: {  	_ =	shalt  }
0x6c: {  	_ =	shalt  }
0x6d: {  	_ =	shalt  }
0x6e: {  	_ =	shalt  }
0x6f: {  	_ =	shalt  }
0x70: {  	_ =	shalt  }
0x71: {  	_ =	shalt  }
0x72: {  	_ =	shalt  }
0x73: {  	_ =	shalt  }
0x74: {  	_ =	shalt  }
0x75: {  	_ =	shalt  }
0x76: {  	_ =	shalt  }
0x77: {  	_ =	shalt  }
0x78: {  	_ =	shalt  }
0x79: {  	_ =	shalt  }
0x7a: {  	_ =	shalt  }
0x7b: {  	_ =	shalt  }
0x7c: {  	_ =	shalt  }
0x7d: {  	_ =	shalt  }
0x7e: {  	_ =	shalt  }
0x7f: {  	_ =	shalt  }
0x80: {  	_ =	shalt  }
0x81: {  	_ =	shalt  }
0x82: {  	_ =	shalt  }
0x83: {  	_ =	shalt  }
0x84: {  	_ =	shalt  }
0x85: {  	_ =	shalt  }
0x86: {  	_ =	shalt  }
0x87: {  	_ =	shalt  }
.Lfunc_end0:
.L_simem_size_0:
called_computation.2_lowered:
.L_overlay_start_0:
0x88: {  	s2 =	sld [smem:$0x3FD9]  }
0x89: {  	s3 =	sld [smem:$0x3FFE];
	_ =	sdelay $0x1  }
0x8a: {  	s1 =	srdreg.scid  }
0x8b: {  	s0 =	sand.u32 $0x1, s1  }
0x8c: {  	s16 =	sshll.u32 s0, $0xA;
	s2 =	sadd.s32 s3, s2  }
0x8d: {  	s2 =	sadd.s32 s2, s16  }
0x8e: {  	[smem:$0x3FC1] =	sst s2  }
0x8f: {  	_ = 	snop  }
0x90: {  	(tm) =	ssettm $0x1  }
0x91: {  	s17 =	sld [smem:$0x3FFB];
	_ =	sdelay $0x3  }
0x92: {  	_ =	strace s17  }
0x93: {  	s2 =	sld [smem:$0x3FFC];
	_ =	sdelay $0x3  }
0x94: {  	_ =	strace s2  }
0x95: {  	s2 =	sld [smem:$0x3FFD];
	_ =	sdelay $0x3  }
0x96: {  	_ =	strace s2  }
0x97: {  	_ =	strace $0x8FFFFFFF  }
0x98: {  	s18 =	sld [smem:$0x3FDB];
	_ =	sdelay $0x1  }
0x99: {  	s19 =	simm.s32 $_scs_section_size  }
0x9a: {  	s4 =	simm.s32 $_size__tile_overlayer_lowered;
	s5 =	simm.s32 $_tile_overlayer_lowered  }
0x9b: {  	s22 =	simm.s32 $0x1BFF;
	s21 =	sshll.u32 s5, $0x1;
	s2 =	sadd.s32 s19, s18  }
0x9c: {  	s6 =	simm.s32 $0x0;
	s20 =	sshll.u32 s4, $0x1;
	s4 =	sadd.s32 s21, s2  }
0x9d: {  	[timem:s6], [sflag:s22] =	dma.local [hbm:s4], s20  }
0x9e: {  	_ =	swait.ge [sflag:s22], s20  }
0x9f: {  	s3 =	ssub.s32 $0x0, s20;
	[sflag:s22] =	ssyncset.done $0x0  }
0xa0: {  	[sflag:s22] =	ssyncadd.s32 s3;
	_ =	sdelay $0x1  }
0xa1: {  	s23 =	simm.s32 $0x1B8B  }
0xa2: {  	_ =	swait.ge [sflag:s23], $0x1  }
0xa3: {  	[sflag:s23] =	ssyncset.done $0x0  }
0xa4: {  	s25 =	simm.s32 $0x1B8E;
	s24 =	sld [smem:$0x3FFE];
	[sflag:s23] =	ssyncadd.s32 $0xFFFFFFFF  }
0xa5: {  	s26 =	simm.s32 $execute0_lowered;
	[smem:$0x3FD2] =	sst s25  }
0xa6: {  	s4 =	sshll.u32 s26, $0x1;
	_ =	strace $0x8000004C;
	[dreg:$0x1] =	wrdreg $0xFFFFFFFF  }
0xa7: {  	s28 =	simm.s32 $_size_execute0_lowered;
	s2 =	sadd.s32 s2, s4;
	[dreg:$0x0] =	wrdreg $0x0  }
0xa8: {  	s4 =	sshll.u32 s28, $0x1;
	[dreg:$0x2] =	wrdreg s2  }
0xa9: {  	[dreg:$0x3] =	wrdreg s4  }
0xaa: {  	[dreg:$0x4] =	wrdreg $0xC0  }
0xab: {  	_ =	task [dreg:s6], $0x5FFFF  }
0xac: {  	[dreg:$0x1] =	wrdreg $0xFFFFFFFF  }
0xad: {  	[dreg:$0x0] =	wrdreg $0x60  }
0xae: {  	[dreg:$0x2] =	wrdreg s24  }
0xaf: {  	[dreg:$0x3] =	wrdreg $0x132000  }
0xb0: {  	[dreg:$0x4] =	wrdreg $0x92000  }
0xb1: {  	[dreg:$0x5] =	wrdreg $0x9  }
0xb2: {  	_ =	task.clear_ibuf [dreg:s6], $0x6FFFF;
	_ =	strace $0x9000004C  }
0xb3: {  	s29 =	simm.s32 $0x9;
	_ =	strace $0x8000004E  }
0xb4: {  	_ =	swait.ge [sflag:s29], $0x1  }
0xb5: {  	[sflag:s29] =	ssyncadd.s32 $0xFFFFFFFF  }
0xb6: {  	_ =	strace $0x9000004E  }
0xb7: {  	_ =	sfence  }
0xb8: {  	s30 =	sld [smem:$0x0];
	_ =	sdelay $0x2  }
0xb9: {  	s31 =	sshll.u32 s1, $0xD;
	s1 =	sshrl.u32 s1, $0x2  }
0xba: {  	s3 =	sand.u32 $0x4000, s31;
	s1 =	sadd.s32 s1, s30  }
0xbb: {  	s0 =	sor.u32 s3, s0;
	s1 =	sshll.u32 s1, $0x11  }
0xbc: {  	s0 =	sor.u32 s1, s0  }
0xbd: {  	s0 =	sadd.s32 $0x8F2B, s0  }
0xbe: {  	[sflag:s0] =	ssyncadd.remote.s32 $0x1  }
0xbf: {  	_ =	sfence.sel $0xFFFF  }
0xc0: {  	[dreg:$0x0] =	wrdreg $0xFFFFFFFF;
	(pc) =	sbr.abs _section_cstart, $3  }
0xc1: {  	[dreg:$0x1] =	wrdreg $0xFFFFFFFF  }
0xc2: {  	_ =	task.clear_ibuf [dreg:s6], $0x2FFFF;
	_ =	strace $0x9FFFFFFF  }
0xc3: {  	(tm) =	ssettm $0x7FFFFFFF  }
tec
execute0_lowered:
.L_overlay_start_1:
0x0: {  	(tag) =	ssettag $0x1  }
0x1: {  	s0 =	rddreg [dreg:$0x0];
	s1 =	srdreg.scid  }
0x2: {  	s2 =	rddreg [dreg:$0x1];
	s9 =	stileid.u32  }
0x3: {  	s3 =	rddreg [dreg:$0x2];
	s4 =	simm.s32 $0x0;
	s6 =	smul.u32 $0x280, s9  }
0x4: {  	s30 =	simm.s32 $0x5000;
	s31 =	simm.s32 $0x7000;
	s7 =	smul.u32 $0x500, s9  }
0x5: {  	s1 =	sand.u32 $0x1, s1;
	[smem:$0x7FF] =	sst s4;
	s9 =	smul.u32 $0xA000, s9  }
0x6: {  	s29 =	simm.s32 $0x2;
	s5 =	smul.u32 $0x2800, s1;
	_ =	strace $0x8000004D  }
0x7: {  	s10 =	ssub.s32 $0x2, s1;
	s1 =	smul.u32 $0xA0000, s1;
	s26 =	sadd.s32 s7, s0  }
0x8: {  	s8 =	sshrl.u32 s10, $0x1;
	s14 =	sadd.s32 s9, s2;
	s16 =	sadd.s32 $0x2000, s9  }
0x9: {  	s22 =	sadd.s32 $0x4000, s9;
	s5 =	sadd.s32 s6, s5;
	s7 =	ssub.s32 s10, s8  }
0xa: {  	s11 =	sadd.s32 $0x11400, s26;
	s6 =	sadd.s32 $0xC400, s26;
	[dreg:$0x8] =	wrdreg s14  }
0xb: {  	s20 =	sadd.s32 s16, s2;
	s10 =	sadd.s32 $0x6000, s9;
	s24 =	sadd.s32 s1, s22  }
0xc: {  	s18 =	sadd.s32 s22, s2;
	s22 =	sadd.s32 s22, s3;
	[dreg:$0x4] =	wrdreg s11  }
0xd: {  	s8 =	simm.s32 $0x9080;
	s5 =	sshll.u32 s5, $0x3;
	[dreg:$0x5] =	wrdreg s6  }
0xe: {  	[dreg:$0xa] =	wrdreg s20;
	s11 =	sadd.s32 s9, s1;
	s25 =	sadd.s32 s1, s10  }
0xf: {  	s20 =	sadd.s32 s9, s3;
	s28 =	smax.u32 s7, $0x1;
	s6 =	simm.s32 $0x80  }
0x10: {  	s7 =	simm.s32 $0x9000;
	s5 =	sadd.s32 s5, s0;
	s0 =	sadd.s32 $0x8E400, s0  }
0x11: {  	s11 =	sshrl.u32 s11, $0x3;
	s26 =	sshrl.u32 s25, $0x3;
	s12 =	sadd.s32 $0x66400, s5  }
0x12: {  	s13 =	sadd.s32 $0x66800, s5;
	s15 =	sadd.s32 $0x66C00, s5;
	[dreg:$0x6] =	wrdreg s12  }
0x13: {  	s21 =	sadd.s32 $0x67000, s5;
	s11 =	sadd.s32 s0, s11;
	[dreg:$0x7] =	wrdreg s13  }
0x14: {  	s19 =	sadd.s32 $0x67400, s5;
	s5 =	simm.s32 $0x5;
	[dreg:$0x9] =	wrdreg s15  }
0x15: {  	[dreg:$0xb] =	wrdreg s21;
	s12 =	sadd.s32 s1, s16;
	s13 =	sadd.s32 $0x8000, s9  }
0x16: {  	[dreg:$0xc] =	wrdreg s11;
	s11 =	sshrl.u32 s24, $0x3;
	s21 =	sadd.s32 s16, s3  }
0x17: {  	s24 =	sadd.s32 s10, s3;
	s9 =	simm.s32 $0x9100;
	s12 =	sshrl.u32 s12, $0x3  }
0x18: {  	s1 =	sadd.s32 s1, s13;
	s11 =	sadd.s32 s0, s11;
	s25 =	sadd.s32 s13, s2  }
0x19: {  	s23 =	sadd.s32 s0, s12;
	[dreg:$0xe] =	wrdreg s11;
	s1 =	sshrl.u32 s1, $0x3  }
0x1a: {  	s11 =	sadd.s32 s0, s26;
	s26 =	sadd.s32 s13, s3;
	[dreg:$0xd] =	wrdreg s23  }
0x1b: {  	s12 =	simm.s32 $0x4;
	s13 =	simm.s32 $0x0;
	[dreg:$0xf] =	wrdreg s11  }
0x1c: {  	s17 =	sadd.s32 s0, s1;
	s23 =	sadd.s32 s10, s2;
	s1 =	simm.s32 $0x1  }
0x1d: {  	v0 =	vimm.f32 $0.0e+00;
	s0 =	simm.s32 $0x6;
	s10 =	simm.s32 $0x3;
	s11 =	simm.s32 $0x9180  }
.LBB2_1:
0x1e: {  	s14 =	rddreg [dreg:$0x4]  }
0x1f: {  	[tilespmem:s4], [sflag:$0x5] =	stream.linear.gather [hbm4b:s14+s4], $0x2800, $0x38;
	[tilespmem:$0x1D200] =	vst v63  }
0x20: {  	s16 =	rddreg [dreg:$0x5];
	s15 =	simm.s32 $0x2800  }
0x21: {  	[tilespmem:s15], [sflag:$0x5] =	stream.linear.gather [hbm4b:s16+s4], $0x2800, $0x38;
	[tilespmem:$0x1D200] =	vst v63  }
0x22: {  	s15 =	rddreg [dreg:$0x6]  }
0x23: {  	[tilespmem:s30], [sflag:$0x1] =	stream.linear.gather [hbm4b:s15+s4], $0x2000, $0x38;
	[tilespmem:$0x1D200] =	vst v63  }
0x24: {  	s16 =	rddreg [dreg:$0x7]  }
0x25: {  	[tilespmem:s31], [sflag:$0x2] =	stream.linear.gather [hbm4b:s16+s4], $0x2000, $0x38;
	[tilespmem:$0x1D200] =	vst v63  }
0x26: {  	_ =	swait.ge [sflag:s1], $0x2000  }
0x27: {  	[sflag:s1] =	ssyncset.done $0x0  }
0x28: {  	s15 =	rddreg [dreg:$0x8];
	[sflag:s1] =	ssyncadd.s32 $0xFFFFE000  }
0x29: {  	[spmem:s15] =	stream.linear.scatter [tilespmem:s30], [sflag:$0x6], $0x2000, $0x38;
	[tilespmem:$0x1D200] =	vst v63  }
0x2a: {  	_ =	swait.ge [sflag:s0], $0x2000  }
0x2b: {  	[sflag:s0] =	ssyncset.done $0x0  }
0x2c: {  	s16 =	rddreg [dreg:$0x9];
	[sflag:s0] =	ssyncadd.s32 $0xFFFFE000  }
0x2d: {  	[tilespmem:s30], [sflag:$0x1] =	stream.linear.gather [hbm4b:s16+s4], $0x2000, $0x38;
	[tilespmem:$0x1D200] =	vst v63  }
0x2e: {  	_ =	swait.ge [sflag:s29], $0x2000  }
0x2f: {  	[sflag:s29] =	ssyncset.done $0x0  }
0x30: {  	s15 =	rddreg [dreg:$0xa];
	[sflag:s29] =	ssyncadd.s32 $0xFFFFE000  }
0x31: {  	[spmem:s15] =	stream.linear.scatter [tilespmem:s31], [sflag:$0x6], $0x2000, $0x38;
	[tilespmem:$0x1D200] =	vst v63  }
0x32: {  	_ =	swait.ge [sflag:s0], $0x2000  }
0x33: {  	[sflag:s0] =	ssyncset.done $0x0  }
0x34: {  	s16 =	rddreg [dreg:$0xb];
	[sflag:s0] =	ssyncadd.s32 $0xFFFFE000  }
0x35: {  	[tilespmem:s31], [sflag:$0x2] =	stream.linear.gather [hbm4b:s16+s4], $0x2000, $0x38;
	[tilespmem:$0x1D200] =	vst v63  }
0x36: {  	_ =	swait.ge [sflag:s1], $0x2000  }
0x37: {  	[sflag:s1] =	ssyncset.done $0x0  }
0x38: {  	[sflag:s1] =	ssyncadd.s32 $0xFFFFE000  }
0x39: {  	[spmem:s18] =	stream.linear.scatter [tilespmem:s30], [sflag:$0x6], $0x2000, $0x38;
	[tilespmem:$0x1D200] =	vst v63  }
0x3a: {  	_ =	swait.ge [sflag:s0], $0x2000  }
0x3b: {  	[sflag:s0] =	ssyncset.done $0x0  }
0x3c: {  	[sflag:s0] =	ssyncadd.s32 $0xFFFFE000  }
0x3d: {  	[tilespmem:s30], [sflag:$0x1] =	stream.linear.gather [hbm4b:s19+s4], $0x2000, $0x38;
	[tilespmem:$0x1D200] =	vst v63  }
0x3e: {  	_ =	swait.ge [sflag:s29], $0x2000  }
0x3f: {  	[sflag:s29] =	ssyncset.done $0x0  }
0x40: {  	[sflag:s29] =	ssyncadd.s32 $0xFFFFE000  }
0x41: {  	[spmem:s23] =	stream.linear.scatter [tilespmem:s31], [sflag:$0x6], $0x2000, $0x38;
	[tilespmem:$0x1D200] =	vst v63  }
0x42: {  	_ =	swait.ge [sflag:s0], $0x2000  }
0x43: {  	[sflag:s0] =	ssyncset.done $0x0  }
0x44: {  	[sflag:s0] =	ssyncadd.s32 $0xFFFFE000  }
0x45: {  	_ =	swait.ge [sflag:s1], $0x2000  }
0x46: {  	[sflag:s1] =	ssyncset.done $0x0  }
0x47: {  	[sflag:s1] =	ssyncadd.s32 $0xFFFFE000  }
0x48: {  	[spmem:s25] =	stream.linear.scatter [tilespmem:s30], [sflag:$0x6], $0x2000, $0x38;
	[tilespmem:$0x1D200] =	vst v63  }
0x49: {  	_ =	swait.ge [sflag:s0], $0x2000  }
0x4a: {  	[sflag:s0] =	ssyncset.done $0x0  }
0x4b: {  	s14 =	simm.s32 $0x0;
	s15 =	simm.s32 $0x100;
	[sflag:s0] =	ssyncadd.s32 $0xFFFFE000  }
.LBB2_2:
0x4c: {  	p0 =	sne.s32 s15, $0x7F00;
	[tilespmem:s14+$0x5030] =	vst v0;
	s16 =	smov.u32 s15;
	s15 =	sadd.s32 $0x100, s15  }
.Ltmp0:
0x4d: {  	[tilespmem:s14+$0x5020] =	vst v0;
	(pc) =	sbr.rel @p0 .LBB2_2-.Ltmp0, $3  }
0x4e: {  	[tilespmem:s14+$0x5000] =	vst v0  }
0x4f: {  	[tilespmem:s14+$0x5010] =	vst v0;
	_ =	sdelay $0x1  }
0x50: {  	s14 =	sshra.s32 s16, $0x2  }
0x51: {  	[tilespmem:s14+$0x5030] =	vst v0  }
0x52: {  	[tilespmem:s14+$0x5020] =	vst v0  }
0x53: {  	[tilespmem:s14+$0x5000] =	vst v0  }
0x54: {  	[tilespmem:s14+$0x5010] =	vst v0  }
0x55: {  	[spmem:s20] =	stream.linear.scatter [tilespmem:s30], [sflag:$0x6], $0x2000, $0x38;
	[tilespmem:$0x1D200] =	vst v63  }
0x56: {  	_ =	swait.ge [sflag:s0], $0x2000  }
0x57: {  	[sflag:s0] =	ssyncset.done $0x0  }
0x58: {  	[sflag:s0] =	ssyncadd.s32 $0xFFFFE000  }
0x59: {  	[spmem:s21] =	stream.linear.scatter [tilespmem:s30], [sflag:$0x6], $0x2000, $0x38;
	[tilespmem:$0x1D200] =	vst v63  }
0x5a: {  	_ =	swait.ge [sflag:s0], $0x2000  }
0x5b: {  	[sflag:s0] =	ssyncset.done $0x0  }
0x5c: {  	[sflag:s0] =	ssyncadd.s32 $0xFFFFE000  }
0x5d: {  	[spmem:s22] =	stream.linear.scatter [tilespmem:s30], [sflag:$0x6], $0x2000, $0x38;
	[tilespmem:$0x1D200] =	vst v63  }
0x5e: {  	_ =	swait.ge [sflag:s0], $0x2000  }
0x5f: {  	[sflag:s0] =	ssyncset.done $0x0  }
0x60: {  	[sflag:s0] =	ssyncadd.s32 $0xFFFFE000  }
0x61: {  	[spmem:s24] =	stream.linear.scatter [tilespmem:s30], [sflag:$0x6], $0x2000, $0x38;
	[tilespmem:$0x1D200] =	vst v63  }
0x62: {  	_ =	swait.ge [sflag:s0], $0x2000  }
0x63: {  	[sflag:s0] =	ssyncset.done $0x0  }
0x64: {  	[sflag:s0] =	ssyncadd.s32 $0xFFFFE000  }
0x65: {  	[spmem:s26] =	stream.linear.scatter [tilespmem:s30], [sflag:$0x6], $0x2000, $0x38;
	[tilespmem:$0x1D200] =	vst v63  }
0x66: {  	_ =	swait.ge [sflag:s0], $0x2000  }
0x67: {  	[sflag:s0] =	ssyncset.done $0x0  }
0x68: {  	[sflag:s0] =	ssyncadd.s32 $0xFFFFE000  }
0x69: {  	[bflag:$0x0] =	sbarrier.arrive $0xFFFF  }
0x6a: {  	_ =	swait.ge [sflag:s5], $0x2800  }
0x6b: {  	[sflag:s5] =	ssyncset.done $0x0  }
0x6c: {  	[sflag:s5] =	ssyncadd.s32 $0xFFFFD800  }
0x6d: {  	_ =	swait.ge [sflag:s5], $0x2800  }
0x6e: {  	[sflag:s5] =	ssyncset.done $0x0  }
0x6f: {  	[sflag:s5] =	ssyncadd.s32 $0xFFFFD800  }
0x70: {  	v1 =	vld [tilespmem:$0x0];
	_ =	sdelay $0x1  }
0x71: {  	v2 =	vld [tilespmem:$0x10];
	_ =	sdelay $0x1  }
0x72: {  	v3 =	vld [tilespmem:$0x20]  }
0x73: {  	v4 =	vand.u32 $0xFFFF, v1  }
0x74: {  	v59 =	vld [tilespmem:$0x30];
	v1 =	vshra.s32 v1, $0x10;
	[tilespmem:$0x9000] =	vst v4  }
0x75: {  	[tilespmem:$0x9010] =	vst v1;
	v1 =	vand.u32 $0xFFFF, v2  }
0x76: {  	[tilespmem:$0x9020] =	vst v1;
	v1 =	vshra.s32 v2, $0x10  }
0x77: {  	[tilespmem:$0x9030] =	vst v1;
	v1 =	vand.u32 $0xFFFF, v3  }
0x78: {  	[tilespmem:$0x9040] =	vst v1;
	v1 =	vshra.s32 v3, $0x10  }
0x79: {  	[tilespmem:$0x9050] =	vst v1;
	v1 =	vand.u32 $0xFFFF, v59  }
0x7a: {  	[tilespmem:$0x9060] =	vst v1;
	v1 =	vshra.s32 v59, $0x10  }
0x7b: {  	[tilespmem:$0x9070] =	vst v1  }
0x7c: {  	[tilespmem:s30], [sflag:$0x1] =	stream.indirect.gather [spmem:s2], $0x40, s7, s6, $0xb8;
	[tilespmem:$0x1D200] =	vst v63  }
0x7d: {  	v1 =	vld [tilespmem:$0x40];
	_ =	sdelay $0x1  }
0x7e: {  	v2 =	vld [tilespmem:$0x50];
	_ =	sdelay $0x1  }
0x7f: {  	v3 =	vld [tilespmem:$0x60]  }
0x80: {  	v60 =	vand.u32 $0xFFFF, v1  }
0x81: {  	v61 =	vld [tilespmem:$0x70];
	v1 =	vshra.s32 v1, $0x10;
	[tilespmem:$0x9080] =	vst v60  }
0x82: {  	[tilespmem:$0x9090] =	vst v1;
	v1 =	vand.u32 $0xFFFF, v2  }
0x83: {  	[tilespmem:$0x90A0] =	vst v1;
	v1 =	vshra.s32 v2, $0x10  }
0x84: {  	[tilespmem:$0x90B0] =	vst v1;
	v1 =	vand.u32 $0xFFFF, v3  }
0x85: {  	[tilespmem:$0x90C0] =	vst v1;
	v1 =	vshra.s32 v3, $0x10  }
0x86: {  	[tilespmem:$0x90D0] =	vst v1;
	v1 =	vand.u32 $0xFFFF, v61  }
0x87: {  	[tilespmem:$0x90E0] =	vst v1;
	v1 =	vshra.s32 v61, $0x10  }
0x88: {  	[tilespmem:$0x90F0] =	vst v1  }
0x89: {  	[tilespmem:s31], [sflag:$0x2] =	stream.indirect.gather [spmem:s2], $0x40, s8, s6, $0xb8;
	[tilespmem:$0x1D200] =	vst v63  }
0x8a: {  	_ =	swait.ge [sflag:s1], $0x2000  }
0x8b: {  	[sflag:s1] =	ssyncset.done $0x0  }
0x8c: {  	[sflag:s1] =	ssyncadd.s32 $0xFFFFE000  }
0x8d: {  	v1 =	vld [tilespmem:$0x2800];
	_ =	sdelay $0x1  }
0x8e: {  	v2 =	vld [tilespmem:$0x2810];
	_ =	sdelay $0x1  }
0x8f: {  	v3 =	vld [tilespmem:$0x2820]  }
0x90: {  	v62 =	vand.u32 $0xFFFF, v1  }
0x91: {  	v63 =	vld [tilespmem:$0x2830];
	v1 =	vshra.s32 v1, $0x10;
	[tilespmem:$0x9100] =	vst v62  }
0x92: {  	[tilespmem:$0x9110] =	vst v1;
	v1 =	vand.u32 $0xFFFF, v2  }
0x93: {  	[tilespmem:$0x9120] =	vst v1;
	v1 =	vshra.s32 v2, $0x10  }
0x94: {  	[tilespmem:$0x9130] =	vst v1;
	v1 =	vand.u32 $0xFFFF, v3  }
0x95: {  	[tilespmem:$0x9140] =	vst v1;
	v1 =	vshra.s32 v3, $0x10  }
0x96: {  	[tilespmem:$0x9150] =	vst v1;
	v1 =	vand.u32 $0xFFFF, v63  }
0x97: {  	[tilespmem:$0x9160] =	vst v1;
	v1 =	vshra.s32 v63, $0x10  }
0x98: {  	[tilespmem:$0x9170] =	vst v1  }
0x99: {  	[spmem:s3] =	stream.indirect.scatter.add.f32 [tilespmem:s30], [sflag:$0x3], $0x40, s9, s6, $0xb8;
	[tilespmem:$0x1D200] =	vst v63  }
0x9a: {  	_ =	swait.ge [sflag:s10], $0x2000  }
0x9b: {  	[sflag:s10] =	ssyncset.done $0x0  }
0x9c: {  	s14 =	simm.s32 $0x0;
	[sflag:s10] =	ssyncadd.s32 $0xFFFFE000  }
0x9d: {  	v1 =	vld [tilespmem:s14+$0x80];
	_ =	sdelay $0x4  }
0x9e: {  	v2 =	vand.u32 $0xFFFF, v1  }
0x9f: {  	v1 =	vshra.s32 v1, $0x10;
	[tilespmem:$0x9000] =	vst v2  }
0xa0: {  	[tilespmem:$0x9010] =	vst v1  }
0xa1: {  	v1 =	vld [tilespmem:s14+$0x90];
	_ =	sdelay $0x4  }
0xa2: {  	v2 =	vand.u32 $0xFFFF, v1  }
0xa3: {  	v1 =	vshra.s32 v1, $0x10;
	[tilespmem:$0x9020] =	vst v2  }
0xa4: {  	[tilespmem:$0x9030] =	vst v1  }
0xa5: {  	v1 =	vld [tilespmem:s14+$0xA0];
	_ =	sdelay $0x4  }
0xa6: {  	v2 =	vand.u32 $0xFFFF, v1  }
0xa7: {  	v1 =	vshra.s32 v1, $0x10;
	[tilespmem:$0x9040] =	vst v2  }
0xa8: {  	[tilespmem:$0x9050] =	vst v1  }
0xa9: {  	v1 =	vld [tilespmem:s14+$0xB0];
	_ =	sdelay $0x4  }
0xaa: {  	v2 =	vand.u32 $0xFFFF, v1  }
0xab: {  	v1 =	vshra.s32 v1, $0x10;
	[tilespmem:$0x9060] =	vst v2  }
0xac: {  	[tilespmem:$0x9070] =	vst v1  }
0xad: {  	[tilespmem:s30], [sflag:$0x1] =	stream.indirect.gather [spmem:s2], $0x40, s7, s6, $0xb8;
	[tilespmem:$0x1D200] =	vst v63  }
0xae: {  	_ =	swait.ge [sflag:s29], $0x2000  }
0xaf: {  	[sflag:s29] =	ssyncset.done $0x0  }
0xb0: {  	[sflag:s29] =	ssyncadd.s32 $0xFFFFE000  }
0xb1: {  	v1 =	vld [tilespmem:s14+$0x2840];
	_ =	sdelay $0x4  }
0xb2: {  	v2 =	vand.u32 $0xFFFF, v1  }
0xb3: {  	v1 =	vshra.s32 v1, $0x10;
	[tilespmem:$0x9180] =	vst v2  }
0xb4: {  	[tilespmem:$0x9190] =	vst v1  }
0xb5: {  	v1 =	vld [tilespmem:s14+$0x2850];
	_ =	sdelay $0x4  }
0xb6: {  	v2 =	vand.u32 $0xFFFF, v1  }
0xb7: {  	v1 =	vshra.s32 v1, $0x10;
	[tilespmem:$0x91A0] =	vst v2  }
0xb8: {  	[tilespmem:$0x91B0] =	vst v1  }
0xb9: {  	v1 =	vld [tilespmem:s14+$0x2860];
	_ =	sdelay $0x4  }
0xba: {  	v2 =	vand.u32 $0xFFFF, v1  }
0xbb: {  	v1 =	vshra.s32 v1, $0x10;
	[tilespmem:$0x91C0] =	vst v2  }
0xbc: {  	[tilespmem:$0x91D0] =	vst v1  }
0xbd: {  	v1 =	vld [tilespmem:s14+$0x2870];
	_ =	sdelay $0x4  }
0xbe: {  	v2 =	vand.u32 $0xFFFF, v1  }
0xbf: {  	v1 =	vshra.s32 v1, $0x10;
	[tilespmem:$0x91E0] =	vst v2  }
0xc0: {  	[tilespmem:$0x91F0] =	vst v1  }
0xc1: {  	[spmem:s3] =	stream.indirect.scatter.add.f32 [tilespmem:s31], [sflag:$0x4], $0x40, s11, s6, $0xb8;
	[tilespmem:$0x1D200] =	vst v63  }
0xc2: {  	_ =	swait.ge [sflag:s12], $0x2000  }
0xc3: {  	[sflag:s12] =	ssyncset.done $0x0  }
0xc4: {  	[sflag:s12] =	ssyncadd.s32 $0xFFFFE000  }
0xc5: {  	v1 =	vld [tilespmem:s14+$0xC0];
	_ =	sdelay $0x4  }
0xc6: {  	v2 =	vand.u32 $0xFFFF, v1  }
0xc7: {  	v1 =	vshra.s32 v1, $0x10;
	[tilespmem:$0x9080] =	vst v2  }
0xc8: {  	[tilespmem:$0x9090] =	vst v1  }
0xc9: {  	v1 =	vld [tilespmem:s14+$0xD0];
	_ =	sdelay $0x4  }
0xca: {  	v2 =	vand.u32 $0xFFFF, v1  }
0xcb: {  	v1 =	vshra.s32 v1, $0x10;
	[tilespmem:$0x90A0] =	vst v2  }
0xcc: {  	[tilespmem:$0x90B0] =	vst v1  }
0xcd: {  	v1 =	vld [tilespmem:s14+$0xE0];
	_ =	sdelay $0x4  }
0xce: {  	v2 =	vand.u32 $0xFFFF, v1  }
0xcf: {  	v1 =	vshra.s32 v1, $0x10;
	[tilespmem:$0x90C0] =	vst v2  }
0xd0: {  	[tilespmem:$0x90D0] =	vst v1  }
0xd1: {  	v1 =	vld [tilespmem:s14+$0xF0];
	_ =	sdelay $0x4  }
0xd2: {  	v2 =	vand.u32 $0xFFFF, v1  }
0xd3: {  	v1 =	vshra.s32 v1, $0x10;
	[tilespmem:$0x90E0] =	vst v2  }
0xd4: {  	[tilespmem:$0x90F0] =	vst v1  }
0xd5: {  	[tilespmem:s31], [sflag:$0x2] =	stream.indirect.gather [spmem:s2], $0x40, s8, s6, $0xb8;
	[tilespmem:$0x1D200] =	vst v63  }
0xd6: {  	_ =	swait.ge [sflag:s1], $0x2000  }
0xd7: {  	[sflag:s1] =	ssyncset.done $0x0  }
0xd8: {  	[sflag:s1] =	ssyncadd.s32 $0xFFFFE000  }
0xd9: {  	v1 =	vld [tilespmem:s14+$0x2880];
	_ =	sdelay $0x4  }
0xda: {  	v2 =	vand.u32 $0xFFFF, v1  }
0xdb: {  	v1 =	vshra.s32 v1, $0x10;
	[tilespmem:$0x9100] =	vst v2  }
0xdc: {  	[tilespmem:$0x9110] =	vst v1  }
0xdd: {  	v1 =	vld [tilespmem:s14+$0x2890];
	_ =	sdelay $0x4  }
0xde: {  	v2 =	vand.u32 $0xFFFF, v1  }
0xdf: {  	v1 =	vshra.s32 v1, $0x10;
	[tilespmem:$0x9120] =	vst v2  }
0xe0: {  	s15 =	simm.s32 $0x200;
	[tilespmem:$0x9130] =	vst v1  }
.LBB2_4:
0xe1: {  	p0 =	sne.s32 s15, $0x9C00;
	v1 =	vld [tilespmem:s14+$0x28A0];
	s16 =	smov.u32 s15;
	s15 =	sadd.s32 $0x200, s15  }
0xe2: {  	_ =	sdelay $0x3  }
0xe3: {  	v2 =	vand.u32 $0xFFFF, v1;
	v1 =	vshra.s32 v1, $0x10  }
0xe4: {  	[tilespmem:$0x9140] =	vst v2  }
0xe5: {  	[tilespmem:$0x9150] =	vst v1  }
0xe6: {  	v1 =	vld [tilespmem:s14+$0x28B0];
	_ =	sdelay $0x4  }
0xe7: {  	v2 =	vand.u32 $0xFFFF, v1;
	v1 =	vshra.s32 v1, $0x10  }
0xe8: {  	[tilespmem:$0x9160] =	vst v2  }
0xe9: {  	[tilespmem:$0x9170] =	vst v1  }
0xea: {  	[spmem:s3] =	stream.indirect.scatter.add.f32 [tilespmem:s30], [sflag:$0x3], $0x40, s9, s6, $0xb8;
	[tilespmem:$0x1D200] =	vst v63  }
0xeb: {  	_ =	swait.ge [sflag:s10], $0x2000  }
0xec: {  	[sflag:s10] =	ssyncset.done $0x0  }
0xed: {  	s14 =	sshra.s32 s16, $0x2;
	[sflag:s10] =	ssyncadd.s32 $0xFFFFE000  }
0xee: {  	v1 =	vld [tilespmem:s14+$0x80];
	_ =	sdelay $0x4  }
0xef: {  	v2 =	vand.u32 $0xFFFF, v1;
	v1 =	vshra.s32 v1, $0x10  }
0xf0: {  	[tilespmem:$0x9000] =	vst v2  }
0xf1: {  	[tilespmem:$0x9010] =	vst v1  }
0xf2: {  	v1 =	vld [tilespmem:s14+$0x90];
	_ =	sdelay $0x4  }
0xf3: {  	v2 =	vand.u32 $0xFFFF, v1;
	v1 =	vshra.s32 v1, $0x10  }
0xf4: {  	[tilespmem:$0x9020] =	vst v2  }
0xf5: {  	[tilespmem:$0x9030] =	vst v1  }
0xf6: {  	v1 =	vld [tilespmem:s14+$0xA0];
	_ =	sdelay $0x4  }
0xf7: {  	v2 =	vand.u32 $0xFFFF, v1;
	v1 =	vshra.s32 v1, $0x10  }
0xf8: {  	[tilespmem:$0x9040] =	vst v2  }
0xf9: {  	[tilespmem:$0x9050] =	vst v1  }
0xfa: {  	v1 =	vld [tilespmem:s14+$0xB0];
	_ =	sdelay $0x4  }
0xfb: {  	v2 =	vand.u32 $0xFFFF, v1;
	v1 =	vshra.s32 v1, $0x10  }
0xfc: {  	[tilespmem:$0x9060] =	vst v2  }
0xfd: {  	[tilespmem:$0x9070] =	vst v1  }
0xfe: {  	[tilespmem:s30], [sflag:$0x1] =	stream.indirect.gather [spmem:s2], $0x40, s7, s6, $0xb8;
	[tilespmem:$0x1D200] =	vst v63  }
0xff: {  	_ =	swait.ge [sflag:s29], $0x2000  }
0x100: {  	[sflag:s29] =	ssyncset.done $0x0  }
0x101: {  	[sflag:s29] =	ssyncadd.s32 $0xFFFFE000  }
0x102: {  	v1 =	vld [tilespmem:s14+$0x2840];
	_ =	sdelay $0x4  }
0x103: {  	v2 =	vand.u32 $0xFFFF, v1;
	v1 =	vshra.s32 v1, $0x10  }
0x104: {  	[tilespmem:$0x9180] =	vst v2  }
0x105: {  	[tilespmem:$0x9190] =	vst v1  }
0x106: {  	v1 =	vld [tilespmem:s14+$0x2850];
	_ =	sdelay $0x4  }
0x107: {  	v2 =	vand.u32 $0xFFFF, v1;
	v1 =	vshra.s32 v1, $0x10  }
0x108: {  	[tilespmem:$0x91A0] =	vst v2  }
0x109: {  	[tilespmem:$0x91B0] =	vst v1  }
0x10a: {  	v1 =	vld [tilespmem:s14+$0x2860];
	_ =	sdelay $0x4  }
0x10b: {  	v2 =	vand.u32 $0xFFFF, v1;
	v1 =	vshra.s32 v1, $0x10  }
0x10c: {  	[tilespmem:$0x91C0] =	vst v2  }
0x10d: {  	[tilespmem:$0x91D0] =	vst v1  }
0x10e: {  	v1 =	vld [tilespmem:s14+$0x2870];
	_ =	sdelay $0x4  }
0x10f: {  	v2 =	vand.u32 $0xFFFF, v1;
	v1 =	vshra.s32 v1, $0x10  }
0x110: {  	[tilespmem:$0x91E0] =	vst v2  }
0x111: {  	[tilespmem:$0x91F0] =	vst v1  }
0x112: {  	[spmem:s3] =	stream.indirect.scatter.add.f32 [tilespmem:s31], [sflag:$0x4], $0x40, s11, s6, $0xb8;
	[tilespmem:$0x1D200] =	vst v63  }
0x113: {  	_ =	swait.ge [sflag:s12], $0x2000  }
0x114: {  	[sflag:s12] =	ssyncset.done $0x0  }
0x115: {  	[sflag:s12] =	ssyncadd.s32 $0xFFFFE000  }
0x116: {  	v1 =	vld [tilespmem:s14+$0xC0];
	_ =	sdelay $0x4  }
0x117: {  	v2 =	vand.u32 $0xFFFF, v1;
	v1 =	vshra.s32 v1, $0x10  }
0x118: {  	[tilespmem:$0x9080] =	vst v2  }
0x119: {  	[tilespmem:$0x9090] =	vst v1  }
0x11a: {  	v1 =	vld [tilespmem:s14+$0xD0];
	_ =	sdelay $0x4  }
0x11b: {  	v2 =	vand.u32 $0xFFFF, v1;
	v1 =	vshra.s32 v1, $0x10  }
0x11c: {  	[tilespmem:$0x90A0] =	vst v2  }
0x11d: {  	[tilespmem:$0x90B0] =	vst v1  }
0x11e: {  	v1 =	vld [tilespmem:s14+$0xE0];
	_ =	sdelay $0x4  }
0x11f: {  	v2 =	vand.u32 $0xFFFF, v1;
	v1 =	vshra.s32 v1, $0x10  }
0x120: {  	[tilespmem:$0x90C0] =	vst v2  }
0x121: {  	[tilespmem:$0x90D0] =	vst v1  }
0x122: {  	v1 =	vld [tilespmem:s14+$0xF0];
	_ =	sdelay $0x4  }
0x123: {  	v2 =	vand.u32 $0xFFFF, v1;
	v1 =	vshra.s32 v1, $0x10  }
0x124: {  	[tilespmem:$0x90E0] =	vst v2  }
0x125: {  	[tilespmem:$0x90F0] =	vst v1  }
0x126: {  	[tilespmem:s31], [sflag:$0x2] =	stream.indirect.gather [spmem:s2], $0x40, s8, s6, $0xb8;
	[tilespmem:$0x1D200] =	vst v63  }
0x127: {  	_ =	swait.ge [sflag:s1], $0x2000  }
0x128: {  	[sflag:s1] =	ssyncset.done $0x0  }
0x129: {  	[sflag:s1] =	ssyncadd.s32 $0xFFFFE000  }
0x12a: {  	v1 =	vld [tilespmem:s14+$0x2880];
	_ =	sdelay $0x4  }
0x12b: {  	v2 =	vand.u32 $0xFFFF, v1;
	v1 =	vshra.s32 v1, $0x10  }
0x12c: {  	[tilespmem:$0x9100] =	vst v2  }
0x12d: {  	[tilespmem:$0x9110] =	vst v1  }
0x12e: {  	v1 =	vld [tilespmem:s14+$0x2890];
	_ =	sdelay $0x2  }
.Ltmp1:
0x12f: {  	(pc) =	sbr.rel @p0 .LBB2_4-.Ltmp1, $4  }
0x130: {  	_ = 	snop  }
0x131: {  	v2 =	vand.u32 $0xFFFF, v1;
	v1 =	vshra.s32 v1, $0x10  }
0x132: {  	[tilespmem:$0x9120] =	vst v2  }
0x133: {  	[tilespmem:$0x9130] =	vst v1  }
0x134: {  	v1 =	vld [tilespmem:s14+$0x28A0];
	_ =	sdelay $0x4  }
0x135: {  	v2 =	vand.u32 $0xFFFF, v1  }
0x136: {  	v1 =	vshra.s32 v1, $0x10;
	[tilespmem:$0x9140] =	vst v2  }
0x137: {  	[tilespmem:$0x9150] =	vst v1  }
0x138: {  	v1 =	vld [tilespmem:s14+$0x28B0];
	_ =	sdelay $0x4  }
0x139: {  	v2 =	vand.u32 $0xFFFF, v1  }
0x13a: {  	v1 =	vshra.s32 v1, $0x10;
	[tilespmem:$0x9160] =	vst v2  }
0x13b: {  	[tilespmem:$0x9170] =	vst v1  }
0x13c: {  	[spmem:s3] =	stream.indirect.scatter.add.f32 [tilespmem:s30], [sflag:$0x3], $0x40, s9, s6, $0xb8;
	[tilespmem:$0x1D200] =	vst v63  }
0x13d: {  	_ =	swait.ge [sflag:s29], $0x2000  }
0x13e: {  	[sflag:s29] =	ssyncset.done $0x0  }
0x13f: {  	[sflag:s29] =	ssyncadd.s32 $0xFFFFE000  }
0x140: {  	v1 =	vld [tilespmem:$0x4FC0];
	_ =	sdelay $0x1  }
0x141: {  	v2 =	vld [tilespmem:$0x4FD0];
	_ =	sdelay $0x1  }
0x142: {  	v3 =	vld [tilespmem:$0x4FE0]  }
0x143: {  	v4 =	vand.u32 $0xFFFF, v1  }
0x144: {  	v63 =	vld [tilespmem:$0x4FF0];
	v1 =	vshra.s32 v1, $0x10;
	[tilespmem:$0x9180] =	vst v4  }
0x145: {  	[tilespmem:$0x9190] =	vst v1;
	v1 =	vand.u32 $0xFFFF, v2  }
0x146: {  	[tilespmem:$0x91A0] =	vst v1;
	v1 =	vshra.s32 v2, $0x10  }
0x147: {  	[tilespmem:$0x91B0] =	vst v1;
	v1 =	vand.u32 $0xFFFF, v3  }
0x148: {  	[tilespmem:$0x91C0] =	vst v1;
	v1 =	vshra.s32 v3, $0x10  }
0x149: {  	[tilespmem:$0x91D0] =	vst v1;
	v1 =	vand.u32 $0xFFFF, v63  }
0x14a: {  	[tilespmem:$0x91E0] =	vst v1;
	v1 =	vshra.s32 v63, $0x10  }
0x14b: {  	[tilespmem:$0x91F0] =	vst v1  }
0x14c: {  	[spmem:s3] =	stream.indirect.scatter.add.f32 [tilespmem:s31], [sflag:$0x4], $0x40, s11, s6, $0xb8;
	[tilespmem:$0x1D200] =	vst v63  }
0x14d: {  	_ =	swait.ge [sflag:s10], $0x2000  }
0x14e: {  	[sflag:s10] =	ssyncset.done $0x0  }
0x14f: {  	[sflag:s10] =	ssyncadd.s32 $0xFFFFE000  }
0x150: {  	_ =	swait.ge [sflag:s12], $0x2000  }
0x151: {  	[sflag:s12] =	ssyncset.done $0x0  }
0x152: {  	[sflag:s12] =	ssyncadd.s32 $0xFFFFE000  }
0x153: {  	[bflag:$0x0] =	sbarrier.arrive $0xFFFF  }
0x154: {  	[tilespmem:s30], [sflag:$0x6] =	stream.linear.gather [spmem:s20], $0x2000, $0x38;
	[tilespmem:$0x1D200] =	vst v63  }
0x155: {  	_ =	swait.ge [sflag:s0], $0x2000  }
0x156: {  	[sflag:s0] =	ssyncset.done $0x0  }
0x157: {  	s15 =	rddreg [dreg:$0xc];
	[sflag:s0] =	ssyncadd.s32 $0xFFFFE000  }
0x158: {  	[hbm4b:s15+s4] =	stream.linear.scatter [tilespmem:s30], [sflag:$0x1], $0x2000, $0x38;
	[tilespmem:$0x1D200] =	vst v63  }
0x159: {  	_ = 	snop  }
0x15a: {  	[tilespmem:s31], [sflag:$0x6] =	stream.linear.gather [spmem:s21], $0x2000, $0x38;
	[tilespmem:$0x1D200] =	vst v63  }
0x15b: {  	_ =	swait.ge [sflag:s0], $0x2000  }
0x15c: {  	[sflag:s0] =	ssyncset.done $0x0  }
0x15d: {  	s16 =	rddreg [dreg:$0xd];
	[sflag:s0] =	ssyncadd.s32 $0xFFFFE000  }
0x15e: {  	[hbm4b:s16+s4] =	stream.linear.scatter [tilespmem:s31], [sflag:$0x2], $0x2000, $0x38;
	[tilespmem:$0x1D200] =	vst v63  }
0x15f: {  	_ =	swait.ge [sflag:s1], $0x2000  }
0x160: {  	[sflag:s1] =	ssyncset.done $0x0  }
0x161: {  	[sflag:s1] =	ssyncadd.s32 $0xFFFFE000  }
0x162: {  	[tilespmem:s30], [sflag:$0x6] =	stream.linear.gather [spmem:s22], $0x2000, $0x38;
	[tilespmem:$0x1D200] =	vst v63  }
0x163: {  	_ =	swait.ge [sflag:s0], $0x2000  }
0x164: {  	[sflag:s0] =	ssyncset.done $0x0  }
0x165: {  	s15 =	rddreg [dreg:$0xe];
	[sflag:s0] =	ssyncadd.s32 $0xFFFFE000  }
0x166: {  	[hbm4b:s15+s4] =	stream.linear.scatter [tilespmem:s30], [sflag:$0x1], $0x2000, $0x38;
	[tilespmem:$0x1D200] =	vst v63  }
0x167: {  	_ =	swait.ge [sflag:s29], $0x2000  }
0x168: {  	[sflag:s29] =	ssyncset.done $0x0  }
0x169: {  	[sflag:s29] =	ssyncadd.s32 $0xFFFFE000  }
0x16a: {  	[tilespmem:s31], [sflag:$0x6] =	stream.linear.gather [spmem:s24], $0x2000, $0x38;
	[tilespmem:$0x1D200] =	vst v63  }
0x16b: {  	_ =	swait.ge [sflag:s0], $0x2000  }
0x16c: {  	[sflag:s0] =	ssyncset.done $0x0  }
0x16d: {  	s16 =	rddreg [dreg:$0xf];
	[sflag:s0] =	ssyncadd.s32 $0xFFFFE000  }
0x16e: {  	[hbm4b:s16+s4] =	stream.linear.scatter [tilespmem:s31], [sflag:$0x2], $0x2000, $0x38;
	[tilespmem:$0x1D200] =	vst v63  }
0x16f: {  	_ =	swait.ge [sflag:s1], $0x2000  }
0x170: {  	[sflag:s1] =	ssyncset.done $0x0  }
0x171: {  	[sflag:s1] =	ssyncadd.s32 $0xFFFFE000  }
0x172: {  	[tilespmem:s30], [sflag:$0x6] =	stream.linear.gather [spmem:s26], $0x2000, $0x38;
	[tilespmem:$0x1D200] =	vst v63  }
0x173: {  	_ =	swait.ge [sflag:s0], $0x2000  }
0x174: {  	[sflag:s0] =	ssyncset.done $0x0  }
0x175: {  	s13 =	sadd.s32 $0x1, s13;
	[sflag:s0] =	ssyncadd.s32 $0xFFFFE000  }
0x176: {  	[hbm4b:s17+s4] =	stream.linear.scatter [tilespmem:s30], [sflag:$0x1], $0x2000, $0x38;
	[tilespmem:$0x1D200] =	vst v63  }
0x177: {  	p0 =	sne.s32 s13, s28;
	_ =	swait.ge [sflag:s29], $0x2000  }
.Ltmp2:
0x178: {  	[sflag:s29] =	ssyncset.done $0x0;
	(pc) =	sbr.rel @p0 .LBB2_1-.Ltmp2, $4  }
0x179: {  	[sflag:s29] =	ssyncadd.s32 $0xFFFFE000  }
0x17a: {  	_ =	swait.ge [sflag:s1], $0x2000  }
0x17b: {  	[sflag:s1] =	ssyncset.done $0x0  }
0x17c: {  	[sflag:s1] =	ssyncadd.s32 $0xFFFFE000  }
0x17d: {  	_ =	sfence.sel $0x180000  }
0x17e: {  	[bflag:$0x0] =	sbarrier.arrive $0xFFFF  }
0x17f: {  	_ =	strace $0x9000004D  }
0x180: {  	s0 =	stileid.u32;
	[bflag:$0x2] =	sbarrier.arrive $0xFFFF  }
0x181: {  	p0 =	sne.s32 s0, $0x0;
	s0 =	rddreg [dreg:$0x3]  }
0x182: {  	s0 =	sadd.s32 @!p0 $0x100000, s0  }
0x183: {  	[sflag:s0] =	ssyncadd.tile.s32 @!p0 $0x1;
	_ =	shalt  }
.Lfunc_end2:
_tile_overlayer_lowered:
.L_overlay_start_2:
0x184: {  	(tag) =	ssettag $0x2  }
0x185: {  	s0 =	rddreg [dreg:$0x0];
	s2 =	stileid.u32  }
0x186: {  	s1 =	rddreg [dreg:$0x1];
	p0 =	sne.s32 s2, $0x0  }
0x187: {  	s3 =	rddreg [dreg:$0x2];
	[bflag:$0x3] =	sbarrier.arrive $0xFFFF;
	s2 =	simm.s32 @!p0 $0x1C06  }
0x188: {  	[timem:s3], [sflag:s2] =	dma.local @!p0 [hbm:s0], s1  }
0x189: {  	s0 =	simm.s32 @!p0 $0x6  }
0x18a: {  	_ =	swait.ge @!p0 [sflag:s0], s1  }
0x18b: {  	s1 =	ssub.s32 @!p0 $0x0, s1;
	[sflag:s0] =	ssyncset.done @!p0 $0x0  }
0x18c: {  	[sflag:s0] =	ssyncadd.s32 @!p0 s1  }
0x18d: {  	[bflag:$0x3] =	sbarrier.arrive $0xFFFF  }
0x18e: {  	_ =	shalt  }

// kernel: kernel.9.cloned.1.call-start
scs
__scs_entry_jumppad:
0x0: {  	(pc) =	sbr.rel $0x88, $3  }
0x1: {  	(tag) =	ssettag $0x0;
	lr =	simm.s32 $0x1  }
0x2: {  	[smem:$0x3F9A] =	sst lr;
	_ =	strace $0xD0000000  }
0x3: {  	_ = 	snop  }
0x4: {  	_ = 	snop  }
0x5: {  	_ = 	snop  }
0x6: {  	_ = 	snop  }
0x7: {  	_ = 	snop  }
__scs_overlays_trampoline_lowered:
0x8: {  	[smem:$0x3FA9] =	sst s0  }
0x9: {  	[smem:$0x3FAA] =	sst s1  }
0xa: {  	[smem:$0x3FAB] =	sst s2  }
0xb: {  	[smem:$0x3FAC] =	sst s3  }
0xc: {  	[smem:$0x3FAD] =	sst s4  }
0xd: {  	[smem:$0x3FAE] =	sst s5  }
0xe: {  	[smem:$0x3FAF] =	sst s6  }
0xf: {  	[smem:$0x3FB0] =	sst s7  }
0x10: {  	[smem:$0x3FB1] =	sst s8  }
0x11: {  	[smem:$0x3FB2] =	sst s9;
	s0 =	simm.s32 @!p0 $0x0  }
0x12: {  	s1 =	sld [smem:$0x3F98];
	s0 =	simm.s32 @p0 $0x1  }
0x13: {  	[smem:$0x3FB3] =	sst s0;
	s0 =	simm.s32 @!p1 $0x0  }
0x14: {  	s2 =	sld [smem:$0x3F97];
	s0 =	simm.s32 @p1 $0x1  }
0x15: {  	[smem:$0x3FB4] =	sst s0;
	s0 =	simm.s32 @!p2 $0x0  }
0x16: {  	s3 =	sld [smem:$0x3FDB];
	s0 =	simm.s32 @p2 $0x1  }
0x17: {  	s4 =	simm.s32 $0x1BF5;
	[smem:$0x3FB6] =	sst s0  }
0x18: {  	s0 =	sld [smem:$0x3F99];
	_ =	swait.ge [sflag:s4], $0x0  }
0x19: {  	s7 =	sld [smem:$0x3F9A]  }
0x1a: {  	s8 =	sadd.s32 $0xFFFFE003, lr  }
0x1b: {  	s9 =	sadd.s32 $0xFFFFFEF7, lr;
	s5 =	simm.s32 $0xFFFFFFFF;
	p2 =	slt.u32 s8, $0xFFFFF086  }
0x1c: {  	p1 =	slt.u32 s9, $0xF7A;
	s5 =	simm.s32 @!p2 $0x0  }
0x1d: {  	s5 =	simm.s32 @p1 $0x1;
	p0 =	seq.s32 s7, s2  }
0x1e: {  	s7 =	smul.u32 @!p0 $0xF7A, s2;
	p2 =	seq.s32 @!p0 s5, $0x0  }
0x1f: {  	s9 =	smul.u32 $0xF7A, s1;
	s8 =	simm.s32 @!p0 $0x1BF5;
	p2 =	por !p2, p0  }
0x20: {  	[sflag:s8] =	ssyncset.s32 @!p0 $0xFFFFF086;
	s6 =	sadd.s32 @!p0 s3, s7;
	s7 =	simm.s32 @!p0 $0x108  }
0x21: {  	s3 =	sadd.s32 s3, s9;
	s6 =	sadd.s32 @!p0 $0x88, s6;
	s7 =	simm.s32 @p2 $0x1082  }
0x22: {  	[simem:s7], [sflag:s8] =	dma.local @!p0 [hbm:s6], $0xF7A  }
0x23: {  	s9 =	sor.u32 $0xD0000000, s2;
	s6 =	simm.s32 $0x108;
	_ =	swait.ge @!p0 [sflag:s8], $0x0  }
0x24: {  	s3 =	sadd.s32 $0x88, s3;
	s6 =	simm.s32 @!p1 $0x1082;
	[sflag:s4] =	ssyncset.s32 $0xFFFFF086  }
0x25: {  	[simem:s6], [sflag:s4] =	dma.local [hbm:s3], $0xF7A  }
0x26: {  	[smem:$0x3F9A] =	sst s1;
	(tag) =	ssettag s2;
	_ =	strace s9  }
0x27: {  	s1 =	sld [smem:$0x3FAA]  }
0x28: {  	s2 =	sld [smem:$0x3FAB]  }
0x29: {  	s4 =	sld [smem:$0x3FAD]  }
0x2a: {  	p0 =	seq.s32 s5, $0x0;
	s5 =	sld [smem:$0x3FAE]  }
0x2b: {  	s6 =	sld [smem:$0x3FAF]  }
0x2c: {  	s7 =	sld [smem:$0x3FB0]  }
0x2d: {  	s3 =	simm.s32 $0x108;
	s8 =	sld [smem:$0x3FB1]  }
0x2e: {  	s3 =	simm.s32 @!p0 $0x1082;
	s9 =	sld [smem:$0x3FB2]  }
0x2f: {  	lr =	sadd.s32 s0, s3;
	s0 =	sld [smem:$0x3FA9]  }
0x30: {  	s3 =	sld [smem:$0x3FAC]  }
0x31: {  	[smem:$0x3FB5] =	sst s10  }
0x32: {  	s10 =	sld [smem:$0x3FB3];
	_ =	sdelay $0x3  }
0x33: {  	p0 =	seq.s32 s10, $0x1;
	s10 =	sld [smem:$0x3FB5];
	_ =	sdelay $0x3  }
0x34: {  	[smem:$0x3FB5] =	sst s10  }
0x35: {  	s10 =	sld [smem:$0x3FB4];
	_ =	sdelay $0x3  }
0x36: {  	p1 =	seq.s32 s10, $0x1;
	s10 =	sld [smem:$0x3FB5];
	_ =	sdelay $0x3  }
0x37: {  	[smem:$0x3FB5] =	sst s10  }
0x38: {  	s10 =	sld [smem:$0x3FB6]  }
0x39: {  	_ = 	snop;
	(pc) =	sbr.ind lr, $3  }
0x3a: {  	_ = 	snop  }
0x3b: {  	_ = 	snop  }
0x3c: {  	p2 =	seq.s32 s10, $0x1;
	s10 =	sld [smem:$0x3FB5]  }
0x3d: {  	_ =	shalt  }
0x3e: {  	_ =	shalt  }
0x3f: {  	_ =	shalt  }
0x40: {  	_ =	shalt  }
0x41: {  	_ =	shalt  }
0x42: {  	_ =	shalt  }
0x43: {  	_ =	shalt  }
0x44: {  	_ =	shalt  }
0x45: {  	_ =	shalt  }
0x46: {  	_ =	shalt  }
0x47: {  	_ =	shalt  }
0x48: {  	_ =	shalt  }
0x49: {  	_ =	shalt  }
0x4a: {  	_ =	shalt  }
0x4b: {  	_ =	shalt  }
0x4c: {  	_ =	shalt  }
0x4d: {  	_ =	shalt  }
0x4e: {  	_ =	shalt  }
0x4f: {  	_ =	shalt  }
0x50: {  	_ =	shalt  }
0x51: {  	_ =	shalt  }
0x52: {  	_ =	shalt  }
0x53: {  	_ =	shalt  }
0x54: {  	_ =	shalt  }
0x55: {  	_ =	shalt  }
0x56: {  	_ =	shalt  }
0x57: {  	_ =	shalt  }
0x58: {  	_ =	shalt  }
0x59: {  	_ =	shalt  }
0x5a: {  	_ =	shalt  }
0x5b: {  	_ =	shalt  }
0x5c: {  	_ =	shalt  }
0x5d: {  	_ =	shalt  }
0x5e: {  	_ =	shalt  }
0x5f: {  	_ =	shalt  }
0x60: {  	_ =	shalt  }
0x61: {  	_ =	shalt  }
0x62: {  	_ =	shalt  }
0x63: {  	_ =	shalt  }
0x64: {  	_ =	shalt  }
0x65: {  	_ =	shalt  }
0x66: {  	_ =	shalt  }
0x67: {  	_ =	shalt  }
0x68: {  	_ =	shalt  }
0x69: {  	_ =	shalt  }
0x6a: {  	_ =	shalt  }
0x6b: {  	_ =	shalt  }
0x6c: {  	_ =	shalt  }
0x6d: {  	_ =	shalt  }
0x6e: {  	_ =	shalt  }
0x6f: {  	_ =	shalt  }
0x70: {  	_ =	shalt  }
0x71: {  	_ =	shalt  }
0x72: {  	_ =	shalt  }
0x73: {  	_ =	shalt  }
0x74: {  	_ =	shalt  }
0x75: {  	_ =	shalt  }
0x76: {  	_ =	shalt  }
0x77: {  	_ =	shalt  }
0x78: {  	_ =	shalt  }
0x79: {  	_ =	shalt  }
0x7a: {  	_ =	shalt  }
0x7b: {  	_ =	shalt  }
0x7c: {  	_ =	shalt  }
0x7d: {  	_ =	shalt  }
0x7e: {  	_ =	shalt  }
0x7f: {  	_ =	shalt  }
0x80: {  	_ =	shalt  }
0x81: {  	_ =	shalt  }
0x82: {  	_ =	shalt  }
0x83: {  	_ =	shalt  }
0x84: {  	_ =	shalt  }
0x85: {  	_ =	shalt  }
0x86: {  	_ =	shalt  }
0x87: {  	_ =	shalt  }
.Lfunc_end0:
.L_simem_size_0:
called_computation_lowered:
.L_overlay_start_0:
0x88: {  	s2 =	sld [smem:$0x3FD9]  }
0x89: {  	s3 =	sld [smem:$0x3FFE];
	_ =	sdelay $0x1  }
0x8a: {  	s1 =	srdreg.scid  }
0x8b: {  	s0 =	sand.u32 $0x1, s1  }
0x8c: {  	s17 =	sshll.u32 s0, $0xA;
	s2 =	sadd.s32 s3, s2  }
0x8d: {  	s2 =	sadd.s32 s2, s17  }
0x8e: {  	[smem:$0x3FC1] =	sst s2  }
0x8f: {  	_ = 	snop  }
0x90: {  	s2 =	sld [smem:$0x3FD0];
	(tm) =	ssettm $0x1  }
0x91: {  	s18 =	sld [smem:$0x3FFB];
	_ =	sdelay $0x3  }
0x92: {  	_ =	strace s18  }
0x93: {  	s3 =	sld [smem:$0x3FFC];
	_ =	sdelay $0x3  }
0x94: {  	_ =	strace s3  }
0x95: {  	s3 =	sld [smem:$0x3FFD];
	_ =	sdelay $0x3  }
0x96: {  	_ =	strace s3  }
0x97: {  	_ =	strace $0x8FFFFFFF  }
0x98: {  	s19 =	sld [smem:$0x3FDB];
	_ =	sdelay $0x1  }
0x99: {  	s4 =	simm.s32 $_scs_section_size  }
0x9a: {  	s5 =	simm.s32 $_size__tile_overlayer_lowered;
	s6 =	simm.s32 $_tile_overlayer_lowered  }
0x9b: {  	s22 =	simm.s32 $0x1BFF;
	s21 =	sshll.u32 s6, $0x1;
	s3 =	sadd.s32 s4, s19  }
0x9c: {  	s7 =	simm.s32 $0x0;
	s20 =	sshll.u32 s5, $0x1;
	s5 =	sadd.s32 s21, s3  }
0x9d: {  	[timem:s7], [sflag:s22] =	dma.local [hbm:s5], s20  }
0x9e: {  	_ =	swait.ge [sflag:s22], s20  }
0x9f: {  	s4 =	ssub.s32 $0x0, s20;
	[sflag:s22] =	ssyncset.done $0x0  }
0xa0: {  	[sflag:s22] =	ssyncadd.s32 s4;
	_ =	sdelay $0x1  }
0xa1: {  	s23 =	simm.s32 $0x1B8B  }
0xa2: {  	_ =	swait.ge [sflag:s23], $0x1  }
0xa3: {  	[sflag:s23] =	ssyncset.done $0x0  }
0xa4: {  	s25 =	simm.s32 $0x1B8E;
	s24 =	sld [smem:$0x3FFE];
	[sflag:s23] =	ssyncadd.s32 $0xFFFFFFFF  }
0xa5: {  	s26 =	simm.s32 $execute0_lowered;
	[smem:$0x3FD2] =	sst s25  }
0xa6: {  	s5 =	sshll.u32 s26, $0x1;
	_ =	strace $0x80000046;
	[dreg:$0x1] =	wrdreg $0xFFFFFFFF  }
0xa7: {  	s28 =	simm.s32 $_size_execute0_lowered;
	s3 =	sadd.s32 s3, s5;
	[dreg:$0x0] =	wrdreg $0x0  }
0xa8: {  	s5 =	sshll.u32 s28, $0x1;
	[dreg:$0x2] =	wrdreg s3  }
0xa9: {  	[dreg:$0x3] =	wrdreg s5  }
0xaa: {  	[dreg:$0x4] =	wrdreg $0xC0  }
0xab: {  	_ =	task [dreg:s7], $0x5FFFF  }
0xac: {  	[dreg:$0x1] =	wrdreg $0xFFFFFFFF  }
0xad: {  	[dreg:$0x0] =	wrdreg $0x60  }
0xae: {  	[dreg:$0x2] =	wrdreg s2  }
0xaf: {  	[dreg:$0x3] =	wrdreg s24  }
0xb0: {  	[dreg:$0x4] =	wrdreg $0x31000  }
0xb1: {  	[dreg:$0x5] =	wrdreg $0x9  }
0xb2: {  	_ =	task.clear_ibuf [dreg:s7], $0x6FFFF;
	_ =	strace $0x90000046  }
0xb3: {  	s29 =	simm.s32 $0x9;
	_ =	strace $0x80000048  }
0xb4: {  	_ =	swait.ge [sflag:s29], $0x1  }
0xb5: {  	[sflag:s29] =	ssyncadd.s32 $0xFFFFFFFF  }
0xb6: {  	_ =	strace $0x90000048  }
0xb7: {  	_ =	sfence  }
0xb8: {  	s30 =	sld [smem:$0x0];
	_ =	sdelay $0x2  }
0xb9: {  	s31 =	sshll.u32 s1, $0xD;
	s1 =	sshrl.u32 s1, $0x2  }
0xba: {  	s3 =	sand.u32 $0x4000, s31;
	s1 =	sadd.s32 s1, s30  }
0xbb: {  	s0 =	sor.u32 s3, s0;
	s1 =	sshll.u32 s1, $0x11  }
0xbc: {  	s0 =	sor.u32 s1, s0  }
0xbd: {  	s0 =	sadd.s32 $0x8F2B, s0  }
0xbe: {  	[sflag:s0] =	ssyncadd.remote.s32 $0x1  }
0xbf: {  	_ =	sfence.sel $0xFFFF  }
0xc0: {  	[dreg:$0x0] =	wrdreg $0xFFFFFFFF;
	(pc) =	sbr.abs _section_cstart, $3  }
0xc1: {  	[dreg:$0x1] =	wrdreg $0xFFFFFFFF  }
0xc2: {  	_ =	task.clear_ibuf [dreg:s7], $0x2FFFF;
	_ =	strace $0x9FFFFFFF  }
0xc3: {  	(tm) =	ssettm $0x7FFFFFFF  }
tec
execute0_lowered:
.L_overlay_start_1:
0x0: {  	(tag) =	ssettag $0x1  }
0x1: {  	s4 =	rddreg [dreg:$0x0]  }
0x2: {  	s0 =	srdreg.scid;
	s5 =	rddreg [dreg:$0x1]  }
0x3: {  	s2 =	rddreg [dreg:$0x2];
	s1 =	stileid.u32;
	s18 =	simm.s32 $0x3  }
0x4: {  	s19 =	simm.s32 $0x80;
	s20 =	simm.s32 $0x2800;
	s21 =	simm.s32 $0x2880  }
0x5: {  	s22 =	simm.s32 $0x1;
	s23 =	simm.s32 $0x2;
	s24 =	simm.s32 $0x0  }
0x6: {  	s6 =	sand.u32 $0x1, s0;
	s0 =	rddreg [dreg:$0x3];
	s10 =	smul.u32 $0x2800, s1  }
0x7: {  	s14 =	sadd.s32 $0x2400, s5;
	s3 =	sshll.u32 s6, $0x4;
	s8 =	ssub.s32 $0x2, s6  }
0x8: {  	s16 =	smul.u32 $0x28000, s6;
	s7 =	sor.u32 s1, s3;
	s3 =	simm.s32 $0x0  }
0x9: {  	s9 =	sshrl.u32 s8, $0x1;
	s5 =	sadd.s32 s10, s2;
	s31 =	sadd.s32 $0x800, s10  }
0xa: {  	s12 =	sadd.s32 $0x1000, s10;
	s13 =	sadd.s32 $0x1800, s10;
	s17 =	sadd.s32 $0x2000, s10  }
0xb: {  	s7 =	smul.u32 $0x500, s7;
	[smem:$0x7FF] =	sst s3;
	s15 =	ssub.s32 s8, s9  }
0xc: {  	s6 =	sadd.s32 s31, s2;
	s8 =	sadd.s32 s13, s2;
	s10 =	sadd.s32 s10, s16  }
0xd: {  	s11 =	sadd.s32 s16, s31;
	s9 =	sadd.s32 s17, s2;
	s13 =	sadd.s32 s16, s13  }
0xe: {  	_ =	strace $0x80000047;
	s10 =	sshrl.u32 s10, $0x3;
	s11 =	sshrl.u32 s11, $0x3  }
0xf: {  	s13 =	sshrl.u32 s13, $0x3;
	s15 =	smax.u32 s15, $0x1;
	s4 =	sadd.s32 s4, s7  }
0x10: {  	s7 =	sadd.s32 s12, s2;
	s10 =	sadd.s32 s14, s10;
	s11 =	sadd.s32 s14, s11  }
0x11: {  	s12 =	sadd.s32 s16, s12;
	s16 =	sadd.s32 s16, s17;
	s13 =	sadd.s32 s14, s13  }
0x12: {  	s17 =	simm.s32 $0x4;
	s12 =	sshrl.u32 s12, $0x3;
	s16 =	sshrl.u32 s16, $0x3  }
0x13: {  	v0 =	vimm.f32 $0.0e+00;
	v1 =	vimm.f32 $1.000000000e+00;
	s12 =	sadd.s32 s14, s12;
	s14 =	sadd.s32 s14, s16;
	s16 =	simm.s32 $0x2900  }
.LBB2_1:
0x14: {  	[tilespmem:s3], [sflag:$0x3] =	stream.linear.gather [hbm4b:s4+s3], $0x2800, $0x38;
	[tilespmem:$0x5900] =	vst v63  }
0x15: {  	s25 =	simm.s32 $0x40;
	s26 =	simm.s32 $0x0  }
.LBB2_2:
0x16: {  	p0 =	sne.s32 s25, $0x1FC0;
	[tilespmem:s26+$0x2900] =	vst v0;
	s26 =	smov.u32 s25;
	s25 =	sadd.s32 $0x40, s25  }
.Ltmp0:
0x17: {  	(pc) =	sbr.rel @p0 .LBB2_2-.Ltmp0, $2  }
0x18: {  	_ =	sdelay $0x2  }
0x19: {  	s26 =	sshra.s32 s26, $0x2  }
0x1a: {  	[tilespmem:s26+$0x2900] =	vst v0  }
0x1b: {  	[spmem:s5] =	stream.linear.scatter [tilespmem:s16], [sflag:$0x4], $0x800, $0x38;
	[tilespmem:$0x5900] =	vst v63  }
0x1c: {  	_ =	swait.ge [sflag:s17], $0x800  }
0x1d: {  	[sflag:s17] =	ssyncset.done $0x0  }
0x1e: {  	[sflag:s17] =	ssyncadd.s32 $0xFFFFF800  }
0x1f: {  	[spmem:s6] =	stream.linear.scatter [tilespmem:s16], [sflag:$0x4], $0x800, $0x38;
	[tilespmem:$0x5900] =	vst v63  }
0x20: {  	_ =	swait.ge [sflag:s17], $0x800  }
0x21: {  	[sflag:s17] =	ssyncset.done $0x0  }
0x22: {  	[sflag:s17] =	ssyncadd.s32 $0xFFFFF800  }
0x23: {  	[spmem:s7] =	stream.linear.scatter [tilespmem:s16], [sflag:$0x4], $0x800, $0x38;
	[tilespmem:$0x5900] =	vst v63  }
0x24: {  	_ =	swait.ge [sflag:s17], $0x800  }
0x25: {  	[sflag:s17] =	ssyncset.done $0x0  }
0x26: {  	[sflag:s17] =	ssyncadd.s32 $0xFFFFF800  }
0x27: {  	[spmem:s8] =	stream.linear.scatter [tilespmem:s16], [sflag:$0x4], $0x800, $0x38;
	[tilespmem:$0x5900] =	vst v63  }
0x28: {  	_ =	swait.ge [sflag:s17], $0x800  }
0x29: {  	[sflag:s17] =	ssyncset.done $0x0  }
0x2a: {  	[sflag:s17] =	ssyncadd.s32 $0xFFFFF800  }
0x2b: {  	[spmem:s9] =	stream.linear.scatter [tilespmem:s16], [sflag:$0x4], $0x800, $0x38;
	[tilespmem:$0x5900] =	vst v63  }
0x2c: {  	_ =	swait.ge [sflag:s17], $0x800  }
0x2d: {  	[sflag:s17] =	ssyncset.done $0x0  }
0x2e: {  	[sflag:s17] =	ssyncadd.s32 $0xFFFFF800  }
0x2f: {  	s25 =	simm.s32 $0x40;
	s26 =	simm.s32 $0x0;
	[bflag:$0x0] =	sbarrier.arrive $0xFFFF  }
.LBB2_4:
0x30: {  	p0 =	sne.s32 s25, $0x1FC0;
	[tilespmem:s26+$0x2900] =	vst v1;
	s26 =	smov.u32 s25;
	s25 =	sadd.s32 $0x40, s25  }
.Ltmp1:
0x31: {  	(pc) =	sbr.rel @p0 .LBB2_4-.Ltmp1, $2  }
0x32: {  	_ =	sdelay $0x2  }
0x33: {  	s26 =	sshra.s32 s26, $0x2  }
0x34: {  	[tilespmem:s26+$0x2900] =	vst v1  }
0x35: {  	_ =	swait.ge [sflag:s18], $0x2800  }
0x36: {  	[sflag:s18] =	ssyncset.done $0x0  }
0x37: {  	[sflag:s18] =	ssyncadd.s32 $0xFFFFD800  }
0x38: {  	v2 =	vld [tilespmem:$0x0]  }
0x39: {  	v3 =	vld [tilespmem:$0x10]  }
0x3a: {  	v4 =	vld [tilespmem:$0x20]  }
0x3b: {  	v5 =	vld [tilespmem:$0x30]  }
0x3c: {  	v6 =	vld [tilespmem:$0x40]  }
0x3d: {  	v59 =	vld [tilespmem:$0x70];
	[tilespmem:$0x2800] =	vst v2  }
0x3e: {  	v2 =	vld [tilespmem:$0x50];
	[tilespmem:$0x2810] =	vst v3  }
0x3f: {  	v3 =	vld [tilespmem:$0x60];
	[tilespmem:$0x2820] =	vst v4  }
0x40: {  	[tilespmem:$0x2830] =	vst v5  }
0x41: {  	[tilespmem:$0x2840] =	vst v6  }
0x42: {  	[tilespmem:$0x2870] =	vst v59  }
0x43: {  	[tilespmem:$0x2850] =	vst v2  }
0x44: {  	[tilespmem:$0x2860] =	vst v3  }
0x45: {  	[spmem:s2] =	stream.indirect.scatter.add.f32 [tilespmem:s16], [sflag:$0x1], $0x10, s20, s19, $0xb8;
	[tilespmem:$0x5900] =	vst v63  }
0x46: {  	v2 =	vld [tilespmem:$0x80]  }
0x47: {  	v3 =	vld [tilespmem:$0x90]  }
0x48: {  	v60 =	vld [tilespmem:$0xA0]  }
0x49: {  	v61 =	vld [tilespmem:$0xB0]  }
0x4a: {  	v62 =	vld [tilespmem:$0xC0]  }
0x4b: {  	v63 =	vld [tilespmem:$0xF0];
	[tilespmem:$0x2880] =	vst v2  }
0x4c: {  	v2 =	vld [tilespmem:$0xD0];
	[tilespmem:$0x2890] =	vst v3  }
0x4d: {  	v3 =	vld [tilespmem:$0xE0];
	[tilespmem:$0x28A0] =	vst v60  }
0x4e: {  	[tilespmem:$0x28B0] =	vst v61  }
0x4f: {  	[tilespmem:$0x28C0] =	vst v62  }
0x50: {  	[tilespmem:$0x28F0] =	vst v63  }
0x51: {  	[tilespmem:$0x28D0] =	vst v2  }
0x52: {  	[tilespmem:$0x28E0] =	vst v3  }
0x53: {  	[spmem:s2] =	stream.indirect.scatter.add.f32 [tilespmem:s16], [sflag:$0x2], $0x10, s21, s19, $0xb8;
	[tilespmem:$0x5900] =	vst v63  }
0x54: {  	_ =	swait.ge [sflag:s22], $0x800  }
0x55: {  	[sflag:s22] =	ssyncset.done $0x0  }
0x56: {  	s25 =	simm.s32 $0x1F0;
	[sflag:s22] =	ssyncadd.s32 $0xFFFFF800  }
0x57: {  	v2 =	vld [tilespmem:s25+$0xFFFFFF10];
	_ =	sdelay $0x4  }
0x58: {  	[tilespmem:$0x2800] =	vst v2  }
0x59: {  	v2 =	vld [tilespmem:s25+$0xFFFFFF20];
	_ =	sdelay $0x4  }
0x5a: {  	[tilespmem:$0x2810] =	vst v2  }
0x5b: {  	v2 =	vld [tilespmem:s25+$0xFFFFFF30];
	_ =	sdelay $0x4  }
0x5c: {  	[tilespmem:$0x2820] =	vst v2  }
0x5d: {  	v2 =	vld [tilespmem:s25+$0xFFFFFF40];
	_ =	sdelay $0x4  }
0x5e: {  	[tilespmem:$0x2830] =	vst v2  }
0x5f: {  	v2 =	vld [tilespmem:s25+$0xFFFFFF50];
	_ =	sdelay $0x4  }
0x60: {  	[tilespmem:$0x2840] =	vst v2  }
0x61: {  	v2 =	vld [tilespmem:s25+$0xFFFFFF60];
	_ =	sdelay $0x4  }
0x62: {  	[tilespmem:$0x2850] =	vst v2  }
0x63: {  	v2 =	vld [tilespmem:s25+$0xFFFFFF70];
	_ =	sdelay $0x4  }
0x64: {  	[tilespmem:$0x2860] =	vst v2  }
0x65: {  	v2 =	vld [tilespmem:s25+$0xFFFFFF80];
	_ =	sdelay $0x4  }
0x66: {  	[tilespmem:$0x2870] =	vst v2  }
0x67: {  	[spmem:s2] =	stream.indirect.scatter.add.f32 [tilespmem:s16], [sflag:$0x1], $0x10, s20, s19, $0xb8;
	[tilespmem:$0x5900] =	vst v63  }
0x68: {  	_ =	swait.ge [sflag:s23], $0x800  }
0x69: {  	[sflag:s23] =	ssyncset.done $0x0  }
0x6a: {  	[sflag:s23] =	ssyncadd.s32 $0xFFFFF800  }
0x6b: {  	v2 =	vld [tilespmem:s25+$0xFFFFFF90];
	_ =	sdelay $0x4  }
0x6c: {  	[tilespmem:$0x2880] =	vst v2  }
0x6d: {  	v2 =	vld [tilespmem:s25+$0xFFFFFFA0];
	_ =	sdelay $0x4  }
0x6e: {  	[tilespmem:$0x2890] =	vst v2  }
0x6f: {  	v2 =	vld [tilespmem:s25+$0xFFFFFFB0];
	_ =	sdelay $0x4  }
0x70: {  	[tilespmem:$0x28A0] =	vst v2  }
0x71: {  	v2 =	vld [tilespmem:s25+$0xFFFFFFC0];
	_ =	sdelay $0x4  }
0x72: {  	[tilespmem:$0x28B0] =	vst v2  }
0x73: {  	v2 =	vld [tilespmem:s25+$0xFFFFFFD0];
	_ =	sdelay $0x4  }
0x74: {  	[tilespmem:$0x28C0] =	vst v2  }
0x75: {  	v2 =	vld [tilespmem:s25+$0xFFFFFFE0];
	_ =	sdelay $0x4  }
0x76: {  	[tilespmem:$0x28D0] =	vst v2  }
0x77: {  	v2 =	vld [tilespmem:s25+$0xFFFFFFF0];
	_ =	sdelay $0x4  }
0x78: {  	[tilespmem:$0x28E0] =	vst v2  }
0x79: {  	v2 =	vld [tilespmem:s25+$0x0];
	_ =	sdelay $0x4  }
0x7a: {  	s25 =	simm.s32 $0xBC0;
	[tilespmem:$0x28F0] =	vst v2  }
.LBB2_6:
0x7b: {  	[spmem:s2] =	stream.indirect.scatter.add.f32 [tilespmem:s16], [sflag:$0x2], $0x10, s21, s19, $0xb8;
	[tilespmem:$0x5900] =	vst v63  }
0x7c: {  	s26 =	smov.u32 s25  }
0x7d: {  	p0 =	sne.s32 s25, $0x9FC0;
	s25 =	sadd.s32 $0x400, s25;
	_ =	swait.ge [sflag:s22], $0x800  }
0x7e: {  	[sflag:s22] =	ssyncset.done $0x0  }
0x7f: {  	s26 =	sshra.s32 s26, $0x2;
	[sflag:s22] =	ssyncadd.s32 $0xFFFFF800  }
0x80: {  	v2 =	vld [tilespmem:s26+$0xFFFFFF10];
	_ =	sdelay $0x4  }
0x81: {  	[tilespmem:$0x2800] =	vst v2  }
0x82: {  	v2 =	vld [tilespmem:s26+$0xFFFFFF20];
	_ =	sdelay $0x4  }
0x83: {  	[tilespmem:$0x2810] =	vst v2  }
0x84: {  	v2 =	vld [tilespmem:s26+$0xFFFFFF30];
	_ =	sdelay $0x4  }
0x85: {  	[tilespmem:$0x2820] =	vst v2  }
0x86: {  	v2 =	vld [tilespmem:s26+$0xFFFFFF40];
	_ =	sdelay $0x4  }
0x87: {  	[tilespmem:$0x2830] =	vst v2  }
0x88: {  	v2 =	vld [tilespmem:s26+$0xFFFFFF50];
	_ =	sdelay $0x4  }
0x89: {  	[tilespmem:$0x2840] =	vst v2  }
0x8a: {  	v2 =	vld [tilespmem:s26+$0xFFFFFF60];
	_ =	sdelay $0x4  }
0x8b: {  	[tilespmem:$0x2850] =	vst v2  }
0x8c: {  	v2 =	vld [tilespmem:s26+$0xFFFFFF70];
	_ =	sdelay $0x4  }
0x8d: {  	[tilespmem:$0x2860] =	vst v2  }
0x8e: {  	v2 =	vld [tilespmem:s26+$0xFFFFFF80];
	_ =	sdelay $0x4  }
0x8f: {  	[tilespmem:$0x2870] =	vst v2  }
0x90: {  	[spmem:s2] =	stream.indirect.scatter.add.f32 [tilespmem:s16], [sflag:$0x1], $0x10, s20, s19, $0xb8;
	[tilespmem:$0x5900] =	vst v63  }
0x91: {  	_ =	swait.ge [sflag:s23], $0x800  }
0x92: {  	[sflag:s23] =	ssyncset.done $0x0  }
0x93: {  	[sflag:s23] =	ssyncadd.s32 $0xFFFFF800  }
0x94: {  	v2 =	vld [tilespmem:s26+$0xFFFFFF90];
	_ =	sdelay $0x4  }
0x95: {  	[tilespmem:$0x2880] =	vst v2  }
0x96: {  	v2 =	vld [tilespmem:s26+$0xFFFFFFA0];
	_ =	sdelay $0x4  }
0x97: {  	[tilespmem:$0x2890] =	vst v2  }
0x98: {  	v2 =	vld [tilespmem:s26+$0xFFFFFFB0];
	_ =	sdelay $0x4  }
0x99: {  	[tilespmem:$0x28A0] =	vst v2  }
0x9a: {  	v2 =	vld [tilespmem:s26+$0xFFFFFFC0];
	_ =	sdelay $0x4  }
0x9b: {  	[tilespmem:$0x28B0] =	vst v2  }
0x9c: {  	v2 =	vld [tilespmem:s26+$0xFFFFFFD0];
	_ =	sdelay $0x4  }
0x9d: {  	[tilespmem:$0x28C0] =	vst v2  }
0x9e: {  	v2 =	vld [tilespmem:s26+$0xFFFFFFE0];
	_ =	sdelay $0x4  }
0x9f: {  	[tilespmem:$0x28D0] =	vst v2  }
0xa0: {  	v2 =	vld [tilespmem:s26+$0xFFFFFFF0];
	_ =	sdelay $0x4  }
0xa1: {  	[tilespmem:$0x28E0] =	vst v2  }
0xa2: {  	v2 =	vld [tilespmem:s26+$0x0]  }
.Ltmp2:
0xa3: {  	(pc) =	sbr.rel @p0 .LBB2_6-.Ltmp2, $2  }
0xa4: {  	_ =	sdelay $0x2  }
0xa5: {  	[tilespmem:$0x28F0] =	vst v2  }
0xa6: {  	[spmem:s2] =	stream.indirect.scatter.add.f32 [tilespmem:s16], [sflag:$0x2], $0x10, s21, s19, $0xb8;
	[tilespmem:$0x5900] =	vst v63  }
0xa7: {  	_ =	swait.ge [sflag:s22], $0x800  }
0xa8: {  	[sflag:s22] =	ssyncset.done $0x0  }
0xa9: {  	[sflag:s22] =	ssyncadd.s32 $0xFFFFF800  }
0xaa: {  	_ =	swait.ge [sflag:s23], $0x800  }
0xab: {  	[sflag:s23] =	ssyncset.done $0x0  }
0xac: {  	[sflag:s23] =	ssyncadd.s32 $0xFFFFF800  }
0xad: {  	[bflag:$0x0] =	sbarrier.arrive $0xFFFF  }
0xae: {  	[tilespmem:s16], [sflag:$0x4] =	stream.linear.gather [spmem:s5], $0x800, $0x38;
	[tilespmem:$0x5900] =	vst v63  }
0xaf: {  	_ =	swait.ge [sflag:s17], $0x800  }
0xb0: {  	[sflag:s17] =	ssyncset.done $0x0  }
0xb1: {  	[sflag:s17] =	ssyncadd.s32 $0xFFFFF800  }
0xb2: {  	[hbm4b:s10+s3] =	stream.linear.scatter [tilespmem:s16], [sflag:$0x4], $0x800, $0x38;
	[tilespmem:$0x5900] =	vst v63  }
0xb3: {  	_ =	swait.ge [sflag:s17], $0x800  }
0xb4: {  	[sflag:s17] =	ssyncset.done $0x0  }
0xb5: {  	[sflag:s17] =	ssyncadd.s32 $0xFFFFF800  }
0xb6: {  	[tilespmem:s16], [sflag:$0x4] =	stream.linear.gather [spmem:s6], $0x800, $0x38;
	[tilespmem:$0x5900] =	vst v63  }
0xb7: {  	_ =	swait.ge [sflag:s17], $0x800  }
0xb8: {  	[sflag:s17] =	ssyncset.done $0x0  }
0xb9: {  	[sflag:s17] =	ssyncadd.s32 $0xFFFFF800  }
0xba: {  	[hbm4b:s11+s3] =	stream.linear.scatter [tilespmem:s16], [sflag:$0x4], $0x800, $0x38;
	[tilespmem:$0x5900] =	vst v63  }
0xbb: {  	_ =	swait.ge [sflag:s17], $0x800  }
0xbc: {  	[sflag:s17] =	ssyncset.done $0x0  }
0xbd: {  	[sflag:s17] =	ssyncadd.s32 $0xFFFFF800  }
0xbe: {  	[tilespmem:s16], [sflag:$0x4] =	stream.linear.gather [spmem:s7], $0x800, $0x38;
	[tilespmem:$0x5900] =	vst v63  }
0xbf: {  	_ =	swait.ge [sflag:s17], $0x800  }
0xc0: {  	[sflag:s17] =	ssyncset.done $0x0  }
0xc1: {  	[sflag:s17] =	ssyncadd.s32 $0xFFFFF800  }
0xc2: {  	[hbm4b:s12+s3] =	stream.linear.scatter [tilespmem:s16], [sflag:$0x4], $0x800, $0x38;
	[tilespmem:$0x5900] =	vst v63  }
0xc3: {  	_ =	swait.ge [sflag:s17], $0x800  }
0xc4: {  	[sflag:s17] =	ssyncset.done $0x0  }
0xc5: {  	[sflag:s17] =	ssyncadd.s32 $0xFFFFF800  }
0xc6: {  	[tilespmem:s16], [sflag:$0x4] =	stream.linear.gather [spmem:s8], $0x800, $0x38;
	[tilespmem:$0x5900] =	vst v63  }
0xc7: {  	_ =	swait.ge [sflag:s17], $0x800  }
0xc8: {  	[sflag:s17] =	ssyncset.done $0x0  }
0xc9: {  	[sflag:s17] =	ssyncadd.s32 $0xFFFFF800  }
0xca: {  	[hbm4b:s13+s3] =	stream.linear.scatter [tilespmem:s16], [sflag:$0x4], $0x800, $0x38;
	[tilespmem:$0x5900] =	vst v63  }
0xcb: {  	_ =	swait.ge [sflag:s17], $0x800  }
0xcc: {  	[sflag:s17] =	ssyncset.done $0x0  }
0xcd: {  	[sflag:s17] =	ssyncadd.s32 $0xFFFFF800  }
0xce: {  	[tilespmem:s16], [sflag:$0x4] =	stream.linear.gather [spmem:s9], $0x800, $0x38;
	[tilespmem:$0x5900] =	vst v63  }
0xcf: {  	s24 =	sadd.s32 $0x1, s24;
	_ =	swait.ge [sflag:s17], $0x800  }
0xd0: {  	p0 =	sne.s32 s24, s15;
	[sflag:s17] =	ssyncset.done $0x0  }
.Ltmp3:
0xd1: {  	[sflag:s17] =	ssyncadd.s32 $0xFFFFF800;
	(pc) =	sbr.rel @p0 .LBB2_1-.Ltmp3, $4  }
0xd2: {  	[hbm4b:s14+s3] =	stream.linear.scatter [tilespmem:s16], [sflag:$0x4], $0x800, $0x38;
	[tilespmem:$0x5900] =	vst v63  }
0xd3: {  	_ =	swait.ge [sflag:s17], $0x800  }
0xd4: {  	[sflag:s17] =	ssyncset.done $0x0  }
0xd5: {  	[sflag:s17] =	ssyncadd.s32 $0xFFFFF800  }
0xd6: {  	_ =	sfence.sel $0x180000  }
0xd7: {  	[bflag:$0x0] =	sbarrier.arrive $0xFFFF  }
0xd8: {  	p0 =	sne.s32 s1, $0x0;
	_ =	strace $0x90000047  }
0xd9: {  	s0 =	sadd.s32 @!p0 $0x100000, s0;
	[bflag:$0x2] =	sbarrier.arrive $0xFFFF  }
0xda: {  	[sflag:s0] =	ssyncadd.tile.s32 @!p0 $0x1;
	_ =	shalt  }
.Lfunc_end2:
_tile_overlayer_lowered:
.L_overlay_start_2:
0xdb: {  	(tag) =	ssettag $0x2  }
0xdc: {  	s0 =	rddreg [dreg:$0x0];
	s2 =	stileid.u32  }
0xdd: {  	s1 =	rddreg [dreg:$0x1];
	p0 =	sne.s32 s2, $0x0  }
0xde: {  	s3 =	rddreg [dreg:$0x2];
	[bflag:$0x3] =	sbarrier.arrive $0xFFFF;
	s2 =	simm.s32 @!p0 $0x1C04  }
0xdf: {  	[timem:s3], [sflag:s2] =	dma.local @!p0 [hbm:s0], s1  }
0xe0: {  	s0 =	simm.s32 @!p0 $0x4  }
0xe1: {  	_ =	swait.ge @!p0 [sflag:s0], s1  }
0xe2: {  	s1 =	ssub.s32 @!p0 $0x0, s1;
	[sflag:s0] =	ssyncset.done @!p0 $0x0  }
0xe3: {  	[sflag:s0] =	ssyncadd.s32 @!p0 s1  }
0xe4: {  	[bflag:$0x3] =	sbarrier.arrive $0xFFFF  }
0xe5: {  	_ =	shalt  }

</sc_bundles>
